<compile_context>
chip_gen: v7x
topology: tpu7x:2x2x1
jax: 0.10.2.dev20260603
libtpu: 0.0.44.dev20260713+nightly
codegen_flags: <defaults>
</compile_context>

<pallas_src>
import functools

import numpy as np

import jax
import jax.numpy as jnp
from jax import lax
from jax.experimental import pallas as pl
from jax.experimental.pallas import tpu as pltpu
from jax.experimental.pallas import tpu_sc as plsc

F32 = jnp.float32

N = 10000
D = 128
E = 320000
NC, NS = 2, 16
NW = NC * NS
CHUNK = 128
CPT = 80
BLKC = 8
NBLK = CPT // BLKC
EPT = CPT * CHUNK
EPAD = NW * EPT
NPAD = 10240
NPT = NPAD // NS
ROWS_BLK = 1000

_mesh = plsc.VectorSubcoreMesh(
    core_axis_name="c", subcore_axis_name="s", num_cores=NC, num_subcores=NS
)


def _deg_body(dstb_hbm, zeros1_hbm, degp_hbm, idx_v, ones_v, vb, acc_sh):
    c = lax.axis_index("c")
    s = lax.axis_index("s")
    tile = c * NS + s

    pltpu.sync_copy(zeros1_hbm.at[pl.ds(s * NPT, NPT)], vb)
    pltpu.sync_copy(vb, acc_sh.at[pl.ds(s * NPT, NPT)])

    for j in range(CHUNK // 16):
        ones_v[pl.ds(j * 16, 16)] = jnp.ones((16,), F32)
    plsc.subcore_barrier()

    def blk_body(blk, carry):
        pltpu.sync_copy(dstb_hbm.at[tile].at[pl.ds(blk * 16, 16)], idx_v)

        def body(i, c2):
            pltpu.sync_copy(ones_v, acc_sh.at[idx_v.at[i]], add=True)
            return c2

        return lax.fori_loop(0, 16, body, carry)

    lax.fori_loop(0, CPT // 16, blk_body, 0)
    plsc.subcore_barrier()

    pltpu.sync_copy(acc_sh.at[pl.ds(s * NPT, NPT)], vb)
    pltpu.sync_copy(vb, degp_hbm.at[pl.ds(c * NPAD + s * NPT, NPT)])


_deg_call = functools.partial(
    pl.kernel,
    out_type=jax.ShapeDtypeStruct((NC * NPAD,), F32),
    mesh=_mesh,
    scratch_types=[
        pltpu.VMEM((16, CHUNK), jnp.int32),
        pltpu.VMEM((CHUNK,), F32),
        pltpu.VMEM((NPT,), F32),
        pltpu.VMEM_SHARED((NPAD,), F32),
    ],
)(_deg_body)


def _scat_body(h_hbm, srcb_hbm, dstb_hbm, zeros2_hbm, out_hbm,
               idxs_v, idxd0_v, idxd1_v, rows0_v, rows1_v, acc_sh,
               gsem0, gsem1, isem0, isem1):
    c = lax.axis_index("c")
    s = lax.axis_index("s")
    tile = c * NS + s
    rows = (rows0_v, rows1_v)
    gsems = (gsem0, gsem1)
    idxd = (idxd0_v, idxd1_v)
    isems = (isem0, isem1)

    pltpu.sync_copy(srcb_hbm.at[tile], idxs_v)

    pltpu.sync_copy(zeros2_hbm, rows0_v)
    for k in range(NPT // CHUNK):
        pltpu.sync_copy(rows0_v, acc_sh.at[pl.ds((s * (NPT // CHUNK) + k) * CHUNK, CHUNK)])

    for b in range(2):
        pltpu.async_copy(dstb_hbm.at[tile].at[pl.ds(b * BLKC, BLKC)], idxd[b], isems[b])
        pltpu.async_copy(h_hbm.at[idxs_v.at[b]], rows[b], gsems[b])
    plsc.subcore_barrier()

    def chunk_pair(blk, ob, kk):
        for b in range(2):
            j = blk * BLKC + 2 * kk + b
            pltpu.make_async_copy(h_hbm.at[idxs_v.at[j]], rows[b], gsems[b]).wait()
            pltpu.sync_copy(rows[b], acc_sh.at[idxd[ob].at[2 * kk + b]], add=True)

            @pl.when(j + 2 < CPT)
            def _next_gather():
                pltpu.async_copy(h_hbm.at[idxs_v.at[j + 2]], rows[b], gsems[b])

    def outer(o, carry):
        for ob in range(2):
            blk = 2 * o + ob
            pltpu.make_async_copy(
                dstb_hbm.at[tile].at[pl.ds(blk * BLKC, BLKC)], idxd[ob], isems[ob]
            ).wait()

            def inner(kk, c2):
                chunk_pair(blk, ob, kk)
                return c2

            lax.fori_loop(0, BLKC // 2, inner, 0)

            @pl.when(blk + 2 < NBLK)
            def _next_idx_blk():
                pltpu.async_copy(
                    dstb_hbm.at[tile].at[pl.ds((blk + 2) * BLKC, BLKC)],
                    idxd[ob],
                    isems[ob],
                )

        return carry

    lax.fori_loop(0, NBLK // 2, outer, 0)
    plsc.subcore_barrier()

    for k in range(NPT // CHUNK):
        base = (s * (NPT // CHUNK) + k) * CHUNK
        pltpu.sync_copy(acc_sh.at[pl.ds(base, CHUNK)], rows0_v)
        pltpu.sync_copy(rows0_v, out_hbm.at[c].at[pl.ds(base, CHUNK)])


_scat_call = functools.partial(
    pl.kernel,
    out_type=jax.ShapeDtypeStruct((NC, NPAD, D), F32),
    mesh=_mesh,
    scratch_types=[
        pltpu.VMEM((CPT, CHUNK), jnp.int32),
        pltpu.VMEM((BLKC, CHUNK), jnp.int32),
        pltpu.VMEM((BLKC, CHUNK), jnp.int32),
        pltpu.VMEM((CHUNK, D), F32),
        pltpu.VMEM((CHUNK, D), F32),
        pltpu.VMEM_SHARED((NPAD, D), F32),
        pltpu.SemaphoreType.DMA,
        pltpu.SemaphoreType.DMA,
        pltpu.SemaphoreType.DMA,
        pltpu.SemaphoreType.DMA,
    ],
)(_scat_body)


def _pre_body(degt_ref, x_ref, w_ref, dinv_ref, hp_ref):
    deg = degt_ref[:, 0:1] + degt_ref[:, 1:2] + 1.0
    dinv = lax.rsqrt(deg)
    dinv_ref[...] = dinv
    hp_ref[...] = dinv * jnp.dot(
        x_ref[...], w_ref[...], preferred_element_type=F32
    )


def _mid_body(sp_ref, hp_ref, dinv_ref, b_ref, w_ref, o_ref):
    dinv = dinv_ref[...]
    x2 = dinv * (sp_ref[0] + sp_ref[1] + hp_ref[...]) + b_ref[...]
    o_ref[...] = dinv * jnp.dot(x2, w_ref[...], preferred_element_type=F32)


def _post_body(sp_ref, hp_ref, dinv_ref, b_ref, o_ref):
    o_ref[...] = (
        dinv_ref[...] * (sp_ref[0] + sp_ref[1] + hp_ref[...]) + b_ref[...]
    )


_GRID = (N // ROWS_BLK,)
_spec_rows = pl.BlockSpec((ROWS_BLK, D), lambda i: (i, 0))
_spec_degt = pl.BlockSpec((ROWS_BLK, NC), lambda i: (i, 0))
_spec_dinv = pl.BlockSpec((ROWS_BLK, 1), lambda i: (i, 0))
_spec_w = pl.BlockSpec((D, D), lambda i: (0, 0))
_spec_b = pl.BlockSpec((D,), lambda i: (0,))
_spec_sp = pl.BlockSpec((NC, ROWS_BLK, D), lambda i: (0, i, 0))


def _pre_call(degt, x, w):
    return pl.pallas_call(
        _pre_body,
        grid=_GRID,
        in_specs=[_spec_degt, _spec_rows, _spec_w],
        out_specs=[_spec_dinv, _spec_rows],
        out_shape=[
            jax.ShapeDtypeStruct((N, 1), F32),
            jax.ShapeDtypeStruct((N, D), F32),
        ],
    )(degt, x, w)


def _mid_call(sp, hp, dinv, b, w):
    return pl.pallas_call(
        _mid_body,
        grid=_GRID,
        in_specs=[_spec_sp, _spec_rows, _spec_dinv, _spec_b, _spec_w],
        out_specs=_spec_rows,
        out_shape=jax.ShapeDtypeStruct((N, D), F32),
    )(sp, hp, dinv, b, w)


def _post_call(sp, hp, dinv, b):
    return pl.pallas_call(
        _post_body,
        grid=_GRID,
        in_specs=[_spec_sp, _spec_rows, _spec_dinv, _spec_b],
        out_specs=_spec_rows,
        out_shape=jax.ShapeDtypeStruct((N, D), F32),
    )(sp, hp, dinv, b)


_NPADE = EPAD - E
_PAD_SRC = np.arange(_NPADE, dtype=np.int32) % N
_PAD_DST = (N + np.arange(_NPADE, dtype=np.int32) % (NPAD - N)).astype(np.int32)


@jax.jit
def kernel(x, edge_index, W1, b1, W2, b2, W3, b3):
    ei = edge_index.astype(jnp.int32)
    npad = EPAD - E
    pad_src = jnp.arange(npad, dtype=jnp.int32) % N
    src_t = jnp.concatenate([ei[0], pad_src]).reshape(NW, CPT, CHUNK)
    pad_dst = N + (jnp.arange(npad, dtype=jnp.int32) % (NPAD - N))
    dst_t = jnp.concatenate([ei[1], pad_dst]).reshape(NW, CPT, CHUNK)
    zeros1 = jnp.zeros((NPAD,), F32)
    zeros2 = jnp.zeros((CHUNK, D), F32)

    degt = _deg_call(dst_t, zeros1).reshape(NC, NPAD)[:, :N].T

    dinv, h1p = _pre_call(degt, x, W1)
    s1 = _scat_call(h1p, src_t, dst_t, zeros2)
    h2p = _mid_call(s1, h1p, dinv, b1, W2)
    s2 = _scat_call(h2p, src_t, dst_t, zeros2)
    h3p = _mid_call(s2, h2p, dinv, b2, W3)
    s3 = _scat_call(h3p, src_t, dst_t, zeros2)
    return _post_call(s3, h3p, dinv, b3)

# --- scband reference (transcript-rebuilt; emitter-appended) ---
"""Pipeline reference for scband-gcn-8504035246475 (READ-ONLY COPY).

The authoritative reference and input builder live on the scoring server;
editing this copy changes nothing except your own understanding.
"""

import jax, jax.numpy as jnp
import numpy as np

N_NODES = 10000
D_MODEL = 128
N_EDGES = 320000


def _glorot(key, shape):
    limit = float(np.sqrt(6.0 / (shape[0] + shape[1])))
    return jax.random.uniform(key, shape, dtype=jnp.float32, minval=-limit, maxval=limit)


def setup_inputs(seed: int = 0) -> dict:
    key = jax.random.key(seed)
    ks = jax.random.split(key, 8)
    x = jax.random.normal(ks[0], (N_NODES, D_MODEL), dtype=jnp.float32)
    edge_index = jax.random.randint(ks[1], (2, N_EDGES), 0, N_NODES, dtype=jnp.int64)
    W1 = _glorot(ks[2], (D_MODEL, D_MODEL))
    W2 = _glorot(ks[3], (D_MODEL, D_MODEL))
    W3 = _glorot(ks[4], (D_MODEL, D_MODEL))
    b1 = jnp.zeros((D_MODEL,), dtype=jnp.float32)
    b2 = jnp.zeros((D_MODEL,), dtype=jnp.float32)
    b3 = jnp.zeros((D_MODEL,), dtype=jnp.float32)
    return {"x": x, "edge_index": edge_index, "W1": W1, "b1": b1, "W2": W2, "b2": b2, "W3": W3, "b3": b3}


def _gcn_conv(x, edge_index, W, b):
    # PyG GCNConv with add_self_loops=True and symmetric normalization.
    src = edge_index[0]
    dst = edge_index[1]
    loop = jnp.arange(N_NODES, dtype=src.dtype)
    src = jnp.concatenate([src, loop])
    dst = jnp.concatenate([dst, loop])
    ew = jnp.ones((src.shape[0],), dtype=jnp.float32)
    deg = jax.ops.segment_sum(ew, dst, num_segments=N_NODES)
    deg_inv_sqrt = jnp.where(deg > 0, 1.0 / jnp.sqrt(deg), 0.0)
    norm = deg_inv_sqrt[src] * ew * deg_inv_sqrt[dst]
    h = x @ W
    msg = h[src] * norm[:, None]
    out = jax.ops.segment_sum(msg, dst, num_segments=N_NODES)
    return out + b


def reference(x, edge_index, W1, b1, W2, b2, W3, b3):
    # Dropout is identity in eval mode; reference computes the deterministic forward.
    x = _gcn_conv(x, edge_index, W1, b1)
    x = _gcn_conv(x, edge_index, W2, b2)
    x = _gcn_conv(x, edge_index, W3, b3)
    return x

if __name__ == "__main__":
    import jax
    _d = setup_inputs()
    print(jax.jit(kernel)(*tuple(_d.values())))

</pallas_src>

<mosaic_0001>
#map = affine_map<(d0, d1) -> (0, 0)>
#map1 = affine_map<(d0, d1) -> (0, 0, 0)>
module attributes {stable_mosaic.version = 14 : i64} {
  func.func @_scat_body(%arg0: i32, %arg1: i32, %arg2: memref<10000x128xf32, #tpu.memory_space<hbm>>, %arg3: memref<32x80x128xi32, #tpu.memory_space<hbm>>, %arg4: memref<32x80x128xi32, #tpu.memory_space<hbm>>, %arg5: memref<128x128xf32, #tpu.memory_space<hbm>>, %arg6: memref<2x10240x128xf32, #tpu.memory_space<hbm>>, %arg7: memref<80x128xi32, #tpu.memory_space<vmem>>, %arg8: memref<8x128xi32, #tpu.memory_space<vmem>>, %arg9: memref<8x128xi32, #tpu.memory_space<vmem>>, %arg10: memref<128x128xf32, #tpu.memory_space<vmem>>, %arg11: memref<128x128xf32, #tpu.memory_space<vmem>>, %arg12: memref<10240x128xf32, #tpu.memory_space<vmem_shared>>, %arg13: memref<!tpu.dma_semaphore, #tpu.memory_space<semaphore_mem>>, %arg14: memref<!tpu.dma_semaphore, #tpu.memory_space<semaphore_mem>>, %arg15: memref<!tpu.dma_semaphore, #tpu.memory_space<semaphore_mem>>, %arg16: memref<!tpu.dma_semaphore, #tpu.memory_space<semaphore_mem>>) attributes {dimension_semantics = [#tpu.dimension_semantics<core_parallel>, #tpu.dimension_semantics<subcore_parallel>], iteration_bounds = array<i64: 2, 16>, scalar_prefetch = 0 : i64, scratch_operands = 10 : i64, tpu.core_type = #tpu.core_type<sc_vector_subcore>, window_params = [{transform_indices = #map}, {transform_indices = #map1}, {transform_indices = #map1}, {transform_indices = #map}, {transform_indices = #map1}]} {
    %mul3A = arith.constant 16 : i32
    %mul3A_0 = arith.muli %arg0, %mul3A : i32
    %add3A = arith.addi %mul3A_0, %arg1 : i32
    "tpu.region"() ({
      %run_scoped3A = tpu.sem_alloc : memref<!tpu.dma_semaphore, #tpu.memory_space<semaphore_mem>>
      %dma_start3A_108 = arith.constant 0 : i32
      %dma_start3A_109 = arith.constant 0 : i32
      %dma_start3A_110 = tpu.memref_slice %arg3[%add3A, %dma_start3A_108, %dma_start3A_109] : memref<32x80x128xi32, #tpu.memory_space<hbm>> -> memref<1x80x128xi32, #tpu.memory_space<hbm>>
      %dma_start3A_111 = tpu.memref_squeeze %dma_start3A_110 : memref<1x80x128xi32, #tpu.memory_space<hbm>> -> memref<80x128xi32, #tpu.memory_space<hbm>>
      %dma_start3A_112 = arith.constant 0 : i32
      %dma_start3A_113 = arith.constant 0 : i32
      %dma_start3A_114 = tpu.memref_slice %arg3[%add3A, %dma_start3A_112, %dma_start3A_113] : memref<32x80x128xi32, #tpu.memory_space<hbm>> -> memref<1x80x128xi32, #tpu.memory_space<hbm>>
      %dma_start3A_115 = tpu.memref_squeeze %dma_start3A_114 : memref<1x80x128xi32, #tpu.memory_space<hbm>> -> memref<80x128xi32, #tpu.memory_space<hbm>>
      tpu.enqueue_dma source(%dma_start3A_115 : memref<80x128xi32, #tpu.memory_space<hbm>>) target(%arg7 : memref<80x128xi32, #tpu.memory_space<vmem>>) target_semaphore(%run_scoped3A : memref<!tpu.dma_semaphore, #tpu.memory_space<semaphore_mem>>)
      %dma_wait3A = arith.constant 0 : i32
      %dma_wait3A_116 = arith.constant 0 : i32
      %dma_wait3A_117 = tpu.memref_slice %arg3[%add3A, %dma_wait3A, %dma_wait3A_116] : memref<32x80x128xi32, #tpu.memory_space<hbm>> -> memref<1x80x128xi32, #tpu.memory_space<hbm>>
      %dma_wait3A_118 = tpu.memref_squeeze %dma_wait3A_117 : memref<1x80x128xi32, #tpu.memory_space<hbm>> -> memref<80x128xi32, #tpu.memory_space<hbm>>
      %dma_wait3A_119 = arith.constant 0 : i32
      %dma_wait3A_120 = arith.constant 0 : i32
      %dma_wait3A_121 = tpu.memref_slice %arg3[%add3A, %dma_wait3A_119, %dma_wait3A_120] : memref<32x80x128xi32, #tpu.memory_space<hbm>> -> memref<1x80x128xi32, #tpu.memory_space<hbm>>
      %dma_wait3A_122 = tpu.memref_squeeze %dma_wait3A_121 : memref<1x80x128xi32, #tpu.memory_space<hbm>> -> memref<80x128xi32, #tpu.memory_space<hbm>>
      tpu.wait_dma2 semaphore(%run_scoped3A : memref<!tpu.dma_semaphore, #tpu.memory_space<semaphore_mem>>) src(%dma_wait3A_122 : memref<80x128xi32, #tpu.memory_space<hbm>>) dst(%arg7 : memref<80x128xi32, #tpu.memory_space<vmem>>)
      tpu.yield
    }) : () -> ()
    "tpu.region"() ({
      %run_scoped3A = tpu.sem_alloc : memref<!tpu.dma_semaphore, #tpu.memory_space<semaphore_mem>>
      tpu.enqueue_dma source(%arg5 : memref<128x128xf32, #tpu.memory_space<hbm>>) target(%arg10 : memref<128x128xf32, #tpu.memory_space<vmem>>) target_semaphore(%run_scoped3A : memref<!tpu.dma_semaphore, #tpu.memory_space<semaphore_mem>>)
      tpu.wait_dma2 semaphore(%run_scoped3A : memref<!tpu.dma_semaphore, #tpu.memory_space<semaphore_mem>>) src(%arg5 : memref<128x128xf32, #tpu.memory_space<hbm>>) dst(%arg10 : memref<128x128xf32, #tpu.memory_space<vmem>>)
      tpu.yield
    }) : () -> ()
    %mul3A_1 = arith.constant 5 : i32
    %mul3A_2 = arith.muli %arg1, %mul3A_1 : i32
    %add3A_3 = arith.constant 0 : i32
    %add3A_4 = arith.addi %mul3A_2, %add3A_3 : i32
    %mul3A_5 = arith.constant 128 : i32
    %mul3A_6 = arith.muli %add3A_4, %mul3A_5 : i32
    "tpu.region"() ({
      %run_scoped3A = tpu.sem_alloc : memref<!tpu.dma_semaphore, #tpu.memory_space<semaphore_mem>>
      %dma_start3A_108 = arith.constant 0 : i32
      %dma_start3A_109 = tpu.memref_slice %arg12[%mul3A_6, %dma_start3A_108] : memref<10240x128xf32, #tpu.memory_space<vmem_shared>> -> memref<128x128xf32, #tpu.memory_space<vmem_shared>>
      %dma_start3A_110 = arith.constant 0 : i32
      %dma_start3A_111 = tpu.memref_slice %arg12[%mul3A_6, %dma_start3A_110] : memref<10240x128xf32, #tpu.memory_space<vmem_shared>> -> memref<128x128xf32, #tpu.memory_space<vmem_shared>>
      tpu.enqueue_dma source(%arg10 : memref<128x128xf32, #tpu.memory_space<vmem>>) target(%dma_start3A_111 : memref<128x128xf32, #tpu.memory_space<vmem_shared>>) target_semaphore(%run_scoped3A : memref<!tpu.dma_semaphore, #tpu.memory_space<semaphore_mem>>)
      %dma_wait3A = arith.constant 0 : i32
      %dma_wait3A_112 = tpu.memref_slice %arg12[%mul3A_6, %dma_wait3A] : memref<10240x128xf32, #tpu.memory_space<vmem_shared>> -> memref<128x128xf32, #tpu.memory_space<vmem_shared>>
      %dma_wait3A_113 = arith.constant 0 : i32
      %dma_wait3A_114 = tpu.memref_slice %arg12[%mul3A_6, %dma_wait3A_113] : memref<10240x128xf32, #tpu.memory_space<vmem_shared>> -> memref<128x128xf32, #tpu.memory_space<vmem_shared>>
      tpu.wait_dma2 semaphore(%run_scoped3A : memref<!tpu.dma_semaphore, #tpu.memory_space<semaphore_mem>>) src(%arg10 : memref<128x128xf32, #tpu.memory_space<vmem>>) dst(%dma_wait3A_114 : memref<128x128xf32, #tpu.memory_space<vmem_shared>>)
      tpu.yield
    }) : () -> ()
    %mul3A_7 = arith.constant 5 : i32
    %mul3A_8 = arith.muli %arg1, %mul3A_7 : i32
    %add3A_9 = arith.constant 1 : i32
    %add3A_10 = arith.addi %mul3A_8, %add3A_9 : i32
    %mul3A_11 = arith.constant 128 : i32
    %mul3A_12 = arith.muli %add3A_10, %mul3A_11 : i32
    "tpu.region"() ({
      %run_scoped3A = tpu.sem_alloc : memref<!tpu.dma_semaphore, #tpu.memory_space<semaphore_mem>>
      %dma_start3A_108 = arith.constant 0 : i32
      %dma_start3A_109 = tpu.memref_slice %arg12[%mul3A_12, %dma_start3A_108] : memref<10240x128xf32, #tpu.memory_space<vmem_shared>> -> memref<128x128xf32, #tpu.memory_space<vmem_shared>>
      %dma_start3A_110 = arith.constant 0 : i32
      %dma_start3A_111 = tpu.memref_slice %arg12[%mul3A_12, %dma_start3A_110] : memref<10240x128xf32, #tpu.memory_space<vmem_shared>> -> memref<128x128xf32, #tpu.memory_space<vmem_shared>>
      tpu.enqueue_dma source(%arg10 : memref<128x128xf32, #tpu.memory_space<vmem>>) target(%dma_start3A_111 : memref<128x128xf32, #tpu.memory_space<vmem_shared>>) target_semaphore(%run_scoped3A : memref<!tpu.dma_semaphore, #tpu.memory_space<semaphore_mem>>)
      %dma_wait3A = arith.constant 0 : i32
      %dma_wait3A_112 = tpu.memref_slice %arg12[%mul3A_12, %dma_wait3A] : memref<10240x128xf32, #tpu.memory_space<vmem_shared>> -> memref<128x128xf32, #tpu.memory_space<vmem_shared>>
      %dma_wait3A_113 = arith.constant 0 : i32
      %dma_wait3A_114 = tpu.memref_slice %arg12[%mul3A_12, %dma_wait3A_113] : memref<10240x128xf32, #tpu.memory_space<vmem_shared>> -> memref<128x128xf32, #tpu.memory_space<vmem_shared>>
      tpu.wait_dma2 semaphore(%run_scoped3A : memref<!tpu.dma_semaphore, #tpu.memory_space<semaphore_mem>>) src(%arg10 : memref<128x128xf32, #tpu.memory_space<vmem>>) dst(%dma_wait3A_114 : memref<128x128xf32, #tpu.memory_space<vmem_shared>>)
      tpu.yield
    }) : () -> ()
    %mul3A_13 = arith.constant 5 : i32
    %mul3A_14 = arith.muli %arg1, %mul3A_13 : i32
    %add3A_15 = arith.constant 2 : i32
    %add3A_16 = arith.addi %mul3A_14, %add3A_15 : i32
    %mul3A_17 = arith.constant 128 : i32
    %mul3A_18 = arith.muli %add3A_16, %mul3A_17 : i32
    "tpu.region"() ({
      %run_scoped3A = tpu.sem_alloc : memref<!tpu.dma_semaphore, #tpu.memory_space<semaphore_mem>>
      %dma_start3A_108 = arith.constant 0 : i32
      %dma_start3A_109 = tpu.memref_slice %arg12[%mul3A_18, %dma_start3A_108] : memref<10240x128xf32, #tpu.memory_space<vmem_shared>> -> memref<128x128xf32, #tpu.memory_space<vmem_shared>>
      %dma_start3A_110 = arith.constant 0 : i32
      %dma_start3A_111 = tpu.memref_slice %arg12[%mul3A_18, %dma_start3A_110] : memref<10240x128xf32, #tpu.memory_space<vmem_shared>> -> memref<128x128xf32, #tpu.memory_space<vmem_shared>>
      tpu.enqueue_dma source(%arg10 : memref<128x128xf32, #tpu.memory_space<vmem>>) target(%dma_start3A_111 : memref<128x128xf32, #tpu.memory_space<vmem_shared>>) target_semaphore(%run_scoped3A : memref<!tpu.dma_semaphore, #tpu.memory_space<semaphore_mem>>)
      %dma_wait3A = arith.constant 0 : i32
      %dma_wait3A_112 = tpu.memref_slice %arg12[%mul3A_18, %dma_wait3A] : memref<10240x128xf32, #tpu.memory_space<vmem_shared>> -> memref<128x128xf32, #tpu.memory_space<vmem_shared>>
      %dma_wait3A_113 = arith.constant 0 : i32
      %dma_wait3A_114 = tpu.memref_slice %arg12[%mul3A_18, %dma_wait3A_113] : memref<10240x128xf32, #tpu.memory_space<vmem_shared>> -> memref<128x128xf32, #tpu.memory_space<vmem_shared>>
      tpu.wait_dma2 semaphore(%run_scoped3A : memref<!tpu.dma_semaphore, #tpu.memory_space<semaphore_mem>>) src(%arg10 : memref<128x128xf32, #tpu.memory_space<vmem>>) dst(%dma_wait3A_114 : memref<128x128xf32, #tpu.memory_space<vmem_shared>>)
      tpu.yield
    }) : () -> ()
    %mul3A_19 = arith.constant 5 : i32
    %mul3A_20 = arith.muli %arg1, %mul3A_19 : i32
    %add3A_21 = arith.constant 3 : i32
    %add3A_22 = arith.addi %mul3A_20, %add3A_21 : i32
    %mul3A_23 = arith.constant 128 : i32
    %mul3A_24 = arith.muli %add3A_22, %mul3A_23 : i32
    "tpu.region"() ({
      %run_scoped3A = tpu.sem_alloc : memref<!tpu.dma_semaphore, #tpu.memory_space<semaphore_mem>>
      %dma_start3A_108 = arith.constant 0 : i32
      %dma_start3A_109 = tpu.memref_slice %arg12[%mul3A_24, %dma_start3A_108] : memref<10240x128xf32, #tpu.memory_space<vmem_shared>> -> memref<128x128xf32, #tpu.memory_space<vmem_shared>>
      %dma_start3A_110 = arith.constant 0 : i32
      %dma_start3A_111 = tpu.memref_slice %arg12[%mul3A_24, %dma_start3A_110] : memref<10240x128xf32, #tpu.memory_space<vmem_shared>> -> memref<128x128xf32, #tpu.memory_space<vmem_shared>>
      tpu.enqueue_dma source(%arg10 : memref<128x128xf32, #tpu.memory_space<vmem>>) target(%dma_start3A_111 : memref<128x128xf32, #tpu.memory_space<vmem_shared>>) target_semaphore(%run_scoped3A : memref<!tpu.dma_semaphore, #tpu.memory_space<semaphore_mem>>)
      %dma_wait3A = arith.constant 0 : i32
      %dma_wait3A_112 = tpu.memref_slice %arg12[%mul3A_24, %dma_wait3A] : memref<10240x128xf32, #tpu.memory_space<vmem_shared>> -> memref<128x128xf32, #tpu.memory_space<vmem_shared>>
      %dma_wait3A_113 = arith.constant 0 : i32
      %dma_wait3A_114 = tpu.memref_slice %arg12[%mul3A_24, %dma_wait3A_113] : memref<10240x128xf32, #tpu.memory_space<vmem_shared>> -> memref<128x128xf32, #tpu.memory_space<vmem_shared>>
      tpu.wait_dma2 semaphore(%run_scoped3A : memref<!tpu.dma_semaphore, #tpu.memory_space<semaphore_mem>>) src(%arg10 : memref<128x128xf32, #tpu.memory_space<vmem>>) dst(%dma_wait3A_114 : memref<128x128xf32, #tpu.memory_space<vmem_shared>>)
      tpu.yield
    }) : () -> ()
    %mul3A_25 = arith.constant 5 : i32
    %mul3A_26 = arith.muli %arg1, %mul3A_25 : i32
    %add3A_27 = arith.constant 4 : i32
    %add3A_28 = arith.addi %mul3A_26, %add3A_27 : i32
    %mul3A_29 = arith.constant 128 : i32
    %mul3A_30 = arith.muli %add3A_28, %mul3A_29 : i32
    "tpu.region"() ({
      %run_scoped3A = tpu.sem_alloc : memref<!tpu.dma_semaphore, #tpu.memory_space<semaphore_mem>>
      %dma_start3A_108 = arith.constant 0 : i32
      %dma_start3A_109 = tpu.memref_slice %arg12[%mul3A_30, %dma_start3A_108] : memref<10240x128xf32, #tpu.memory_space<vmem_shared>> -> memref<128x128xf32, #tpu.memory_space<vmem_shared>>
      %dma_start3A_110 = arith.constant 0 : i32
      %dma_start3A_111 = tpu.memref_slice %arg12[%mul3A_30, %dma_start3A_110] : memref<10240x128xf32, #tpu.memory_space<vmem_shared>> -> memref<128x128xf32, #tpu.memory_space<vmem_shared>>
      tpu.enqueue_dma source(%arg10 : memref<128x128xf32, #tpu.memory_space<vmem>>) target(%dma_start3A_111 : memref<128x128xf32, #tpu.memory_space<vmem_shared>>) target_semaphore(%run_scoped3A : memref<!tpu.dma_semaphore, #tpu.memory_space<semaphore_mem>>)
      %dma_wait3A = arith.constant 0 : i32
      %dma_wait3A_112 = tpu.memref_slice %arg12[%mul3A_30, %dma_wait3A] : memref<10240x128xf32, #tpu.memory_space<vmem_shared>> -> memref<128x128xf32, #tpu.memory_space<vmem_shared>>
      %dma_wait3A_113 = arith.constant 0 : i32
      %dma_wait3A_114 = tpu.memref_slice %arg12[%mul3A_30, %dma_wait3A_113] : memref<10240x128xf32, #tpu.memory_space<vmem_shared>> -> memref<128x128xf32, #tpu.memory_space<vmem_shared>>
      tpu.wait_dma2 semaphore(%run_scoped3A : memref<!tpu.dma_semaphore, #tpu.memory_space<semaphore_mem>>) src(%arg10 : memref<128x128xf32, #tpu.memory_space<vmem>>) dst(%dma_wait3A_114 : memref<128x128xf32, #tpu.memory_space<vmem_shared>>)
      tpu.yield
    }) : () -> ()
    %dma_start3A = arith.constant 0 : i32
    %dma_start3A_31 = arith.constant 0 : i32
    %dma_start3A_32 = tpu.memref_slice %arg4[%add3A, %dma_start3A, %dma_start3A_31] : memref<32x80x128xi32, #tpu.memory_space<hbm>> -> memref<1x80x128xi32, #tpu.memory_space<hbm>>
    %dma_start3A_33 = tpu.memref_squeeze %dma_start3A_32 : memref<1x80x128xi32, #tpu.memory_space<hbm>> -> memref<80x128xi32, #tpu.memory_space<hbm>>
    %dma_start3A_34 = arith.constant 0 : i32
    %dma_start3A_35 = arith.constant 0 : i32
    %dma_start3A_36 = tpu.memref_slice %dma_start3A_33[%dma_start3A_34, %dma_start3A_35] : memref<80x128xi32, #tpu.memory_space<hbm>> -> memref<8x128xi32, #tpu.memory_space<hbm>>
    %dma_start3A_37 = arith.constant 0 : i32
    %dma_start3A_38 = arith.constant 0 : i32
    %dma_start3A_39 = tpu.memref_slice %arg4[%add3A, %dma_start3A_37, %dma_start3A_38] : memref<32x80x128xi32, #tpu.memory_space<hbm>> -> memref<1x80x128xi32, #tpu.memory_space<hbm>>
    %dma_start3A_40 = tpu.memref_squeeze %dma_start3A_39 : memref<1x80x128xi32, #tpu.memory_space<hbm>> -> memref<80x128xi32, #tpu.memory_space<hbm>>
    %dma_start3A_41 = arith.constant 0 : i32
    %dma_start3A_42 = arith.constant 0 : i32
    %dma_start3A_43 = tpu.memref_slice %dma_start3A_40[%dma_start3A_41, %dma_start3A_42] : memref<80x128xi32, #tpu.memory_space<hbm>> -> memref<8x128xi32, #tpu.memory_space<hbm>>
    tpu.enqueue_dma source(%dma_start3A_43 : memref<8x128xi32, #tpu.memory_space<hbm>>) target(%arg8 : memref<8x128xi32, #tpu.memory_space<vmem>>) target_semaphore(%arg15 : memref<!tpu.dma_semaphore, #tpu.memory_space<semaphore_mem>>)
    %dma_start3A_44 = arith.constant 0 : i32
    %dma_start3A_45 = arith.constant 0 : i32
    %dma_start3A_46 = tpu.memref_slice %arg7[%dma_start3A_44, %dma_start3A_45] : memref<80x128xi32, #tpu.memory_space<vmem>> -> memref<1x128xi32, #tpu.memory_space<vmem>>
    %dma_start3A_47 = tpu.memref_squeeze %dma_start3A_46 : memref<1x128xi32, #tpu.memory_space<vmem>> -> memref<128xi32, #tpu.memory_space<vmem>>
    %dma_start3A_48 = arith.constant 0 : i32
    %dma_start3A_49 = arith.constant 0 : i32
    %dma_start3A_50 = tpu.memref_slice %arg2[%dma_start3A_48, %dma_start3A_49] : memref<10000x128xf32, #tpu.memory_space<hbm>> -> memref<10000x128xf32, #tpu.memory_space<hbm>>
    tpu.enqueue_indirect_dma source(%dma_start3A_50 : memref<10000x128xf32, #tpu.memory_space<hbm>>) target(%arg10 : memref<128x128xf32, #tpu.memory_space<vmem>>) offsets(%dma_start3A_47 : memref<128xi32, #tpu.memory_space<vmem>>) semaphore(%arg13 : memref<!tpu.dma_semaphore, #tpu.memory_space<semaphore_mem>>)
    %dma_start3A_51 = arith.constant 0 : i32
    %dma_start3A_52 = arith.constant 0 : i32
    %dma_start3A_53 = tpu.memref_slice %arg4[%add3A, %dma_start3A_51, %dma_start3A_52] : memref<32x80x128xi32, #tpu.memory_space<hbm>> -> memref<1x80x128xi32, #tpu.memory_space<hbm>>
    %dma_start3A_54 = tpu.memref_squeeze %dma_start3A_53 : memref<1x80x128xi32, #tpu.memory_space<hbm>> -> memref<80x128xi32, #tpu.memory_space<hbm>>
    %dma_start3A_55 = arith.constant 8 : i32
    %dma_start3A_56 = arith.constant 0 : i32
    %dma_start3A_57 = tpu.memref_slice %dma_start3A_54[%dma_start3A_55, %dma_start3A_56] : memref<80x128xi32, #tpu.memory_space<hbm>> -> memref<8x128xi32, #tpu.memory_space<hbm>>
    %dma_start3A_58 = arith.constant 0 : i32
    %dma_start3A_59 = arith.constant 0 : i32
    %dma_start3A_60 = tpu.memref_slice %arg4[%add3A, %dma_start3A_58, %dma_start3A_59] : memref<32x80x128xi32, #tpu.memory_space<hbm>> -> memref<1x80x128xi32, #tpu.memory_space<hbm>>
    %dma_start3A_61 = tpu.memref_squeeze %dma_start3A_60 : memref<1x80x128xi32, #tpu.memory_space<hbm>> -> memref<80x128xi32, #tpu.memory_space<hbm>>
    %dma_start3A_62 = arith.constant 8 : i32
    %dma_start3A_63 = arith.constant 0 : i32
    %dma_start3A_64 = tpu.memref_slice %dma_start3A_61[%dma_start3A_62, %dma_start3A_63] : memref<80x128xi32, #tpu.memory_space<hbm>> -> memref<8x128xi32, #tpu.memory_space<hbm>>
    tpu.enqueue_dma source(%dma_start3A_64 : memref<8x128xi32, #tpu.memory_space<hbm>>) target(%arg9 : memref<8x128xi32, #tpu.memory_space<vmem>>) target_semaphore(%arg16 : memref<!tpu.dma_semaphore, #tpu.memory_space<semaphore_mem>>)
    %dma_start3A_65 = arith.constant 1 : i32
    %dma_start3A_66 = arith.constant 0 : i32
    %dma_start3A_67 = tpu.memref_slice %arg7[%dma_start3A_65, %dma_start3A_66] : memref<80x128xi32, #tpu.memory_space<vmem>> -> memref<1x128xi32, #tpu.memory_space<vmem>>
    %dma_start3A_68 = tpu.memref_squeeze %dma_start3A_67 : memref<1x128xi32, #tpu.memory_space<vmem>> -> memref<128xi32, #tpu.memory_space<vmem>>
    %dma_start3A_69 = arith.constant 0 : i32
    %dma_start3A_70 = arith.constant 0 : i32
    %dma_start3A_71 = tpu.memref_slice %arg2[%dma_start3A_69, %dma_start3A_70] : memref<10000x128xf32, #tpu.memory_space<hbm>> -> memref<10000x128xf32, #tpu.memory_space<hbm>>
    tpu.enqueue_indirect_dma source(%dma_start3A_71 : memref<10000x128xf32, #tpu.memory_space<hbm>>) target(%arg11 : memref<128x128xf32, #tpu.memory_space<vmem>>) offsets(%dma_start3A_68 : memref<128xi32, #tpu.memory_space<vmem>>) semaphore(%arg14 : memref<!tpu.dma_semaphore, #tpu.memory_space<semaphore_mem>>)
    %barrier3A = arith.constant 0 : index
    tpu.barrier barrier_id(%barrier3A)
    %scan3A = arith.constant 0 : i32
    %scan3A_72 = arith.constant 0 : i32
    %scan3A_73 = arith.constant 5 : i32
    %scan3A_74 = arith.addi %scan3A_72, %scan3A_73 : i32
    %scan3A_75 = arith.constant 1 : i32
    scf.for %scan3A_108 = %scan3A_72 to %scan3A_74 step %scan3A_75  : i32 {
      %mul3A_109 = arith.constant 2 : i32
      %mul3A_110 = arith.muli %mul3A_109, %scan3A_108 : i32
      %add3A_111 = arith.constant 0 : i32
      %add3A_112 = arith.addi %mul3A_110, %add3A_111 : i32
      %mul3A_113 = arith.constant 8 : i32
      %mul3A_114 = arith.muli %add3A_112, %mul3A_113 : i32
      %dma_wait3A = arith.constant 0 : i32
      %dma_wait3A_115 = arith.constant 0 : i32
      %dma_wait3A_116 = tpu.memref_slice %arg4[%add3A, %dma_wait3A, %dma_wait3A_115] : memref<32x80x128xi32, #tpu.memory_space<hbm>> -> memref<1x80x128xi32, #tpu.memory_space<hbm>>
      %dma_wait3A_117 = tpu.memref_squeeze %dma_wait3A_116 : memref<1x80x128xi32, #tpu.memory_space<hbm>> -> memref<80x128xi32, #tpu.memory_space<hbm>>
      %dma_wait3A_118 = arith.constant 0 : i32
      %dma_wait3A_119 = tpu.memref_slice %dma_wait3A_117[%mul3A_114, %dma_wait3A_118] : memref<80x128xi32, #tpu.memory_space<hbm>> -> memref<8x128xi32, #tpu.memory_space<hbm>>
      %dma_wait3A_120 = arith.constant 0 : i32
      %dma_wait3A_121 = arith.constant 0 : i32
      %dma_wait3A_122 = tpu.memref_slice %arg4[%add3A, %dma_wait3A_120, %dma_wait3A_121] : memref<32x80x128xi32, #tpu.memory_space<hbm>> -> memref<1x80x128xi32, #tpu.memory_space<hbm>>
      %dma_wait3A_123 = tpu.memref_squeeze %dma_wait3A_122 : memref<1x80x128xi32, #tpu.memory_space<hbm>> -> memref<80x128xi32, #tpu.memory_space<hbm>>
      %dma_wait3A_124 = arith.constant 0 : i32
      %dma_wait3A_125 = tpu.memref_slice %dma_wait3A_123[%mul3A_114, %dma_wait3A_124] : memref<80x128xi32, #tpu.memory_space<hbm>> -> memref<8x128xi32, #tpu.memory_space<hbm>>
      tpu.wait_dma2 semaphore(%arg15 : memref<!tpu.dma_semaphore, #tpu.memory_space<semaphore_mem>>) src(%dma_wait3A_125 : memref<8x128xi32, #tpu.memory_space<hbm>>) dst(%arg8 : memref<8x128xi32, #tpu.memory_space<vmem>>)
      %scan3A_126 = arith.constant 0 : i32
      %scan3A_127 = arith.constant 0 : i32
      %scan3A_128 = arith.constant 4 : i32
      %scan3A_129 = arith.addi %scan3A_127, %scan3A_128 : i32
      %scan3A_130 = arith.constant 1 : i32
      scf.for %scan3A_167 = %scan3A_127 to %scan3A_129 step %scan3A_130  : i32 {
        %mul3A_168 = arith.constant 8 : i32
        %mul3A_169 = arith.muli %add3A_112, %mul3A_168 : i32
        %mul3A_170 = arith.constant 2 : i32
        %mul3A_171 = arith.muli %mul3A_170, %scan3A_167 : i32
        %add3A_172 = arith.addi %mul3A_169, %mul3A_171 : i32
        %add3A_173 = arith.constant 0 : i32
        %add3A_174 = arith.addi %add3A_172, %add3A_173 : i32
        %dma_wait3A_175 = arith.constant 0 : i32
        %dma_wait3A_176 = tpu.memref_slice %arg7[%add3A_174, %dma_wait3A_175] : memref<80x128xi32, #tpu.memory_space<vmem>> -> memref<1x128xi32, #tpu.memory_space<vmem>>
        %dma_wait3A_177 = tpu.memref_squeeze %dma_wait3A_176 : memref<1x128xi32, #tpu.memory_space<vmem>> -> memref<128xi32, #tpu.memory_space<vmem>>
        %dma_wait3A_178 = arith.constant 0 : i32
        %dma_wait3A_179 = arith.constant 0 : i32
        %dma_wait3A_180 = tpu.memref_slice %arg2[%dma_wait3A_178, %dma_wait3A_179] : memref<10000x128xf32, #tpu.memory_space<hbm>> -> memref<10000x128xf32, #tpu.memory_space<hbm>>
        tpu.wait_indirect_dma semaphore(%arg13 : memref<!tpu.dma_semaphore, #tpu.memory_space<semaphore_mem>>) src(%dma_wait3A_180 : memref<10000x128xf32, #tpu.memory_space<hbm>>) dst(%arg10 : memref<128x128xf32, #tpu.memory_space<vmem>>)
        %mul3A_181 = arith.constant 2 : i32
        %mul3A_182 = arith.muli %mul3A_181, %scan3A_167 : i32
        %add3A_183 = arith.constant 0 : i32
        %add3A_184 = arith.addi %mul3A_182, %add3A_183 : i32
        "tpu.region"() ({
          %run_scoped3A = tpu.sem_alloc : memref<!tpu.dma_semaphore, #tpu.memory_space<semaphore_mem>>
          %dma_start3A_216 = arith.constant 0 : i32
          %dma_start3A_217 = tpu.memref_slice %arg8[%add3A_184, %dma_start3A_216] : memref<8x128xi32, #tpu.memory_space<vmem>> -> memref<1x128xi32, #tpu.memory_space<vmem>>
          %dma_start3A_218 = tpu.memref_squeeze %dma_start3A_217 : memref<1x128xi32, #tpu.memory_space<vmem>> -> memref<128xi32, #tpu.memory_space<vmem>>
          %dma_start3A_219 = arith.constant 0 : i32
          %dma_start3A_220 = arith.constant 0 : i32
          %dma_start3A_221 = tpu.memref_slice %arg12[%dma_start3A_219, %dma_start3A_220] : memref<10240x128xf32, #tpu.memory_space<vmem_shared>> -> memref<10240x128xf32, #tpu.memory_space<vmem_shared>>
          tpu.enqueue_indirect_dma source(%arg10 : memref<128x128xf32, #tpu.memory_space<vmem>>) target(%dma_start3A_221 : memref<10240x128xf32, #tpu.memory_space<vmem_shared>>) offsets(%dma_start3A_218 : memref<128xi32, #tpu.memory_space<vmem>>) semaphore(%run_scoped3A : memref<!tpu.dma_semaphore, #tpu.memory_space<semaphore_mem>>) {add = true}
          %dma_wait3A_222 = arith.constant 0 : i32
          %dma_wait3A_223 = tpu.memref_slice %arg8[%add3A_184, %dma_wait3A_222] : memref<8x128xi32, #tpu.memory_space<vmem>> -> memref<1x128xi32, #tpu.memory_space<vmem>>
          %dma_wait3A_224 = tpu.memref_squeeze %dma_wait3A_223 : memref<1x128xi32, #tpu.memory_space<vmem>> -> memref<128xi32, #tpu.memory_space<vmem>>
          %dma_wait3A_225 = arith.constant 0 : i32
          %dma_wait3A_226 = arith.constant 0 : i32
          %dma_wait3A_227 = tpu.memref_slice %arg12[%dma_wait3A_225, %dma_wait3A_226] : memref<10240x128xf32, #tpu.memory_space<vmem_shared>> -> memref<10240x128xf32, #tpu.memory_space<vmem_shared>>
          tpu.wait_indirect_dma semaphore(%run_scoped3A : memref<!tpu.dma_semaphore, #tpu.memory_space<semaphore_mem>>) src(%arg10 : memref<128x128xf32, #tpu.memory_space<vmem>>) dst(%dma_wait3A_227 : memref<10240x128xf32, #tpu.memory_space<vmem_shared>>)
          tpu.yield
        }) : () -> ()
        %add3A_185 = arith.constant 2 : i32
        %add3A_186 = arith.addi %add3A_174, %add3A_185 : i32
        %lt3A_187 = arith.constant 80 : i32
        %lt3A_188 = arith.cmpi slt, %add3A_186, %lt3A_187 : i32
        %convert_element_type3A_189 = arith.extui %lt3A_188 : i1 to i32
        %cond3A_190 = arith.constant 0 : i32
        %cond3A_191 = arith.cmpi ne, %convert_element_type3A_189, %cond3A_190 : i32
        scf.if %cond3A_191 {
          %add3A_216 = arith.constant 2 : i32
          %add3A_217 = arith.addi %add3A_174, %add3A_216 : i32
          %dma_start3A_218 = arith.constant 0 : i32
          %dma_start3A_219 = tpu.memref_slice %arg7[%add3A_217, %dma_start3A_218] : memref<80x128xi32, #tpu.memory_space<vmem>> -> memref<1x128xi32, #tpu.memory_space<vmem>>
          %dma_start3A_220 = tpu.memref_squeeze %dma_start3A_219 : memref<1x128xi32, #tpu.memory_space<vmem>> -> memref<128xi32, #tpu.memory_space<vmem>>
          %dma_start3A_221 = arith.constant 0 : i32
          %dma_start3A_222 = arith.constant 0 : i32
          %dma_start3A_223 = tpu.memref_slice %arg2[%dma_start3A_221, %dma_start3A_222] : memref<10000x128xf32, #tpu.memory_space<hbm>> -> memref<10000x128xf32, #tpu.memory_space<hbm>>
          tpu.enqueue_indirect_dma source(%dma_start3A_223 : memref<10000x128xf32, #tpu.memory_space<hbm>>) target(%arg10 : memref<128x128xf32, #tpu.memory_space<vmem>>) offsets(%dma_start3A_220 : memref<128xi32, #tpu.memory_space<vmem>>) semaphore(%arg13 : memref<!tpu.dma_semaphore, #tpu.memory_space<semaphore_mem>>)
        } else {
        }
        %mul3A_192 = arith.constant 8 : i32
        %mul3A_193 = arith.muli %add3A_112, %mul3A_192 : i32
        %mul3A_194 = arith.constant 2 : i32
        %mul3A_195 = arith.muli %mul3A_194, %scan3A_167 : i32
        %add3A_196 = arith.addi %mul3A_193, %mul3A_195 : i32
        %add3A_197 = arith.constant 1 : i32
        %add3A_198 = arith.addi %add3A_196, %add3A_197 : i32
        %dma_wait3A_199 = arith.constant 0 : i32
        %dma_wait3A_200 = tpu.memref_slice %arg7[%add3A_198, %dma_wait3A_199] : memref<80x128xi32, #tpu.memory_space<vmem>> -> memref<1x128xi32, #tpu.memory_space<vmem>>
        %dma_wait3A_201 = tpu.memref_squeeze %dma_wait3A_200 : memref<1x128xi32, #tpu.memory_space<vmem>> -> memref<128xi32, #tpu.memory_space<vmem>>
        %dma_wait3A_202 = arith.constant 0 : i32
        %dma_wait3A_203 = arith.constant 0 : i32
        %dma_wait3A_204 = tpu.memref_slice %arg2[%dma_wait3A_202, %dma_wait3A_203] : memref<10000x128xf32, #tpu.memory_space<hbm>> -> memref<10000x128xf32, #tpu.memory_space<hbm>>
        tpu.wait_indirect_dma semaphore(%arg14 : memref<!tpu.dma_semaphore, #tpu.memory_space<semaphore_mem>>) src(%dma_wait3A_204 : memref<10000x128xf32, #tpu.memory_space<hbm>>) dst(%arg11 : memref<128x128xf32, #tpu.memory_space<vmem>>)
        %mul3A_205 = arith.constant 2 : i32
        %mul3A_206 = arith.muli %mul3A_205, %scan3A_167 : i32
        %add3A_207 = arith.constant 1 : i32
        %add3A_208 = arith.addi %mul3A_206, %add3A_207 : i32
        "tpu.region"() ({
          %run_scoped3A = tpu.sem_alloc : memref<!tpu.dma_semaphore, #tpu.memory_space<semaphore_mem>>
          %dma_start3A_216 = arith.constant 0 : i32
          %dma_start3A_217 = tpu.memref_slice %arg8[%add3A_208, %dma_start3A_216] : memref<8x128xi32, #tpu.memory_space<vmem>> -> memref<1x128xi32, #tpu.memory_space<vmem>>
          %dma_start3A_218 = tpu.memref_squeeze %dma_start3A_217 : memref<1x128xi32, #tpu.memory_space<vmem>> -> memref<128xi32, #tpu.memory_space<vmem>>
          %dma_start3A_219 = arith.constant 0 : i32
          %dma_start3A_220 = arith.constant 0 : i32
          %dma_start3A_221 = tpu.memref_slice %arg12[%dma_start3A_219, %dma_start3A_220] : memref<10240x128xf32, #tpu.memory_space<vmem_shared>> -> memref<10240x128xf32, #tpu.memory_space<vmem_shared>>
          tpu.enqueue_indirect_dma source(%arg11 : memref<128x128xf32, #tpu.memory_space<vmem>>) target(%dma_start3A_221 : memref<10240x128xf32, #tpu.memory_space<vmem_shared>>) offsets(%dma_start3A_218 : memref<128xi32, #tpu.memory_space<vmem>>) semaphore(%run_scoped3A : memref<!tpu.dma_semaphore, #tpu.memory_space<semaphore_mem>>) {add = true}
          %dma_wait3A_222 = arith.constant 0 : i32
          %dma_wait3A_223 = tpu.memref_slice %arg8[%add3A_208, %dma_wait3A_222] : memref<8x128xi32, #tpu.memory_space<vmem>> -> memref<1x128xi32, #tpu.memory_space<vmem>>
          %dma_wait3A_224 = tpu.memref_squeeze %dma_wait3A_223 : memref<1x128xi32, #tpu.memory_space<vmem>> -> memref<128xi32, #tpu.memory_space<vmem>>
          %dma_wait3A_225 = arith.constant 0 : i32
          %dma_wait3A_226 = arith.constant 0 : i32
          %dma_wait3A_227 = tpu.memref_slice %arg12[%dma_wait3A_225, %dma_wait3A_226] : memref<10240x128xf32, #tpu.memory_space<vmem_shared>> -> memref<10240x128xf32, #tpu.memory_space<vmem_shared>>
          tpu.wait_indirect_dma semaphore(%run_scoped3A : memref<!tpu.dma_semaphore, #tpu.memory_space<semaphore_mem>>) src(%arg11 : memref<128x128xf32, #tpu.memory_space<vmem>>) dst(%dma_wait3A_227 : memref<10240x128xf32, #tpu.memory_space<vmem_shared>>)
          tpu.yield
        }) : () -> ()
        %add3A_209 = arith.constant 2 : i32
        %add3A_210 = arith.addi %add3A_198, %add3A_209 : i32
        %lt3A_211 = arith.constant 80 : i32
        %lt3A_212 = arith.cmpi slt, %add3A_210, %lt3A_211 : i32
        %convert_element_type3A_213 = arith.extui %lt3A_212 : i1 to i32
        %cond3A_214 = arith.constant 0 : i32
        %cond3A_215 = arith.cmpi ne, %convert_element_type3A_213, %cond3A_214 : i32
        scf.if %cond3A_215 {
          %add3A_216 = arith.constant 2 : i32
          %add3A_217 = arith.addi %add3A_198, %add3A_216 : i32
          %dma_start3A_218 = arith.constant 0 : i32
          %dma_start3A_219 = tpu.memref_slice %arg7[%add3A_217, %dma_start3A_218] : memref<80x128xi32, #tpu.memory_space<vmem>> -> memref<1x128xi32, #tpu.memory_space<vmem>>
          %dma_start3A_220 = tpu.memref_squeeze %dma_start3A_219 : memref<1x128xi32, #tpu.memory_space<vmem>> -> memref<128xi32, #tpu.memory_space<vmem>>
          %dma_start3A_221 = arith.constant 0 : i32
          %dma_start3A_222 = arith.constant 0 : i32
          %dma_start3A_223 = tpu.memref_slice %arg2[%dma_start3A_221, %dma_start3A_222] : memref<10000x128xf32, #tpu.memory_space<hbm>> -> memref<10000x128xf32, #tpu.memory_space<hbm>>
          tpu.enqueue_indirect_dma source(%dma_start3A_223 : memref<10000x128xf32, #tpu.memory_space<hbm>>) target(%arg11 : memref<128x128xf32, #tpu.memory_space<vmem>>) offsets(%dma_start3A_220 : memref<128xi32, #tpu.memory_space<vmem>>) semaphore(%arg14 : memref<!tpu.dma_semaphore, #tpu.memory_space<semaphore_mem>>)
        } else {
        }
      }
      %scan3A_131 = arith.constant 4 : i32
      %add3A_132 = arith.constant 2 : i32
      %add3A_133 = arith.addi %add3A_112, %add3A_132 : i32
      %lt3A = arith.constant 10 : i32
      %lt3A_134 = arith.cmpi slt, %add3A_133, %lt3A : i32
      %convert_element_type3A = arith.extui %lt3A_134 : i1 to i32
      %cond3A = arith.constant 0 : i32
      %cond3A_135 = arith.cmpi ne, %convert_element_type3A, %cond3A : i32
      scf.if %cond3A_135 {
        %add3A_167 = arith.constant 2 : i32
        %add3A_168 = arith.addi %add3A_112, %add3A_167 : i32
        %mul3A_169 = arith.constant 8 : i32
        %mul3A_170 = arith.muli %add3A_168, %mul3A_169 : i32
        %dma_start3A_171 = arith.constant 0 : i32
        %dma_start3A_172 = arith.constant 0 : i32
        %dma_start3A_173 = tpu.memref_slice %arg4[%add3A, %dma_start3A_171, %dma_start3A_172] : memref<32x80x128xi32, #tpu.memory_space<hbm>> -> memref<1x80x128xi32, #tpu.memory_space<hbm>>
        %dma_start3A_174 = tpu.memref_squeeze %dma_start3A_173 : memref<1x80x128xi32, #tpu.memory_space<hbm>> -> memref<80x128xi32, #tpu.memory_space<hbm>>
        %dma_start3A_175 = arith.constant 0 : i32
        %dma_start3A_176 = tpu.memref_slice %dma_start3A_174[%mul3A_170, %dma_start3A_175] : memref<80x128xi32, #tpu.memory_space<hbm>> -> memref<8x128xi32, #tpu.memory_space<hbm>>
        %dma_start3A_177 = arith.constant 0 : i32
        %dma_start3A_178 = arith.constant 0 : i32
        %dma_start3A_179 = tpu.memref_slice %arg4[%add3A, %dma_start3A_177, %dma_start3A_178] : memref<32x80x128xi32, #tpu.memory_space<hbm>> -> memref<1x80x128xi32, #tpu.memory_space<hbm>>
        %dma_start3A_180 = tpu.memref_squeeze %dma_start3A_179 : memref<1x80x128xi32, #tpu.memory_space<hbm>> -> memref<80x128xi32, #tpu.memory_space<hbm>>
        %dma_start3A_181 = arith.constant 0 : i32
        %dma_start3A_182 = tpu.memref_slice %dma_start3A_180[%mul3A_170, %dma_start3A_181] : memref<80x128xi32, #tpu.memory_space<hbm>> -> memref<8x128xi32, #tpu.memory_space<hbm>>
        tpu.enqueue_dma source(%dma_start3A_182 : memref<8x128xi32, #tpu.memory_space<hbm>>) target(%arg8 : memref<8x128xi32, #tpu.memory_space<vmem>>) target_semaphore(%arg15 : memref<!tpu.dma_semaphore, #tpu.memory_space<semaphore_mem>>)
      } else {
      }
      %mul3A_136 = arith.constant 2 : i32
      %mul3A_137 = arith.muli %mul3A_136, %scan3A_108 : i32
      %add3A_138 = arith.constant 1 : i32
      %add3A_139 = arith.addi %mul3A_137, %add3A_138 : i32
      %mul3A_140 = arith.constant 8 : i32
      %mul3A_141 = arith.muli %add3A_139, %mul3A_140 : i32
      %dma_wait3A_142 = arith.constant 0 : i32
      %dma_wait3A_143 = arith.constant 0 : i32
      %dma_wait3A_144 = tpu.memref_slice %arg4[%add3A, %dma_wait3A_142, %dma_wait3A_143] : memref<32x80x128xi32, #tpu.memory_space<hbm>> -> memref<1x80x128xi32, #tpu.memory_space<hbm>>
      %dma_wait3A_145 = tpu.memref_squeeze %dma_wait3A_144 : memref<1x80x128xi32, #tpu.memory_space<hbm>> -> memref<80x128xi32, #tpu.memory_space<hbm>>
      %dma_wait3A_146 = arith.constant 0 : i32
      %dma_wait3A_147 = tpu.memref_slice %dma_wait3A_145[%mul3A_141, %dma_wait3A_146] : memref<80x128xi32, #tpu.memory_space<hbm>> -> memref<8x128xi32, #tpu.memory_space<hbm>>
      %dma_wait3A_148 = arith.constant 0 : i32
      %dma_wait3A_149 = arith.constant 0 : i32
      %dma_wait3A_150 = tpu.memref_slice %arg4[%add3A, %dma_wait3A_148, %dma_wait3A_149] : memref<32x80x128xi32, #tpu.memory_space<hbm>> -> memref<1x80x128xi32, #tpu.memory_space<hbm>>
      %dma_wait3A_151 = tpu.memref_squeeze %dma_wait3A_150 : memref<1x80x128xi32, #tpu.memory_space<hbm>> -> memref<80x128xi32, #tpu.memory_space<hbm>>
      %dma_wait3A_152 = arith.constant 0 : i32
      %dma_wait3A_153 = tpu.memref_slice %dma_wait3A_151[%mul3A_141, %dma_wait3A_152] : memref<80x128xi32, #tpu.memory_space<hbm>> -> memref<8x128xi32, #tpu.memory_space<hbm>>
      tpu.wait_dma2 semaphore(%arg16 : memref<!tpu.dma_semaphore, #tpu.memory_space<semaphore_mem>>) src(%dma_wait3A_153 : memref<8x128xi32, #tpu.memory_space<hbm>>) dst(%arg9 : memref<8x128xi32, #tpu.memory_space<vmem>>)
      %scan3A_154 = arith.constant 0 : i32
      %scan3A_155 = arith.constant 0 : i32
      %scan3A_156 = arith.constant 4 : i32
      %scan3A_157 = arith.addi %scan3A_155, %scan3A_156 : i32
      %scan3A_158 = arith.constant 1 : i32
      scf.for %scan3A_167 = %scan3A_155 to %scan3A_157 step %scan3A_158  : i32 {
        %mul3A_168 = arith.constant 8 : i32
        %mul3A_169 = arith.muli %add3A_139, %mul3A_168 : i32
        %mul3A_170 = arith.constant 2 : i32
        %mul3A_171 = arith.muli %mul3A_170, %scan3A_167 : i32
        %add3A_172 = arith.addi %mul3A_169, %mul3A_171 : i32
        %add3A_173 = arith.constant 0 : i32
        %add3A_174 = arith.addi %add3A_172, %add3A_173 : i32
        %dma_wait3A_175 = arith.constant 0 : i32
        %dma_wait3A_176 = tpu.memref_slice %arg7[%add3A_174, %dma_wait3A_175] : memref<80x128xi32, #tpu.memory_space<vmem>> -> memref<1x128xi32, #tpu.memory_space<vmem>>
        %dma_wait3A_177 = tpu.memref_squeeze %dma_wait3A_176 : memref<1x128xi32, #tpu.memory_space<vmem>> -> memref<128xi32, #tpu.memory_space<vmem>>
        %dma_wait3A_178 = arith.constant 0 : i32
        %dma_wait3A_179 = arith.constant 0 : i32
        %dma_wait3A_180 = tpu.memref_slice %arg2[%dma_wait3A_178, %dma_wait3A_179] : memref<10000x128xf32, #tpu.memory_space<hbm>> -> memref<10000x128xf32, #tpu.memory_space<hbm>>
        tpu.wait_indirect_dma semaphore(%arg13 : memref<!tpu.dma_semaphore, #tpu.memory_space<semaphore_mem>>) src(%dma_wait3A_180 : memref<10000x128xf32, #tpu.memory_space<hbm>>) dst(%arg10 : memref<128x128xf32, #tpu.memory_space<vmem>>)
        %mul3A_181 = arith.constant 2 : i32
        %mul3A_182 = arith.muli %mul3A_181, %scan3A_167 : i32
        %add3A_183 = arith.constant 0 : i32
        %add3A_184 = arith.addi %mul3A_182, %add3A_183 : i32
        "tpu.region"() ({
          %run_scoped3A = tpu.sem_alloc : memref<!tpu.dma_semaphore, #tpu.memory_space<semaphore_mem>>
          %dma_start3A_216 = arith.constant 0 : i32
          %dma_start3A_217 = tpu.memref_slice %arg9[%add3A_184, %dma_start3A_216] : memref<8x128xi32, #tpu.memory_space<vmem>> -> memref<1x128xi32, #tpu.memory_space<vmem>>
          %dma_start3A_218 = tpu.memref_squeeze %dma_start3A_217 : memref<1x128xi32, #tpu.memory_space<vmem>> -> memref<128xi32, #tpu.memory_space<vmem>>
          %dma_start3A_219 = arith.constant 0 : i32
          %dma_start3A_220 = arith.constant 0 : i32
          %dma_start3A_221 = tpu.memref_slice %arg12[%dma_start3A_219, %dma_start3A_220] : memref<10240x128xf32, #tpu.memory_space<vmem_shared>> -> memref<10240x128xf32, #tpu.memory_space<vmem_shared>>
          tpu.enqueue_indirect_dma source(%arg10 : memref<128x128xf32, #tpu.memory_space<vmem>>) target(%dma_start3A_221 : memref<10240x128xf32, #tpu.memory_space<vmem_shared>>) offsets(%dma_start3A_218 : memref<128xi32, #tpu.memory_space<vmem>>) semaphore(%run_scoped3A : memref<!tpu.dma_semaphore, #tpu.memory_space<semaphore_mem>>) {add = true}
          %dma_wait3A_222 = arith.constant 0 : i32
          %dma_wait3A_223 = tpu.memref_slice %arg9[%add3A_184, %dma_wait3A_222] : memref<8x128xi32, #tpu.memory_space<vmem>> -> memref<1x128xi32, #tpu.memory_space<vmem>>
          %dma_wait3A_224 = tpu.memref_squeeze %dma_wait3A_223 : memref<1x128xi32, #tpu.memory_space<vmem>> -> memref<128xi32, #tpu.memory_space<vmem>>
          %dma_wait3A_225 = arith.constant 0 : i32
          %dma_wait3A_226 = arith.constant 0 : i32
          %dma_wait3A_227 = tpu.memref_slice %arg12[%dma_wait3A_225, %dma_wait3A_226] : memref<10240x128xf32, #tpu.memory_space<vmem_shared>> -> memref<10240x128xf32, #tpu.memory_space<vmem_shared>>
          tpu.wait_indirect_dma semaphore(%run_scoped3A : memref<!tpu.dma_semaphore, #tpu.memory_space<semaphore_mem>>) src(%arg10 : memref<128x128xf32, #tpu.memory_space<vmem>>) dst(%dma_wait3A_227 : memref<10240x128xf32, #tpu.memory_space<vmem_shared>>)
          tpu.yield
        }) : () -> ()
        %add3A_185 = arith.constant 2 : i32
        %add3A_186 = arith.addi %add3A_174, %add3A_185 : i32
        %lt3A_187 = arith.constant 80 : i32
        %lt3A_188 = arith.cmpi slt, %add3A_186, %lt3A_187 : i32
        %convert_element_type3A_189 = arith.extui %lt3A_188 : i1 to i32
        %cond3A_190 = arith.constant 0 : i32
        %cond3A_191 = arith.cmpi ne, %convert_element_type3A_189, %cond3A_190 : i32
        scf.if %cond3A_191 {
          %add3A_216 = arith.constant 2 : i32
          %add3A_217 = arith.addi %add3A_174, %add3A_216 : i32
          %dma_start3A_218 = arith.constant 0 : i32
          %dma_start3A_219 = tpu.memref_slice %arg7[%add3A_217, %dma_start3A_218] : memref<80x128xi32, #tpu.memory_space<vmem>> -> memref<1x128xi32, #tpu.memory_space<vmem>>
          %dma_start3A_220 = tpu.memref_squeeze %dma_start3A_219 : memref<1x128xi32, #tpu.memory_space<vmem>> -> memref<128xi32, #tpu.memory_space<vmem>>
          %dma_start3A_221 = arith.constant 0 : i32
          %dma_start3A_222 = arith.constant 0 : i32
          %dma_start3A_223 = tpu.memref_slice %arg2[%dma_start3A_221, %dma_start3A_222] : memref<10000x128xf32, #tpu.memory_space<hbm>> -> memref<10000x128xf32, #tpu.memory_space<hbm>>
          tpu.enqueue_indirect_dma source(%dma_start3A_223 : memref<10000x128xf32, #tpu.memory_space<hbm>>) target(%arg10 : memref<128x128xf32, #tpu.memory_space<vmem>>) offsets(%dma_start3A_220 : memref<128xi32, #tpu.memory_space<vmem>>) semaphore(%arg13 : memref<!tpu.dma_semaphore, #tpu.memory_space<semaphore_mem>>)
        } else {
        }
        %mul3A_192 = arith.constant 8 : i32
        %mul3A_193 = arith.muli %add3A_139, %mul3A_192 : i32
        %mul3A_194 = arith.constant 2 : i32
        %mul3A_195 = arith.muli %mul3A_194, %scan3A_167 : i32
        %add3A_196 = arith.addi %mul3A_193, %mul3A_195 : i32
        %add3A_197 = arith.constant 1 : i32
        %add3A_198 = arith.addi %add3A_196, %add3A_197 : i32
        %dma_wait3A_199 = arith.constant 0 : i32
        %dma_wait3A_200 = tpu.memref_slice %arg7[%add3A_198, %dma_wait3A_199] : memref<80x128xi32, #tpu.memory_space<vmem>> -> memref<1x128xi32, #tpu.memory_space<vmem>>
        %dma_wait3A_201 = tpu.memref_squeeze %dma_wait3A_200 : memref<1x128xi32, #tpu.memory_space<vmem>> -> memref<128xi32, #tpu.memory_space<vmem>>
        %dma_wait3A_202 = arith.constant 0 : i32
        %dma_wait3A_203 = arith.constant 0 : i32
        %dma_wait3A_204 = tpu.memref_slice %arg2[%dma_wait3A_202, %dma_wait3A_203] : memref<10000x128xf32, #tpu.memory_space<hbm>> -> memref<10000x128xf32, #tpu.memory_space<hbm>>
        tpu.wait_indirect_dma semaphore(%arg14 : memref<!tpu.dma_semaphore, #tpu.memory_space<semaphore_mem>>) src(%dma_wait3A_204 : memref<10000x128xf32, #tpu.memory_space<hbm>>) dst(%arg11 : memref<128x128xf32, #tpu.memory_space<vmem>>)
        %mul3A_205 = arith.constant 2 : i32
        %mul3A_206 = arith.muli %mul3A_205, %scan3A_167 : i32
        %add3A_207 = arith.constant 1 : i32
        %add3A_208 = arith.addi %mul3A_206, %add3A_207 : i32
        "tpu.region"() ({
          %run_scoped3A = tpu.sem_alloc : memref<!tpu.dma_semaphore, #tpu.memory_space<semaphore_mem>>
          %dma_start3A_216 = arith.constant 0 : i32
          %dma_start3A_217 = tpu.memref_slice %arg9[%add3A_208, %dma_start3A_216] : memref<8x128xi32, #tpu.memory_space<vmem>> -> memref<1x128xi32, #tpu.memory_space<vmem>>
          %dma_start3A_218 = tpu.memref_squeeze %dma_start3A_217 : memref<1x128xi32, #tpu.memory_space<vmem>> -> memref<128xi32, #tpu.memory_space<vmem>>
          %dma_start3A_219 = arith.constant 0 : i32
          %dma_start3A_220 = arith.constant 0 : i32
          %dma_start3A_221 = tpu.memref_slice %arg12[%dma_start3A_219, %dma_start3A_220] : memref<10240x128xf32, #tpu.memory_space<vmem_shared>> -> memref<10240x128xf32, #tpu.memory_space<vmem_shared>>
          tpu.enqueue_indirect_dma source(%arg11 : memref<128x128xf32, #tpu.memory_space<vmem>>) target(%dma_start3A_221 : memref<10240x128xf32, #tpu.memory_space<vmem_shared>>) offsets(%dma_start3A_218 : memref<128xi32, #tpu.memory_space<vmem>>) semaphore(%run_scoped3A : memref<!tpu.dma_semaphore, #tpu.memory_space<semaphore_mem>>) {add = true}
          %dma_wait3A_222 = arith.constant 0 : i32
          %dma_wait3A_223 = tpu.memref_slice %arg9[%add3A_208, %dma_wait3A_222] : memref<8x128xi32, #tpu.memory_space<vmem>> -> memref<1x128xi32, #tpu.memory_space<vmem>>
          %dma_wait3A_224 = tpu.memref_squeeze %dma_wait3A_223 : memref<1x128xi32, #tpu.memory_space<vmem>> -> memref<128xi32, #tpu.memory_space<vmem>>
          %dma_wait3A_225 = arith.constant 0 : i32
          %dma_wait3A_226 = arith.constant 0 : i32
          %dma_wait3A_227 = tpu.memref_slice %arg12[%dma_wait3A_225, %dma_wait3A_226] : memref<10240x128xf32, #tpu.memory_space<vmem_shared>> -> memref<10240x128xf32, #tpu.memory_space<vmem_shared>>
          tpu.wait_indirect_dma semaphore(%run_scoped3A : memref<!tpu.dma_semaphore, #tpu.memory_space<semaphore_mem>>) src(%arg11 : memref<128x128xf32, #tpu.memory_space<vmem>>) dst(%dma_wait3A_227 : memref<10240x128xf32, #tpu.memory_space<vmem_shared>>)
          tpu.yield
        }) : () -> ()
        %add3A_209 = arith.constant 2 : i32
        %add3A_210 = arith.addi %add3A_198, %add3A_209 : i32
        %lt3A_211 = arith.constant 80 : i32
        %lt3A_212 = arith.cmpi slt, %add3A_210, %lt3A_211 : i32
        %convert_element_type3A_213 = arith.extui %lt3A_212 : i1 to i32
        %cond3A_214 = arith.constant 0 : i32
        %cond3A_215 = arith.cmpi ne, %convert_element_type3A_213, %cond3A_214 : i32
        scf.if %cond3A_215 {
          %add3A_216 = arith.constant 2 : i32
          %add3A_217 = arith.addi %add3A_198, %add3A_216 : i32
          %dma_start3A_218 = arith.constant 0 : i32
          %dma_start3A_219 = tpu.memref_slice %arg7[%add3A_217, %dma_start3A_218] : memref<80x128xi32, #tpu.memory_space<vmem>> -> memref<1x128xi32, #tpu.memory_space<vmem>>
          %dma_start3A_220 = tpu.memref_squeeze %dma_start3A_219 : memref<1x128xi32, #tpu.memory_space<vmem>> -> memref<128xi32, #tpu.memory_space<vmem>>
          %dma_start3A_221 = arith.constant 0 : i32
          %dma_start3A_222 = arith.constant 0 : i32
          %dma_start3A_223 = tpu.memref_slice %arg2[%dma_start3A_221, %dma_start3A_222] : memref<10000x128xf32, #tpu.memory_space<hbm>> -> memref<10000x128xf32, #tpu.memory_space<hbm>>
          tpu.enqueue_indirect_dma source(%dma_start3A_223 : memref<10000x128xf32, #tpu.memory_space<hbm>>) target(%arg11 : memref<128x128xf32, #tpu.memory_space<vmem>>) offsets(%dma_start3A_220 : memref<128xi32, #tpu.memory_space<vmem>>) semaphore(%arg14 : memref<!tpu.dma_semaphore, #tpu.memory_space<semaphore_mem>>)
        } else {
        }
      }
      %scan3A_159 = arith.constant 4 : i32
      %add3A_160 = arith.constant 2 : i32
      %add3A_161 = arith.addi %add3A_139, %add3A_160 : i32
      %lt3A_162 = arith.constant 10 : i32
      %lt3A_163 = arith.cmpi slt, %add3A_161, %lt3A_162 : i32
      %convert_element_type3A_164 = arith.extui %lt3A_163 : i1 to i32
      %cond3A_165 = arith.constant 0 : i32
      %cond3A_166 = arith.cmpi ne, %convert_element_type3A_164, %cond3A_165 : i32
      scf.if %cond3A_166 {
        %add3A_167 = arith.constant 2 : i32
        %add3A_168 = arith.addi %add3A_139, %add3A_167 : i32
        %mul3A_169 = arith.constant 8 : i32
        %mul3A_170 = arith.muli %add3A_168, %mul3A_169 : i32
        %dma_start3A_171 = arith.constant 0 : i32
        %dma_start3A_172 = arith.constant 0 : i32
        %dma_start3A_173 = tpu.memref_slice %arg4[%add3A, %dma_start3A_171, %dma_start3A_172] : memref<32x80x128xi32, #tpu.memory_space<hbm>> -> memref<1x80x128xi32, #tpu.memory_space<hbm>>
        %dma_start3A_174 = tpu.memref_squeeze %dma_start3A_173 : memref<1x80x128xi32, #tpu.memory_space<hbm>> -> memref<80x128xi32, #tpu.memory_space<hbm>>
        %dma_start3A_175 = arith.constant 0 : i32
        %dma_start3A_176 = tpu.memref_slice %dma_start3A_174[%mul3A_170, %dma_start3A_175] : memref<80x128xi32, #tpu.memory_space<hbm>> -> memref<8x128xi32, #tpu.memory_space<hbm>>
        %dma_start3A_177 = arith.constant 0 : i32
        %dma_start3A_178 = arith.constant 0 : i32
        %dma_start3A_179 = tpu.memref_slice %arg4[%add3A, %dma_start3A_177, %dma_start3A_178] : memref<32x80x128xi32, #tpu.memory_space<hbm>> -> memref<1x80x128xi32, #tpu.memory_space<hbm>>
        %dma_start3A_180 = tpu.memref_squeeze %dma_start3A_179 : memref<1x80x128xi32, #tpu.memory_space<hbm>> -> memref<80x128xi32, #tpu.memory_space<hbm>>
        %dma_start3A_181 = arith.constant 0 : i32
        %dma_start3A_182 = tpu.memref_slice %dma_start3A_180[%mul3A_170, %dma_start3A_181] : memref<80x128xi32, #tpu.memory_space<hbm>> -> memref<8x128xi32, #tpu.memory_space<hbm>>
        tpu.enqueue_dma source(%dma_start3A_182 : memref<8x128xi32, #tpu.memory_space<hbm>>) target(%arg9 : memref<8x128xi32, #tpu.memory_space<vmem>>) target_semaphore(%arg16 : memref<!tpu.dma_semaphore, #tpu.memory_space<semaphore_mem>>)
      } else {
      }
    }
    %scan3A_76 = arith.constant 5 : i32
    %barrier3A_77 = arith.constant 0 : index
    tpu.barrier barrier_id(%barrier3A_77)
    %mul3A_78 = arith.constant 5 : i32
    %mul3A_79 = arith.muli %arg1, %mul3A_78 : i32
    %add3A_80 = arith.constant 0 : i32
    %add3A_81 = arith.addi %mul3A_79, %add3A_80 : i32
    %mul3A_82 = arith.constant 128 : i32
    %mul3A_83 = arith.muli %add3A_81, %mul3A_82 : i32
    "tpu.region"() ({
      %run_scoped3A = tpu.sem_alloc : memref<!tpu.dma_semaphore, #tpu.memory_space<semaphore_mem>>
      %dma_start3A_108 = arith.constant 0 : i32
      %dma_start3A_109 = tpu.memref_slice %arg12[%mul3A_83, %dma_start3A_108] : memref<10240x128xf32, #tpu.memory_space<vmem_shared>> -> memref<128x128xf32, #tpu.memory_space<vmem_shared>>
      %dma_start3A_110 = arith.constant 0 : i32
      %dma_start3A_111 = tpu.memref_slice %arg12[%mul3A_83, %dma_start3A_110] : memref<10240x128xf32, #tpu.memory_space<vmem_shared>> -> memref<128x128xf32, #tpu.memory_space<vmem_shared>>
      tpu.enqueue_dma source(%dma_start3A_111 : memref<128x128xf32, #tpu.memory_space<vmem_shared>>) target(%arg10 : memref<128x128xf32, #tpu.memory_space<vmem>>) target_semaphore(%run_scoped3A : memref<!tpu.dma_semaphore, #tpu.memory_space<semaphore_mem>>)
      %dma_wait3A = arith.constant 0 : i32
      %dma_wait3A_112 = tpu.memref_slice %arg12[%mul3A_83, %dma_wait3A] : memref<10240x128xf32, #tpu.memory_space<vmem_shared>> -> memref<128x128xf32, #tpu.memory_space<vmem_shared>>
      %dma_wait3A_113 = arith.constant 0 : i32
      %dma_wait3A_114 = tpu.memref_slice %arg12[%mul3A_83, %dma_wait3A_113] : memref<10240x128xf32, #tpu.memory_space<vmem_shared>> -> memref<128x128xf32, #tpu.memory_space<vmem_shared>>
      tpu.wait_dma2 semaphore(%run_scoped3A : memref<!tpu.dma_semaphore, #tpu.memory_space<semaphore_mem>>) src(%dma_wait3A_114 : memref<128x128xf32, #tpu.memory_space<vmem_shared>>) dst(%arg10 : memref<128x128xf32, #tpu.memory_space<vmem>>)
      tpu.yield
    }) : () -> ()
    "tpu.region"() ({
      %run_scoped3A = tpu.sem_alloc : memref<!tpu.dma_semaphore, #tpu.memory_space<semaphore_mem>>
      %dma_start3A_108 = arith.constant 0 : i32
      %dma_start3A_109 = arith.constant 0 : i32
      %dma_start3A_110 = tpu.memref_slice %arg6[%arg0, %dma_start3A_108, %dma_start3A_109] : memref<2x10240x128xf32, #tpu.memory_space<hbm>> -> memref<1x10240x128xf32, #tpu.memory_space<hbm>>
      %dma_start3A_111 = tpu.memref_squeeze %dma_start3A_110 : memref<1x10240x128xf32, #tpu.memory_space<hbm>> -> memref<10240x128xf32, #tpu.memory_space<hbm>>
      %dma_start3A_112 = arith.constant 0 : i32
      %dma_start3A_113 = tpu.memref_slice %dma_start3A_111[%mul3A_83, %dma_start3A_112] : memref<10240x128xf32, #tpu.memory_space<hbm>> -> memref<128x128xf32, #tpu.memory_space<hbm>>
      %dma_start3A_114 = arith.constant 0 : i32
      %dma_start3A_115 = arith.constant 0 : i32
      %dma_start3A_116 = tpu.memref_slice %arg6[%arg0, %dma_start3A_114, %dma_start3A_115] : memref<2x10240x128xf32, #tpu.memory_space<hbm>> -> memref<1x10240x128xf32, #tpu.memory_space<hbm>>
      %dma_start3A_117 = tpu.memref_squeeze %dma_start3A_116 : memref<1x10240x128xf32, #tpu.memory_space<hbm>> -> memref<10240x128xf32, #tpu.memory_space<hbm>>
      %dma_start3A_118 = arith.constant 0 : i32
      %dma_start3A_119 = tpu.memref_slice %dma_start3A_117[%mul3A_83, %dma_start3A_118] : memref<10240x128xf32, #tpu.memory_space<hbm>> -> memref<128x128xf32, #tpu.memory_space<hbm>>
      tpu.enqueue_dma source(%arg10 : memref<128x128xf32, #tpu.memory_space<vmem>>) target(%dma_start3A_119 : memref<128x128xf32, #tpu.memory_space<hbm>>) target_semaphore(%run_scoped3A : memref<!tpu.dma_semaphore, #tpu.memory_space<semaphore_mem>>)
      %dma_wait3A = arith.constant 0 : i32
      %dma_wait3A_120 = arith.constant 0 : i32
      %dma_wait3A_121 = tpu.memref_slice %arg6[%arg0, %dma_wait3A, %dma_wait3A_120] : memref<2x10240x128xf32, #tpu.memory_space<hbm>> -> memref<1x10240x128xf32, #tpu.memory_space<hbm>>
      %dma_wait3A_122 = tpu.memref_squeeze %dma_wait3A_121 : memref<1x10240x128xf32, #tpu.memory_space<hbm>> -> memref<10240x128xf32, #tpu.memory_space<hbm>>
      %dma_wait3A_123 = arith.constant 0 : i32
      %dma_wait3A_124 = tpu.memref_slice %dma_wait3A_122[%mul3A_83, %dma_wait3A_123] : memref<10240x128xf32, #tpu.memory_space<hbm>> -> memref<128x128xf32, #tpu.memory_space<hbm>>
      %dma_wait3A_125 = arith.constant 0 : i32
      %dma_wait3A_126 = arith.constant 0 : i32
      %dma_wait3A_127 = tpu.memref_slice %arg6[%arg0, %dma_wait3A_125, %dma_wait3A_126] : memref<2x10240x128xf32, #tpu.memory_space<hbm>> -> memref<1x10240x128xf32, #tpu.memory_space<hbm>>
      %dma_wait3A_128 = tpu.memref_squeeze %dma_wait3A_127 : memref<1x10240x128xf32, #tpu.memory_space<hbm>> -> memref<10240x128xf32, #tpu.memory_space<hbm>>
      %dma_wait3A_129 = arith.constant 0 : i32
      %dma_wait3A_130 = tpu.memref_slice %dma_wait3A_128[%mul3A_83, %dma_wait3A_129] : memref<10240x128xf32, #tpu.memory_space<hbm>> -> memref<128x128xf32, #tpu.memory_space<hbm>>
      tpu.wait_dma2 semaphore(%run_scoped3A : memref<!tpu.dma_semaphore, #tpu.memory_space<semaphore_mem>>) src(%arg10 : memref<128x128xf32, #tpu.memory_space<vmem>>) dst(%dma_wait3A_130 : memref<128x128xf32, #tpu.memory_space<hbm>>)
      tpu.yield
    }) : () -> ()
    %mul3A_84 = arith.constant 5 : i32
    %mul3A_85 = arith.muli %arg1, %mul3A_84 : i32
    %add3A_86 = arith.constant 1 : i32
    %add3A_87 = arith.addi %mul3A_85, %add3A_86 : i32
    %mul3A_88 = arith.constant 128 : i32
    %mul3A_89 = arith.muli %add3A_87, %mul3A_88 : i32
    "tpu.region"() ({
      %run_scoped3A = tpu.sem_alloc : memref<!tpu.dma_semaphore, #tpu.memory_space<semaphore_mem>>
      %dma_start3A_108 = arith.constant 0 : i32
      %dma_start3A_109 = tpu.memref_slice %arg12[%mul3A_89, %dma_start3A_108] : memref<10240x128xf32, #tpu.memory_space<vmem_shared>> -> memref<128x128xf32, #tpu.memory_space<vmem_shared>>
      %dma_start3A_110 = arith.constant 0 : i32
      %dma_start3A_111 = tpu.memref_slice %arg12[%mul3A_89, %dma_start3A_110] : memref<10240x128xf32, #tpu.memory_space<vmem_shared>> -> memref<128x128xf32, #tpu.memory_space<vmem_shared>>
      tpu.enqueue_dma source(%dma_start3A_111 : memref<128x128xf32, #tpu.memory_space<vmem_shared>>) target(%arg10 : memref<128x128xf32, #tpu.memory_space<vmem>>) target_semaphore(%run_scoped3A : memref<!tpu.dma_semaphore, #tpu.memory_space<semaphore_mem>>)
      %dma_wait3A = arith.constant 0 : i32
      %dma_wait3A_112 = tpu.memref_slice %arg12[%mul3A_89, %dma_wait3A] : memref<10240x128xf32, #tpu.memory_space<vmem_shared>> -> memref<128x128xf32, #tpu.memory_space<vmem_shared>>
      %dma_wait3A_113 = arith.constant 0 : i32
      %dma_wait3A_114 = tpu.memref_slice %arg12[%mul3A_89, %dma_wait3A_113] : memref<10240x128xf32, #tpu.memory_space<vmem_shared>> -> memref<128x128xf32, #tpu.memory_space<vmem_shared>>
      tpu.wait_dma2 semaphore(%run_scoped3A : memref<!tpu.dma_semaphore, #tpu.memory_space<semaphore_mem>>) src(%dma_wait3A_114 : memref<128x128xf32, #tpu.memory_space<vmem_shared>>) dst(%arg10 : memref<128x128xf32, #tpu.memory_space<vmem>>)
      tpu.yield
    }) : () -> ()
    "tpu.region"() ({
      %run_scoped3A = tpu.sem_alloc : memref<!tpu.dma_semaphore, #tpu.memory_space<semaphore_mem>>
      %dma_start3A_108 = arith.constant 0 : i32
      %dma_start3A_109 = arith.constant 0 : i32
      %dma_start3A_110 = tpu.memref_slice %arg6[%arg0, %dma_start3A_108, %dma_start3A_109] : memref<2x10240x128xf32, #tpu.memory_space<hbm>> -> memref<1x10240x128xf32, #tpu.memory_space<hbm>>
      %dma_start3A_111 = tpu.memref_squeeze %dma_start3A_110 : memref<1x10240x128xf32, #tpu.memory_space<hbm>> -> memref<10240x128xf32, #tpu.memory_space<hbm>>
      %dma_start3A_112 = arith.constant 0 : i32
      %dma_start3A_113 = tpu.memref_slice %dma_start3A_111[%mul3A_89, %dma_start3A_112] : memref<10240x128xf32, #tpu.memory_space<hbm>> -> memref<128x128xf32, #tpu.memory_space<hbm>>
      %dma_start3A_114 = arith.constant 0 : i32
      %dma_start3A_115 = arith.constant 0 : i32
      %dma_start3A_116 = tpu.memref_slice %arg6[%arg0, %dma_start3A_114, %dma_start3A_115] : memref<2x10240x128xf32, #tpu.memory_space<hbm>> -> memref<1x10240x128xf32, #tpu.memory_space<hbm>>
      %dma_start3A_117 = tpu.memref_squeeze %dma_start3A_116 : memref<1x10240x128xf32, #tpu.memory_space<hbm>> -> memref<10240x128xf32, #tpu.memory_space<hbm>>
      %dma_start3A_118 = arith.constant 0 : i32
      %dma_start3A_119 = tpu.memref_slice %dma_start3A_117[%mul3A_89, %dma_start3A_118] : memref<10240x128xf32, #tpu.memory_space<hbm>> -> memref<128x128xf32, #tpu.memory_space<hbm>>
      tpu.enqueue_dma source(%arg10 : memref<128x128xf32, #tpu.memory_space<vmem>>) target(%dma_start3A_119 : memref<128x128xf32, #tpu.memory_space<hbm>>) target_semaphore(%run_scoped3A : memref<!tpu.dma_semaphore, #tpu.memory_space<semaphore_mem>>)
      %dma_wait3A = arith.constant 0 : i32
      %dma_wait3A_120 = arith.constant 0 : i32
      %dma_wait3A_121 = tpu.memref_slice %arg6[%arg0, %dma_wait3A, %dma_wait3A_120] : memref<2x10240x128xf32, #tpu.memory_space<hbm>> -> memref<1x10240x128xf32, #tpu.memory_space<hbm>>
      %dma_wait3A_122 = tpu.memref_squeeze %dma_wait3A_121 : memref<1x10240x128xf32, #tpu.memory_space<hbm>> -> memref<10240x128xf32, #tpu.memory_space<hbm>>
      %dma_wait3A_123 = arith.constant 0 : i32
      %dma_wait3A_124 = tpu.memref_slice %dma_wait3A_122[%mul3A_89, %dma_wait3A_123] : memref<10240x128xf32, #tpu.memory_space<hbm>> -> memref<128x128xf32, #tpu.memory_space<hbm>>
      %dma_wait3A_125 = arith.constant 0 : i32
      %dma_wait3A_126 = arith.constant 0 : i32
      %dma_wait3A_127 = tpu.memref_slice %arg6[%arg0, %dma_wait3A_125, %dma_wait3A_126] : memref<2x10240x128xf32, #tpu.memory_space<hbm>> -> memref<1x10240x128xf32, #tpu.memory_space<hbm>>
      %dma_wait3A_128 = tpu.memref_squeeze %dma_wait3A_127 : memref<1x10240x128xf32, #tpu.memory_space<hbm>> -> memref<10240x128xf32, #tpu.memory_space<hbm>>
      %dma_wait3A_129 = arith.constant 0 : i32
      %dma_wait3A_130 = tpu.memref_slice %dma_wait3A_128[%mul3A_89, %dma_wait3A_129] : memref<10240x128xf32, #tpu.memory_space<hbm>> -> memref<128x128xf32, #tpu.memory_space<hbm>>
      tpu.wait_dma2 semaphore(%run_scoped3A : memref<!tpu.dma_semaphore, #tpu.memory_space<semaphore_mem>>) src(%arg10 : memref<128x128xf32, #tpu.memory_space<vmem>>) dst(%dma_wait3A_130 : memref<128x128xf32, #tpu.memory_space<hbm>>)
      tpu.yield
    }) : () -> ()
    %mul3A_90 = arith.constant 5 : i32
    %mul3A_91 = arith.muli %arg1, %mul3A_90 : i32
    %add3A_92 = arith.constant 2 : i32
    %add3A_93 = arith.addi %mul3A_91, %add3A_92 : i32
    %mul3A_94 = arith.constant 128 : i32
    %mul3A_95 = arith.muli %add3A_93, %mul3A_94 : i32
    "tpu.region"() ({
      %run_scoped3A = tpu.sem_alloc : memref<!tpu.dma_semaphore, #tpu.memory_space<semaphore_mem>>
      %dma_start3A_108 = arith.constant 0 : i32
      %dma_start3A_109 = tpu.memref_slice %arg12[%mul3A_95, %dma_start3A_108] : memref<10240x128xf32, #tpu.memory_space<vmem_shared>> -> memref<128x128xf32, #tpu.memory_space<vmem_shared>>
      %dma_start3A_110 = arith.constant 0 : i32
      %dma_start3A_111 = tpu.memref_slice %arg12[%mul3A_95, %dma_start3A_110] : memref<10240x128xf32, #tpu.memory_space<vmem_shared>> -> memref<128x128xf32, #tpu.memory_space<vmem_shared>>
      tpu.enqueue_dma source(%dma_start3A_111 : memref<128x128xf32, #tpu.memory_space<vmem_shared>>) target(%arg10 : memref<128x128xf32, #tpu.memory_space<vmem>>) target_semaphore(%run_scoped3A : memref<!tpu.dma_semaphore, #tpu.memory_space<semaphore_mem>>)
      %dma_wait3A = arith.constant 0 : i32
      %dma_wait3A_112 = tpu.memref_slice %arg12[%mul3A_95, %dma_wait3A] : memref<10240x128xf32, #tpu.memory_space<vmem_shared>> -> memref<128x128xf32, #tpu.memory_space<vmem_shared>>
      %dma_wait3A_113 = arith.constant 0 : i32
      %dma_wait3A_114 = tpu.memref_slice %arg12[%mul3A_95, %dma_wait3A_113] : memref<10240x128xf32, #tpu.memory_space<vmem_shared>> -> memref<128x128xf32, #tpu.memory_space<vmem_shared>>
      tpu.wait_dma2 semaphore(%run_scoped3A : memref<!tpu.dma_semaphore, #tpu.memory_space<semaphore_mem>>) src(%dma_wait3A_114 : memref<128x128xf32, #tpu.memory_space<vmem_shared>>) dst(%arg10 : memref<128x128xf32, #tpu.memory_space<vmem>>)
      tpu.yield
    }) : () -> ()
    "tpu.region"() ({
      %run_scoped3A = tpu.sem_alloc : memref<!tpu.dma_semaphore, #tpu.memory_space<semaphore_mem>>
      %dma_start3A_108 = arith.constant 0 : i32
      %dma_start3A_109 = arith.constant 0 : i32
      %dma_start3A_110 = tpu.memref_slice %arg6[%arg0, %dma_start3A_108, %dma_start3A_109] : memref<2x10240x128xf32, #tpu.memory_space<hbm>> -> memref<1x10240x128xf32, #tpu.memory_space<hbm>>
      %dma_start3A_111 = tpu.memref_squeeze %dma_start3A_110 : memref<1x10240x128xf32, #tpu.memory_space<hbm>> -> memref<10240x128xf32, #tpu.memory_space<hbm>>
      %dma_start3A_112 = arith.constant 0 : i32
      %dma_start3A_113 = tpu.memref_slice %dma_start3A_111[%mul3A_95, %dma_start3A_112] : memref<10240x128xf32, #tpu.memory_space<hbm>> -> memref<128x128xf32, #tpu.memory_space<hbm>>
      %dma_start3A_114 = arith.constant 0 : i32
      %dma_start3A_115 = arith.constant 0 : i32
      %dma_start3A_116 = tpu.memref_slice %arg6[%arg0, %dma_start3A_114, %dma_start3A_115] : memref<2x10240x128xf32, #tpu.memory_space<hbm>> -> memref<1x10240x128xf32, #tpu.memory_space<hbm>>
      %dma_start3A_117 = tpu.memref_squeeze %dma_start3A_116 : memref<1x10240x128xf32, #tpu.memory_space<hbm>> -> memref<10240x128xf32, #tpu.memory_space<hbm>>
      %dma_start3A_118 = arith.constant 0 : i32
      %dma_start3A_119 = tpu.memref_slice %dma_start3A_117[%mul3A_95, %dma_start3A_118] : memref<10240x128xf32, #tpu.memory_space<hbm>> -> memref<128x128xf32, #tpu.memory_space<hbm>>
      tpu.enqueue_dma source(%arg10 : memref<128x128xf32, #tpu.memory_space<vmem>>) target(%dma_start3A_119 : memref<128x128xf32, #tpu.memory_space<hbm>>) target_semaphore(%run_scoped3A : memref<!tpu.dma_semaphore, #tpu.memory_space<semaphore_mem>>)
      %dma_wait3A = arith.constant 0 : i32
      %dma_wait3A_120 = arith.constant 0 : i32
      %dma_wait3A_121 = tpu.memref_slice %arg6[%arg0, %dma_wait3A, %dma_wait3A_120] : memref<2x10240x128xf32, #tpu.memory_space<hbm>> -> memref<1x10240x128xf32, #tpu.memory_space<hbm>>
      %dma_wait3A_122 = tpu.memref_squeeze %dma_wait3A_121 : memref<1x10240x128xf32, #tpu.memory_space<hbm>> -> memref<10240x128xf32, #tpu.memory_space<hbm>>
      %dma_wait3A_123 = arith.constant 0 : i32
      %dma_wait3A_124 = tpu.memref_slice %dma_wait3A_122[%mul3A_95, %dma_wait3A_123] : memref<10240x128xf32, #tpu.memory_space<hbm>> -> memref<128x128xf32, #tpu.memory_space<hbm>>
      %dma_wait3A_125 = arith.constant 0 : i32
      %dma_wait3A_126 = arith.constant 0 : i32
      %dma_wait3A_127 = tpu.memref_slice %arg6[%arg0, %dma_wait3A_125, %dma_wait3A_126] : memref<2x10240x128xf32, #tpu.memory_space<hbm>> -> memref<1x10240x128xf32, #tpu.memory_space<hbm>>
      %dma_wait3A_128 = tpu.memref_squeeze %dma_wait3A_127 : memref<1x10240x128xf32, #tpu.memory_space<hbm>> -> memref<10240x128xf32, #tpu.memory_space<hbm>>
      %dma_wait3A_129 = arith.constant 0 : i32
      %dma_wait3A_130 = tpu.memref_slice %dma_wait3A_128[%mul3A_95, %dma_wait3A_129] : memref<10240x128xf32, #tpu.memory_space<hbm>> -> memref<128x128xf32, #tpu.memory_space<hbm>>
      tpu.wait_dma2 semaphore(%run_scoped3A : memref<!tpu.dma_semaphore, #tpu.memory_space<semaphore_mem>>) src(%arg10 : memref<128x128xf32, #tpu.memory_space<vmem>>) dst(%dma_wait3A_130 : memref<128x128xf32, #tpu.memory_space<hbm>>)
      tpu.yield
    }) : () -> ()
    %mul3A_96 = arith.constant 5 : i32
    %mul3A_97 = arith.muli %arg1, %mul3A_96 : i32
    %add3A_98 = arith.constant 3 : i32
    %add3A_99 = arith.addi %mul3A_97, %add3A_98 : i32
    %mul3A_100 = arith.constant 128 : i32
    %mul3A_101 = arith.muli %add3A_99, %mul3A_100 : i32
    "tpu.region"() ({
      %run_scoped3A = tpu.sem_alloc : memref<!tpu.dma_semaphore, #tpu.memory_space<semaphore_mem>>
      %dma_start3A_108 = arith.constant 0 : i32
      %dma_start3A_109 = tpu.memref_slice %arg12[%mul3A_101, %dma_start3A_108] : memref<10240x128xf32, #tpu.memory_space<vmem_shared>> -> memref<128x128xf32, #tpu.memory_space<vmem_shared>>
      %dma_start3A_110 = arith.constant 0 : i32
      %dma_start3A_111 = tpu.memref_slice %arg12[%mul3A_101, %dma_start3A_110] : memref<10240x128xf32, #tpu.memory_space<vmem_shared>> -> memref<128x128xf32, #tpu.memory_space<vmem_shared>>
      tpu.enqueue_dma source(%dma_start3A_111 : memref<128x128xf32, #tpu.memory_space<vmem_shared>>) target(%arg10 : memref<128x128xf32, #tpu.memory_space<vmem>>) target_semaphore(%run_scoped3A : memref<!tpu.dma_semaphore, #tpu.memory_space<semaphore_mem>>)
      %dma_wait3A = arith.constant 0 : i32
      %dma_wait3A_112 = tpu.memref_slice %arg12[%mul3A_101, %dma_wait3A] : memref<10240x128xf32, #tpu.memory_space<vmem_shared>> -> memref<128x128xf32, #tpu.memory_space<vmem_shared>>
      %dma_wait3A_113 = arith.constant 0 : i32
      %dma_wait3A_114 = tpu.memref_slice %arg12[%mul3A_101, %dma_wait3A_113] : memref<10240x128xf32, #tpu.memory_space<vmem_shared>> -> memref<128x128xf32, #tpu.memory_space<vmem_shared>>
      tpu.wait_dma2 semaphore(%run_scoped3A : memref<!tpu.dma_semaphore, #tpu.memory_space<semaphore_mem>>) src(%dma_wait3A_114 : memref<128x128xf32, #tpu.memory_space<vmem_shared>>) dst(%arg10 : memref<128x128xf32, #tpu.memory_space<vmem>>)
      tpu.yield
    }) : () -> ()
    "tpu.region"() ({
      %run_scoped3A = tpu.sem_alloc : memref<!tpu.dma_semaphore, #tpu.memory_space<semaphore_mem>>
      %dma_start3A_108 = arith.constant 0 : i32
      %dma_start3A_109 = arith.constant 0 : i32
      %dma_start3A_110 = tpu.memref_slice %arg6[%arg0, %dma_start3A_108, %dma_start3A_109] : memref<2x10240x128xf32, #tpu.memory_space<hbm>> -> memref<1x10240x128xf32, #tpu.memory_space<hbm>>
      %dma_start3A_111 = tpu.memref_squeeze %dma_start3A_110 : memref<1x10240x128xf32, #tpu.memory_space<hbm>> -> memref<10240x128xf32, #tpu.memory_space<hbm>>
      %dma_start3A_112 = arith.constant 0 : i32
      %dma_start3A_113 = tpu.memref_slice %dma_start3A_111[%mul3A_101, %dma_start3A_112] : memref<10240x128xf32, #tpu.memory_space<hbm>> -> memref<128x128xf32, #tpu.memory_space<hbm>>
      %dma_start3A_114 = arith.constant 0 : i32
      %dma_start3A_115 = arith.constant 0 : i32
      %dma_start3A_116 = tpu.memref_slice %arg6[%arg0, %dma_start3A_114, %dma_start3A_115] : memref<2x10240x128xf32, #tpu.memory_space<hbm>> -> memref<1x10240x128xf32, #tpu.memory_space<hbm>>
      %dma_start3A_117 = tpu.memref_squeeze %dma_start3A_116 : memref<1x10240x128xf32, #tpu.memory_space<hbm>> -> memref<10240x128xf32, #tpu.memory_space<hbm>>
      %dma_start3A_118 = arith.constant 0 : i32
      %dma_start3A_119 = tpu.memref_slice %dma_start3A_117[%mul3A_101, %dma_start3A_118] : memref<10240x128xf32, #tpu.memory_space<hbm>> -> memref<128x128xf32, #tpu.memory_space<hbm>>
      tpu.enqueue_dma source(%arg10 : memref<128x128xf32, #tpu.memory_space<vmem>>) target(%dma_start3A_119 : memref<128x128xf32, #tpu.memory_space<hbm>>) target_semaphore(%run_scoped3A : memref<!tpu.dma_semaphore, #tpu.memory_space<semaphore_mem>>)
      %dma_wait3A = arith.constant 0 : i32
      %dma_wait3A_120 = arith.constant 0 : i32
      %dma_wait3A_121 = tpu.memref_slice %arg6[%arg0, %dma_wait3A, %dma_wait3A_120] : memref<2x10240x128xf32, #tpu.memory_space<hbm>> -> memref<1x10240x128xf32, #tpu.memory_space<hbm>>
      %dma_wait3A_122 = tpu.memref_squeeze %dma_wait3A_121 : memref<1x10240x128xf32, #tpu.memory_space<hbm>> -> memref<10240x128xf32, #tpu.memory_space<hbm>>
      %dma_wait3A_123 = arith.constant 0 : i32
      %dma_wait3A_124 = tpu.memref_slice %dma_wait3A_122[%mul3A_101, %dma_wait3A_123] : memref<10240x128xf32, #tpu.memory_space<hbm>> -> memref<128x128xf32, #tpu.memory_space<hbm>>
      %dma_wait3A_125 = arith.constant 0 : i32
      %dma_wait3A_126 = arith.constant 0 : i32
      %dma_wait3A_127 = tpu.memref_slice %arg6[%arg0, %dma_wait3A_125, %dma_wait3A_126] : memref<2x10240x128xf32, #tpu.memory_space<hbm>> -> memref<1x10240x128xf32, #tpu.memory_space<hbm>>
      %dma_wait3A_128 = tpu.memref_squeeze %dma_wait3A_127 : memref<1x10240x128xf32, #tpu.memory_space<hbm>> -> memref<10240x128xf32, #tpu.memory_space<hbm>>
      %dma_wait3A_129 = arith.constant 0 : i32
      %dma_wait3A_130 = tpu.memref_slice %dma_wait3A_128[%mul3A_101, %dma_wait3A_129] : memref<10240x128xf32, #tpu.memory_space<hbm>> -> memref<128x128xf32, #tpu.memory_space<hbm>>
      tpu.wait_dma2 semaphore(%run_scoped3A : memref<!tpu.dma_semaphore, #tpu.memory_space<semaphore_mem>>) src(%arg10 : memref<128x128xf32, #tpu.memory_space<vmem>>) dst(%dma_wait3A_130 : memref<128x128xf32, #tpu.memory_space<hbm>>)
      tpu.yield
    }) : () -> ()
    %mul3A_102 = arith.constant 5 : i32
    %mul3A_103 = arith.muli %arg1, %mul3A_102 : i32
    %add3A_104 = arith.constant 4 : i32
    %add3A_105 = arith.addi %mul3A_103, %add3A_104 : i32
    %mul3A_106 = arith.constant 128 : i32
    %mul3A_107 = arith.muli %add3A_105, %mul3A_106 : i32
    "tpu.region"() ({
      %run_scoped3A = tpu.sem_alloc : memref<!tpu.dma_semaphore, #tpu.memory_space<semaphore_mem>>
      %dma_start3A_108 = arith.constant 0 : i32
      %dma_start3A_109 = tpu.memref_slice %arg12[%mul3A_107, %dma_start3A_108] : memref<10240x128xf32, #tpu.memory_space<vmem_shared>> -> memref<128x128xf32, #tpu.memory_space<vmem_shared>>
      %dma_start3A_110 = arith.constant 0 : i32
      %dma_start3A_111 = tpu.memref_slice %arg12[%mul3A_107, %dma_start3A_110] : memref<10240x128xf32, #tpu.memory_space<vmem_shared>> -> memref<128x128xf32, #tpu.memory_space<vmem_shared>>
      tpu.enqueue_dma source(%dma_start3A_111 : memref<128x128xf32, #tpu.memory_space<vmem_shared>>) target(%arg10 : memref<128x128xf32, #tpu.memory_space<vmem>>) target_semaphore(%run_scoped3A : memref<!tpu.dma_semaphore, #tpu.memory_space<semaphore_mem>>)
      %dma_wait3A = arith.constant 0 : i32
      %dma_wait3A_112 = tpu.memref_slice %arg12[%mul3A_107, %dma_wait3A] : memref<10240x128xf32, #tpu.memory_space<vmem_shared>> -> memref<128x128xf32, #tpu.memory_space<vmem_shared>>
      %dma_wait3A_113 = arith.constant 0 : i32
      %dma_wait3A_114 = tpu.memref_slice %arg12[%mul3A_107, %dma_wait3A_113] : memref<10240x128xf32, #tpu.memory_space<vmem_shared>> -> memref<128x128xf32, #tpu.memory_space<vmem_shared>>
      tpu.wait_dma2 semaphore(%run_scoped3A : memref<!tpu.dma_semaphore, #tpu.memory_space<semaphore_mem>>) src(%dma_wait3A_114 : memref<128x128xf32, #tpu.memory_space<vmem_shared>>) dst(%arg10 : memref<128x128xf32, #tpu.memory_space<vmem>>)
      tpu.yield
    }) : () -> ()
    "tpu.region"() ({
      %run_scoped3A = tpu.sem_alloc : memref<!tpu.dma_semaphore, #tpu.memory_space<semaphore_mem>>
      %dma_start3A_108 = arith.constant 0 : i32
      %dma_start3A_109 = arith.constant 0 : i32
      %dma_start3A_110 = tpu.memref_slice %arg6[%arg0, %dma_start3A_108, %dma_start3A_109] : memref<2x10240x128xf32, #tpu.memory_space<hbm>> -> memref<1x10240x128xf32, #tpu.memory_space<hbm>>
      %dma_start3A_111 = tpu.memref_squeeze %dma_start3A_110 : memref<1x10240x128xf32, #tpu.memory_space<hbm>> -> memref<10240x128xf32, #tpu.memory_space<hbm>>
      %dma_start3A_112 = arith.constant 0 : i32
      %dma_start3A_113 = tpu.memref_slice %dma_start3A_111[%mul3A_107, %dma_start3A_112] : memref<10240x128xf32, #tpu.memory_space<hbm>> -> memref<128x128xf32, #tpu.memory_space<hbm>>
      %dma_start3A_114 = arith.constant 0 : i32
      %dma_start3A_115 = arith.constant 0 : i32
      %dma_start3A_116 = tpu.memref_slice %arg6[%arg0, %dma_start3A_114, %dma_start3A_115] : memref<2x10240x128xf32, #tpu.memory_space<hbm>> -> memref<1x10240x128xf32, #tpu.memory_space<hbm>>
      %dma_start3A_117 = tpu.memref_squeeze %dma_start3A_116 : memref<1x10240x128xf32, #tpu.memory_space<hbm>> -> memref<10240x128xf32, #tpu.memory_space<hbm>>
      %dma_start3A_118 = arith.constant 0 : i32
      %dma_start3A_119 = tpu.memref_slice %dma_start3A_117[%mul3A_107, %dma_start3A_118] : memref<10240x128xf32, #tpu.memory_space<hbm>> -> memref<128x128xf32, #tpu.memory_space<hbm>>
      tpu.enqueue_dma source(%arg10 : memref<128x128xf32, #tpu.memory_space<vmem>>) target(%dma_start3A_119 : memref<128x128xf32, #tpu.memory_space<hbm>>) target_semaphore(%run_scoped3A : memref<!tpu.dma_semaphore, #tpu.memory_space<semaphore_mem>>)
      %dma_wait3A = arith.constant 0 : i32
      %dma_wait3A_120 = arith.constant 0 : i32
      %dma_wait3A_121 = tpu.memref_slice %arg6[%arg0, %dma_wait3A, %dma_wait3A_120] : memref<2x10240x128xf32, #tpu.memory_space<hbm>> -> memref<1x10240x128xf32, #tpu.memory_space<hbm>>
      %dma_wait3A_122 = tpu.memref_squeeze %dma_wait3A_121 : memref<1x10240x128xf32, #tpu.memory_space<hbm>> -> memref<10240x128xf32, #tpu.memory_space<hbm>>
      %dma_wait3A_123 = arith.constant 0 : i32
      %dma_wait3A_124 = tpu.memref_slice %dma_wait3A_122[%mul3A_107, %dma_wait3A_123] : memref<10240x128xf32, #tpu.memory_space<hbm>> -> memref<128x128xf32, #tpu.memory_space<hbm>>
      %dma_wait3A_125 = arith.constant 0 : i32
      %dma_wait3A_126 = arith.constant 0 : i32
      %dma_wait3A_127 = tpu.memref_slice %arg6[%arg0, %dma_wait3A_125, %dma_wait3A_126] : memref<2x10240x128xf32, #tpu.memory_space<hbm>> -> memref<1x10240x128xf32, #tpu.memory_space<hbm>>
      %dma_wait3A_128 = tpu.memref_squeeze %dma_wait3A_127 : memref<1x10240x128xf32, #tpu.memory_space<hbm>> -> memref<10240x128xf32, #tpu.memory_space<hbm>>
      %dma_wait3A_129 = arith.constant 0 : i32
      %dma_wait3A_130 = tpu.memref_slice %dma_wait3A_128[%mul3A_107, %dma_wait3A_129] : memref<10240x128xf32, #tpu.memory_space<hbm>> -> memref<128x128xf32, #tpu.memory_space<hbm>>
      tpu.wait_dma2 semaphore(%run_scoped3A : memref<!tpu.dma_semaphore, #tpu.memory_space<semaphore_mem>>) src(%arg10 : memref<128x128xf32, #tpu.memory_space<vmem>>) dst(%dma_wait3A_130 : memref<128x128xf32, #tpu.memory_space<hbm>>)
      tpu.yield
    }) : () -> ()
    return
  }
}

#map = affine_map<(d0, d1) -> (0, 0, 0)>
#map1 = affine_map<(d0, d1) -> (0)>
module attributes {stable_mosaic.version = 14 : i64} {
  func.func @_deg_body(%arg0: i32, %arg1: i32, %arg2: memref<32x80x128xi32, #tpu.memory_space<hbm>>, %arg3: memref<10240xf32, #tpu.memory_space<hbm>>, %arg4: memref<20480xf32, #tpu.memory_space<hbm>>, %arg5: memref<16x128xi32, #tpu.memory_space<vmem>>, %arg6: memref<128xf32, #tpu.memory_space<vmem>>, %arg7: memref<640xf32, #tpu.memory_space<vmem>>, %arg8: memref<10240xf32, #tpu.memory_space<vmem_shared>>) attributes {dimension_semantics = [#tpu.dimension_semantics<core_parallel>, #tpu.dimension_semantics<subcore_parallel>], iteration_bounds = array<i64: 2, 16>, scalar_prefetch = 0 : i64, scratch_operands = 4 : i64, tpu.core_type = #tpu.core_type<sc_vector_subcore>, window_params = [{transform_indices = #map}, {transform_indices = #map1}, {transform_indices = #map1}]} {
    %mul3A = arith.constant 16 : i32
    %mul3A_0 = arith.muli %arg0, %mul3A : i32
    %add3A = arith.addi %mul3A_0, %arg1 : i32
    %mul3A_1 = arith.constant 640 : i32
    %mul3A_2 = arith.muli %arg1, %mul3A_1 : i32
    "tpu.region"() ({
      %run_scoped3A = tpu.sem_alloc : memref<!tpu.dma_semaphore, #tpu.memory_space<semaphore_mem>>
      %dma_start3A = tpu.memref_slice %arg3[%mul3A_2] : memref<10240xf32, #tpu.memory_space<hbm>> -> memref<640xf32, #tpu.memory_space<hbm>>
      %dma_start3A_64 = tpu.memref_slice %arg3[%mul3A_2] : memref<10240xf32, #tpu.memory_space<hbm>> -> memref<640xf32, #tpu.memory_space<hbm>>
      tpu.enqueue_dma source(%dma_start3A_64 : memref<640xf32, #tpu.memory_space<hbm>>) target(%arg7 : memref<640xf32, #tpu.memory_space<vmem>>) target_semaphore(%run_scoped3A : memref<!tpu.dma_semaphore, #tpu.memory_space<semaphore_mem>>)
      %dma_wait3A = tpu.memref_slice %arg3[%mul3A_2] : memref<10240xf32, #tpu.memory_space<hbm>> -> memref<640xf32, #tpu.memory_space<hbm>>
      %dma_wait3A_65 = tpu.memref_slice %arg3[%mul3A_2] : memref<10240xf32, #tpu.memory_space<hbm>> -> memref<640xf32, #tpu.memory_space<hbm>>
      tpu.wait_dma2 semaphore(%run_scoped3A : memref<!tpu.dma_semaphore, #tpu.memory_space<semaphore_mem>>) src(%dma_wait3A_65 : memref<640xf32, #tpu.memory_space<hbm>>) dst(%arg7 : memref<640xf32, #tpu.memory_space<vmem>>)
      tpu.yield
    }) : () -> ()
    %mul3A_3 = arith.constant 640 : i32
    %mul3A_4 = arith.muli %arg1, %mul3A_3 : i32
    "tpu.region"() ({
      %run_scoped3A = tpu.sem_alloc : memref<!tpu.dma_semaphore, #tpu.memory_space<semaphore_mem>>
      %dma_start3A = tpu.memref_slice %arg8[%mul3A_4] : memref<10240xf32, #tpu.memory_space<vmem_shared>> -> memref<640xf32, #tpu.memory_space<vmem_shared>>
      %dma_start3A_64 = tpu.memref_slice %arg8[%mul3A_4] : memref<10240xf32, #tpu.memory_space<vmem_shared>> -> memref<640xf32, #tpu.memory_space<vmem_shared>>
      tpu.enqueue_dma source(%arg7 : memref<640xf32, #tpu.memory_space<vmem>>) target(%dma_start3A_64 : memref<640xf32, #tpu.memory_space<vmem_shared>>) target_semaphore(%run_scoped3A : memref<!tpu.dma_semaphore, #tpu.memory_space<semaphore_mem>>)
      %dma_wait3A = tpu.memref_slice %arg8[%mul3A_4] : memref<10240xf32, #tpu.memory_space<vmem_shared>> -> memref<640xf32, #tpu.memory_space<vmem_shared>>
      %dma_wait3A_65 = tpu.memref_slice %arg8[%mul3A_4] : memref<10240xf32, #tpu.memory_space<vmem_shared>> -> memref<640xf32, #tpu.memory_space<vmem_shared>>
      tpu.wait_dma2 semaphore(%run_scoped3A : memref<!tpu.dma_semaphore, #tpu.memory_space<semaphore_mem>>) src(%arg7 : memref<640xf32, #tpu.memory_space<vmem>>) dst(%dma_wait3A_65 : memref<640xf32, #tpu.memory_space<vmem_shared>>)
      tpu.yield
    }) : () -> ()
    %broadcast_in_dim3A = arith.constant 1.000000e+00 : f32
    %broadcast_in_dim3A_5 = vector.broadcast %broadcast_in_dim3A : f32 to vector<16xf32>
    %swap3A = arith.constant 0 : index
    %swap3A_6 = tpu.vector_load %arg6[%swap3A] {strides = array<i32>} : memref<128xf32, #tpu.memory_space<vmem>>, vector<16xf32>,
    %swap3A_7 = vector.shape_cast %swap3A_6 : vector<16xf32> to vector<16xf32>
    %swap3A_8 = vector.shape_cast %broadcast_in_dim3A_5 : vector<16xf32> to vector<16xf32>
    tpu.vector_store %arg6[%swap3A], %swap3A_8 {strides = array<i32>} : memref<128xf32, #tpu.memory_space<vmem>>, vector<16xf32>,
    %broadcast_in_dim3A_9 = arith.constant 1.000000e+00 : f32
    %broadcast_in_dim3A_10 = vector.broadcast %broadcast_in_dim3A_9 : f32 to vector<16xf32>
    %swap3A_11 = arith.constant 16 : index
    %swap3A_12 = tpu.vector_load %arg6[%swap3A_11] {strides = array<i32>} : memref<128xf32, #tpu.memory_space<vmem>>, vector<16xf32>,
    %swap3A_13 = vector.shape_cast %swap3A_12 : vector<16xf32> to vector<16xf32>
    %swap3A_14 = vector.shape_cast %broadcast_in_dim3A_10 : vector<16xf32> to vector<16xf32>
    tpu.vector_store %arg6[%swap3A_11], %swap3A_14 {strides = array<i32>} : memref<128xf32, #tpu.memory_space<vmem>>, vector<16xf32>,
    %broadcast_in_dim3A_15 = arith.constant 1.000000e+00 : f32
    %broadcast_in_dim3A_16 = vector.broadcast %broadcast_in_dim3A_15 : f32 to vector<16xf32>
    %swap3A_17 = arith.constant 32 : index
    %swap3A_18 = tpu.vector_load %arg6[%swap3A_17] {strides = array<i32>} : memref<128xf32, #tpu.memory_space<vmem>>, vector<16xf32>,
    %swap3A_19 = vector.shape_cast %swap3A_18 : vector<16xf32> to vector<16xf32>
    %swap3A_20 = vector.shape_cast %broadcast_in_dim3A_16 : vector<16xf32> to vector<16xf32>
    tpu.vector_store %arg6[%swap3A_17], %swap3A_20 {strides = array<i32>} : memref<128xf32, #tpu.memory_space<vmem>>, vector<16xf32>,
    %broadcast_in_dim3A_21 = arith.constant 1.000000e+00 : f32
    %broadcast_in_dim3A_22 = vector.broadcast %broadcast_in_dim3A_21 : f32 to vector<16xf32>
    %swap3A_23 = arith.constant 48 : index
    %swap3A_24 = tpu.vector_load %arg6[%swap3A_23] {strides = array<i32>} : memref<128xf32, #tpu.memory_space<vmem>>, vector<16xf32>,
    %swap3A_25 = vector.shape_cast %swap3A_24 : vector<16xf32> to vector<16xf32>
    %swap3A_26 = vector.shape_cast %broadcast_in_dim3A_22 : vector<16xf32> to vector<16xf32>
    tpu.vector_store %arg6[%swap3A_23], %swap3A_26 {strides = array<i32>} : memref<128xf32, #tpu.memory_space<vmem>>, vector<16xf32>,
    %broadcast_in_dim3A_27 = arith.constant 1.000000e+00 : f32
    %broadcast_in_dim3A_28 = vector.broadcast %broadcast_in_dim3A_27 : f32 to vector<16xf32>
    %swap3A_29 = arith.constant 64 : index
    %swap3A_30 = tpu.vector_load %arg6[%swap3A_29] {strides = array<i32>} : memref<128xf32, #tpu.memory_space<vmem>>, vector<16xf32>,
    %swap3A_31 = vector.shape_cast %swap3A_30 : vector<16xf32> to vector<16xf32>
    %swap3A_32 = vector.shape_cast %broadcast_in_dim3A_28 : vector<16xf32> to vector<16xf32>
    tpu.vector_store %arg6[%swap3A_29], %swap3A_32 {strides = array<i32>} : memref<128xf32, #tpu.memory_space<vmem>>, vector<16xf32>,
    %broadcast_in_dim3A_33 = arith.constant 1.000000e+00 : f32
    %broadcast_in_dim3A_34 = vector.broadcast %broadcast_in_dim3A_33 : f32 to vector<16xf32>
    %swap3A_35 = arith.constant 80 : index
    %swap3A_36 = tpu.vector_load %arg6[%swap3A_35] {strides = array<i32>} : memref<128xf32, #tpu.memory_space<vmem>>, vector<16xf32>,
    %swap3A_37 = vector.shape_cast %swap3A_36 : vector<16xf32> to vector<16xf32>
    %swap3A_38 = vector.shape_cast %broadcast_in_dim3A_34 : vector<16xf32> to vector<16xf32>
    tpu.vector_store %arg6[%swap3A_35], %swap3A_38 {strides = array<i32>} : memref<128xf32, #tpu.memory_space<vmem>>, vector<16xf32>,
    %broadcast_in_dim3A_39 = arith.constant 1.000000e+00 : f32
    %broadcast_in_dim3A_40 = vector.broadcast %broadcast_in_dim3A_39 : f32 to vector<16xf32>
    %swap3A_41 = arith.constant 96 : index
    %swap3A_42 = tpu.vector_load %arg6[%swap3A_41] {strides = array<i32>} : memref<128xf32, #tpu.memory_space<vmem>>, vector<16xf32>,
    %swap3A_43 = vector.shape_cast %swap3A_42 : vector<16xf32> to vector<16xf32>
    %swap3A_44 = vector.shape_cast %broadcast_in_dim3A_40 : vector<16xf32> to vector<16xf32>
    tpu.vector_store %arg6[%swap3A_41], %swap3A_44 {strides = array<i32>} : memref<128xf32, #tpu.memory_space<vmem>>, vector<16xf32>,
    %broadcast_in_dim3A_45 = arith.constant 1.000000e+00 : f32
    %broadcast_in_dim3A_46 = vector.broadcast %broadcast_in_dim3A_45 : f32 to vector<16xf32>
    %swap3A_47 = arith.constant 112 : index
    %swap3A_48 = tpu.vector_load %arg6[%swap3A_47] {strides = array<i32>} : memref<128xf32, #tpu.memory_space<vmem>>, vector<16xf32>,
    %swap3A_49 = vector.shape_cast %swap3A_48 : vector<16xf32> to vector<16xf32>
    %swap3A_50 = vector.shape_cast %broadcast_in_dim3A_46 : vector<16xf32> to vector<16xf32>
    tpu.vector_store %arg6[%swap3A_47], %swap3A_50 {strides = array<i32>} : memref<128xf32, #tpu.memory_space<vmem>>, vector<16xf32>,
    %barrier3A = arith.constant 0 : index
    tpu.barrier barrier_id(%barrier3A)
    %scan3A = arith.constant 0 : i32
    %scan3A_51 = arith.constant 0 : i32
    %scan3A_52 = arith.constant 5 : i32
    %scan3A_53 = arith.addi %scan3A_51, %scan3A_52 : i32
    %scan3A_54 = arith.constant 1 : i32
    scf.for %scan3A_64 = %scan3A_51 to %scan3A_53 step %scan3A_54  : i32 {
      %mul3A_65 = arith.constant 16 : i32
      %mul3A_66 = arith.muli %scan3A_64, %mul3A_65 : i32
      "tpu.region"() ({
        %run_scoped3A = tpu.sem_alloc : memref<!tpu.dma_semaphore, #tpu.memory_space<semaphore_mem>>
        %dma_start3A = arith.constant 0 : i32
        %dma_start3A_72 = arith.constant 0 : i32
        %dma_start3A_73 = tpu.memref_slice %arg2[%add3A, %dma_start3A, %dma_start3A_72] : memref<32x80x128xi32, #tpu.memory_space<hbm>> -> memref<1x80x128xi32, #tpu.memory_space<hbm>>
        %dma_start3A_74 = tpu.memref_squeeze %dma_start3A_73 : memref<1x80x128xi32, #tpu.memory_space<hbm>> -> memref<80x128xi32, #tpu.memory_space<hbm>>
        %dma_start3A_75 = arith.constant 0 : i32
        %dma_start3A_76 = tpu.memref_slice %dma_start3A_74[%mul3A_66, %dma_start3A_75] : memref<80x128xi32, #tpu.memory_space<hbm>> -> memref<16x128xi32, #tpu.memory_space<hbm>>
        %dma_start3A_77 = arith.constant 0 : i32
        %dma_start3A_78 = arith.constant 0 : i32
        %dma_start3A_79 = tpu.memref_slice %arg2[%add3A, %dma_start3A_77, %dma_start3A_78] : memref<32x80x128xi32, #tpu.memory_space<hbm>> -> memref<1x80x128xi32, #tpu.memory_space<hbm>>
        %dma_start3A_80 = tpu.memref_squeeze %dma_start3A_79 : memref<1x80x128xi32, #tpu.memory_space<hbm>> -> memref<80x128xi32, #tpu.memory_space<hbm>>
        %dma_start3A_81 = arith.constant 0 : i32
        %dma_start3A_82 = tpu.memref_slice %dma_start3A_80[%mul3A_66, %dma_start3A_81] : memref<80x128xi32, #tpu.memory_space<hbm>> -> memref<16x128xi32, #tpu.memory_space<hbm>>
        tpu.enqueue_dma source(%dma_start3A_82 : memref<16x128xi32, #tpu.memory_space<hbm>>) target(%arg5 : memref<16x128xi32, #tpu.memory_space<vmem>>) target_semaphore(%run_scoped3A : memref<!tpu.dma_semaphore, #tpu.memory_space<semaphore_mem>>)
        %dma_wait3A = arith.constant 0 : i32
        %dma_wait3A_83 = arith.constant 0 : i32
        %dma_wait3A_84 = tpu.memref_slice %arg2[%add3A, %dma_wait3A, %dma_wait3A_83] : memref<32x80x128xi32, #tpu.memory_space<hbm>> -> memref<1x80x128xi32, #tpu.memory_space<hbm>>
        %dma_wait3A_85 = tpu.memref_squeeze %dma_wait3A_84 : memref<1x80x128xi32, #tpu.memory_space<hbm>> -> memref<80x128xi32, #tpu.memory_space<hbm>>
        %dma_wait3A_86 = arith.constant 0 : i32
        %dma_wait3A_87 = tpu.memref_slice %dma_wait3A_85[%mul3A_66, %dma_wait3A_86] : memref<80x128xi32, #tpu.memory_space<hbm>> -> memref<16x128xi32, #tpu.memory_space<hbm>>
        %dma_wait3A_88 = arith.constant 0 : i32
        %dma_wait3A_89 = arith.constant 0 : i32
        %dma_wait3A_90 = tpu.memref_slice %arg2[%add3A, %dma_wait3A_88, %dma_wait3A_89] : memref<32x80x128xi32, #tpu.memory_space<hbm>> -> memref<1x80x128xi32, #tpu.memory_space<hbm>>
        %dma_wait3A_91 = tpu.memref_squeeze %dma_wait3A_90 : memref<1x80x128xi32, #tpu.memory_space<hbm>> -> memref<80x128xi32, #tpu.memory_space<hbm>>
        %dma_wait3A_92 = arith.constant 0 : i32
        %dma_wait3A_93 = tpu.memref_slice %dma_wait3A_91[%mul3A_66, %dma_wait3A_92] : memref<80x128xi32, #tpu.memory_space<hbm>> -> memref<16x128xi32, #tpu.memory_space<hbm>>
        tpu.wait_dma2 semaphore(%run_scoped3A : memref<!tpu.dma_semaphore, #tpu.memory_space<semaphore_mem>>) src(%dma_wait3A_93 : memref<16x128xi32, #tpu.memory_space<hbm>>) dst(%arg5 : memref<16x128xi32, #tpu.memory_space<vmem>>)
        tpu.yield
      }) : () -> ()
      %scan3A_67 = arith.constant 0 : i32
      %scan3A_68 = arith.constant 16 : i32
      %scan3A_69 = arith.addi %scan3A_67, %scan3A_68 : i32
      %scan3A_70 = arith.constant 1 : i32
      scf.for %scan3A_72 = %scan3A_67 to %scan3A_69 step %scan3A_70  : i32 {
        "tpu.region"() ({
          %run_scoped3A = tpu.sem_alloc : memref<!tpu.dma_semaphore, #tpu.memory_space<semaphore_mem>>
          %dma_start3A = arith.constant 0 : i32
          %dma_start3A_73 = tpu.memref_slice %arg5[%scan3A_72, %dma_start3A] : memref<16x128xi32, #tpu.memory_space<vmem>> -> memref<1x128xi32, #tpu.memory_space<vmem>>
          %dma_start3A_74 = tpu.memref_squeeze %dma_start3A_73 : memref<1x128xi32, #tpu.memory_space<vmem>> -> memref<128xi32, #tpu.memory_space<vmem>>
          %dma_start3A_75 = arith.constant 0 : i32
          %dma_start3A_76 = tpu.memref_slice %arg8[%dma_start3A_75] : memref<10240xf32, #tpu.memory_space<vmem_shared>> -> memref<10240xf32, #tpu.memory_space<vmem_shared>>
          tpu.enqueue_indirect_dma source(%arg6 : memref<128xf32, #tpu.memory_space<vmem>>) target(%dma_start3A_76 : memref<10240xf32, #tpu.memory_space<vmem_shared>>) offsets(%dma_start3A_74 : memref<128xi32, #tpu.memory_space<vmem>>) semaphore(%run_scoped3A : memref<!tpu.dma_semaphore, #tpu.memory_space<semaphore_mem>>) {add = true}
          %dma_wait3A = arith.constant 0 : i32
          %dma_wait3A_77 = tpu.memref_slice %arg5[%scan3A_72, %dma_wait3A] : memref<16x128xi32, #tpu.memory_space<vmem>> -> memref<1x128xi32, #tpu.memory_space<vmem>>
          %dma_wait3A_78 = tpu.memref_squeeze %dma_wait3A_77 : memref<1x128xi32, #tpu.memory_space<vmem>> -> memref<128xi32, #tpu.memory_space<vmem>>
          %dma_wait3A_79 = arith.constant 0 : i32
          %dma_wait3A_80 = tpu.memref_slice %arg8[%dma_wait3A_79] : memref<10240xf32, #tpu.memory_space<vmem_shared>> -> memref<10240xf32, #tpu.memory_space<vmem_shared>>
          tpu.wait_indirect_dma semaphore(%run_scoped3A : memref<!tpu.dma_semaphore, #tpu.memory_space<semaphore_mem>>) src(%arg6 : memref<128xf32, #tpu.memory_space<vmem>>) dst(%dma_wait3A_80 : memref<10240xf32, #tpu.memory_space<vmem_shared>>)
          tpu.yield
        }) : () -> ()
      }
      %scan3A_71 = arith.constant 16 : i32
    }
    %scan3A_55 = arith.constant 5 : i32
    %barrier3A_56 = arith.constant 0 : index
    tpu.barrier barrier_id(%barrier3A_56)
    %mul3A_57 = arith.constant 640 : i32
    %mul3A_58 = arith.muli %arg1, %mul3A_57 : i32
    "tpu.region"() ({
      %run_scoped3A = tpu.sem_alloc : memref<!tpu.dma_semaphore, #tpu.memory_space<semaphore_mem>>
      %dma_start3A = tpu.memref_slice %arg8[%mul3A_58] : memref<10240xf32, #tpu.memory_space<vmem_shared>> -> memref<640xf32, #tpu.memory_space<vmem_shared>>
      %dma_start3A_64 = tpu.memref_slice %arg8[%mul3A_58] : memref<10240xf32, #tpu.memory_space<vmem_shared>> -> memref<640xf32, #tpu.memory_space<vmem_shared>>
      tpu.enqueue_dma source(%dma_start3A_64 : memref<640xf32, #tpu.memory_space<vmem_shared>>) target(%arg7 : memref<640xf32, #tpu.memory_space<vmem>>) target_semaphore(%run_scoped3A : memref<!tpu.dma_semaphore, #tpu.memory_space<semaphore_mem>>)
      %dma_wait3A = tpu.memref_slice %arg8[%mul3A_58] : memref<10240xf32, #tpu.memory_space<vmem_shared>> -> memref<640xf32, #tpu.memory_space<vmem_shared>>
      %dma_wait3A_65 = tpu.memref_slice %arg8[%mul3A_58] : memref<10240xf32, #tpu.memory_space<vmem_shared>> -> memref<640xf32, #tpu.memory_space<vmem_shared>>
      tpu.wait_dma2 semaphore(%run_scoped3A : memref<!tpu.dma_semaphore, #tpu.memory_space<semaphore_mem>>) src(%dma_wait3A_65 : memref<640xf32, #tpu.memory_space<vmem_shared>>) dst(%arg7 : memref<640xf32, #tpu.memory_space<vmem>>)
      tpu.yield
    }) : () -> ()
    %mul3A_59 = arith.constant 10240 : i32
    %mul3A_60 = arith.muli %arg0, %mul3A_59 : i32
    %mul3A_61 = arith.constant 640 : i32
    %mul3A_62 = arith.muli %arg1, %mul3A_61 : i32
    %add3A_63 = arith.addi %mul3A_60, %mul3A_62 : i32
    "tpu.region"() ({
      %run_scoped3A = tpu.sem_alloc : memref<!tpu.dma_semaphore, #tpu.memory_space<semaphore_mem>>
      %dma_start3A = tpu.memref_slice %arg4[%add3A_63] : memref<20480xf32, #tpu.memory_space<hbm>> -> memref<640xf32, #tpu.memory_space<hbm>>
      %dma_start3A_64 = tpu.memref_slice %arg4[%add3A_63] : memref<20480xf32, #tpu.memory_space<hbm>> -> memref<640xf32, #tpu.memory_space<hbm>>
      tpu.enqueue_dma source(%arg7 : memref<640xf32, #tpu.memory_space<vmem>>) target(%dma_start3A_64 : memref<640xf32, #tpu.memory_space<hbm>>) target_semaphore(%run_scoped3A : memref<!tpu.dma_semaphore, #tpu.memory_space<semaphore_mem>>)
      %dma_wait3A = tpu.memref_slice %arg4[%add3A_63] : memref<20480xf32, #tpu.memory_space<hbm>> -> memref<640xf32, #tpu.memory_space<hbm>>
      %dma_wait3A_65 = tpu.memref_slice %arg4[%add3A_63] : memref<20480xf32, #tpu.memory_space<hbm>> -> memref<640xf32, #tpu.memory_space<hbm>>
      tpu.wait_dma2 semaphore(%run_scoped3A : memref<!tpu.dma_semaphore, #tpu.memory_space<semaphore_mem>>) src(%arg7 : memref<640xf32, #tpu.memory_space<vmem>>) dst(%dma_wait3A_65 : memref<640xf32, #tpu.memory_space<hbm>>)
      tpu.yield
    }) : () -> ()
    return
  }
}

#map = affine_map<(d0, d1) -> (0, 0)>
#map1 = affine_map<(d0, d1) -> (0, 0, 0)>
module attributes {stable_mosaic.version = 14 : i64} {
  func.func @_scat_body(%arg0: i32, %arg1: i32, %arg2: memref<10000x128xf32, #tpu.memory_space<hbm>>, %arg3: memref<32x80x128xi32, #tpu.memory_space<hbm>>, %arg4: memref<32x80x128xi32, #tpu.memory_space<hbm>>, %arg5: memref<128x128xf32, #tpu.memory_space<hbm>>, %arg6: memref<2x10240x128xf32, #tpu.memory_space<hbm>>, %arg7: memref<80x128xi32, #tpu.memory_space<vmem>>, %arg8: memref<8x128xi32, #tpu.memory_space<vmem>>, %arg9: memref<8x128xi32, #tpu.memory_space<vmem>>, %arg10: memref<128x128xf32, #tpu.memory_space<vmem>>, %arg11: memref<128x128xf32, #tpu.memory_space<vmem>>, %arg12: memref<10240x128xf32, #tpu.memory_space<vmem_shared>>, %arg13: memref<!tpu.dma_semaphore, #tpu.memory_space<semaphore_mem>>, %arg14: memref<!tpu.dma_semaphore, #tpu.memory_space<semaphore_mem>>, %arg15: memref<!tpu.dma_semaphore, #tpu.memory_space<semaphore_mem>>, %arg16: memref<!tpu.dma_semaphore, #tpu.memory_space<semaphore_mem>>) attributes {dimension_semantics = [#tpu.dimension_semantics<core_parallel>, #tpu.dimension_semantics<subcore_parallel>], iteration_bounds = array<i64: 2, 16>, scalar_prefetch = 0 : i64, scratch_operands = 10 : i64, tpu.core_type = #tpu.core_type<sc_vector_subcore>, window_params = [{transform_indices = #map}, {transform_indices = #map1}, {transform_indices = #map1}, {transform_indices = #map}, {transform_indices = #map1}]} {
    %mul3A = arith.constant 16 : i32
    %mul3A_0 = arith.muli %arg0, %mul3A : i32
    %add3A = arith.addi %mul3A_0, %arg1 : i32
    "tpu.region"() ({
      %run_scoped3A = tpu.sem_alloc : memref<!tpu.dma_semaphore, #tpu.memory_space<semaphore_mem>>
      %dma_start3A_108 = arith.constant 0 : i32
      %dma_start3A_109 = arith.constant 0 : i32
      %dma_start3A_110 = tpu.memref_slice %arg3[%add3A, %dma_start3A_108, %dma_start3A_109] : memref<32x80x128xi32, #tpu.memory_space<hbm>> -> memref<1x80x128xi32, #tpu.memory_space<hbm>>
      %dma_start3A_111 = tpu.memref_squeeze %dma_start3A_110 : memref<1x80x128xi32, #tpu.memory_space<hbm>> -> memref<80x128xi32, #tpu.memory_space<hbm>>
      %dma_start3A_112 = arith.constant 0 : i32
      %dma_start3A_113 = arith.constant 0 : i32
      %dma_start3A_114 = tpu.memref_slice %arg3[%add3A, %dma_start3A_112, %dma_start3A_113] : memref<32x80x128xi32, #tpu.memory_space<hbm>> -> memref<1x80x128xi32, #tpu.memory_space<hbm>>
      %dma_start3A_115 = tpu.memref_squeeze %dma_start3A_114 : memref<1x80x128xi32, #tpu.memory_space<hbm>> -> memref<80x128xi32, #tpu.memory_space<hbm>>
      tpu.enqueue_dma source(%dma_start3A_115 : memref<80x128xi32, #tpu.memory_space<hbm>>) target(%arg7 : memref<80x128xi32, #tpu.memory_space<vmem>>) target_semaphore(%run_scoped3A : memref<!tpu.dma_semaphore, #tpu.memory_space<semaphore_mem>>)
      %dma_wait3A = arith.constant 0 : i32
      %dma_wait3A_116 = arith.constant 0 : i32
      %dma_wait3A_117 = tpu.memref_slice %arg3[%add3A, %dma_wait3A, %dma_wait3A_116] : memref<32x80x128xi32, #tpu.memory_space<hbm>> -> memref<1x80x128xi32, #tpu.memory_space<hbm>>
      %dma_wait3A_118 = tpu.memref_squeeze %dma_wait3A_117 : memref<1x80x128xi32, #tpu.memory_space<hbm>> -> memref<80x128xi32, #tpu.memory_space<hbm>>
      %dma_wait3A_119 = arith.constant 0 : i32
      %dma_wait3A_120 = arith.constant 0 : i32
      %dma_wait3A_121 = tpu.memref_slice %arg3[%add3A, %dma_wait3A_119, %dma_wait3A_120] : memref<32x80x128xi32, #tpu.memory_space<hbm>> -> memref<1x80x128xi32, #tpu.memory_space<hbm>>
      %dma_wait3A_122 = tpu.memref_squeeze %dma_wait3A_121 : memref<1x80x128xi32, #tpu.memory_space<hbm>> -> memref<80x128xi32, #tpu.memory_space<hbm>>
      tpu.wait_dma2 semaphore(%run_scoped3A : memref<!tpu.dma_semaphore, #tpu.memory_space<semaphore_mem>>) src(%dma_wait3A_122 : memref<80x128xi32, #tpu.memory_space<hbm>>) dst(%arg7 : memref<80x128xi32, #tpu.memory_space<vmem>>)
      tpu.yield
    }) : () -> ()
    "tpu.region"() ({
      %run_scoped3A = tpu.sem_alloc : memref<!tpu.dma_semaphore, #tpu.memory_space<semaphore_mem>>
      tpu.enqueue_dma source(%arg5 : memref<128x128xf32, #tpu.memory_space<hbm>>) target(%arg10 : memref<128x128xf32, #tpu.memory_space<vmem>>) target_semaphore(%run_scoped3A : memref<!tpu.dma_semaphore, #tpu.memory_space<semaphore_mem>>)
      tpu.wait_dma2 semaphore(%run_scoped3A : memref<!tpu.dma_semaphore, #tpu.memory_space<semaphore_mem>>) src(%arg5 : memref<128x128xf32, #tpu.memory_space<hbm>>) dst(%arg10 : memref<128x128xf32, #tpu.memory_space<vmem>>)
      tpu.yield
    }) : () -> ()
    %mul3A_1 = arith.constant 5 : i32
    %mul3A_2 = arith.muli %arg1, %mul3A_1 : i32
    %add3A_3 = arith.constant 0 : i32
    %add3A_4 = arith.addi %mul3A_2, %add3A_3 : i32
    %mul3A_5 = arith.constant 128 : i32
    %mul3A_6 = arith.muli %add3A_4, %mul3A_5 : i32
    "tpu.region"() ({
      %run_scoped3A = tpu.sem_alloc : memref<!tpu.dma_semaphore, #tpu.memory_space<semaphore_mem>>
      %dma_start3A_108 = arith.constant 0 : i32
      %dma_start3A_109 = tpu.memref_slice %arg12[%mul3A_6, %dma_start3A_108] : memref<10240x128xf32, #tpu.memory_space<vmem_shared>> -> memref<128x128xf32, #tpu.memory_space<vmem_shared>>
      %dma_start3A_110 = arith.constant 0 : i32
      %dma_start3A_111 = tpu.memref_slice %arg12[%mul3A_6, %dma_start3A_110] : memref<10240x128xf32, #tpu.memory_space<vmem_shared>> -> memref<128x128xf32, #tpu.memory_space<vmem_shared>>
      tpu.enqueue_dma source(%arg10 : memref<128x128xf32, #tpu.memory_space<vmem>>) target(%dma_start3A_111 : memref<128x128xf32, #tpu.memory_space<vmem_shared>>) target_semaphore(%run_scoped3A : memref<!tpu.dma_semaphore, #tpu.memory_space<semaphore_mem>>)
      %dma_wait3A = arith.constant 0 : i32
      %dma_wait3A_112 = tpu.memref_slice %arg12[%mul3A_6, %dma_wait3A] : memref<10240x128xf32, #tpu.memory_space<vmem_shared>> -> memref<128x128xf32, #tpu.memory_space<vmem_shared>>
      %dma_wait3A_113 = arith.constant 0 : i32
      %dma_wait3A_114 = tpu.memref_slice %arg12[%mul3A_6, %dma_wait3A_113] : memref<10240x128xf32, #tpu.memory_space<vmem_shared>> -> memref<128x128xf32, #tpu.memory_space<vmem_shared>>
      tpu.wait_dma2 semaphore(%run_scoped3A : memref<!tpu.dma_semaphore, #tpu.memory_space<semaphore_mem>>) src(%arg10 : memref<128x128xf32, #tpu.memory_space<vmem>>) dst(%dma_wait3A_114 : memref<128x128xf32, #tpu.memory_space<vmem_shared>>)
      tpu.yield
    }) : () -> ()
    %mul3A_7 = arith.constant 5 : i32
    %mul3A_8 = arith.muli %arg1, %mul3A_7 : i32
    %add3A_9 = arith.constant 1 : i32
    %add3A_10 = arith.addi %mul3A_8, %add3A_9 : i32
    %mul3A_11 = arith.constant 128 : i32
    %mul3A_12 = arith.muli %add3A_10, %mul3A_11 : i32
    "tpu.region"() ({
      %run_scoped3A = tpu.sem_alloc : memref<!tpu.dma_semaphore, #tpu.memory_space<semaphore_mem>>
      %dma_start3A_108 = arith.constant 0 : i32
      %dma_start3A_109 = tpu.memref_slice %arg12[%mul3A_12, %dma_start3A_108] : memref<10240x128xf32, #tpu.memory_space<vmem_shared>> -> memref<128x128xf32, #tpu.memory_space<vmem_shared>>
      %dma_start3A_110 = arith.constant 0 : i32
      %dma_start3A_111 = tpu.memref_slice %arg12[%mul3A_12, %dma_start3A_110] : memref<10240x128xf32, #tpu.memory_space<vmem_shared>> -> memref<128x128xf32, #tpu.memory_space<vmem_shared>>
      tpu.enqueue_dma source(%arg10 : memref<128x128xf32, #tpu.memory_space<vmem>>) target(%dma_start3A_111 : memref<128x128xf32, #tpu.memory_space<vmem_shared>>) target_semaphore(%run_scoped3A : memref<!tpu.dma_semaphore, #tpu.memory_space<semaphore_mem>>)
      %dma_wait3A = arith.constant 0 : i32
      %dma_wait3A_112 = tpu.memref_slice %arg12[%mul3A_12, %dma_wait3A] : memref<10240x128xf32, #tpu.memory_space<vmem_shared>> -> memref<128x128xf32, #tpu.memory_space<vmem_shared>>
      %dma_wait3A_113 = arith.constant 0 : i32
      %dma_wait3A_114 = tpu.memref_slice %arg12[%mul3A_12, %dma_wait3A_113] : memref<10240x128xf32, #tpu.memory_space<vmem_shared>> -> memref<128x128xf32, #tpu.memory_space<vmem_shared>>
      tpu.wait_dma2 semaphore(%run_scoped3A : memref<!tpu.dma_semaphore, #tpu.memory_space<semaphore_mem>>) src(%arg10 : memref<128x128xf32, #tpu.memory_space<vmem>>) dst(%dma_wait3A_114 : memref<128x128xf32, #tpu.memory_space<vmem_shared>>)
      tpu.yield
    }) : () -> ()
    %mul3A_13 = arith.constant 5 : i32
    %mul3A_14 = arith.muli %arg1, %mul3A_13 : i32
    %add3A_15 = arith.constant 2 : i32
    %add3A_16 = arith.addi %mul3A_14, %add3A_15 : i32
    %mul3A_17 = arith.constant 128 : i32
    %mul3A_18 = arith.muli %add3A_16, %mul3A_17 : i32
    "tpu.region"() ({
      %run_scoped3A = tpu.sem_alloc : memref<!tpu.dma_semaphore, #tpu.memory_space<semaphore_mem>>
      %dma_start3A_108 = arith.constant 0 : i32
      %dma_start3A_109 = tpu.memref_slice %arg12[%mul3A_18, %dma_start3A_108] : memref<10240x128xf32, #tpu.memory_space<vmem_shared>> -> memref<128x128xf32, #tpu.memory_space<vmem_shared>>
      %dma_start3A_110 = arith.constant 0 : i32
      %dma_start3A_111 = tpu.memref_slice %arg12[%mul3A_18, %dma_start3A_110] : memref<10240x128xf32, #tpu.memory_space<vmem_shared>> -> memref<128x128xf32, #tpu.memory_space<vmem_shared>>
      tpu.enqueue_dma source(%arg10 : memref<128x128xf32, #tpu.memory_space<vmem>>) target(%dma_start3A_111 : memref<128x128xf32, #tpu.memory_space<vmem_shared>>) target_semaphore(%run_scoped3A : memref<!tpu.dma_semaphore, #tpu.memory_space<semaphore_mem>>)
      %dma_wait3A = arith.constant 0 : i32
      %dma_wait3A_112 = tpu.memref_slice %arg12[%mul3A_18, %dma_wait3A] : memref<10240x128xf32, #tpu.memory_space<vmem_shared>> -> memref<128x128xf32, #tpu.memory_space<vmem_shared>>
      %dma_wait3A_113 = arith.constant 0 : i32
      %dma_wait3A_114 = tpu.memref_slice %arg12[%mul3A_18, %dma_wait3A_113] : memref<10240x128xf32, #tpu.memory_space<vmem_shared>> -> memref<128x128xf32, #tpu.memory_space<vmem_shared>>
      tpu.wait_dma2 semaphore(%run_scoped3A : memref<!tpu.dma_semaphore, #tpu.memory_space<semaphore_mem>>) src(%arg10 : memref<128x128xf32, #tpu.memory_space<vmem>>) dst(%dma_wait3A_114 : memref<128x128xf32, #tpu.memory_space<vmem_shared>>)
      tpu.yield
    }) : () -> ()
    %mul3A_19 = arith.constant 5 : i32
    %mul3A_20 = arith.muli %arg1, %mul3A_19 : i32
    %add3A_21 = arith.constant 3 : i32
    %add3A_22 = arith.addi %mul3A_20, %add3A_21 : i32
    %mul3A_23 = arith.constant 128 : i32
    %mul3A_24 = arith.muli %add3A_22, %mul3A_23 : i32
    "tpu.region"() ({
      %run_scoped3A = tpu.sem_alloc : memref<!tpu.dma_semaphore, #tpu.memory_space<semaphore_mem>>
      %dma_start3A_108 = arith.constant 0 : i32
      %dma_start3A_109 = tpu.memref_slice %arg12[%mul3A_24, %dma_start3A_108] : memref<10240x128xf32, #tpu.memory_space<vmem_shared>> -> memref<128x128xf32, #tpu.memory_space<vmem_shared>>
      %dma_start3A_110 = arith.constant 0 : i32
      %dma_start3A_111 = tpu.memref_slice %arg12[%mul3A_24, %dma_start3A_110] : memref<10240x128xf32, #tpu.memory_space<vmem_shared>> -> memref<128x128xf32, #tpu.memory_space<vmem_shared>>
      tpu.enqueue_dma source(%arg10 : memref<128x128xf32, #tpu.memory_space<vmem>>) target(%dma_start3A_111 : memref<128x128xf32, #tpu.memory_space<vmem_shared>>) target_semaphore(%run_scoped3A : memref<!tpu.dma_semaphore, #tpu.memory_space<semaphore_mem>>)
      %dma_wait3A = arith.constant 0 : i32
      %dma_wait3A_112 = tpu.memref_slice %arg12[%mul3A_24, %dma_wait3A] : memref<10240x128xf32, #tpu.memory_space<vmem_shared>> -> memref<128x128xf32, #tpu.memory_space<vmem_shared>>
      %dma_wait3A_113 = arith.constant 0 : i32
      %dma_wait3A_114 = tpu.memref_slice %arg12[%mul3A_24, %dma_wait3A_113] : memref<10240x128xf32, #tpu.memory_space<vmem_shared>> -> memref<128x128xf32, #tpu.memory_space<vmem_shared>>
      tpu.wait_dma2 semaphore(%run_scoped3A : memref<!tpu.dma_semaphore, #tpu.memory_space<semaphore_mem>>) src(%arg10 : memref<128x128xf32, #tpu.memory_space<vmem>>) dst(%dma_wait3A_114 : memref<128x128xf32, #tpu.memory_space<vmem_shared>>)
      tpu.yield
    }) : () -> ()
    %mul3A_25 = arith.constant 5 : i32
    %mul3A_26 = arith.muli %arg1, %mul3A_25 : i32
    %add3A_27 = arith.constant 4 : i32
    %add3A_28 = arith.addi %mul3A_26, %add3A_27 : i32
    %mul3A_29 = arith.constant 128 : i32
    %mul3A_30 = arith.muli %add3A_28, %mul3A_29 : i32
    "tpu.region"() ({
      %run_scoped3A = tpu.sem_alloc : memref<!tpu.dma_semaphore, #tpu.memory_space<semaphore_mem>>
      %dma_start3A_108 = arith.constant 0 : i32
      %dma_start3A_109 = tpu.memref_slice %arg12[%mul3A_30, %dma_start3A_108] : memref<10240x128xf32, #tpu.memory_space<vmem_shared>> -> memref<128x128xf32, #tpu.memory_space<vmem_shared>>
      %dma_start3A_110 = arith.constant 0 : i32
      %dma_start3A_111 = tpu.memref_slice %arg12[%mul3A_30, %dma_start3A_110] : memref<10240x128xf32, #tpu.memory_space<vmem_shared>> -> memref<128x128xf32, #tpu.memory_space<vmem_shared>>
      tpu.enqueue_dma source(%arg10 : memref<128x128xf32, #tpu.memory_space<vmem>>) target(%dma_start3A_111 : memref<128x128xf32, #tpu.memory_space<vmem_shared>>) target_semaphore(%run_scoped3A : memref<!tpu.dma_semaphore, #tpu.memory_space<semaphore_mem>>)
      %dma_wait3A = arith.constant 0 : i32
      %dma_wait3A_112 = tpu.memref_slice %arg12[%mul3A_30, %dma_wait3A] : memref<10240x128xf32, #tpu.memory_space<vmem_shared>> -> memref<128x128xf32, #tpu.memory_space<vmem_shared>>
      %dma_wait3A_113 = arith.constant 0 : i32
      %dma_wait3A_114 = tpu.memref_slice %arg12[%mul3A_30, %dma_wait3A_113] : memref<10240x128xf32, #tpu.memory_space<vmem_shared>> -> memref<128x128xf32, #tpu.memory_space<vmem_shared>>
      tpu.wait_dma2 semaphore(%run_scoped3A : memref<!tpu.dma_semaphore, #tpu.memory_space<semaphore_mem>>) src(%arg10 : memref<128x128xf32, #tpu.memory_space<vmem>>) dst(%dma_wait3A_114 : memref<128x128xf32, #tpu.memory_space<vmem_shared>>)
      tpu.yield
    }) : () -> ()
    %dma_start3A = arith.constant 0 : i32
    %dma_start3A_31 = arith.constant 0 : i32
    %dma_start3A_32 = tpu.memref_slice %arg4[%add3A, %dma_start3A, %dma_start3A_31] : memref<32x80x128xi32, #tpu.memory_space<hbm>> -> memref<1x80x128xi32, #tpu.memory_space<hbm>>
    %dma_start3A_33 = tpu.memref_squeeze %dma_start3A_32 : memref<1x80x128xi32, #tpu.memory_space<hbm>> -> memref<80x128xi32, #tpu.memory_space<hbm>>
    %dma_start3A_34 = arith.constant 0 : i32
    %dma_start3A_35 = arith.constant 0 : i32
    %dma_start3A_36 = tpu.memref_slice %dma_start3A_33[%dma_start3A_34, %dma_start3A_35] : memref<80x128xi32, #tpu.memory_space<hbm>> -> memref<8x128xi32, #tpu.memory_space<hbm>>
    %dma_start3A_37 = arith.constant 0 : i32
    %dma_start3A_38 = arith.constant 0 : i32
    %dma_start3A_39 = tpu.memref_slice %arg4[%add3A, %dma_start3A_37, %dma_start3A_38] : memref<32x80x128xi32, #tpu.memory_space<hbm>> -> memref<1x80x128xi32, #tpu.memory_space<hbm>>
    %dma_start3A_40 = tpu.memref_squeeze %dma_start3A_39 : memref<1x80x128xi32, #tpu.memory_space<hbm>> -> memref<80x128xi32, #tpu.memory_space<hbm>>
    %dma_start3A_41 = arith.constant 0 : i32
    %dma_start3A_42 = arith.constant 0 : i32
    %dma_start3A_43 = tpu.memref_slice %dma_start3A_40[%dma_start3A_41, %dma_start3A_42] : memref<80x128xi32, #tpu.memory_space<hbm>> -> memref<8x128xi32, #tpu.memory_space<hbm>>
    tpu.enqueue_dma source(%dma_start3A_43 : memref<8x128xi32, #tpu.memory_space<hbm>>) target(%arg8 : memref<8x128xi32, #tpu.memory_space<vmem>>) target_semaphore(%arg15 : memref<!tpu.dma_semaphore, #tpu.memory_space<semaphore_mem>>)
    %dma_start3A_44 = arith.constant 0 : i32
    %dma_start3A_45 = arith.constant 0 : i32
    %dma_start3A_46 = tpu.memref_slice %arg7[%dma_start3A_44, %dma_start3A_45] : memref<80x128xi32, #tpu.memory_space<vmem>> -> memref<1x128xi32, #tpu.memory_space<vmem>>
    %dma_start3A_47 = tpu.memref_squeeze %dma_start3A_46 : memref<1x128xi32, #tpu.memory_space<vmem>> -> memref<128xi32, #tpu.memory_space<vmem>>
    %dma_start3A_48 = arith.constant 0 : i32
    %dma_start3A_49 = arith.constant 0 : i32
    %dma_start3A_50 = tpu.memref_slice %arg2[%dma_start3A_48, %dma_start3A_49] : memref<10000x128xf32, #tpu.memory_space<hbm>> -> memref<10000x128xf32, #tpu.memory_space<hbm>>
    tpu.enqueue_indirect_dma source(%dma_start3A_50 : memref<10000x128xf32, #tpu.memory_space<hbm>>) target(%arg10 : memref<128x128xf32, #tpu.memory_space<vmem>>) offsets(%dma_start3A_47 : memref<128xi32, #tpu.memory_space<vmem>>) semaphore(%arg13 : memref<!tpu.dma_semaphore, #tpu.memory_space<semaphore_mem>>)
    %dma_start3A_51 = arith.constant 0 : i32
    %dma_start3A_52 = arith.constant 0 : i32
    %dma_start3A_53 = tpu.memref_slice %arg4[%add3A, %dma_start3A_51, %dma_start3A_52] : memref<32x80x128xi32, #tpu.memory_space<hbm>> -> memref<1x80x128xi32, #tpu.memory_space<hbm>>
    %dma_start3A_54 = tpu.memref_squeeze %dma_start3A_53 : memref<1x80x128xi32, #tpu.memory_space<hbm>> -> memref<80x128xi32, #tpu.memory_space<hbm>>
    %dma_start3A_55 = arith.constant 8 : i32
    %dma_start3A_56 = arith.constant 0 : i32
    %dma_start3A_57 = tpu.memref_slice %dma_start3A_54[%dma_start3A_55, %dma_start3A_56] : memref<80x128xi32, #tpu.memory_space<hbm>> -> memref<8x128xi32, #tpu.memory_space<hbm>>
    %dma_start3A_58 = arith.constant 0 : i32
    %dma_start3A_59 = arith.constant 0 : i32
    %dma_start3A_60 = tpu.memref_slice %arg4[%add3A, %dma_start3A_58, %dma_start3A_59] : memref<32x80x128xi32, #tpu.memory_space<hbm>> -> memref<1x80x128xi32, #tpu.memory_space<hbm>>
    %dma_start3A_61 = tpu.memref_squeeze %dma_start3A_60 : memref<1x80x128xi32, #tpu.memory_space<hbm>> -> memref<80x128xi32, #tpu.memory_space<hbm>>
    %dma_start3A_62 = arith.constant 8 : i32
    %dma_start3A_63 = arith.constant 0 : i32
    %dma_start3A_64 = tpu.memref_slice %dma_start3A_61[%dma_start3A_62, %dma_start3A_63] : memref<80x128xi32, #tpu.memory_space<hbm>> -> memref<8x128xi32, #tpu.memory_space<hbm>>
    tpu.enqueue_dma source(%dma_start3A_64 : memref<8x128xi32, #tpu.memory_space<hbm>>) target(%arg9 : memref<8x128xi32, #tpu.memory_space<vmem>>) target_semaphore(%arg16 : memref<!tpu.dma_semaphore, #tpu.memory_space<semaphore_mem>>)
    %dma_start3A_65 = arith.constant 1 : i32
    %dma_start3A_66 = arith.constant 0 : i32
    %dma_start3A_67 = tpu.memref_slice %arg7[%dma_start3A_65, %dma_start3A_66] : memref<80x128xi32, #tpu.memory_space<vmem>> -> memref<1x128xi32, #tpu.memory_space<vmem>>
    %dma_start3A_68 = tpu.memref_squeeze %dma_start3A_67 : memref<1x128xi32, #tpu.memory_space<vmem>> -> memref<128xi32, #tpu.memory_space<vmem>>
    %dma_start3A_69 = arith.constant 0 : i32
    %dma_start3A_70 = arith.constant 0 : i32
    %dma_start3A_71 = tpu.memref_slice %arg2[%dma_start3A_69, %dma_start3A_70] : memref<10000x128xf32, #tpu.memory_space<hbm>> -> memref<10000x128xf32, #tpu.memory_space<hbm>>
    tpu.enqueue_indirect_dma source(%dma_start3A_71 : memref<10000x128xf32, #tpu.memory_space<hbm>>) target(%arg11 : memref<128x128xf32, #tpu.memory_space<vmem>>) offsets(%dma_start3A_68 : memref<128xi32, #tpu.memory_space<vmem>>) semaphore(%arg14 : memref<!tpu.dma_semaphore, #tpu.memory_space<semaphore_mem>>)
    %barrier3A = arith.constant 0 : index
    tpu.barrier barrier_id(%barrier3A)
    %scan3A = arith.constant 0 : i32
    %scan3A_72 = arith.constant 0 : i32
    %scan3A_73 = arith.constant 5 : i32
    %scan3A_74 = arith.addi %scan3A_72, %scan3A_73 : i32
    %scan3A_75 = arith.constant 1 : i32
    scf.for %scan3A_108 = %scan3A_72 to %scan3A_74 step %scan3A_75  : i32 {
      %mul3A_109 = arith.constant 2 : i32
      %mul3A_110 = arith.muli %mul3A_109, %scan3A_108 : i32
      %add3A_111 = arith.constant 0 : i32
      %add3A_112 = arith.addi %mul3A_110, %add3A_111 : i32
      %mul3A_113 = arith.constant 8 : i32
      %mul3A_114 = arith.muli %add3A_112, %mul3A_113 : i32
      %dma_wait3A = arith.constant 0 : i32
      %dma_wait3A_115 = arith.constant 0 : i32
      %dma_wait3A_116 = tpu.memref_slice %arg4[%add3A, %dma_wait3A, %dma_wait3A_115] : memref<32x80x128xi32, #tpu.memory_space<hbm>> -> memref<1x80x128xi32, #tpu.memory_space<hbm>>
      %dma_wait3A_117 = tpu.memref_squeeze %dma_wait3A_116 : memref<1x80x128xi32, #tpu.memory_space<hbm>> -> memref<80x128xi32, #tpu.memory_space<hbm>>
      %dma_wait3A_118 = arith.constant 0 : i32
      %dma_wait3A_119 = tpu.memref_slice %dma_wait3A_117[%mul3A_114, %dma_wait3A_118] : memref<80x128xi32, #tpu.memory_space<hbm>> -> memref<8x128xi32, #tpu.memory_space<hbm>>
      %dma_wait3A_120 = arith.constant 0 : i32
      %dma_wait3A_121 = arith.constant 0 : i32
      %dma_wait3A_122 = tpu.memref_slice %arg4[%add3A, %dma_wait3A_120, %dma_wait3A_121] : memref<32x80x128xi32, #tpu.memory_space<hbm>> -> memref<1x80x128xi32, #tpu.memory_space<hbm>>
      %dma_wait3A_123 = tpu.memref_squeeze %dma_wait3A_122 : memref<1x80x128xi32, #tpu.memory_space<hbm>> -> memref<80x128xi32, #tpu.memory_space<hbm>>
      %dma_wait3A_124 = arith.constant 0 : i32
      %dma_wait3A_125 = tpu.memref_slice %dma_wait3A_123[%mul3A_114, %dma_wait3A_124] : memref<80x128xi32, #tpu.memory_space<hbm>> -> memref<8x128xi32, #tpu.memory_space<hbm>>
      tpu.wait_dma2 semaphore(%arg15 : memref<!tpu.dma_semaphore, #tpu.memory_space<semaphore_mem>>) src(%dma_wait3A_125 : memref<8x128xi32, #tpu.memory_space<hbm>>) dst(%arg8 : memref<8x128xi32, #tpu.memory_space<vmem>>)
      %scan3A_126 = arith.constant 0 : i32
      %scan3A_127 = arith.constant 0 : i32
      %scan3A_128 = arith.constant 4 : i32
      %scan3A_129 = arith.addi %scan3A_127, %scan3A_128 : i32
      %scan3A_130 = arith.constant 1 : i32
      scf.for %scan3A_167 = %scan3A_127 to %scan3A_129 step %scan3A_130  : i32 {
        %mul3A_168 = arith.constant 8 : i32
        %mul3A_169 = arith.muli %add3A_112, %mul3A_168 : i32
        %mul3A_170 = arith.constant 2 : i32
        %mul3A_171 = arith.muli %mul3A_170, %scan3A_167 : i32
        %add3A_172 = arith.addi %mul3A_169, %mul3A_171 : i32
        %add3A_173 = arith.constant 0 : i32
        %add3A_174 = arith.addi %add3A_172, %add3A_173 : i32
        %dma_wait3A_175 = arith.constant 0 : i32
        %dma_wait3A_176 = tpu.memref_slice %arg7[%add3A_174, %dma_wait3A_175] : memref<80x128xi32, #tpu.memory_space<vmem>> -> memref<1x128xi32, #tpu.memory_space<vmem>>
        %dma_wait3A_177 = tpu.memref_squeeze %dma_wait3A_176 : memref<1x128xi32, #tpu.memory_space<vmem>> -> memref<128xi32, #tpu.memory_space<vmem>>
        %dma_wait3A_178 = arith.constant 0 : i32
        %dma_wait3A_179 = arith.constant 0 : i32
        %dma_wait3A_180 = tpu.memref_slice %arg2[%dma_wait3A_178, %dma_wait3A_179] : memref<10000x128xf32, #tpu.memory_space<hbm>> -> memref<10000x128xf32, #tpu.memory_space<hbm>>
        tpu.wait_indirect_dma semaphore(%arg13 : memref<!tpu.dma_semaphore, #tpu.memory_space<semaphore_mem>>) src(%dma_wait3A_180 : memref<10000x128xf32, #tpu.memory_space<hbm>>) dst(%arg10 : memref<128x128xf32, #tpu.memory_space<vmem>>)
        %mul3A_181 = arith.constant 2 : i32
        %mul3A_182 = arith.muli %mul3A_181, %scan3A_167 : i32
        %add3A_183 = arith.constant 0 : i32
        %add3A_184 = arith.addi %mul3A_182, %add3A_183 : i32
        "tpu.region"() ({
          %run_scoped3A = tpu.sem_alloc : memref<!tpu.dma_semaphore, #tpu.memory_space<semaphore_mem>>
          %dma_start3A_216 = arith.constant 0 : i32
          %dma_start3A_217 = tpu.memref_slice %arg8[%add3A_184, %dma_start3A_216] : memref<8x128xi32, #tpu.memory_space<vmem>> -> memref<1x128xi32, #tpu.memory_space<vmem>>
          %dma_start3A_218 = tpu.memref_squeeze %dma_start3A_217 : memref<1x128xi32, #tpu.memory_space<vmem>> -> memref<128xi32, #tpu.memory_space<vmem>>
          %dma_start3A_219 = arith.constant 0 : i32
          %dma_start3A_220 = arith.constant 0 : i32
          %dma_start3A_221 = tpu.memref_slice %arg12[%dma_start3A_219, %dma_start3A_220] : memref<10240x128xf32, #tpu.memory_space<vmem_shared>> -> memref<10240x128xf32, #tpu.memory_space<vmem_shared>>
          tpu.enqueue_indirect_dma source(%arg10 : memref<128x128xf32, #tpu.memory_space<vmem>>) target(%dma_start3A_221 : memref<10240x128xf32, #tpu.memory_space<vmem_shared>>) offsets(%dma_start3A_218 : memref<128xi32, #tpu.memory_space<vmem>>) semaphore(%run_scoped3A : memref<!tpu.dma_semaphore, #tpu.memory_space<semaphore_mem>>) {add = true}
          %dma_wait3A_222 = arith.constant 0 : i32
          %dma_wait3A_223 = tpu.memref_slice %arg8[%add3A_184, %dma_wait3A_222] : memref<8x128xi32, #tpu.memory_space<vmem>> -> memref<1x128xi32, #tpu.memory_space<vmem>>
          %dma_wait3A_224 = tpu.memref_squeeze %dma_wait3A_223 : memref<1x128xi32, #tpu.memory_space<vmem>> -> memref<128xi32, #tpu.memory_space<vmem>>
          %dma_wait3A_225 = arith.constant 0 : i32
          %dma_wait3A_226 = arith.constant 0 : i32
          %dma_wait3A_227 = tpu.memref_slice %arg12[%dma_wait3A_225, %dma_wait3A_226] : memref<10240x128xf32, #tpu.memory_space<vmem_shared>> -> memref<10240x128xf32, #tpu.memory_space<vmem_shared>>
          tpu.wait_indirect_dma semaphore(%run_scoped3A : memref<!tpu.dma_semaphore, #tpu.memory_space<semaphore_mem>>) src(%arg10 : memref<128x128xf32, #tpu.memory_space<vmem>>) dst(%dma_wait3A_227 : memref<10240x128xf32, #tpu.memory_space<vmem_shared>>)
          tpu.yield
        }) : () -> ()
        %add3A_185 = arith.constant 2 : i32
        %add3A_186 = arith.addi %add3A_174, %add3A_185 : i32
        %lt3A_187 = arith.constant 80 : i32
        %lt3A_188 = arith.cmpi slt, %add3A_186, %lt3A_187 : i32
        %convert_element_type3A_189 = arith.extui %lt3A_188 : i1 to i32
        %cond3A_190 = arith.constant 0 : i32
        %cond3A_191 = arith.cmpi ne, %convert_element_type3A_189, %cond3A_190 : i32
        scf.if %cond3A_191 {
          %add3A_216 = arith.constant 2 : i32
          %add3A_217 = arith.addi %add3A_174, %add3A_216 : i32
          %dma_start3A_218 = arith.constant 0 : i32
          %dma_start3A_219 = tpu.memref_slice %arg7[%add3A_217, %dma_start3A_218] : memref<80x128xi32, #tpu.memory_space<vmem>> -> memref<1x128xi32, #tpu.memory_space<vmem>>
          %dma_start3A_220 = tpu.memref_squeeze %dma_start3A_219 : memref<1x128xi32, #tpu.memory_space<vmem>> -> memref<128xi32, #tpu.memory_space<vmem>>
          %dma_start3A_221 = arith.constant 0 : i32
          %dma_start3A_222 = arith.constant 0 : i32
          %dma_start3A_223 = tpu.memref_slice %arg2[%dma_start3A_221, %dma_start3A_222] : memref<10000x128xf32, #tpu.memory_space<hbm>> -> memref<10000x128xf32, #tpu.memory_space<hbm>>
          tpu.enqueue_indirect_dma source(%dma_start3A_223 : memref<10000x128xf32, #tpu.memory_space<hbm>>) target(%arg10 : memref<128x128xf32, #tpu.memory_space<vmem>>) offsets(%dma_start3A_220 : memref<128xi32, #tpu.memory_space<vmem>>) semaphore(%arg13 : memref<!tpu.dma_semaphore, #tpu.memory_space<semaphore_mem>>)
        } else {
        }
        %mul3A_192 = arith.constant 8 : i32
        %mul3A_193 = arith.muli %add3A_112, %mul3A_192 : i32
        %mul3A_194 = arith.constant 2 : i32
        %mul3A_195 = arith.muli %mul3A_194, %scan3A_167 : i32
        %add3A_196 = arith.addi %mul3A_193, %mul3A_195 : i32
        %add3A_197 = arith.constant 1 : i32
        %add3A_198 = arith.addi %add3A_196, %add3A_197 : i32
        %dma_wait3A_199 = arith.constant 0 : i32
        %dma_wait3A_200 = tpu.memref_slice %arg7[%add3A_198, %dma_wait3A_199] : memref<80x128xi32, #tpu.memory_space<vmem>> -> memref<1x128xi32, #tpu.memory_space<vmem>>
        %dma_wait3A_201 = tpu.memref_squeeze %dma_wait3A_200 : memref<1x128xi32, #tpu.memory_space<vmem>> -> memref<128xi32, #tpu.memory_space<vmem>>
        %dma_wait3A_202 = arith.constant 0 : i32
        %dma_wait3A_203 = arith.constant 0 : i32
        %dma_wait3A_204 = tpu.memref_slice %arg2[%dma_wait3A_202, %dma_wait3A_203] : memref<10000x128xf32, #tpu.memory_space<hbm>> -> memref<10000x128xf32, #tpu.memory_space<hbm>>
        tpu.wait_indirect_dma semaphore(%arg14 : memref<!tpu.dma_semaphore, #tpu.memory_space<semaphore_mem>>) src(%dma_wait3A_204 : memref<10000x128xf32, #tpu.memory_space<hbm>>) dst(%arg11 : memref<128x128xf32, #tpu.memory_space<vmem>>)
        %mul3A_205 = arith.constant 2 : i32
        %mul3A_206 = arith.muli %mul3A_205, %scan3A_167 : i32
        %add3A_207 = arith.constant 1 : i32
        %add3A_208 = arith.addi %mul3A_206, %add3A_207 : i32
        "tpu.region"() ({
          %run_scoped3A = tpu.sem_alloc : memref<!tpu.dma_semaphore, #tpu.memory_space<semaphore_mem>>
          %dma_start3A_216 = arith.constant 0 : i32
          %dma_start3A_217 = tpu.memref_slice %arg8[%add3A_208, %dma_start3A_216] : memref<8x128xi32, #tpu.memory_space<vmem>> -> memref<1x128xi32, #tpu.memory_space<vmem>>
          %dma_start3A_218 = tpu.memref_squeeze %dma_start3A_217 : memref<1x128xi32, #tpu.memory_space<vmem>> -> memref<128xi32, #tpu.memory_space<vmem>>
          %dma_start3A_219 = arith.constant 0 : i32
          %dma_start3A_220 = arith.constant 0 : i32
          %dma_start3A_221 = tpu.memref_slice %arg12[%dma_start3A_219, %dma_start3A_220] : memref<10240x128xf32, #tpu.memory_space<vmem_shared>> -> memref<10240x128xf32, #tpu.memory_space<vmem_shared>>
          tpu.enqueue_indirect_dma source(%arg11 : memref<128x128xf32, #tpu.memory_space<vmem>>) target(%dma_start3A_221 : memref<10240x128xf32, #tpu.memory_space<vmem_shared>>) offsets(%dma_start3A_218 : memref<128xi32, #tpu.memory_space<vmem>>) semaphore(%run_scoped3A : memref<!tpu.dma_semaphore, #tpu.memory_space<semaphore_mem>>) {add = true}
          %dma_wait3A_222 = arith.constant 0 : i32
          %dma_wait3A_223 = tpu.memref_slice %arg8[%add3A_208, %dma_wait3A_222] : memref<8x128xi32, #tpu.memory_space<vmem>> -> memref<1x128xi32, #tpu.memory_space<vmem>>
          %dma_wait3A_224 = tpu.memref_squeeze %dma_wait3A_223 : memref<1x128xi32, #tpu.memory_space<vmem>> -> memref<128xi32, #tpu.memory_space<vmem>>
          %dma_wait3A_225 = arith.constant 0 : i32
          %dma_wait3A_226 = arith.constant 0 : i32
          %dma_wait3A_227 = tpu.memref_slice %arg12[%dma_wait3A_225, %dma_wait3A_226] : memref<10240x128xf32, #tpu.memory_space<vmem_shared>> -> memref<10240x128xf32, #tpu.memory_space<vmem_shared>>
          tpu.wait_indirect_dma semaphore(%run_scoped3A : memref<!tpu.dma_semaphore, #tpu.memory_space<semaphore_mem>>) src(%arg11 : memref<128x128xf32, #tpu.memory_space<vmem>>) dst(%dma_wait3A_227 : memref<10240x128xf32, #tpu.memory_space<vmem_shared>>)
          tpu.yield
        }) : () -> ()
        %add3A_209 = arith.constant 2 : i32
        %add3A_210 = arith.addi %add3A_198, %add3A_209 : i32
        %lt3A_211 = arith.constant 80 : i32
        %lt3A_212 = arith.cmpi slt, %add3A_210, %lt3A_211 : i32
        %convert_element_type3A_213 = arith.extui %lt3A_212 : i1 to i32
        %cond3A_214 = arith.constant 0 : i32
        %cond3A_215 = arith.cmpi ne, %convert_element_type3A_213, %cond3A_214 : i32
        scf.if %cond3A_215 {
          %add3A_216 = arith.constant 2 : i32
          %add3A_217 = arith.addi %add3A_198, %add3A_216 : i32
          %dma_start3A_218 = arith.constant 0 : i32
          %dma_start3A_219 = tpu.memref_slice %arg7[%add3A_217, %dma_start3A_218] : memref<80x128xi32, #tpu.memory_space<vmem>> -> memref<1x128xi32, #tpu.memory_space<vmem>>
          %dma_start3A_220 = tpu.memref_squeeze %dma_start3A_219 : memref<1x128xi32, #tpu.memory_space<vmem>> -> memref<128xi32, #tpu.memory_space<vmem>>
          %dma_start3A_221 = arith.constant 0 : i32
          %dma_start3A_222 = arith.constant 0 : i32
          %dma_start3A_223 = tpu.memref_slice %arg2[%dma_start3A_221, %dma_start3A_222] : memref<10000x128xf32, #tpu.memory_space<hbm>> -> memref<10000x128xf32, #tpu.memory_space<hbm>>
          tpu.enqueue_indirect_dma source(%dma_start3A_223 : memref<10000x128xf32, #tpu.memory_space<hbm>>) target(%arg11 : memref<128x128xf32, #tpu.memory_space<vmem>>) offsets(%dma_start3A_220 : memref<128xi32, #tpu.memory_space<vmem>>) semaphore(%arg14 : memref<!tpu.dma_semaphore, #tpu.memory_space<semaphore_mem>>)
        } else {
        }
      }
      %scan3A_131 = arith.constant 4 : i32
      %add3A_132 = arith.constant 2 : i32
      %add3A_133 = arith.addi %add3A_112, %add3A_132 : i32
      %lt3A = arith.constant 10 : i32
      %lt3A_134 = arith.cmpi slt, %add3A_133, %lt3A : i32
      %convert_element_type3A = arith.extui %lt3A_134 : i1 to i32
      %cond3A = arith.constant 0 : i32
      %cond3A_135 = arith.cmpi ne, %convert_element_type3A, %cond3A : i32
      scf.if %cond3A_135 {
        %add3A_167 = arith.constant 2 : i32
        %add3A_168 = arith.addi %add3A_112, %add3A_167 : i32
        %mul3A_169 = arith.constant 8 : i32
        %mul3A_170 = arith.muli %add3A_168, %mul3A_169 : i32
        %dma_start3A_171 = arith.constant 0 : i32
        %dma_start3A_172 = arith.constant 0 : i32
        %dma_start3A_173 = tpu.memref_slice %arg4[%add3A, %dma_start3A_171, %dma_start3A_172] : memref<32x80x128xi32, #tpu.memory_space<hbm>> -> memref<1x80x128xi32, #tpu.memory_space<hbm>>
        %dma_start3A_174 = tpu.memref_squeeze %dma_start3A_173 : memref<1x80x128xi32, #tpu.memory_space<hbm>> -> memref<80x128xi32, #tpu.memory_space<hbm>>
        %dma_start3A_175 = arith.constant 0 : i32
        %dma_start3A_176 = tpu.memref_slice %dma_start3A_174[%mul3A_170, %dma_start3A_175] : memref<80x128xi32, #tpu.memory_space<hbm>> -> memref<8x128xi32, #tpu.memory_space<hbm>>
        %dma_start3A_177 = arith.constant 0 : i32
        %dma_start3A_178 = arith.constant 0 : i32
        %dma_start3A_179 = tpu.memref_slice %arg4[%add3A, %dma_start3A_177, %dma_start3A_178] : memref<32x80x128xi32, #tpu.memory_space<hbm>> -> memref<1x80x128xi32, #tpu.memory_space<hbm>>
        %dma_start3A_180 = tpu.memref_squeeze %dma_start3A_179 : memref<1x80x128xi32, #tpu.memory_space<hbm>> -> memref<80x128xi32, #tpu.memory_space<hbm>>
        %dma_start3A_181 = arith.constant 0 : i32
        %dma_start3A_182 = tpu.memref_slice %dma_start3A_180[%mul3A_170, %dma_start3A_181] : memref<80x128xi32, #tpu.memory_space<hbm>> -> memref<8x128xi32, #tpu.memory_space<hbm>>
        tpu.enqueue_dma source(%dma_start3A_182 : memref<8x128xi32, #tpu.memory_space<hbm>>) target(%arg8 : memref<8x128xi32, #tpu.memory_space<vmem>>) target_semaphore(%arg15 : memref<!tpu.dma_semaphore, #tpu.memory_space<semaphore_mem>>)
      } else {
      }
      %mul3A_136 = arith.constant 2 : i32
      %mul3A_137 = arith.muli %mul3A_136, %scan3A_108 : i32
      %add3A_138 = arith.constant 1 : i32
      %add3A_139 = arith.addi %mul3A_137, %add3A_138 : i32
      %mul3A_140 = arith.constant 8 : i32
      %mul3A_141 = arith.muli %add3A_139, %mul3A_140 : i32
      %dma_wait3A_142 = arith.constant 0 : i32
      %dma_wait3A_143 = arith.constant 0 : i32
      %dma_wait3A_144 = tpu.memref_slice %arg4[%add3A, %dma_wait3A_142, %dma_wait3A_143] : memref<32x80x128xi32, #tpu.memory_space<hbm>> -> memref<1x80x128xi32, #tpu.memory_space<hbm>>
      %dma_wait3A_145 = tpu.memref_squeeze %dma_wait3A_144 : memref<1x80x128xi32, #tpu.memory_space<hbm>> -> memref<80x128xi32, #tpu.memory_space<hbm>>
      %dma_wait3A_146 = arith.constant 0 : i32
      %dma_wait3A_147 = tpu.memref_slice %dma_wait3A_145[%mul3A_141, %dma_wait3A_146] : memref<80x128xi32, #tpu.memory_space<hbm>> -> memref<8x128xi32, #tpu.memory_space<hbm>>
      %dma_wait3A_148 = arith.constant 0 : i32
      %dma_wait3A_149 = arith.constant 0 : i32
      %dma_wait3A_150 = tpu.memref_slice %arg4[%add3A, %dma_wait3A_148, %dma_wait3A_149] : memref<32x80x128xi32, #tpu.memory_space<hbm>> -> memref<1x80x128xi32, #tpu.memory_space<hbm>>
      %dma_wait3A_151 = tpu.memref_squeeze %dma_wait3A_150 : memref<1x80x128xi32, #tpu.memory_space<hbm>> -> memref<80x128xi32, #tpu.memory_space<hbm>>
      %dma_wait3A_152 = arith.constant 0 : i32
      %dma_wait3A_153 = tpu.memref_slice %dma_wait3A_151[%mul3A_141, %dma_wait3A_152] : memref<80x128xi32, #tpu.memory_space<hbm>> -> memref<8x128xi32, #tpu.memory_space<hbm>>
      tpu.wait_dma2 semaphore(%arg16 : memref<!tpu.dma_semaphore, #tpu.memory_space<semaphore_mem>>) src(%dma_wait3A_153 : memref<8x128xi32, #tpu.memory_space<hbm>>) dst(%arg9 : memref<8x128xi32, #tpu.memory_space<vmem>>)
      %scan3A_154 = arith.constant 0 : i32
      %scan3A_155 = arith.constant 0 : i32
      %scan3A_156 = arith.constant 4 : i32
      %scan3A_157 = arith.addi %scan3A_155, %scan3A_156 : i32
      %scan3A_158 = arith.constant 1 : i32
      scf.for %scan3A_167 = %scan3A_155 to %scan3A_157 step %scan3A_158  : i32 {
        %mul3A_168 = arith.constant 8 : i32
        %mul3A_169 = arith.muli %add3A_139, %mul3A_168 : i32
        %mul3A_170 = arith.constant 2 : i32
        %mul3A_171 = arith.muli %mul3A_170, %scan3A_167 : i32
        %add3A_172 = arith.addi %mul3A_169, %mul3A_171 : i32
        %add3A_173 = arith.constant 0 : i32
        %add3A_174 = arith.addi %add3A_172, %add3A_173 : i32
        %dma_wait3A_175 = arith.constant 0 : i32
        %dma_wait3A_176 = tpu.memref_slice %arg7[%add3A_174, %dma_wait3A_175] : memref<80x128xi32, #tpu.memory_space<vmem>> -> memref<1x128xi32, #tpu.memory_space<vmem>>
        %dma_wait3A_177 = tpu.memref_squeeze %dma_wait3A_176 : memref<1x128xi32, #tpu.memory_space<vmem>> -> memref<128xi32, #tpu.memory_space<vmem>>
        %dma_wait3A_178 = arith.constant 0 : i32
        %dma_wait3A_179 = arith.constant 0 : i32
        %dma_wait3A_180 = tpu.memref_slice %arg2[%dma_wait3A_178, %dma_wait3A_179] : memref<10000x128xf32, #tpu.memory_space<hbm>> -> memref<10000x128xf32, #tpu.memory_space<hbm>>
        tpu.wait_indirect_dma semaphore(%arg13 : memref<!tpu.dma_semaphore, #tpu.memory_space<semaphore_mem>>) src(%dma_wait3A_180 : memref<10000x128xf32, #tpu.memory_space<hbm>>) dst(%arg10 : memref<128x128xf32, #tpu.memory_space<vmem>>)
        %mul3A_181 = arith.constant 2 : i32
        %mul3A_182 = arith.muli %mul3A_181, %scan3A_167 : i32
        %add3A_183 = arith.constant 0 : i32
        %add3A_184 = arith.addi %mul3A_182, %add3A_183 : i32
        "tpu.region"() ({
          %run_scoped3A = tpu.sem_alloc : memref<!tpu.dma_semaphore, #tpu.memory_space<semaphore_mem>>
          %dma_start3A_216 = arith.constant 0 : i32
          %dma_start3A_217 = tpu.memref_slice %arg9[%add3A_184, %dma_start3A_216] : memref<8x128xi32, #tpu.memory_space<vmem>> -> memref<1x128xi32, #tpu.memory_space<vmem>>
          %dma_start3A_218 = tpu.memref_squeeze %dma_start3A_217 : memref<1x128xi32, #tpu.memory_space<vmem>> -> memref<128xi32, #tpu.memory_space<vmem>>
          %dma_start3A_219 = arith.constant 0 : i32
          %dma_start3A_220 = arith.constant 0 : i32
          %dma_start3A_221 = tpu.memref_slice %arg12[%dma_start3A_219, %dma_start3A_220] : memref<10240x128xf32, #tpu.memory_space<vmem_shared>> -> memref<10240x128xf32, #tpu.memory_space<vmem_shared>>
          tpu.enqueue_indirect_dma source(%arg10 : memref<128x128xf32, #tpu.memory_space<vmem>>) target(%dma_start3A_221 : memref<10240x128xf32, #tpu.memory_space<vmem_shared>>) offsets(%dma_start3A_218 : memref<128xi32, #tpu.memory_space<vmem>>) semaphore(%run_scoped3A : memref<!tpu.dma_semaphore, #tpu.memory_space<semaphore_mem>>) {add = true}
          %dma_wait3A_222 = arith.constant 0 : i32
          %dma_wait3A_223 = tpu.memref_slice %arg9[%add3A_184, %dma_wait3A_222] : memref<8x128xi32, #tpu.memory_space<vmem>> -> memref<1x128xi32, #tpu.memory_space<vmem>>
          %dma_wait3A_224 = tpu.memref_squeeze %dma_wait3A_223 : memref<1x128xi32, #tpu.memory_space<vmem>> -> memref<128xi32, #tpu.memory_space<vmem>>
          %dma_wait3A_225 = arith.constant 0 : i32
          %dma_wait3A_226 = arith.constant 0 : i32
          %dma_wait3A_227 = tpu.memref_slice %arg12[%dma_wait3A_225, %dma_wait3A_226] : memref<10240x128xf32, #tpu.memory_space<vmem_shared>> -> memref<10240x128xf32, #tpu.memory_space<vmem_shared>>
          tpu.wait_indirect_dma semaphore(%run_scoped3A : memref<!tpu.dma_semaphore, #tpu.memory_space<semaphore_mem>>) src(%arg10 : memref<128x128xf32, #tpu.memory_space<vmem>>) dst(%dma_wait3A_227 : memref<10240x128xf32, #tpu.memory_space<vmem_shared>>)
          tpu.yield
        }) : () -> ()
        %add3A_185 = arith.constant 2 : i32
        %add3A_186 = arith.addi %add3A_174, %add3A_185 : i32
        %lt3A_187 = arith.constant 80 : i32
        %lt3A_188 = arith.cmpi slt, %add3A_186, %lt3A_187 : i32
        %convert_element_type3A_189 = arith.extui %lt3A_188 : i1 to i32
        %cond3A_190 = arith.constant 0 : i32
        %cond3A_191 = arith.cmpi ne, %convert_element_type3A_189, %cond3A_190 : i32
        scf.if %cond3A_191 {
          %add3A_216 = arith.constant 2 : i32
          %add3A_217 = arith.addi %add3A_174, %add3A_216 : i32
          %dma_start3A_218 = arith.constant 0 : i32
          %dma_start3A_219 = tpu.memref_slice %arg7[%add3A_217, %dma_start3A_218] : memref<80x128xi32, #tpu.memory_space<vmem>> -> memref<1x128xi32, #tpu.memory_space<vmem>>
          %dma_start3A_220 = tpu.memref_squeeze %dma_start3A_219 : memref<1x128xi32, #tpu.memory_space<vmem>> -> memref<128xi32, #tpu.memory_space<vmem>>
          %dma_start3A_221 = arith.constant 0 : i32
          %dma_start3A_222 = arith.constant 0 : i32
          %dma_start3A_223 = tpu.memref_slice %arg2[%dma_start3A_221, %dma_start3A_222] : memref<10000x128xf32, #tpu.memory_space<hbm>> -> memref<10000x128xf32, #tpu.memory_space<hbm>>
          tpu.enqueue_indirect_dma source(%dma_start3A_223 : memref<10000x128xf32, #tpu.memory_space<hbm>>) target(%arg10 : memref<128x128xf32, #tpu.memory_space<vmem>>) offsets(%dma_start3A_220 : memref<128xi32, #tpu.memory_space<vmem>>) semaphore(%arg13 : memref<!tpu.dma_semaphore, #tpu.memory_space<semaphore_mem>>)
        } else {
        }
        %mul3A_192 = arith.constant 8 : i32
        %mul3A_193 = arith.muli %add3A_139, %mul3A_192 : i32
        %mul3A_194 = arith.constant 2 : i32
        %mul3A_195 = arith.muli %mul3A_194, %scan3A_167 : i32
        %add3A_196 = arith.addi %mul3A_193, %mul3A_195 : i32
        %add3A_197 = arith.constant 1 : i32
        %add3A_198 = arith.addi %add3A_196, %add3A_197 : i32
        %dma_wait3A_199 = arith.constant 0 : i32
        %dma_wait3A_200 = tpu.memref_slice %arg7[%add3A_198, %dma_wait3A_199] : memref<80x128xi32, #tpu.memory_space<vmem>> -> memref<1x128xi32, #tpu.memory_space<vmem>>
        %dma_wait3A_201 = tpu.memref_squeeze %dma_wait3A_200 : memref<1x128xi32, #tpu.memory_space<vmem>> -> memref<128xi32, #tpu.memory_space<vmem>>
        %dma_wait3A_202 = arith.constant 0 : i32
        %dma_wait3A_203 = arith.constant 0 : i32
        %dma_wait3A_204 = tpu.memref_slice %arg2[%dma_wait3A_202, %dma_wait3A_203] : memref<10000x128xf32, #tpu.memory_space<hbm>> -> memref<10000x128xf32, #tpu.memory_space<hbm>>
        tpu.wait_indirect_dma semaphore(%arg14 : memref<!tpu.dma_semaphore, #tpu.memory_space<semaphore_mem>>) src(%dma_wait3A_204 : memref<10000x128xf32, #tpu.memory_space<hbm>>) dst(%arg11 : memref<128x128xf32, #tpu.memory_space<vmem>>)
        %mul3A_205 = arith.constant 2 : i32
        %mul3A_206 = arith.muli %mul3A_205, %scan3A_167 : i32
        %add3A_207 = arith.constant 1 : i32
        %add3A_208 = arith.addi %mul3A_206, %add3A_207 : i32
        "tpu.region"() ({
          %run_scoped3A = tpu.sem_alloc : memref<!tpu.dma_semaphore, #tpu.memory_space<semaphore_mem>>
          %dma_start3A_216 = arith.constant 0 : i32
          %dma_start3A_217 = tpu.memref_slice %arg9[%add3A_208, %dma_start3A_216] : memref<8x128xi32, #tpu.memory_space<vmem>> -> memref<1x128xi32, #tpu.memory_space<vmem>>
          %dma_start3A_218 = tpu.memref_squeeze %dma_start3A_217 : memref<1x128xi32, #tpu.memory_space<vmem>> -> memref<128xi32, #tpu.memory_space<vmem>>
          %dma_start3A_219 = arith.constant 0 : i32
          %dma_start3A_220 = arith.constant 0 : i32
          %dma_start3A_221 = tpu.memref_slice %arg12[%dma_start3A_219, %dma_start3A_220] : memref<10240x128xf32, #tpu.memory_space<vmem_shared>> -> memref<10240x128xf32, #tpu.memory_space<vmem_shared>>
          tpu.enqueue_indirect_dma source(%arg11 : memref<128x128xf32, #tpu.memory_space<vmem>>) target(%dma_start3A_221 : memref<10240x128xf32, #tpu.memory_space<vmem_shared>>) offsets(%dma_start3A_218 : memref<128xi32, #tpu.memory_space<vmem>>) semaphore(%run_scoped3A : memref<!tpu.dma_semaphore, #tpu.memory_space<semaphore_mem>>) {add = true}
          %dma_wait3A_222 = arith.constant 0 : i32
          %dma_wait3A_223 = tpu.memref_slice %arg9[%add3A_208, %dma_wait3A_222] : memref<8x128xi32, #tpu.memory_space<vmem>> -> memref<1x128xi32, #tpu.memory_space<vmem>>
          %dma_wait3A_224 = tpu.memref_squeeze %dma_wait3A_223 : memref<1x128xi32, #tpu.memory_space<vmem>> -> memref<128xi32, #tpu.memory_space<vmem>>
          %dma_wait3A_225 = arith.constant 0 : i32
          %dma_wait3A_226 = arith.constant 0 : i32
          %dma_wait3A_227 = tpu.memref_slice %arg12[%dma_wait3A_225, %dma_wait3A_226] : memref<10240x128xf32, #tpu.memory_space<vmem_shared>> -> memref<10240x128xf32, #tpu.memory_space<vmem_shared>>
          tpu.wait_indirect_dma semaphore(%run_scoped3A : memref<!tpu.dma_semaphore, #tpu.memory_space<semaphore_mem>>) src(%arg11 : memref<128x128xf32, #tpu.memory_space<vmem>>) dst(%dma_wait3A_227 : memref<10240x128xf32, #tpu.memory_space<vmem_shared>>)
          tpu.yield
        }) : () -> ()
        %add3A_209 = arith.constant 2 : i32
        %add3A_210 = arith.addi %add3A_198, %add3A_209 : i32
        %lt3A_211 = arith.constant 80 : i32
        %lt3A_212 = arith.cmpi slt, %add3A_210, %lt3A_211 : i32
        %convert_element_type3A_213 = arith.extui %lt3A_212 : i1 to i32
        %cond3A_214 = arith.constant 0 : i32
        %cond3A_215 = arith.cmpi ne, %convert_element_type3A_213, %cond3A_214 : i32
        scf.if %cond3A_215 {
          %add3A_216 = arith.constant 2 : i32
          %add3A_217 = arith.addi %add3A_198, %add3A_216 : i32
          %dma_start3A_218 = arith.constant 0 : i32
          %dma_start3A_219 = tpu.memref_slice %arg7[%add3A_217, %dma_start3A_218] : memref<80x128xi32, #tpu.memory_space<vmem>> -> memref<1x128xi32, #tpu.memory_space<vmem>>
          %dma_start3A_220 = tpu.memref_squeeze %dma_start3A_219 : memref<1x128xi32, #tpu.memory_space<vmem>> -> memref<128xi32, #tpu.memory_space<vmem>>
          %dma_start3A_221 = arith.constant 0 : i32
          %dma_start3A_222 = arith.constant 0 : i32
          %dma_start3A_223 = tpu.memref_slice %arg2[%dma_start3A_221, %dma_start3A_222] : memref<10000x128xf32, #tpu.memory_space<hbm>> -> memref<10000x128xf32, #tpu.memory_space<hbm>>
          tpu.enqueue_indirect_dma source(%dma_start3A_223 : memref<10000x128xf32, #tpu.memory_space<hbm>>) target(%arg11 : memref<128x128xf32, #tpu.memory_space<vmem>>) offsets(%dma_start3A_220 : memref<128xi32, #tpu.memory_space<vmem>>) semaphore(%arg14 : memref<!tpu.dma_semaphore, #tpu.memory_space<semaphore_mem>>)
        } else {
        }
      }
      %scan3A_159 = arith.constant 4 : i32
      %add3A_160 = arith.constant 2 : i32
      %add3A_161 = arith.addi %add3A_139, %add3A_160 : i32
      %lt3A_162 = arith.constant 10 : i32
      %lt3A_163 = arith.cmpi slt, %add3A_161, %lt3A_162 : i32
      %convert_element_type3A_164 = arith.extui %lt3A_163 : i1 to i32
      %cond3A_165 = arith.constant 0 : i32
      %cond3A_166 = arith.cmpi ne, %convert_element_type3A_164, %cond3A_165 : i32
      scf.if %cond3A_166 {
        %add3A_167 = arith.constant 2 : i32
        %add3A_168 = arith.addi %add3A_139, %add3A_167 : i32
        %mul3A_169 = arith.constant 8 : i32
        %mul3A_170 = arith.muli %add3A_168, %mul3A_169 : i32
        %dma_start3A_171 = arith.constant 0 : i32
        %dma_start3A_172 = arith.constant 0 : i32
        %dma_start3A_173 = tpu.memref_slice %arg4[%add3A, %dma_start3A_171, %dma_start3A_172] : memref<32x80x128xi32, #tpu.memory_space<hbm>> -> memref<1x80x128xi32, #tpu.memory_space<hbm>>
        %dma_start3A_174 = tpu.memref_squeeze %dma_start3A_173 : memref<1x80x128xi32, #tpu.memory_space<hbm>> -> memref<80x128xi32, #tpu.memory_space<hbm>>
        %dma_start3A_175 = arith.constant 0 : i32
        %dma_start3A_176 = tpu.memref_slice %dma_start3A_174[%mul3A_170, %dma_start3A_175] : memref<80x128xi32, #tpu.memory_space<hbm>> -> memref<8x128xi32, #tpu.memory_space<hbm>>
        %dma_start3A_177 = arith.constant 0 : i32
        %dma_start3A_178 = arith.constant 0 : i32
        %dma_start3A_179 = tpu.memref_slice %arg4[%add3A, %dma_start3A_177, %dma_start3A_178] : memref<32x80x128xi32, #tpu.memory_space<hbm>> -> memref<1x80x128xi32, #tpu.memory_space<hbm>>
        %dma_start3A_180 = tpu.memref_squeeze %dma_start3A_179 : memref<1x80x128xi32, #tpu.memory_space<hbm>> -> memref<80x128xi32, #tpu.memory_space<hbm>>
        %dma_start3A_181 = arith.constant 0 : i32
        %dma_start3A_182 = tpu.memref_slice %dma_start3A_180[%mul3A_170, %dma_start3A_181] : memref<80x128xi32, #tpu.memory_space<hbm>> -> memref<8x128xi32, #tpu.memory_space<hbm>>
        tpu.enqueue_dma source(%dma_start3A_182 : memref<8x128xi32, #tpu.memory_space<hbm>>) target(%arg9 : memref<8x128xi32, #tpu.memory_space<vmem>>) target_semaphore(%arg16 : memref<!tpu.dma_semaphore, #tpu.memory_space<semaphore_mem>>)
      } else {
      }
    }
    %scan3A_76 = arith.constant 5 : i32
    %barrier3A_77 = arith.constant 0 : index
    tpu.barrier barrier_id(%barrier3A_77)
    %mul3A_78 = arith.constant 5 : i32
    %mul3A_79 = arith.muli %arg1, %mul3A_78 : i32
    %add3A_80 = arith.constant 0 : i32
    %add3A_81 = arith.addi %mul3A_79, %add3A_80 : i32
    %mul3A_82 = arith.constant 128 : i32
    %mul3A_83 = arith.muli %add3A_81, %mul3A_82 : i32
    "tpu.region"() ({
      %run_scoped3A = tpu.sem_alloc : memref<!tpu.dma_semaphore, #tpu.memory_space<semaphore_mem>>
      %dma_start3A_108 = arith.constant 0 : i32
      %dma_start3A_109 = tpu.memref_slice %arg12[%mul3A_83, %dma_start3A_108] : memref<10240x128xf32, #tpu.memory_space<vmem_shared>> -> memref<128x128xf32, #tpu.memory_space<vmem_shared>>
      %dma_start3A_110 = arith.constant 0 : i32
      %dma_start3A_111 = tpu.memref_slice %arg12[%mul3A_83, %dma_start3A_110] : memref<10240x128xf32, #tpu.memory_space<vmem_shared>> -> memref<128x128xf32, #tpu.memory_space<vmem_shared>>
      tpu.enqueue_dma source(%dma_start3A_111 : memref<128x128xf32, #tpu.memory_space<vmem_shared>>) target(%arg10 : memref<128x128xf32, #tpu.memory_space<vmem>>) target_semaphore(%run_scoped3A : memref<!tpu.dma_semaphore, #tpu.memory_space<semaphore_mem>>)
      %dma_wait3A = arith.constant 0 : i32
      %dma_wait3A_112 = tpu.memref_slice %arg12[%mul3A_83, %dma_wait3A] : memref<10240x128xf32, #tpu.memory_space<vmem_shared>> -> memref<128x128xf32, #tpu.memory_space<vmem_shared>>
      %dma_wait3A_113 = arith.constant 0 : i32
      %dma_wait3A_114 = tpu.memref_slice %arg12[%mul3A_83, %dma_wait3A_113] : memref<10240x128xf32, #tpu.memory_space<vmem_shared>> -> memref<128x128xf32, #tpu.memory_space<vmem_shared>>
      tpu.wait_dma2 semaphore(%run_scoped3A : memref<!tpu.dma_semaphore, #tpu.memory_space<semaphore_mem>>) src(%dma_wait3A_114 : memref<128x128xf32, #tpu.memory_space<vmem_shared>>) dst(%arg10 : memref<128x128xf32, #tpu.memory_space<vmem>>)
      tpu.yield
    }) : () -> ()
    "tpu.region"() ({
      %run_scoped3A = tpu.sem_alloc : memref<!tpu.dma_semaphore, #tpu.memory_space<semaphore_mem>>
      %dma_start3A_108 = arith.constant 0 : i32
      %dma_start3A_109 = arith.constant 0 : i32
      %dma_start3A_110 = tpu.memref_slice %arg6[%arg0, %dma_start3A_108, %dma_start3A_109] : memref<2x10240x128xf32, #tpu.memory_space<hbm>> -> memref<1x10240x128xf32, #tpu.memory_space<hbm>>
      %dma_start3A_111 = tpu.memref_squeeze %dma_start3A_110 : memref<1x10240x128xf32, #tpu.memory_space<hbm>> -> memref<10240x128xf32, #tpu.memory_space<hbm>>
      %dma_start3A_112 = arith.constant 0 : i32
      %dma_start3A_113 = tpu.memref_slice %dma_start3A_111[%mul3A_83, %dma_start3A_112] : memref<10240x128xf32, #tpu.memory_space<hbm>> -> memref<128x128xf32, #tpu.memory_space<hbm>>
      %dma_start3A_114 = arith.constant 0 : i32
      %dma_start3A_115 = arith.constant 0 : i32
      %dma_start3A_116 = tpu.memref_slice %arg6[%arg0, %dma_start3A_114, %dma_start3A_115] : memref<2x10240x128xf32, #tpu.memory_space<hbm>> -> memref<1x10240x128xf32, #tpu.memory_space<hbm>>
      %dma_start3A_117 = tpu.memref_squeeze %dma_start3A_116 : memref<1x10240x128xf32, #tpu.memory_space<hbm>> -> memref<10240x128xf32, #tpu.memory_space<hbm>>
      %dma_start3A_118 = arith.constant 0 : i32
      %dma_start3A_119 = tpu.memref_slice %dma_start3A_117[%mul3A_83, %dma_start3A_118] : memref<10240x128xf32, #tpu.memory_space<hbm>> -> memref<128x128xf32, #tpu.memory_space<hbm>>
      tpu.enqueue_dma source(%arg10 : memref<128x128xf32, #tpu.memory_space<vmem>>) target(%dma_start3A_119 : memref<128x128xf32, #tpu.memory_space<hbm>>) target_semaphore(%run_scoped3A : memref<!tpu.dma_semaphore, #tpu.memory_space<semaphore_mem>>)
      %dma_wait3A = arith.constant 0 : i32
      %dma_wait3A_120 = arith.constant 0 : i32
      %dma_wait3A_121 = tpu.memref_slice %arg6[%arg0, %dma_wait3A, %dma_wait3A_120] : memref<2x10240x128xf32, #tpu.memory_space<hbm>> -> memref<1x10240x128xf32, #tpu.memory_space<hbm>>
      %dma_wait3A_122 = tpu.memref_squeeze %dma_wait3A_121 : memref<1x10240x128xf32, #tpu.memory_space<hbm>> -> memref<10240x128xf32, #tpu.memory_space<hbm>>
      %dma_wait3A_123 = arith.constant 0 : i32
      %dma_wait3A_124 = tpu.memref_slice %dma_wait3A_122[%mul3A_83, %dma_wait3A_123] : memref<10240x128xf32, #tpu.memory_space<hbm>> -> memref<128x128xf32, #tpu.memory_space<hbm>>
      %dma_wait3A_125 = arith.constant 0 : i32
      %dma_wait3A_126 = arith.constant 0 : i32
      %dma_wait3A_127 = tpu.memref_slice %arg6[%arg0, %dma_wait3A_125, %dma_wait3A_126] : memref<2x10240x128xf32, #tpu.memory_space<hbm>> -> memref<1x10240x128xf32, #tpu.memory_space<hbm>>
      %dma_wait3A_128 = tpu.memref_squeeze %dma_wait3A_127 : memref<1x10240x128xf32, #tpu.memory_space<hbm>> -> memref<10240x128xf32, #tpu.memory_space<hbm>>
      %dma_wait3A_129 = arith.constant 0 : i32
      %dma_wait3A_130 = tpu.memref_slice %dma_wait3A_128[%mul3A_83, %dma_wait3A_129] : memref<10240x128xf32, #tpu.memory_space<hbm>> -> memref<128x128xf32, #tpu.memory_space<hbm>>
      tpu.wait_dma2 semaphore(%run_scoped3A : memref<!tpu.dma_semaphore, #tpu.memory_space<semaphore_mem>>) src(%arg10 : memref<128x128xf32, #tpu.memory_space<vmem>>) dst(%dma_wait3A_130 : memref<128x128xf32, #tpu.memory_space<hbm>>)
      tpu.yield
    }) : () -> ()
    %mul3A_84 = arith.constant 5 : i32
    %mul3A_85 = arith.muli %arg1, %mul3A_84 : i32
    %add3A_86 = arith.constant 1 : i32
    %add3A_87 = arith.addi %mul3A_85, %add3A_86 : i32
    %mul3A_88 = arith.constant 128 : i32
    %mul3A_89 = arith.muli %add3A_87, %mul3A_88 : i32
    "tpu.region"() ({
      %run_scoped3A = tpu.sem_alloc : memref<!tpu.dma_semaphore, #tpu.memory_space<semaphore_mem>>
      %dma_start3A_108 = arith.constant 0 : i32
      %dma_start3A_109 = tpu.memref_slice %arg12[%mul3A_89, %dma_start3A_108] : memref<10240x128xf32, #tpu.memory_space<vmem_shared>> -> memref<128x128xf32, #tpu.memory_space<vmem_shared>>
      %dma_start3A_110 = arith.constant 0 : i32
      %dma_start3A_111 = tpu.memref_slice %arg12[%mul3A_89, %dma_start3A_110] : memref<10240x128xf32, #tpu.memory_space<vmem_shared>> -> memref<128x128xf32, #tpu.memory_space<vmem_shared>>
      tpu.enqueue_dma source(%dma_start3A_111 : memref<128x128xf32, #tpu.memory_space<vmem_shared>>) target(%arg10 : memref<128x128xf32, #tpu.memory_space<vmem>>) target_semaphore(%run_scoped3A : memref<!tpu.dma_semaphore, #tpu.memory_space<semaphore_mem>>)
      %dma_wait3A = arith.constant 0 : i32
      %dma_wait3A_112 = tpu.memref_slice %arg12[%mul3A_89, %dma_wait3A] : memref<10240x128xf32, #tpu.memory_space<vmem_shared>> -> memref<128x128xf32, #tpu.memory_space<vmem_shared>>
      %dma_wait3A_113 = arith.constant 0 : i32
      %dma_wait3A_114 = tpu.memref_slice %arg12[%mul3A_89, %dma_wait3A_113] : memref<10240x128xf32, #tpu.memory_space<vmem_shared>> -> memref<128x128xf32, #tpu.memory_space<vmem_shared>>
      tpu.wait_dma2 semaphore(%run_scoped3A : memref<!tpu.dma_semaphore, #tpu.memory_space<semaphore_mem>>) src(%dma_wait3A_114 : memref<128x128xf32, #tpu.memory_space<vmem_shared>>) dst(%arg10 : memref<128x128xf32, #tpu.memory_space<vmem>>)
      tpu.yield
    }) : () -> ()
    "tpu.region"() ({
      %run_scoped3A = tpu.sem_alloc : memref<!tpu.dma_semaphore, #tpu.memory_space<semaphore_mem>>
      %dma_start3A_108 = arith.constant 0 : i32
      %dma_start3A_109 = arith.constant 0 : i32
      %dma_start3A_110 = tpu.memref_slice %arg6[%arg0, %dma_start3A_108, %dma_start3A_109] : memref<2x10240x128xf32, #tpu.memory_space<hbm>> -> memref<1x10240x128xf32, #tpu.memory_space<hbm>>
      %dma_start3A_111 = tpu.memref_squeeze %dma_start3A_110 : memref<1x10240x128xf32, #tpu.memory_space<hbm>> -> memref<10240x128xf32, #tpu.memory_space<hbm>>
      %dma_start3A_112 = arith.constant 0 : i32
      %dma_start3A_113 = tpu.memref_slice %dma_start3A_111[%mul3A_89, %dma_start3A_112] : memref<10240x128xf32, #tpu.memory_space<hbm>> -> memref<128x128xf32, #tpu.memory_space<hbm>>
      %dma_start3A_114 = arith.constant 0 : i32
      %dma_start3A_115 = arith.constant 0 : i32
      %dma_start3A_116 = tpu.memref_slice %arg6[%arg0, %dma_start3A_114, %dma_start3A_115] : memref<2x10240x128xf32, #tpu.memory_space<hbm>> -> memref<1x10240x128xf32, #tpu.memory_space<hbm>>
      %dma_start3A_117 = tpu.memref_squeeze %dma_start3A_116 : memref<1x10240x128xf32, #tpu.memory_space<hbm>> -> memref<10240x128xf32, #tpu.memory_space<hbm>>
      %dma_start3A_118 = arith.constant 0 : i32
      %dma_start3A_119 = tpu.memref_slice %dma_start3A_117[%mul3A_89, %dma_start3A_118] : memref<10240x128xf32, #tpu.memory_space<hbm>> -> memref<128x128xf32, #tpu.memory_space<hbm>>
      tpu.enqueue_dma source(%arg10 : memref<128x128xf32, #tpu.memory_space<vmem>>) target(%dma_start3A_119 : memref<128x128xf32, #tpu.memory_space<hbm>>) target_semaphore(%run_scoped3A : memref<!tpu.dma_semaphore, #tpu.memory_space<semaphore_mem>>)
      %dma_wait3A = arith.constant 0 : i32
      %dma_wait3A_120 = arith.constant 0 : i32
      %dma_wait3A_121 = tpu.memref_slice %arg6[%arg0, %dma_wait3A, %dma_wait3A_120] : memref<2x10240x128xf32, #tpu.memory_space<hbm>> -> memref<1x10240x128xf32, #tpu.memory_space<hbm>>
      %dma_wait3A_122 = tpu.memref_squeeze %dma_wait3A_121 : memref<1x10240x128xf32, #tpu.memory_space<hbm>> -> memref<10240x128xf32, #tpu.memory_space<hbm>>
      %dma_wait3A_123 = arith.constant 0 : i32
      %dma_wait3A_124 = tpu.memref_slice %dma_wait3A_122[%mul3A_89, %dma_wait3A_123] : memref<10240x128xf32, #tpu.memory_space<hbm>> -> memref<128x128xf32, #tpu.memory_space<hbm>>
      %dma_wait3A_125 = arith.constant 0 : i32
      %dma_wait3A_126 = arith.constant 0 : i32
      %dma_wait3A_127 = tpu.memref_slice %arg6[%arg0, %dma_wait3A_125, %dma_wait3A_126] : memref<2x10240x128xf32, #tpu.memory_space<hbm>> -> memref<1x10240x128xf32, #tpu.memory_space<hbm>>
      %dma_wait3A_128 = tpu.memref_squeeze %dma_wait3A_127 : memref<1x10240x128xf32, #tpu.memory_space<hbm>> -> memref<10240x128xf32, #tpu.memory_space<hbm>>
      %dma_wait3A_129 = arith.constant 0 : i32
      %dma_wait3A_130 = tpu.memref_slice %dma_wait3A_128[%mul3A_89, %dma_wait3A_129] : memref<10240x128xf32, #tpu.memory_space<hbm>> -> memref<128x128xf32, #tpu.memory_space<hbm>>
      tpu.wait_dma2 semaphore(%run_scoped3A : memref<!tpu.dma_semaphore, #tpu.memory_space<semaphore_mem>>) src(%arg10 : memref<128x128xf32, #tpu.memory_space<vmem>>) dst(%dma_wait3A_130 : memref<128x128xf32, #tpu.memory_space<hbm>>)
      tpu.yield
    }) : () -> ()
    %mul3A_90 = arith.constant 5 : i32
    %mul3A_91 = arith.muli %arg1, %mul3A_90 : i32
    %add3A_92 = arith.constant 2 : i32
    %add3A_93 = arith.addi %mul3A_91, %add3A_92 : i32
    %mul3A_94 = arith.constant 128 : i32
    %mul3A_95 = arith.muli %add3A_93, %mul3A_94 : i32
    "tpu.region"() ({
      %run_scoped3A = tpu.sem_alloc : memref<!tpu.dma_semaphore, #tpu.memory_space<semaphore_mem>>
      %dma_start3A_108 = arith.constant 0 : i32
      %dma_start3A_109 = tpu.memref_slice %arg12[%mul3A_95, %dma_start3A_108] : memref<10240x128xf32, #tpu.memory_space<vmem_shared>> -> memref<128x128xf32, #tpu.memory_space<vmem_shared>>
      %dma_start3A_110 = arith.constant 0 : i32
      %dma_start3A_111 = tpu.memref_slice %arg12[%mul3A_95, %dma_start3A_110] : memref<10240x128xf32, #tpu.memory_space<vmem_shared>> -> memref<128x128xf32, #tpu.memory_space<vmem_shared>>
      tpu.enqueue_dma source(%dma_start3A_111 : memref<128x128xf32, #tpu.memory_space<vmem_shared>>) target(%arg10 : memref<128x128xf32, #tpu.memory_space<vmem>>) target_semaphore(%run_scoped3A : memref<!tpu.dma_semaphore, #tpu.memory_space<semaphore_mem>>)
      %dma_wait3A = arith.constant 0 : i32
      %dma_wait3A_112 = tpu.memref_slice %arg12[%mul3A_95, %dma_wait3A] : memref<10240x128xf32, #tpu.memory_space<vmem_shared>> -> memref<128x128xf32, #tpu.memory_space<vmem_shared>>
      %dma_wait3A_113 = arith.constant 0 : i32
      %dma_wait3A_114 = tpu.memref_slice %arg12[%mul3A_95, %dma_wait3A_113] : memref<10240x128xf32, #tpu.memory_space<vmem_shared>> -> memref<128x128xf32, #tpu.memory_space<vmem_shared>>
      tpu.wait_dma2 semaphore(%run_scoped3A : memref<!tpu.dma_semaphore, #tpu.memory_space<semaphore_mem>>) src(%dma_wait3A_114 : memref<128x128xf32, #tpu.memory_space<vmem_shared>>) dst(%arg10 : memref<128x128xf32, #tpu.memory_space<vmem>>)
      tpu.yield
    }) : () -> ()
    "tpu.region"() ({
      %run_scoped3A = tpu.sem_alloc : memref<!tpu.dma_semaphore, #tpu.memory_space<semaphore_mem>>
      %dma_start3A_108 = arith.constant 0 : i32
      %dma_start3A_109 = arith.constant 0 : i32
      %dma_start3A_110 = tpu.memref_slice %arg6[%arg0, %dma_start3A_108, %dma_start3A_109] : memref<2x10240x128xf32, #tpu.memory_space<hbm>> -> memref<1x10240x128xf32, #tpu.memory_space<hbm>>
      %dma_start3A_111 = tpu.memref_squeeze %dma_start3A_110 : memref<1x10240x128xf32, #tpu.memory_space<hbm>> -> memref<10240x128xf32, #tpu.memory_space<hbm>>
      %dma_start3A_112 = arith.constant 0 : i32
      %dma_start3A_113 = tpu.memref_slice %dma_start3A_111[%mul3A_95, %dma_start3A_112] : memref<10240x128xf32, #tpu.memory_space<hbm>> -> memref<128x128xf32, #tpu.memory_space<hbm>>
      %dma_start3A_114 = arith.constant 0 : i32
      %dma_start3A_115 = arith.constant 0 : i32
      %dma_start3A_116 = tpu.memref_slice %arg6[%arg0, %dma_start3A_114, %dma_start3A_115] : memref<2x10240x128xf32, #tpu.memory_space<hbm>> -> memref<1x10240x128xf32, #tpu.memory_space<hbm>>
      %dma_start3A_117 = tpu.memref_squeeze %dma_start3A_116 : memref<1x10240x128xf32, #tpu.memory_space<hbm>> -> memref<10240x128xf32, #tpu.memory_space<hbm>>
      %dma_start3A_118 = arith.constant 0 : i32
      %dma_start3A_119 = tpu.memref_slice %dma_start3A_117[%mul3A_95, %dma_start3A_118] : memref<10240x128xf32, #tpu.memory_space<hbm>> -> memref<128x128xf32, #tpu.memory_space<hbm>>
      tpu.enqueue_dma source(%arg10 : memref<128x128xf32, #tpu.memory_space<vmem>>) target(%dma_start3A_119 : memref<128x128xf32, #tpu.memory_space<hbm>>) target_semaphore(%run_scoped3A : memref<!tpu.dma_semaphore, #tpu.memory_space<semaphore_mem>>)
      %dma_wait3A = arith.constant 0 : i32
      %dma_wait3A_120 = arith.constant 0 : i32
      %dma_wait3A_121 = tpu.memref_slice %arg6[%arg0, %dma_wait3A, %dma_wait3A_120] : memref<2x10240x128xf32, #tpu.memory_space<hbm>> -> memref<1x10240x128xf32, #tpu.memory_space<hbm>>
      %dma_wait3A_122 = tpu.memref_squeeze %dma_wait3A_121 : memref<1x10240x128xf32, #tpu.memory_space<hbm>> -> memref<10240x128xf32, #tpu.memory_space<hbm>>
      %dma_wait3A_123 = arith.constant 0 : i32
      %dma_wait3A_124 = tpu.memref_slice %dma_wait3A_122[%mul3A_95, %dma_wait3A_123] : memref<10240x128xf32, #tpu.memory_space<hbm>> -> memref<128x128xf32, #tpu.memory_space<hbm>>
      %dma_wait3A_125 = arith.constant 0 : i32
      %dma_wait3A_126 = arith.constant 0 : i32
      %dma_wait3A_127 = tpu.memref_slice %arg6[%arg0, %dma_wait3A_125, %dma_wait3A_126] : memref<2x10240x128xf32, #tpu.memory_space<hbm>> -> memref<1x10240x128xf32, #tpu.memory_space<hbm>>
      %dma_wait3A_128 = tpu.memref_squeeze %dma_wait3A_127 : memref<1x10240x128xf32, #tpu.memory_space<hbm>> -> memref<10240x128xf32, #tpu.memory_space<hbm>>
      %dma_wait3A_129 = arith.constant 0 : i32
      %dma_wait3A_130 = tpu.memref_slice %dma_wait3A_128[%mul3A_95, %dma_wait3A_129] : memref<10240x128xf32, #tpu.memory_space<hbm>> -> memref<128x128xf32, #tpu.memory_space<hbm>>
      tpu.wait_dma2 semaphore(%run_scoped3A : memref<!tpu.dma_semaphore, #tpu.memory_space<semaphore_mem>>) src(%arg10 : memref<128x128xf32, #tpu.memory_space<vmem>>) dst(%dma_wait3A_130 : memref<128x128xf32, #tpu.memory_space<hbm>>)
      tpu.yield
    }) : () -> ()
    %mul3A_96 = arith.constant 5 : i32
    %mul3A_97 = arith.muli %arg1, %mul3A_96 : i32
    %add3A_98 = arith.constant 3 : i32
    %add3A_99 = arith.addi %mul3A_97, %add3A_98 : i32
    %mul3A_100 = arith.constant 128 : i32
    %mul3A_101 = arith.muli %add3A_99, %mul3A_100 : i32
    "tpu.region"() ({
      %run_scoped3A = tpu.sem_alloc : memref<!tpu.dma_semaphore, #tpu.memory_space<semaphore_mem>>
      %dma_start3A_108 = arith.constant 0 : i32
      %dma_start3A_109 = tpu.memref_slice %arg12[%mul3A_101, %dma_start3A_108] : memref<10240x128xf32, #tpu.memory_space<vmem_shared>> -> memref<128x128xf32, #tpu.memory_space<vmem_shared>>
      %dma_start3A_110 = arith.constant 0 : i32
      %dma_start3A_111 = tpu.memref_slice %arg12[%mul3A_101, %dma_start3A_110] : memref<10240x128xf32, #tpu.memory_space<vmem_shared>> -> memref<128x128xf32, #tpu.memory_space<vmem_shared>>
      tpu.enqueue_dma source(%dma_start3A_111 : memref<128x128xf32, #tpu.memory_space<vmem_shared>>) target(%arg10 : memref<128x128xf32, #tpu.memory_space<vmem>>) target_semaphore(%run_scoped3A : memref<!tpu.dma_semaphore, #tpu.memory_space<semaphore_mem>>)
      %dma_wait3A = arith.constant 0 : i32
      %dma_wait3A_112 = tpu.memref_slice %arg12[%mul3A_101, %dma_wait3A] : memref<10240x128xf32, #tpu.memory_space<vmem_shared>> -> memref<128x128xf32, #tpu.memory_space<vmem_shared>>
      %dma_wait3A_113 = arith.constant 0 : i32
      %dma_wait3A_114 = tpu.memref_slice %arg12[%mul3A_101, %dma_wait3A_113] : memref<10240x128xf32, #tpu.memory_space<vmem_shared>> -> memref<128x128xf32, #tpu.memory_space<vmem_shared>>
      tpu.wait_dma2 semaphore(%run_scoped3A : memref<!tpu.dma_semaphore, #tpu.memory_space<semaphore_mem>>) src(%dma_wait3A_114 : memref<128x128xf32, #tpu.memory_space<vmem_shared>>) dst(%arg10 : memref<128x128xf32, #tpu.memory_space<vmem>>)
      tpu.yield
    }) : () -> ()
    "tpu.region"() ({
      %run_scoped3A = tpu.sem_alloc : memref<!tpu.dma_semaphore, #tpu.memory_space<semaphore_mem>>
      %dma_start3A_108 = arith.constant 0 : i32
      %dma_start3A_109 = arith.constant 0 : i32
      %dma_start3A_110 = tpu.memref_slice %arg6[%arg0, %dma_start3A_108, %dma_start3A_109] : memref<2x10240x128xf32, #tpu.memory_space<hbm>> -> memref<1x10240x128xf32, #tpu.memory_space<hbm>>
      %dma_start3A_111 = tpu.memref_squeeze %dma_start3A_110 : memref<1x10240x128xf32, #tpu.memory_space<hbm>> -> memref<10240x128xf32, #tpu.memory_space<hbm>>
      %dma_start3A_112 = arith.constant 0 : i32
      %dma_start3A_113 = tpu.memref_slice %dma_start3A_111[%mul3A_101, %dma_start3A_112] : memref<10240x128xf32, #tpu.memory_space<hbm>> -> memref<128x128xf32, #tpu.memory_space<hbm>>
      %dma_start3A_114 = arith.constant 0 : i32
      %dma_start3A_115 = arith.constant 0 : i32
      %dma_start3A_116 = tpu.memref_slice %arg6[%arg0, %dma_start3A_114, %dma_start3A_115] : memref<2x10240x128xf32, #tpu.memory_space<hbm>> -> memref<1x10240x128xf32, #tpu.memory_space<hbm>>
      %dma_start3A_117 = tpu.memref_squeeze %dma_start3A_116 : memref<1x10240x128xf32, #tpu.memory_space<hbm>> -> memref<10240x128xf32, #tpu.memory_space<hbm>>
      %dma_start3A_118 = arith.constant 0 : i32
      %dma_start3A_119 = tpu.memref_slice %dma_start3A_117[%mul3A_101, %dma_start3A_118] : memref<10240x128xf32, #tpu.memory_space<hbm>> -> memref<128x128xf32, #tpu.memory_space<hbm>>
      tpu.enqueue_dma source(%arg10 : memref<128x128xf32, #tpu.memory_space<vmem>>) target(%dma_start3A_119 : memref<128x128xf32, #tpu.memory_space<hbm>>) target_semaphore(%run_scoped3A : memref<!tpu.dma_semaphore, #tpu.memory_space<semaphore_mem>>)
      %dma_wait3A = arith.constant 0 : i32
      %dma_wait3A_120 = arith.constant 0 : i32
      %dma_wait3A_121 = tpu.memref_slice %arg6[%arg0, %dma_wait3A, %dma_wait3A_120] : memref<2x10240x128xf32, #tpu.memory_space<hbm>> -> memref<1x10240x128xf32, #tpu.memory_space<hbm>>
      %dma_wait3A_122 = tpu.memref_squeeze %dma_wait3A_121 : memref<1x10240x128xf32, #tpu.memory_space<hbm>> -> memref<10240x128xf32, #tpu.memory_space<hbm>>
      %dma_wait3A_123 = arith.constant 0 : i32
      %dma_wait3A_124 = tpu.memref_slice %dma_wait3A_122[%mul3A_101, %dma_wait3A_123] : memref<10240x128xf32, #tpu.memory_space<hbm>> -> memref<128x128xf32, #tpu.memory_space<hbm>>
      %dma_wait3A_125 = arith.constant 0 : i32
      %dma_wait3A_126 = arith.constant 0 : i32
      %dma_wait3A_127 = tpu.memref_slice %arg6[%arg0, %dma_wait3A_125, %dma_wait3A_126] : memref<2x10240x128xf32, #tpu.memory_space<hbm>> -> memref<1x10240x128xf32, #tpu.memory_space<hbm>>
      %dma_wait3A_128 = tpu.memref_squeeze %dma_wait3A_127 : memref<1x10240x128xf32, #tpu.memory_space<hbm>> -> memref<10240x128xf32, #tpu.memory_space<hbm>>
      %dma_wait3A_129 = arith.constant 0 : i32
      %dma_wait3A_130 = tpu.memref_slice %dma_wait3A_128[%mul3A_101, %dma_wait3A_129] : memref<10240x128xf32, #tpu.memory_space<hbm>> -> memref<128x128xf32, #tpu.memory_space<hbm>>
      tpu.wait_dma2 semaphore(%run_scoped3A : memref<!tpu.dma_semaphore, #tpu.memory_space<semaphore_mem>>) src(%arg10 : memref<128x128xf32, #tpu.memory_space<vmem>>) dst(%dma_wait3A_130 : memref<128x128xf32, #tpu.memory_space<hbm>>)
      tpu.yield
    }) : () -> ()
    %mul3A_102 = arith.constant 5 : i32
    %mul3A_103 = arith.muli %arg1, %mul3A_102 : i32
    %add3A_104 = arith.constant 4 : i32
    %add3A_105 = arith.addi %mul3A_103, %add3A_104 : i32
    %mul3A_106 = arith.constant 128 : i32
    %mul3A_107 = arith.muli %add3A_105, %mul3A_106 : i32
    "tpu.region"() ({
      %run_scoped3A = tpu.sem_alloc : memref<!tpu.dma_semaphore, #tpu.memory_space<semaphore_mem>>
      %dma_start3A_108 = arith.constant 0 : i32
      %dma_start3A_109 = tpu.memref_slice %arg12[%mul3A_107, %dma_start3A_108] : memref<10240x128xf32, #tpu.memory_space<vmem_shared>> -> memref<128x128xf32, #tpu.memory_space<vmem_shared>>
      %dma_start3A_110 = arith.constant 0 : i32
      %dma_start3A_111 = tpu.memref_slice %arg12[%mul3A_107, %dma_start3A_110] : memref<10240x128xf32, #tpu.memory_space<vmem_shared>> -> memref<128x128xf32, #tpu.memory_space<vmem_shared>>
      tpu.enqueue_dma source(%dma_start3A_111 : memref<128x128xf32, #tpu.memory_space<vmem_shared>>) target(%arg10 : memref<128x128xf32, #tpu.memory_space<vmem>>) target_semaphore(%run_scoped3A : memref<!tpu.dma_semaphore, #tpu.memory_space<semaphore_mem>>)
      %dma_wait3A = arith.constant 0 : i32
      %dma_wait3A_112 = tpu.memref_slice %arg12[%mul3A_107, %dma_wait3A] : memref<10240x128xf32, #tpu.memory_space<vmem_shared>> -> memref<128x128xf32, #tpu.memory_space<vmem_shared>>
      %dma_wait3A_113 = arith.constant 0 : i32
      %dma_wait3A_114 = tpu.memref_slice %arg12[%mul3A_107, %dma_wait3A_113] : memref<10240x128xf32, #tpu.memory_space<vmem_shared>> -> memref<128x128xf32, #tpu.memory_space<vmem_shared>>
      tpu.wait_dma2 semaphore(%run_scoped3A : memref<!tpu.dma_semaphore, #tpu.memory_space<semaphore_mem>>) src(%dma_wait3A_114 : memref<128x128xf32, #tpu.memory_space<vmem_shared>>) dst(%arg10 : memref<128x128xf32, #tpu.memory_space<vmem>>)
      tpu.yield
    }) : () -> ()
    "tpu.region"() ({
      %run_scoped3A = tpu.sem_alloc : memref<!tpu.dma_semaphore, #tpu.memory_space<semaphore_mem>>
      %dma_start3A_108 = arith.constant 0 : i32
      %dma_start3A_109 = arith.constant 0 : i32
      %dma_start3A_110 = tpu.memref_slice %arg6[%arg0, %dma_start3A_108, %dma_start3A_109] : memref<2x10240x128xf32, #tpu.memory_space<hbm>> -> memref<1x10240x128xf32, #tpu.memory_space<hbm>>
      %dma_start3A_111 = tpu.memref_squeeze %dma_start3A_110 : memref<1x10240x128xf32, #tpu.memory_space<hbm>> -> memref<10240x128xf32, #tpu.memory_space<hbm>>
      %dma_start3A_112 = arith.constant 0 : i32
      %dma_start3A_113 = tpu.memref_slice %dma_start3A_111[%mul3A_107, %dma_start3A_112] : memref<10240x128xf32, #tpu.memory_space<hbm>> -> memref<128x128xf32, #tpu.memory_space<hbm>>
      %dma_start3A_114 = arith.constant 0 : i32
      %dma_start3A_115 = arith.constant 0 : i32
      %dma_start3A_116 = tpu.memref_slice %arg6[%arg0, %dma_start3A_114, %dma_start3A_115] : memref<2x10240x128xf32, #tpu.memory_space<hbm>> -> memref<1x10240x128xf32, #tpu.memory_space<hbm>>
      %dma_start3A_117 = tpu.memref_squeeze %dma_start3A_116 : memref<1x10240x128xf32, #tpu.memory_space<hbm>> -> memref<10240x128xf32, #tpu.memory_space<hbm>>
      %dma_start3A_118 = arith.constant 0 : i32
      %dma_start3A_119 = tpu.memref_slice %dma_start3A_117[%mul3A_107, %dma_start3A_118] : memref<10240x128xf32, #tpu.memory_space<hbm>> -> memref<128x128xf32, #tpu.memory_space<hbm>>
      tpu.enqueue_dma source(%arg10 : memref<128x128xf32, #tpu.memory_space<vmem>>) target(%dma_start3A_119 : memref<128x128xf32, #tpu.memory_space<hbm>>) target_semaphore(%run_scoped3A : memref<!tpu.dma_semaphore, #tpu.memory_space<semaphore_mem>>)
      %dma_wait3A = arith.constant 0 : i32
      %dma_wait3A_120 = arith.constant 0 : i32
      %dma_wait3A_121 = tpu.memref_slice %arg6[%arg0, %dma_wait3A, %dma_wait3A_120] : memref<2x10240x128xf32, #tpu.memory_space<hbm>> -> memref<1x10240x128xf32, #tpu.memory_space<hbm>>
      %dma_wait3A_122 = tpu.memref_squeeze %dma_wait3A_121 : memref<1x10240x128xf32, #tpu.memory_space<hbm>> -> memref<10240x128xf32, #tpu.memory_space<hbm>>
      %dma_wait3A_123 = arith.constant 0 : i32
      %dma_wait3A_124 = tpu.memref_slice %dma_wait3A_122[%mul3A_107, %dma_wait3A_123] : memref<10240x128xf32, #tpu.memory_space<hbm>> -> memref<128x128xf32, #tpu.memory_space<hbm>>
      %dma_wait3A_125 = arith.constant 0 : i32
      %dma_wait3A_126 = arith.constant 0 : i32
      %dma_wait3A_127 = tpu.memref_slice %arg6[%arg0, %dma_wait3A_125, %dma_wait3A_126] : memref<2x10240x128xf32, #tpu.memory_space<hbm>> -> memref<1x10240x128xf32, #tpu.memory_space<hbm>>
      %dma_wait3A_128 = tpu.memref_squeeze %dma_wait3A_127 : memref<1x10240x128xf32, #tpu.memory_space<hbm>> -> memref<10240x128xf32, #tpu.memory_space<hbm>>
      %dma_wait3A_129 = arith.constant 0 : i32
      %dma_wait3A_130 = tpu.memref_slice %dma_wait3A_128[%mul3A_107, %dma_wait3A_129] : memref<10240x128xf32, #tpu.memory_space<hbm>> -> memref<128x128xf32, #tpu.memory_space<hbm>>
      tpu.wait_dma2 semaphore(%run_scoped3A : memref<!tpu.dma_semaphore, #tpu.memory_space<semaphore_mem>>) src(%arg10 : memref<128x128xf32, #tpu.memory_space<vmem>>) dst(%dma_wait3A_130 : memref<128x128xf32, #tpu.memory_space<hbm>>)
      tpu.yield
    }) : () -> ()
    return
  }
}

#map = affine_map<(d0, d1) -> (0, 0)>
#map1 = affine_map<(d0, d1) -> (0, 0, 0)>
module attributes {stable_mosaic.version = 14 : i64} {
  func.func @_scat_body(%arg0: i32, %arg1: i32, %arg2: memref<10000x128xf32, #tpu.memory_space<hbm>>, %arg3: memref<32x80x128xi32, #tpu.memory_space<hbm>>, %arg4: memref<32x80x128xi32, #tpu.memory_space<hbm>>, %arg5: memref<128x128xf32, #tpu.memory_space<hbm>>, %arg6: memref<2x10240x128xf32, #tpu.memory_space<hbm>>, %arg7: memref<80x128xi32, #tpu.memory_space<vmem>>, %arg8: memref<8x128xi32, #tpu.memory_space<vmem>>, %arg9: memref<8x128xi32, #tpu.memory_space<vmem>>, %arg10: memref<128x128xf32, #tpu.memory_space<vmem>>, %arg11: memref<128x128xf32, #tpu.memory_space<vmem>>, %arg12: memref<10240x128xf32, #tpu.memory_space<vmem_shared>>, %arg13: memref<!tpu.dma_semaphore, #tpu.memory_space<semaphore_mem>>, %arg14: memref<!tpu.dma_semaphore, #tpu.memory_space<semaphore_mem>>, %arg15: memref<!tpu.dma_semaphore, #tpu.memory_space<semaphore_mem>>, %arg16: memref<!tpu.dma_semaphore, #tpu.memory_space<semaphore_mem>>) attributes {dimension_semantics = [#tpu.dimension_semantics<core_parallel>, #tpu.dimension_semantics<subcore_parallel>], iteration_bounds = array<i64: 2, 16>, scalar_prefetch = 0 : i64, scratch_operands = 10 : i64, tpu.core_type = #tpu.core_type<sc_vector_subcore>, window_params = [{transform_indices = #map}, {transform_indices = #map1}, {transform_indices = #map1}, {transform_indices = #map}, {transform_indices = #map1}]} {
    %mul3A = arith.constant 16 : i32
    %mul3A_0 = arith.muli %arg0, %mul3A : i32
    %add3A = arith.addi %mul3A_0, %arg1 : i32
    "tpu.region"() ({
      %run_scoped3A = tpu.sem_alloc : memref<!tpu.dma_semaphore, #tpu.memory_space<semaphore_mem>>
      %dma_start3A_108 = arith.constant 0 : i32
      %dma_start3A_109 = arith.constant 0 : i32
      %dma_start3A_110 = tpu.memref_slice %arg3[%add3A, %dma_start3A_108, %dma_start3A_109] : memref<32x80x128xi32, #tpu.memory_space<hbm>> -> memref<1x80x128xi32, #tpu.memory_space<hbm>>
      %dma_start3A_111 = tpu.memref_squeeze %dma_start3A_110 : memref<1x80x128xi32, #tpu.memory_space<hbm>> -> memref<80x128xi32, #tpu.memory_space<hbm>>
      %dma_start3A_112 = arith.constant 0 : i32
      %dma_start3A_113 = arith.constant 0 : i32
      %dma_start3A_114 = tpu.memref_slice %arg3[%add3A, %dma_start3A_112, %dma_start3A_113] : memref<32x80x128xi32, #tpu.memory_space<hbm>> -> memref<1x80x128xi32, #tpu.memory_space<hbm>>
      %dma_start3A_115 = tpu.memref_squeeze %dma_start3A_114 : memref<1x80x128xi32, #tpu.memory_space<hbm>> -> memref<80x128xi32, #tpu.memory_space<hbm>>
      tpu.enqueue_dma source(%dma_start3A_115 : memref<80x128xi32, #tpu.memory_space<hbm>>) target(%arg7 : memref<80x128xi32, #tpu.memory_space<vmem>>) target_semaphore(%run_scoped3A : memref<!tpu.dma_semaphore, #tpu.memory_space<semaphore_mem>>)
      %dma_wait3A = arith.constant 0 : i32
      %dma_wait3A_116 = arith.constant 0 : i32
      %dma_wait3A_117 = tpu.memref_slice %arg3[%add3A, %dma_wait3A, %dma_wait3A_116] : memref<32x80x128xi32, #tpu.memory_space<hbm>> -> memref<1x80x128xi32, #tpu.memory_space<hbm>>
      %dma_wait3A_118 = tpu.memref_squeeze %dma_wait3A_117 : memref<1x80x128xi32, #tpu.memory_space<hbm>> -> memref<80x128xi32, #tpu.memory_space<hbm>>
      %dma_wait3A_119 = arith.constant 0 : i32
      %dma_wait3A_120 = arith.constant 0 : i32
      %dma_wait3A_121 = tpu.memref_slice %arg3[%add3A, %dma_wait3A_119, %dma_wait3A_120] : memref<32x80x128xi32, #tpu.memory_space<hbm>> -> memref<1x80x128xi32, #tpu.memory_space<hbm>>
      %dma_wait3A_122 = tpu.memref_squeeze %dma_wait3A_121 : memref<1x80x128xi32, #tpu.memory_space<hbm>> -> memref<80x128xi32, #tpu.memory_space<hbm>>
      tpu.wait_dma2 semaphore(%run_scoped3A : memref<!tpu.dma_semaphore, #tpu.memory_space<semaphore_mem>>) src(%dma_wait3A_122 : memref<80x128xi32, #tpu.memory_space<hbm>>) dst(%arg7 : memref<80x128xi32, #tpu.memory_space<vmem>>)
      tpu.yield
    }) : () -> ()
    "tpu.region"() ({
      %run_scoped3A = tpu.sem_alloc : memref<!tpu.dma_semaphore, #tpu.memory_space<semaphore_mem>>
      tpu.enqueue_dma source(%arg5 : memref<128x128xf32, #tpu.memory_space<hbm>>) target(%arg10 : memref<128x128xf32, #tpu.memory_space<vmem>>) target_semaphore(%run_scoped3A : memref<!tpu.dma_semaphore, #tpu.memory_space<semaphore_mem>>)
      tpu.wait_dma2 semaphore(%run_scoped3A : memref<!tpu.dma_semaphore, #tpu.memory_space<semaphore_mem>>) src(%arg5 : memref<128x128xf32, #tpu.memory_space<hbm>>) dst(%arg10 : memref<128x128xf32, #tpu.memory_space<vmem>>)
      tpu.yield
    }) : () -> ()
    %mul3A_1 = arith.constant 5 : i32
    %mul3A_2 = arith.muli %arg1, %mul3A_1 : i32
    %add3A_3 = arith.constant 0 : i32
    %add3A_4 = arith.addi %mul3A_2, %add3A_3 : i32
    %mul3A_5 = arith.constant 128 : i32
    %mul3A_6 = arith.muli %add3A_4, %mul3A_5 : i32
    "tpu.region"() ({
      %run_scoped3A = tpu.sem_alloc : memref<!tpu.dma_semaphore, #tpu.memory_space<semaphore_mem>>
      %dma_start3A_108 = arith.constant 0 : i32
      %dma_start3A_109 = tpu.memref_slice %arg12[%mul3A_6, %dma_start3A_108] : memref<10240x128xf32, #tpu.memory_space<vmem_shared>> -> memref<128x128xf32, #tpu.memory_space<vmem_shared>>
      %dma_start3A_110 = arith.constant 0 : i32
      %dma_start3A_111 = tpu.memref_slice %arg12[%mul3A_6, %dma_start3A_110] : memref<10240x128xf32, #tpu.memory_space<vmem_shared>> -> memref<128x128xf32, #tpu.memory_space<vmem_shared>>
      tpu.enqueue_dma source(%arg10 : memref<128x128xf32, #tpu.memory_space<vmem>>) target(%dma_start3A_111 : memref<128x128xf32, #tpu.memory_space<vmem_shared>>) target_semaphore(%run_scoped3A : memref<!tpu.dma_semaphore, #tpu.memory_space<semaphore_mem>>)
      %dma_wait3A = arith.constant 0 : i32
      %dma_wait3A_112 = tpu.memref_slice %arg12[%mul3A_6, %dma_wait3A] : memref<10240x128xf32, #tpu.memory_space<vmem_shared>> -> memref<128x128xf32, #tpu.memory_space<vmem_shared>>
      %dma_wait3A_113 = arith.constant 0 : i32
      %dma_wait3A_114 = tpu.memref_slice %arg12[%mul3A_6, %dma_wait3A_113] : memref<10240x128xf32, #tpu.memory_space<vmem_shared>> -> memref<128x128xf32, #tpu.memory_space<vmem_shared>>
      tpu.wait_dma2 semaphore(%run_scoped3A : memref<!tpu.dma_semaphore, #tpu.memory_space<semaphore_mem>>) src(%arg10 : memref<128x128xf32, #tpu.memory_space<vmem>>) dst(%dma_wait3A_114 : memref<128x128xf32, #tpu.memory_space<vmem_shared>>)
      tpu.yield
    }) : () -> ()
    %mul3A_7 = arith.constant 5 : i32
    %mul3A_8 = arith.muli %arg1, %mul3A_7 : i32
    %add3A_9 = arith.constant 1 : i32
    %add3A_10 = arith.addi %mul3A_8, %add3A_9 : i32
    %mul3A_11 = arith.constant 128 : i32
    %mul3A_12 = arith.muli %add3A_10, %mul3A_11 : i32
    "tpu.region"() ({
      %run_scoped3A = tpu.sem_alloc : memref<!tpu.dma_semaphore, #tpu.memory_space<semaphore_mem>>
      %dma_start3A_108 = arith.constant 0 : i32
      %dma_start3A_109 = tpu.memref_slice %arg12[%mul3A_12, %dma_start3A_108] : memref<10240x128xf32, #tpu.memory_space<vmem_shared>> -> memref<128x128xf32, #tpu.memory_space<vmem_shared>>
      %dma_start3A_110 = arith.constant 0 : i32
      %dma_start3A_111 = tpu.memref_slice %arg12[%mul3A_12, %dma_start3A_110] : memref<10240x128xf32, #tpu.memory_space<vmem_shared>> -> memref<128x128xf32, #tpu.memory_space<vmem_shared>>
      tpu.enqueue_dma source(%arg10 : memref<128x128xf32, #tpu.memory_space<vmem>>) target(%dma_start3A_111 : memref<128x128xf32, #tpu.memory_space<vmem_shared>>) target_semaphore(%run_scoped3A : memref<!tpu.dma_semaphore, #tpu.memory_space<semaphore_mem>>)
      %dma_wait3A = arith.constant 0 : i32
      %dma_wait3A_112 = tpu.memref_slice %arg12[%mul3A_12, %dma_wait3A] : memref<10240x128xf32, #tpu.memory_space<vmem_shared>> -> memref<128x128xf32, #tpu.memory_space<vmem_shared>>
      %dma_wait3A_113 = arith.constant 0 : i32
      %dma_wait3A_114 = tpu.memref_slice %arg12[%mul3A_12, %dma_wait3A_113] : memref<10240x128xf32, #tpu.memory_space<vmem_shared>> -> memref<128x128xf32, #tpu.memory_space<vmem_shared>>
      tpu.wait_dma2 semaphore(%run_scoped3A : memref<!tpu.dma_semaphore, #tpu.memory_space<semaphore_mem>>) src(%arg10 : memref<128x128xf32, #tpu.memory_space<vmem>>) dst(%dma_wait3A_114 : memref<128x128xf32, #tpu.memory_space<vmem_shared>>)
      tpu.yield
    }) : () -> ()
    %mul3A_13 = arith.constant 5 : i32
    %mul3A_14 = arith.muli %arg1, %mul3A_13 : i32
    %add3A_15 = arith.constant 2 : i32
    %add3A_16 = arith.addi %mul3A_14, %add3A_15 : i32
    %mul3A_17 = arith.constant 128 : i32
    %mul3A_18 = arith.muli %add3A_16, %mul3A_17 : i32
    "tpu.region"() ({
      %run_scoped3A = tpu.sem_alloc : memref<!tpu.dma_semaphore, #tpu.memory_space<semaphore_mem>>
      %dma_start3A_108 = arith.constant 0 : i32
      %dma_start3A_109 = tpu.memref_slice %arg12[%mul3A_18, %dma_start3A_108] : memref<10240x128xf32, #tpu.memory_space<vmem_shared>> -> memref<128x128xf32, #tpu.memory_space<vmem_shared>>
      %dma_start3A_110 = arith.constant 0 : i32
      %dma_start3A_111 = tpu.memref_slice %arg12[%mul3A_18, %dma_start3A_110] : memref<10240x128xf32, #tpu.memory_space<vmem_shared>> -> memref<128x128xf32, #tpu.memory_space<vmem_shared>>
      tpu.enqueue_dma source(%arg10 : memref<128x128xf32, #tpu.memory_space<vmem>>) target(%dma_start3A_111 : memref<128x128xf32, #tpu.memory_space<vmem_shared>>) target_semaphore(%run_scoped3A : memref<!tpu.dma_semaphore, #tpu.memory_space<semaphore_mem>>)
      %dma_wait3A = arith.constant 0 : i32
      %dma_wait3A_112 = tpu.memref_slice %arg12[%mul3A_18, %dma_wait3A] : memref<10240x128xf32, #tpu.memory_space<vmem_shared>> -> memref<128x128xf32, #tpu.memory_space<vmem_shared>>
      %dma_wait3A_113 = arith.constant 0 : i32
      %dma_wait3A_114 = tpu.memref_slice %arg12[%mul3A_18, %dma_wait3A_113] : memref<10240x128xf32, #tpu.memory_space<vmem_shared>> -> memref<128x128xf32, #tpu.memory_space<vmem_shared>>
      tpu.wait_dma2 semaphore(%run_scoped3A : memref<!tpu.dma_semaphore, #tpu.memory_space<semaphore_mem>>) src(%arg10 : memref<128x128xf32, #tpu.memory_space<vmem>>) dst(%dma_wait3A_114 : memref<128x128xf32, #tpu.memory_space<vmem_shared>>)
      tpu.yield
    }) : () -> ()
    %mul3A_19 = arith.constant 5 : i32
    %mul3A_20 = arith.muli %arg1, %mul3A_19 : i32
    %add3A_21 = arith.constant 3 : i32
    %add3A_22 = arith.addi %mul3A_20, %add3A_21 : i32
    %mul3A_23 = arith.constant 128 : i32
    %mul3A_24 = arith.muli %add3A_22, %mul3A_23 : i32
    "tpu.region"() ({
      %run_scoped3A = tpu.sem_alloc : memref<!tpu.dma_semaphore, #tpu.memory_space<semaphore_mem>>
      %dma_start3A_108 = arith.constant 0 : i32
      %dma_start3A_109 = tpu.memref_slice %arg12[%mul3A_24, %dma_start3A_108] : memref<10240x128xf32, #tpu.memory_space<vmem_shared>> -> memref<128x128xf32, #tpu.memory_space<vmem_shared>>
      %dma_start3A_110 = arith.constant 0 : i32
      %dma_start3A_111 = tpu.memref_slice %arg12[%mul3A_24, %dma_start3A_110] : memref<10240x128xf32, #tpu.memory_space<vmem_shared>> -> memref<128x128xf32, #tpu.memory_space<vmem_shared>>
      tpu.enqueue_dma source(%arg10 : memref<128x128xf32, #tpu.memory_space<vmem>>) target(%dma_start3A_111 : memref<128x128xf32, #tpu.memory_space<vmem_shared>>) target_semaphore(%run_scoped3A : memref<!tpu.dma_semaphore, #tpu.memory_space<semaphore_mem>>)
      %dma_wait3A = arith.constant 0 : i32
      %dma_wait3A_112 = tpu.memref_slice %arg12[%mul3A_24, %dma_wait3A] : memref<10240x128xf32, #tpu.memory_space<vmem_shared>> -> memref<128x128xf32, #tpu.memory_space<vmem_shared>>
      %dma_wait3A_113 = arith.constant 0 : i32
      %dma_wait3A_114 = tpu.memref_slice %arg12[%mul3A_24, %dma_wait3A_113] : memref<10240x128xf32, #tpu.memory_space<vmem_shared>> -> memref<128x128xf32, #tpu.memory_space<vmem_shared>>
      tpu.wait_dma2 semaphore(%run_scoped3A : memref<!tpu.dma_semaphore, #tpu.memory_space<semaphore_mem>>) src(%arg10 : memref<128x128xf32, #tpu.memory_space<vmem>>) dst(%dma_wait3A_114 : memref<128x128xf32, #tpu.memory_space<vmem_shared>>)
      tpu.yield
    }) : () -> ()
    %mul3A_25 = arith.constant 5 : i32
    %mul3A_26 = arith.muli %arg1, %mul3A_25 : i32
    %add3A_27 = arith.constant 4 : i32
    %add3A_28 = arith.addi %mul3A_26, %add3A_27 : i32
    %mul3A_29 = arith.constant 128 : i32
    %mul3A_30 = arith.muli %add3A_28, %mul3A_29 : i32
    "tpu.region"() ({
      %run_scoped3A = tpu.sem_alloc : memref<!tpu.dma_semaphore, #tpu.memory_space<semaphore_mem>>
      %dma_start3A_108 = arith.constant 0 : i32
      %dma_start3A_109 = tpu.memref_slice %arg12[%mul3A_30, %dma_start3A_108] : memref<10240x128xf32, #tpu.memory_space<vmem_shared>> -> memref<128x128xf32, #tpu.memory_space<vmem_shared>>
      %dma_start3A_110 = arith.constant 0 : i32
      %dma_start3A_111 = tpu.memref_slice %arg12[%mul3A_30, %dma_start3A_110] : memref<10240x128xf32, #tpu.memory_space<vmem_shared>> -> memref<128x128xf32, #tpu.memory_space<vmem_shared>>
      tpu.enqueue_dma source(%arg10 : memref<128x128xf32, #tpu.memory_space<vmem>>) target(%dma_start3A_111 : memref<128x128xf32, #tpu.memory_space<vmem_shared>>) target_semaphore(%run_scoped3A : memref<!tpu.dma_semaphore, #tpu.memory_space<semaphore_mem>>)
      %dma_wait3A = arith.constant 0 : i32
      %dma_wait3A_112 = tpu.memref_slice %arg12[%mul3A_30, %dma_wait3A] : memref<10240x128xf32, #tpu.memory_space<vmem_shared>> -> memref<128x128xf32, #tpu.memory_space<vmem_shared>>
      %dma_wait3A_113 = arith.constant 0 : i32
      %dma_wait3A_114 = tpu.memref_slice %arg12[%mul3A_30, %dma_wait3A_113] : memref<10240x128xf32, #tpu.memory_space<vmem_shared>> -> memref<128x128xf32, #tpu.memory_space<vmem_shared>>
      tpu.wait_dma2 semaphore(%run_scoped3A : memref<!tpu.dma_semaphore, #tpu.memory_space<semaphore_mem>>) src(%arg10 : memref<128x128xf32, #tpu.memory_space<vmem>>) dst(%dma_wait3A_114 : memref<128x128xf32, #tpu.memory_space<vmem_shared>>)
      tpu.yield
    }) : () -> ()
    %dma_start3A = arith.constant 0 : i32
    %dma_start3A_31 = arith.constant 0 : i32
    %dma_start3A_32 = tpu.memref_slice %arg4[%add3A, %dma_start3A, %dma_start3A_31] : memref<32x80x128xi32, #tpu.memory_space<hbm>> -> memref<1x80x128xi32, #tpu.memory_space<hbm>>
    %dma_start3A_33 = tpu.memref_squeeze %dma_start3A_32 : memref<1x80x128xi32, #tpu.memory_space<hbm>> -> memref<80x128xi32, #tpu.memory_space<hbm>>
    %dma_start3A_34 = arith.constant 0 : i32
    %dma_start3A_35 = arith.constant 0 : i32
    %dma_start3A_36 = tpu.memref_slice %dma_start3A_33[%dma_start3A_34, %dma_start3A_35] : memref<80x128xi32, #tpu.memory_space<hbm>> -> memref<8x128xi32, #tpu.memory_space<hbm>>
    %dma_start3A_37 = arith.constant 0 : i32
    %dma_start3A_38 = arith.constant 0 : i32
    %dma_start3A_39 = tpu.memref_slice %arg4[%add3A, %dma_start3A_37, %dma_start3A_38] : memref<32x80x128xi32, #tpu.memory_space<hbm>> -> memref<1x80x128xi32, #tpu.memory_space<hbm>>
    %dma_start3A_40 = tpu.memref_squeeze %dma_start3A_39 : memref<1x80x128xi32, #tpu.memory_space<hbm>> -> memref<80x128xi32, #tpu.memory_space<hbm>>
    %dma_start3A_41 = arith.constant 0 : i32
    %dma_start3A_42 = arith.constant 0 : i32
    %dma_start3A_43 = tpu.memref_slice %dma_start3A_40[%dma_start3A_41, %dma_start3A_42] : memref<80x128xi32, #tpu.memory_space<hbm>> -> memref<8x128xi32, #tpu.memory_space<hbm>>
    tpu.enqueue_dma source(%dma_start3A_43 : memref<8x128xi32, #tpu.memory_space<hbm>>) target(%arg8 : memref<8x128xi32, #tpu.memory_space<vmem>>) target_semaphore(%arg15 : memref<!tpu.dma_semaphore, #tpu.memory_space<semaphore_mem>>)
    %dma_start3A_44 = arith.constant 0 : i32
    %dma_start3A_45 = arith.constant 0 : i32
    %dma_start3A_46 = tpu.memref_slice %arg7[%dma_start3A_44, %dma_start3A_45] : memref<80x128xi32, #tpu.memory_space<vmem>> -> memref<1x128xi32, #tpu.memory_space<vmem>>
    %dma_start3A_47 = tpu.memref_squeeze %dma_start3A_46 : memref<1x128xi32, #tpu.memory_space<vmem>> -> memref<128xi32, #tpu.memory_space<vmem>>
    %dma_start3A_48 = arith.constant 0 : i32
    %dma_start3A_49 = arith.constant 0 : i32
    %dma_start3A_50 = tpu.memref_slice %arg2[%dma_start3A_48, %dma_start3A_49] : memref<10000x128xf32, #tpu.memory_space<hbm>> -> memref<10000x128xf32, #tpu.memory_space<hbm>>
    tpu.enqueue_indirect_dma source(%dma_start3A_50 : memref<10000x128xf32, #tpu.memory_space<hbm>>) target(%arg10 : memref<128x128xf32, #tpu.memory_space<vmem>>) offsets(%dma_start3A_47 : memref<128xi32, #tpu.memory_space<vmem>>) semaphore(%arg13 : memref<!tpu.dma_semaphore, #tpu.memory_space<semaphore_mem>>)
    %dma_start3A_51 = arith.constant 0 : i32
    %dma_start3A_52 = arith.constant 0 : i32
    %dma_start3A_53 = tpu.memref_slice %arg4[%add3A, %dma_start3A_51, %dma_start3A_52] : memref<32x80x128xi32, #tpu.memory_space<hbm>> -> memref<1x80x128xi32, #tpu.memory_space<hbm>>
    %dma_start3A_54 = tpu.memref_squeeze %dma_start3A_53 : memref<1x80x128xi32, #tpu.memory_space<hbm>> -> memref<80x128xi32, #tpu.memory_space<hbm>>
    %dma_start3A_55 = arith.constant 8 : i32
    %dma_start3A_56 = arith.constant 0 : i32
    %dma_start3A_57 = tpu.memref_slice %dma_start3A_54[%dma_start3A_55, %dma_start3A_56] : memref<80x128xi32, #tpu.memory_space<hbm>> -> memref<8x128xi32, #tpu.memory_space<hbm>>
    %dma_start3A_58 = arith.constant 0 : i32
    %dma_start3A_59 = arith.constant 0 : i32
    %dma_start3A_60 = tpu.memref_slice %arg4[%add3A, %dma_start3A_58, %dma_start3A_59] : memref<32x80x128xi32, #tpu.memory_space<hbm>> -> memref<1x80x128xi32, #tpu.memory_space<hbm>>
    %dma_start3A_61 = tpu.memref_squeeze %dma_start3A_60 : memref<1x80x128xi32, #tpu.memory_space<hbm>> -> memref<80x128xi32, #tpu.memory_space<hbm>>
    %dma_start3A_62 = arith.constant 8 : i32
    %dma_start3A_63 = arith.constant 0 : i32
    %dma_start3A_64 = tpu.memref_slice %dma_start3A_61[%dma_start3A_62, %dma_start3A_63] : memref<80x128xi32, #tpu.memory_space<hbm>> -> memref<8x128xi32, #tpu.memory_space<hbm>>
    tpu.enqueue_dma source(%dma_start3A_64 : memref<8x128xi32, #tpu.memory_space<hbm>>) target(%arg9 : memref<8x128xi32, #tpu.memory_space<vmem>>) target_semaphore(%arg16 : memref<!tpu.dma_semaphore, #tpu.memory_space<semaphore_mem>>)
    %dma_start3A_65 = arith.constant 1 : i32
    %dma_start3A_66 = arith.constant 0 : i32
    %dma_start3A_67 = tpu.memref_slice %arg7[%dma_start3A_65, %dma_start3A_66] : memref<80x128xi32, #tpu.memory_space<vmem>> -> memref<1x128xi32, #tpu.memory_space<vmem>>
    %dma_start3A_68 = tpu.memref_squeeze %dma_start3A_67 : memref<1x128xi32, #tpu.memory_space<vmem>> -> memref<128xi32, #tpu.memory_space<vmem>>
    %dma_start3A_69 = arith.constant 0 : i32
    %dma_start3A_70 = arith.constant 0 : i32
    %dma_start3A_71 = tpu.memref_slice %arg2[%dma_start3A_69, %dma_start3A_70] : memref<10000x128xf32, #tpu.memory_space<hbm>> -> memref<10000x128xf32, #tpu.memory_space<hbm>>
    tpu.enqueue_indirect_dma source(%dma_start3A_71 : memref<10000x128xf32, #tpu.memory_space<hbm>>) target(%arg11 : memref<128x128xf32, #tpu.memory_space<vmem>>) offsets(%dma_start3A_68 : memref<128xi32, #tpu.memory_space<vmem>>) semaphore(%arg14 : memref<!tpu.dma_semaphore, #tpu.memory_space<semaphore_mem>>)
    %barrier3A = arith.constant 0 : index
    tpu.barrier barrier_id(%barrier3A)
    %scan3A = arith.constant 0 : i32
    %scan3A_72 = arith.constant 0 : i32
    %scan3A_73 = arith.constant 5 : i32
    %scan3A_74 = arith.addi %scan3A_72, %scan3A_73 : i32
    %scan3A_75 = arith.constant 1 : i32
    scf.for %scan3A_108 = %scan3A_72 to %scan3A_74 step %scan3A_75  : i32 {
      %mul3A_109 = arith.constant 2 : i32
      %mul3A_110 = arith.muli %mul3A_109, %scan3A_108 : i32
      %add3A_111 = arith.constant 0 : i32
      %add3A_112 = arith.addi %mul3A_110, %add3A_111 : i32
      %mul3A_113 = arith.constant 8 : i32
      %mul3A_114 = arith.muli %add3A_112, %mul3A_113 : i32
      %dma_wait3A = arith.constant 0 : i32
      %dma_wait3A_115 = arith.constant 0 : i32
      %dma_wait3A_116 = tpu.memref_slice %arg4[%add3A, %dma_wait3A, %dma_wait3A_115] : memref<32x80x128xi32, #tpu.memory_space<hbm>> -> memref<1x80x128xi32, #tpu.memory_space<hbm>>
      %dma_wait3A_117 = tpu.memref_squeeze %dma_wait3A_116 : memref<1x80x128xi32, #tpu.memory_space<hbm>> -> memref<80x128xi32, #tpu.memory_space<hbm>>
      %dma_wait3A_118 = arith.constant 0 : i32
      %dma_wait3A_119 = tpu.memref_slice %dma_wait3A_117[%mul3A_114, %dma_wait3A_118] : memref<80x128xi32, #tpu.memory_space<hbm>> -> memref<8x128xi32, #tpu.memory_space<hbm>>
      %dma_wait3A_120 = arith.constant 0 : i32
      %dma_wait3A_121 = arith.constant 0 : i32
      %dma_wait3A_122 = tpu.memref_slice %arg4[%add3A, %dma_wait3A_120, %dma_wait3A_121] : memref<32x80x128xi32, #tpu.memory_space<hbm>> -> memref<1x80x128xi32, #tpu.memory_space<hbm>>
      %dma_wait3A_123 = tpu.memref_squeeze %dma_wait3A_122 : memref<1x80x128xi32, #tpu.memory_space<hbm>> -> memref<80x128xi32, #tpu.memory_space<hbm>>
      %dma_wait3A_124 = arith.constant 0 : i32
      %dma_wait3A_125 = tpu.memref_slice %dma_wait3A_123[%mul3A_114, %dma_wait3A_124] : memref<80x128xi32, #tpu.memory_space<hbm>> -> memref<8x128xi32, #tpu.memory_space<hbm>>
      tpu.wait_dma2 semaphore(%arg15 : memref<!tpu.dma_semaphore, #tpu.memory_space<semaphore_mem>>) src(%dma_wait3A_125 : memref<8x128xi32, #tpu.memory_space<hbm>>) dst(%arg8 : memref<8x128xi32, #tpu.memory_space<vmem>>)
      %scan3A_126 = arith.constant 0 : i32
      %scan3A_127 = arith.constant 0 : i32
      %scan3A_128 = arith.constant 4 : i32
      %scan3A_129 = arith.addi %scan3A_127, %scan3A_128 : i32
      %scan3A_130 = arith.constant 1 : i32
      scf.for %scan3A_167 = %scan3A_127 to %scan3A_129 step %scan3A_130  : i32 {
        %mul3A_168 = arith.constant 8 : i32
        %mul3A_169 = arith.muli %add3A_112, %mul3A_168 : i32
        %mul3A_170 = arith.constant 2 : i32
        %mul3A_171 = arith.muli %mul3A_170, %scan3A_167 : i32
        %add3A_172 = arith.addi %mul3A_169, %mul3A_171 : i32
        %add3A_173 = arith.constant 0 : i32
        %add3A_174 = arith.addi %add3A_172, %add3A_173 : i32
        %dma_wait3A_175 = arith.constant 0 : i32
        %dma_wait3A_176 = tpu.memref_slice %arg7[%add3A_174, %dma_wait3A_175] : memref<80x128xi32, #tpu.memory_space<vmem>> -> memref<1x128xi32, #tpu.memory_space<vmem>>
        %dma_wait3A_177 = tpu.memref_squeeze %dma_wait3A_176 : memref<1x128xi32, #tpu.memory_space<vmem>> -> memref<128xi32, #tpu.memory_space<vmem>>
        %dma_wait3A_178 = arith.constant 0 : i32
        %dma_wait3A_179 = arith.constant 0 : i32
        %dma_wait3A_180 = tpu.memref_slice %arg2[%dma_wait3A_178, %dma_wait3A_179] : memref<10000x128xf32, #tpu.memory_space<hbm>> -> memref<10000x128xf32, #tpu.memory_space<hbm>>
        tpu.wait_indirect_dma semaphore(%arg13 : memref<!tpu.dma_semaphore, #tpu.memory_space<semaphore_mem>>) src(%dma_wait3A_180 : memref<10000x128xf32, #tpu.memory_space<hbm>>) dst(%arg10 : memref<128x128xf32, #tpu.memory_space<vmem>>)
        %mul3A_181 = arith.constant 2 : i32
        %mul3A_182 = arith.muli %mul3A_181, %scan3A_167 : i32
        %add3A_183 = arith.constant 0 : i32
        %add3A_184 = arith.addi %mul3A_182, %add3A_183 : i32
        "tpu.region"() ({
          %run_scoped3A = tpu.sem_alloc : memref<!tpu.dma_semaphore, #tpu.memory_space<semaphore_mem>>
          %dma_start3A_216 = arith.constant 0 : i32
          %dma_start3A_217 = tpu.memref_slice %arg8[%add3A_184, %dma_start3A_216] : memref<8x128xi32, #tpu.memory_space<vmem>> -> memref<1x128xi32, #tpu.memory_space<vmem>>
          %dma_start3A_218 = tpu.memref_squeeze %dma_start3A_217 : memref<1x128xi32, #tpu.memory_space<vmem>> -> memref<128xi32, #tpu.memory_space<vmem>>
          %dma_start3A_219 = arith.constant 0 : i32
          %dma_start3A_220 = arith.constant 0 : i32
          %dma_start3A_221 = tpu.memref_slice %arg12[%dma_start3A_219, %dma_start3A_220] : memref<10240x128xf32, #tpu.memory_space<vmem_shared>> -> memref<10240x128xf32, #tpu.memory_space<vmem_shared>>
          tpu.enqueue_indirect_dma source(%arg10 : memref<128x128xf32, #tpu.memory_space<vmem>>) target(%dma_start3A_221 : memref<10240x128xf32, #tpu.memory_space<vmem_shared>>) offsets(%dma_start3A_218 : memref<128xi32, #tpu.memory_space<vmem>>) semaphore(%run_scoped3A : memref<!tpu.dma_semaphore, #tpu.memory_space<semaphore_mem>>) {add = true}
          %dma_wait3A_222 = arith.constant 0 : i32
          %dma_wait3A_223 = tpu.memref_slice %arg8[%add3A_184, %dma_wait3A_222] : memref<8x128xi32, #tpu.memory_space<vmem>> -> memref<1x128xi32, #tpu.memory_space<vmem>>
          %dma_wait3A_224 = tpu.memref_squeeze %dma_wait3A_223 : memref<1x128xi32, #tpu.memory_space<vmem>> -> memref<128xi32, #tpu.memory_space<vmem>>
          %dma_wait3A_225 = arith.constant 0 : i32
          %dma_wait3A_226 = arith.constant 0 : i32
          %dma_wait3A_227 = tpu.memref_slice %arg12[%dma_wait3A_225, %dma_wait3A_226] : memref<10240x128xf32, #tpu.memory_space<vmem_shared>> -> memref<10240x128xf32, #tpu.memory_space<vmem_shared>>
          tpu.wait_indirect_dma semaphore(%run_scoped3A : memref<!tpu.dma_semaphore, #tpu.memory_space<semaphore_mem>>) src(%arg10 : memref<128x128xf32, #tpu.memory_space<vmem>>) dst(%dma_wait3A_227 : memref<10240x128xf32, #tpu.memory_space<vmem_shared>>)
          tpu.yield
        }) : () -> ()
        %add3A_185 = arith.constant 2 : i32
        %add3A_186 = arith.addi %add3A_174, %add3A_185 : i32
        %lt3A_187 = arith.constant 80 : i32
        %lt3A_188 = arith.cmpi slt, %add3A_186, %lt3A_187 : i32
        %convert_element_type3A_189 = arith.extui %lt3A_188 : i1 to i32
        %cond3A_190 = arith.constant 0 : i32
        %cond3A_191 = arith.cmpi ne, %convert_element_type3A_189, %cond3A_190 : i32
        scf.if %cond3A_191 {
          %add3A_216 = arith.constant 2 : i32
          %add3A_217 = arith.addi %add3A_174, %add3A_216 : i32
          %dma_start3A_218 = arith.constant 0 : i32
          %dma_start3A_219 = tpu.memref_slice %arg7[%add3A_217, %dma_start3A_218] : memref<80x128xi32, #tpu.memory_space<vmem>> -> memref<1x128xi32, #tpu.memory_space<vmem>>
          %dma_start3A_220 = tpu.memref_squeeze %dma_start3A_219 : memref<1x128xi32, #tpu.memory_space<vmem>> -> memref<128xi32, #tpu.memory_space<vmem>>
          %dma_start3A_221 = arith.constant 0 : i32
          %dma_start3A_222 = arith.constant 0 : i32
          %dma_start3A_223 = tpu.memref_slice %arg2[%dma_start3A_221, %dma_start3A_222] : memref<10000x128xf32, #tpu.memory_space<hbm>> -> memref<10000x128xf32, #tpu.memory_space<hbm>>
          tpu.enqueue_indirect_dma source(%dma_start3A_223 : memref<10000x128xf32, #tpu.memory_space<hbm>>) target(%arg10 : memref<128x128xf32, #tpu.memory_space<vmem>>) offsets(%dma_start3A_220 : memref<128xi32, #tpu.memory_space<vmem>>) semaphore(%arg13 : memref<!tpu.dma_semaphore, #tpu.memory_space<semaphore_mem>>)
        } else {
        }
        %mul3A_192 = arith.constant 8 : i32
        %mul3A_193 = arith.muli %add3A_112, %mul3A_192 : i32
        %mul3A_194 = arith.constant 2 : i32
        %mul3A_195 = arith.muli %mul3A_194, %scan3A_167 : i32
        %add3A_196 = arith.addi %mul3A_193, %mul3A_195 : i32
        %add3A_197 = arith.constant 1 : i32
        %add3A_198 = arith.addi %add3A_196, %add3A_197 : i32
        %dma_wait3A_199 = arith.constant 0 : i32
        %dma_wait3A_200 = tpu.memref_slice %arg7[%add3A_198, %dma_wait3A_199] : memref<80x128xi32, #tpu.memory_space<vmem>> -> memref<1x128xi32, #tpu.memory_space<vmem>>
        %dma_wait3A_201 = tpu.memref_squeeze %dma_wait3A_200 : memref<1x128xi32, #tpu.memory_space<vmem>> -> memref<128xi32, #tpu.memory_space<vmem>>
        %dma_wait3A_202 = arith.constant 0 : i32
        %dma_wait3A_203 = arith.constant 0 : i32
        %dma_wait3A_204 = tpu.memref_slice %arg2[%dma_wait3A_202, %dma_wait3A_203] : memref<10000x128xf32, #tpu.memory_space<hbm>> -> memref<10000x128xf32, #tpu.memory_space<hbm>>
        tpu.wait_indirect_dma semaphore(%arg14 : memref<!tpu.dma_semaphore, #tpu.memory_space<semaphore_mem>>) src(%dma_wait3A_204 : memref<10000x128xf32, #tpu.memory_space<hbm>>) dst(%arg11 : memref<128x128xf32, #tpu.memory_space<vmem>>)
        %mul3A_205 = arith.constant 2 : i32
        %mul3A_206 = arith.muli %mul3A_205, %scan3A_167 : i32
        %add3A_207 = arith.constant 1 : i32
        %add3A_208 = arith.addi %mul3A_206, %add3A_207 : i32
        "tpu.region"() ({
          %run_scoped3A = tpu.sem_alloc : memref<!tpu.dma_semaphore, #tpu.memory_space<semaphore_mem>>
          %dma_start3A_216 = arith.constant 0 : i32
          %dma_start3A_217 = tpu.memref_slice %arg8[%add3A_208, %dma_start3A_216] : memref<8x128xi32, #tpu.memory_space<vmem>> -> memref<1x128xi32, #tpu.memory_space<vmem>>
          %dma_start3A_218 = tpu.memref_squeeze %dma_start3A_217 : memref<1x128xi32, #tpu.memory_space<vmem>> -> memref<128xi32, #tpu.memory_space<vmem>>
          %dma_start3A_219 = arith.constant 0 : i32
          %dma_start3A_220 = arith.constant 0 : i32
          %dma_start3A_221 = tpu.memref_slice %arg12[%dma_start3A_219, %dma_start3A_220] : memref<10240x128xf32, #tpu.memory_space<vmem_shared>> -> memref<10240x128xf32, #tpu.memory_space<vmem_shared>>
          tpu.enqueue_indirect_dma source(%arg11 : memref<128x128xf32, #tpu.memory_space<vmem>>) target(%dma_start3A_221 : memref<10240x128xf32, #tpu.memory_space<vmem_shared>>) offsets(%dma_start3A_218 : memref<128xi32, #tpu.memory_space<vmem>>) semaphore(%run_scoped3A : memref<!tpu.dma_semaphore, #tpu.memory_space<semaphore_mem>>) {add = true}
          %dma_wait3A_222 = arith.constant 0 : i32
          %dma_wait3A_223 = tpu.memref_slice %arg8[%add3A_208, %dma_wait3A_222] : memref<8x128xi32, #tpu.memory_space<vmem>> -> memref<1x128xi32, #tpu.memory_space<vmem>>
          %dma_wait3A_224 = tpu.memref_squeeze %dma_wait3A_223 : memref<1x128xi32, #tpu.memory_space<vmem>> -> memref<128xi32, #tpu.memory_space<vmem>>
          %dma_wait3A_225 = arith.constant 0 : i32
          %dma_wait3A_226 = arith.constant 0 : i32
          %dma_wait3A_227 = tpu.memref_slice %arg12[%dma_wait3A_225, %dma_wait3A_226] : memref<10240x128xf32, #tpu.memory_space<vmem_shared>> -> memref<10240x128xf32, #tpu.memory_space<vmem_shared>>
          tpu.wait_indirect_dma semaphore(%run_scoped3A : memref<!tpu.dma_semaphore, #tpu.memory_space<semaphore_mem>>) src(%arg11 : memref<128x128xf32, #tpu.memory_space<vmem>>) dst(%dma_wait3A_227 : memref<10240x128xf32, #tpu.memory_space<vmem_shared>>)
          tpu.yield
        }) : () -> ()
        %add3A_209 = arith.constant 2 : i32
        %add3A_210 = arith.addi %add3A_198, %add3A_209 : i32
        %lt3A_211 = arith.constant 80 : i32
        %lt3A_212 = arith.cmpi slt, %add3A_210, %lt3A_211 : i32
        %convert_element_type3A_213 = arith.extui %lt3A_212 : i1 to i32
        %cond3A_214 = arith.constant 0 : i32
        %cond3A_215 = arith.cmpi ne, %convert_element_type3A_213, %cond3A_214 : i32
        scf.if %cond3A_215 {
          %add3A_216 = arith.constant 2 : i32
          %add3A_217 = arith.addi %add3A_198, %add3A_216 : i32
          %dma_start3A_218 = arith.constant 0 : i32
          %dma_start3A_219 = tpu.memref_slice %arg7[%add3A_217, %dma_start3A_218] : memref<80x128xi32, #tpu.memory_space<vmem>> -> memref<1x128xi32, #tpu.memory_space<vmem>>
          %dma_start3A_220 = tpu.memref_squeeze %dma_start3A_219 : memref<1x128xi32, #tpu.memory_space<vmem>> -> memref<128xi32, #tpu.memory_space<vmem>>
          %dma_start3A_221 = arith.constant 0 : i32
          %dma_start3A_222 = arith.constant 0 : i32
          %dma_start3A_223 = tpu.memref_slice %arg2[%dma_start3A_221, %dma_start3A_222] : memref<10000x128xf32, #tpu.memory_space<hbm>> -> memref<10000x128xf32, #tpu.memory_space<hbm>>
          tpu.enqueue_indirect_dma source(%dma_start3A_223 : memref<10000x128xf32, #tpu.memory_space<hbm>>) target(%arg11 : memref<128x128xf32, #tpu.memory_space<vmem>>) offsets(%dma_start3A_220 : memref<128xi32, #tpu.memory_space<vmem>>) semaphore(%arg14 : memref<!tpu.dma_semaphore, #tpu.memory_space<semaphore_mem>>)
        } else {
        }
      }
      %scan3A_131 = arith.constant 4 : i32
      %add3A_132 = arith.constant 2 : i32
      %add3A_133 = arith.addi %add3A_112, %add3A_132 : i32
      %lt3A = arith.constant 10 : i32
      %lt3A_134 = arith.cmpi slt, %add3A_133, %lt3A : i32
      %convert_element_type3A = arith.extui %lt3A_134 : i1 to i32
      %cond3A = arith.constant 0 : i32
      %cond3A_135 = arith.cmpi ne, %convert_element_type3A, %cond3A : i32
      scf.if %cond3A_135 {
        %add3A_167 = arith.constant 2 : i32
        %add3A_168 = arith.addi %add3A_112, %add3A_167 : i32
        %mul3A_169 = arith.constant 8 : i32
        %mul3A_170 = arith.muli %add3A_168, %mul3A_169 : i32
        %dma_start3A_171 = arith.constant 0 : i32
        %dma_start3A_172 = arith.constant 0 : i32
        %dma_start3A_173 = tpu.memref_slice %arg4[%add3A, %dma_start3A_171, %dma_start3A_172] : memref<32x80x128xi32, #tpu.memory_space<hbm>> -> memref<1x80x128xi32, #tpu.memory_space<hbm>>
        %dma_start3A_174 = tpu.memref_squeeze %dma_start3A_173 : memref<1x80x128xi32, #tpu.memory_space<hbm>> -> memref<80x128xi32, #tpu.memory_space<hbm>>
        %dma_start3A_175 = arith.constant 0 : i32
        %dma_start3A_176 = tpu.memref_slice %dma_start3A_174[%mul3A_170, %dma_start3A_175] : memref<80x128xi32, #tpu.memory_space<hbm>> -> memref<8x128xi32, #tpu.memory_space<hbm>>
        %dma_start3A_177 = arith.constant 0 : i32
        %dma_start3A_178 = arith.constant 0 : i32
        %dma_start3A_179 = tpu.memref_slice %arg4[%add3A, %dma_start3A_177, %dma_start3A_178] : memref<32x80x128xi32, #tpu.memory_space<hbm>> -> memref<1x80x128xi32, #tpu.memory_space<hbm>>
        %dma_start3A_180 = tpu.memref_squeeze %dma_start3A_179 : memref<1x80x128xi32, #tpu.memory_space<hbm>> -> memref<80x128xi32, #tpu.memory_space<hbm>>
        %dma_start3A_181 = arith.constant 0 : i32
        %dma_start3A_182 = tpu.memref_slice %dma_start3A_180[%mul3A_170, %dma_start3A_181] : memref<80x128xi32, #tpu.memory_space<hbm>> -> memref<8x128xi32, #tpu.memory_space<hbm>>
        tpu.enqueue_dma source(%dma_start3A_182 : memref<8x128xi32, #tpu.memory_space<hbm>>) target(%arg8 : memref<8x128xi32, #tpu.memory_space<vmem>>) target_semaphore(%arg15 : memref<!tpu.dma_semaphore, #tpu.memory_space<semaphore_mem>>)
      } else {
      }
      %mul3A_136 = arith.constant 2 : i32
      %mul3A_137 = arith.muli %mul3A_136, %scan3A_108 : i32
      %add3A_138 = arith.constant 1 : i32
      %add3A_139 = arith.addi %mul3A_137, %add3A_138 : i32
      %mul3A_140 = arith.constant 8 : i32
      %mul3A_141 = arith.muli %add3A_139, %mul3A_140 : i32
      %dma_wait3A_142 = arith.constant 0 : i32
      %dma_wait3A_143 = arith.constant 0 : i32
      %dma_wait3A_144 = tpu.memref_slice %arg4[%add3A, %dma_wait3A_142, %dma_wait3A_143] : memref<32x80x128xi32, #tpu.memory_space<hbm>> -> memref<1x80x128xi32, #tpu.memory_space<hbm>>
      %dma_wait3A_145 = tpu.memref_squeeze %dma_wait3A_144 : memref<1x80x128xi32, #tpu.memory_space<hbm>> -> memref<80x128xi32, #tpu.memory_space<hbm>>
      %dma_wait3A_146 = arith.constant 0 : i32
      %dma_wait3A_147 = tpu.memref_slice %dma_wait3A_145[%mul3A_141, %dma_wait3A_146] : memref<80x128xi32, #tpu.memory_space<hbm>> -> memref<8x128xi32, #tpu.memory_space<hbm>>
      %dma_wait3A_148 = arith.constant 0 : i32
      %dma_wait3A_149 = arith.constant 0 : i32
      %dma_wait3A_150 = tpu.memref_slice %arg4[%add3A, %dma_wait3A_148, %dma_wait3A_149] : memref<32x80x128xi32, #tpu.memory_space<hbm>> -> memref<1x80x128xi32, #tpu.memory_space<hbm>>
      %dma_wait3A_151 = tpu.memref_squeeze %dma_wait3A_150 : memref<1x80x128xi32, #tpu.memory_space<hbm>> -> memref<80x128xi32, #tpu.memory_space<hbm>>
      %dma_wait3A_152 = arith.constant 0 : i32
      %dma_wait3A_153 = tpu.memref_slice %dma_wait3A_151[%mul3A_141, %dma_wait3A_152] : memref<80x128xi32, #tpu.memory_space<hbm>> -> memref<8x128xi32, #tpu.memory_space<hbm>>
      tpu.wait_dma2 semaphore(%arg16 : memref<!tpu.dma_semaphore, #tpu.memory_space<semaphore_mem>>) src(%dma_wait3A_153 : memref<8x128xi32, #tpu.memory_space<hbm>>) dst(%arg9 : memref<8x128xi32, #tpu.memory_space<vmem>>)
      %scan3A_154 = arith.constant 0 : i32
      %scan3A_155 = arith.constant 0 : i32
      %scan3A_156 = arith.constant 4 : i32
      %scan3A_157 = arith.addi %scan3A_155, %scan3A_156 : i32
      %scan3A_158 = arith.constant 1 : i32
      scf.for %scan3A_167 = %scan3A_155 to %scan3A_157 step %scan3A_158  : i32 {
        %mul3A_168 = arith.constant 8 : i32
        %mul3A_169 = arith.muli %add3A_139, %mul3A_168 : i32
        %mul3A_170 = arith.constant 2 : i32
        %mul3A_171 = arith.muli %mul3A_170, %scan3A_167 : i32
        %add3A_172 = arith.addi %mul3A_169, %mul3A_171 : i32
        %add3A_173 = arith.constant 0 : i32
        %add3A_174 = arith.addi %add3A_172, %add3A_173 : i32
        %dma_wait3A_175 = arith.constant 0 : i32
        %dma_wait3A_176 = tpu.memref_slice %arg7[%add3A_174, %dma_wait3A_175] : memref<80x128xi32, #tpu.memory_space<vmem>> -> memref<1x128xi32, #tpu.memory_space<vmem>>
        %dma_wait3A_177 = tpu.memref_squeeze %dma_wait3A_176 : memref<1x128xi32, #tpu.memory_space<vmem>> -> memref<128xi32, #tpu.memory_space<vmem>>
        %dma_wait3A_178 = arith.constant 0 : i32
        %dma_wait3A_179 = arith.constant 0 : i32
        %dma_wait3A_180 = tpu.memref_slice %arg2[%dma_wait3A_178, %dma_wait3A_179] : memref<10000x128xf32, #tpu.memory_space<hbm>> -> memref<10000x128xf32, #tpu.memory_space<hbm>>
        tpu.wait_indirect_dma semaphore(%arg13 : memref<!tpu.dma_semaphore, #tpu.memory_space<semaphore_mem>>) src(%dma_wait3A_180 : memref<10000x128xf32, #tpu.memory_space<hbm>>) dst(%arg10 : memref<128x128xf32, #tpu.memory_space<vmem>>)
        %mul3A_181 = arith.constant 2 : i32
        %mul3A_182 = arith.muli %mul3A_181, %scan3A_167 : i32
        %add3A_183 = arith.constant 0 : i32
        %add3A_184 = arith.addi %mul3A_182, %add3A_183 : i32
        "tpu.region"() ({
          %run_scoped3A = tpu.sem_alloc : memref<!tpu.dma_semaphore, #tpu.memory_space<semaphore_mem>>
          %dma_start3A_216 = arith.constant 0 : i32
          %dma_start3A_217 = tpu.memref_slice %arg9[%add3A_184, %dma_start3A_216] : memref<8x128xi32, #tpu.memory_space<vmem>> -> memref<1x128xi32, #tpu.memory_space<vmem>>
          %dma_start3A_218 = tpu.memref_squeeze %dma_start3A_217 : memref<1x128xi32, #tpu.memory_space<vmem>> -> memref<128xi32, #tpu.memory_space<vmem>>
          %dma_start3A_219 = arith.constant 0 : i32
          %dma_start3A_220 = arith.constant 0 : i32
          %dma_start3A_221 = tpu.memref_slice %arg12[%dma_start3A_219, %dma_start3A_220] : memref<10240x128xf32, #tpu.memory_space<vmem_shared>> -> memref<10240x128xf32, #tpu.memory_space<vmem_shared>>
          tpu.enqueue_indirect_dma source(%arg10 : memref<128x128xf32, #tpu.memory_space<vmem>>) target(%dma_start3A_221 : memref<10240x128xf32, #tpu.memory_space<vmem_shared>>) offsets(%dma_start3A_218 : memref<128xi32, #tpu.memory_space<vmem>>) semaphore(%run_scoped3A : memref<!tpu.dma_semaphore, #tpu.memory_space<semaphore_mem>>) {add = true}
          %dma_wait3A_222 = arith.constant 0 : i32
          %dma_wait3A_223 = tpu.memref_slice %arg9[%add3A_184, %dma_wait3A_222] : memref<8x128xi32, #tpu.memory_space<vmem>> -> memref<1x128xi32, #tpu.memory_space<vmem>>
          %dma_wait3A_224 = tpu.memref_squeeze %dma_wait3A_223 : memref<1x128xi32, #tpu.memory_space<vmem>> -> memref<128xi32, #tpu.memory_space<vmem>>
          %dma_wait3A_225 = arith.constant 0 : i32
          %dma_wait3A_226 = arith.constant 0 : i32
          %dma_wait3A_227 = tpu.memref_slice %arg12[%dma_wait3A_225, %dma_wait3A_226] : memref<10240x128xf32, #tpu.memory_space<vmem_shared>> -> memref<10240x128xf32, #tpu.memory_space<vmem_shared>>
          tpu.wait_indirect_dma semaphore(%run_scoped3A : memref<!tpu.dma_semaphore, #tpu.memory_space<semaphore_mem>>) src(%arg10 : memref<128x128xf32, #tpu.memory_space<vmem>>) dst(%dma_wait3A_227 : memref<10240x128xf32, #tpu.memory_space<vmem_shared>>)
          tpu.yield
        }) : () -> ()
        %add3A_185 = arith.constant 2 : i32
        %add3A_186 = arith.addi %add3A_174, %add3A_185 : i32
        %lt3A_187 = arith.constant 80 : i32
        %lt3A_188 = arith.cmpi slt, %add3A_186, %lt3A_187 : i32
        %convert_element_type3A_189 = arith.extui %lt3A_188 : i1 to i32
        %cond3A_190 = arith.constant 0 : i32
        %cond3A_191 = arith.cmpi ne, %convert_element_type3A_189, %cond3A_190 : i32
        scf.if %cond3A_191 {
          %add3A_216 = arith.constant 2 : i32
          %add3A_217 = arith.addi %add3A_174, %add3A_216 : i32
          %dma_start3A_218 = arith.constant 0 : i32
          %dma_start3A_219 = tpu.memref_slice %arg7[%add3A_217, %dma_start3A_218] : memref<80x128xi32, #tpu.memory_space<vmem>> -> memref<1x128xi32, #tpu.memory_space<vmem>>
          %dma_start3A_220 = tpu.memref_squeeze %dma_start3A_219 : memref<1x128xi32, #tpu.memory_space<vmem>> -> memref<128xi32, #tpu.memory_space<vmem>>
          %dma_start3A_221 = arith.constant 0 : i32
          %dma_start3A_222 = arith.constant 0 : i32
          %dma_start3A_223 = tpu.memref_slice %arg2[%dma_start3A_221, %dma_start3A_222] : memref<10000x128xf32, #tpu.memory_space<hbm>> -> memref<10000x128xf32, #tpu.memory_space<hbm>>
          tpu.enqueue_indirect_dma source(%dma_start3A_223 : memref<10000x128xf32, #tpu.memory_space<hbm>>) target(%arg10 : memref<128x128xf32, #tpu.memory_space<vmem>>) offsets(%dma_start3A_220 : memref<128xi32, #tpu.memory_space<vmem>>) semaphore(%arg13 : memref<!tpu.dma_semaphore, #tpu.memory_space<semaphore_mem>>)
        } else {
        }
        %mul3A_192 = arith.constant 8 : i32
        %mul3A_193 = arith.muli %add3A_139, %mul3A_192 : i32
        %mul3A_194 = arith.constant 2 : i32
        %mul3A_195 = arith.muli %mul3A_194, %scan3A_167 : i32
        %add3A_196 = arith.addi %mul3A_193, %mul3A_195 : i32
        %add3A_197 = arith.constant 1 : i32
        %add3A_198 = arith.addi %add3A_196, %add3A_197 : i32
        %dma_wait3A_199 = arith.constant 0 : i32
        %dma_wait3A_200 = tpu.memref_slice %arg7[%add3A_198, %dma_wait3A_199] : memref<80x128xi32, #tpu.memory_space<vmem>> -> memref<1x128xi32, #tpu.memory_space<vmem>>
        %dma_wait3A_201 = tpu.memref_squeeze %dma_wait3A_200 : memref<1x128xi32, #tpu.memory_space<vmem>> -> memref<128xi32, #tpu.memory_space<vmem>>
        %dma_wait3A_202 = arith.constant 0 : i32
        %dma_wait3A_203 = arith.constant 0 : i32
        %dma_wait3A_204 = tpu.memref_slice %arg2[%dma_wait3A_202, %dma_wait3A_203] : memref<10000x128xf32, #tpu.memory_space<hbm>> -> memref<10000x128xf32, #tpu.memory_space<hbm>>
        tpu.wait_indirect_dma semaphore(%arg14 : memref<!tpu.dma_semaphore, #tpu.memory_space<semaphore_mem>>) src(%dma_wait3A_204 : memref<10000x128xf32, #tpu.memory_space<hbm>>) dst(%arg11 : memref<128x128xf32, #tpu.memory_space<vmem>>)
        %mul3A_205 = arith.constant 2 : i32
        %mul3A_206 = arith.muli %mul3A_205, %scan3A_167 : i32
        %add3A_207 = arith.constant 1 : i32
        %add3A_208 = arith.addi %mul3A_206, %add3A_207 : i32
        "tpu.region"() ({
          %run_scoped3A = tpu.sem_alloc : memref<!tpu.dma_semaphore, #tpu.memory_space<semaphore_mem>>
          %dma_start3A_216 = arith.constant 0 : i32
          %dma_start3A_217 = tpu.memref_slice %arg9[%add3A_208, %dma_start3A_216] : memref<8x128xi32, #tpu.memory_space<vmem>> -> memref<1x128xi32, #tpu.memory_space<vmem>>
          %dma_start3A_218 = tpu.memref_squeeze %dma_start3A_217 : memref<1x128xi32, #tpu.memory_space<vmem>> -> memref<128xi32, #tpu.memory_space<vmem>>
          %dma_start3A_219 = arith.constant 0 : i32
          %dma_start3A_220 = arith.constant 0 : i32
          %dma_start3A_221 = tpu.memref_slice %arg12[%dma_start3A_219, %dma_start3A_220] : memref<10240x128xf32, #tpu.memory_space<vmem_shared>> -> memref<10240x128xf32, #tpu.memory_space<vmem_shared>>
          tpu.enqueue_indirect_dma source(%arg11 : memref<128x128xf32, #tpu.memory_space<vmem>>) target(%dma_start3A_221 : memref<10240x128xf32, #tpu.memory_space<vmem_shared>>) offsets(%dma_start3A_218 : memref<128xi32, #tpu.memory_space<vmem>>) semaphore(%run_scoped3A : memref<!tpu.dma_semaphore, #tpu.memory_space<semaphore_mem>>) {add = true}
          %dma_wait3A_222 = arith.constant 0 : i32
          %dma_wait3A_223 = tpu.memref_slice %arg9[%add3A_208, %dma_wait3A_222] : memref<8x128xi32, #tpu.memory_space<vmem>> -> memref<1x128xi32, #tpu.memory_space<vmem>>
          %dma_wait3A_224 = tpu.memref_squeeze %dma_wait3A_223 : memref<1x128xi32, #tpu.memory_space<vmem>> -> memref<128xi32, #tpu.memory_space<vmem>>
          %dma_wait3A_225 = arith.constant 0 : i32
          %dma_wait3A_226 = arith.constant 0 : i32
          %dma_wait3A_227 = tpu.memref_slice %arg12[%dma_wait3A_225, %dma_wait3A_226] : memref<10240x128xf32, #tpu.memory_space<vmem_shared>> -> memref<10240x128xf32, #tpu.memory_space<vmem_shared>>
          tpu.wait_indirect_dma semaphore(%run_scoped3A : memref<!tpu.dma_semaphore, #tpu.memory_space<semaphore_mem>>) src(%arg11 : memref<128x128xf32, #tpu.memory_space<vmem>>) dst(%dma_wait3A_227 : memref<10240x128xf32, #tpu.memory_space<vmem_shared>>)
          tpu.yield
        }) : () -> ()
        %add3A_209 = arith.constant 2 : i32
        %add3A_210 = arith.addi %add3A_198, %add3A_209 : i32
        %lt3A_211 = arith.constant 80 : i32
        %lt3A_212 = arith.cmpi slt, %add3A_210, %lt3A_211 : i32
        %convert_element_type3A_213 = arith.extui %lt3A_212 : i1 to i32
        %cond3A_214 = arith.constant 0 : i32
        %cond3A_215 = arith.cmpi ne, %convert_element_type3A_213, %cond3A_214 : i32
        scf.if %cond3A_215 {
          %add3A_216 = arith.constant 2 : i32
          %add3A_217 = arith.addi %add3A_198, %add3A_216 : i32
          %dma_start3A_218 = arith.constant 0 : i32
          %dma_start3A_219 = tpu.memref_slice %arg7[%add3A_217, %dma_start3A_218] : memref<80x128xi32, #tpu.memory_space<vmem>> -> memref<1x128xi32, #tpu.memory_space<vmem>>
          %dma_start3A_220 = tpu.memref_squeeze %dma_start3A_219 : memref<1x128xi32, #tpu.memory_space<vmem>> -> memref<128xi32, #tpu.memory_space<vmem>>
          %dma_start3A_221 = arith.constant 0 : i32
          %dma_start3A_222 = arith.constant 0 : i32
          %dma_start3A_223 = tpu.memref_slice %arg2[%dma_start3A_221, %dma_start3A_222] : memref<10000x128xf32, #tpu.memory_space<hbm>> -> memref<10000x128xf32, #tpu.memory_space<hbm>>
          tpu.enqueue_indirect_dma source(%dma_start3A_223 : memref<10000x128xf32, #tpu.memory_space<hbm>>) target(%arg11 : memref<128x128xf32, #tpu.memory_space<vmem>>) offsets(%dma_start3A_220 : memref<128xi32, #tpu.memory_space<vmem>>) semaphore(%arg14 : memref<!tpu.dma_semaphore, #tpu.memory_space<semaphore_mem>>)
        } else {
        }
      }
      %scan3A_159 = arith.constant 4 : i32
      %add3A_160 = arith.constant 2 : i32
      %add3A_161 = arith.addi %add3A_139, %add3A_160 : i32
      %lt3A_162 = arith.constant 10 : i32
      %lt3A_163 = arith.cmpi slt, %add3A_161, %lt3A_162 : i32
      %convert_element_type3A_164 = arith.extui %lt3A_163 : i1 to i32
      %cond3A_165 = arith.constant 0 : i32
      %cond3A_166 = arith.cmpi ne, %convert_element_type3A_164, %cond3A_165 : i32
      scf.if %cond3A_166 {
        %add3A_167 = arith.constant 2 : i32
        %add3A_168 = arith.addi %add3A_139, %add3A_167 : i32
        %mul3A_169 = arith.constant 8 : i32
        %mul3A_170 = arith.muli %add3A_168, %mul3A_169 : i32
        %dma_start3A_171 = arith.constant 0 : i32
        %dma_start3A_172 = arith.constant 0 : i32
        %dma_start3A_173 = tpu.memref_slice %arg4[%add3A, %dma_start3A_171, %dma_start3A_172] : memref<32x80x128xi32, #tpu.memory_space<hbm>> -> memref<1x80x128xi32, #tpu.memory_space<hbm>>
        %dma_start3A_174 = tpu.memref_squeeze %dma_start3A_173 : memref<1x80x128xi32, #tpu.memory_space<hbm>> -> memref<80x128xi32, #tpu.memory_space<hbm>>
        %dma_start3A_175 = arith.constant 0 : i32
        %dma_start3A_176 = tpu.memref_slice %dma_start3A_174[%mul3A_170, %dma_start3A_175] : memref<80x128xi32, #tpu.memory_space<hbm>> -> memref<8x128xi32, #tpu.memory_space<hbm>>
        %dma_start3A_177 = arith.constant 0 : i32
        %dma_start3A_178 = arith.constant 0 : i32
        %dma_start3A_179 = tpu.memref_slice %arg4[%add3A, %dma_start3A_177, %dma_start3A_178] : memref<32x80x128xi32, #tpu.memory_space<hbm>> -> memref<1x80x128xi32, #tpu.memory_space<hbm>>
        %dma_start3A_180 = tpu.memref_squeeze %dma_start3A_179 : memref<1x80x128xi32, #tpu.memory_space<hbm>> -> memref<80x128xi32, #tpu.memory_space<hbm>>
        %dma_start3A_181 = arith.constant 0 : i32
        %dma_start3A_182 = tpu.memref_slice %dma_start3A_180[%mul3A_170, %dma_start3A_181] : memref<80x128xi32, #tpu.memory_space<hbm>> -> memref<8x128xi32, #tpu.memory_space<hbm>>
        tpu.enqueue_dma source(%dma_start3A_182 : memref<8x128xi32, #tpu.memory_space<hbm>>) target(%arg9 : memref<8x128xi32, #tpu.memory_space<vmem>>) target_semaphore(%arg16 : memref<!tpu.dma_semaphore, #tpu.memory_space<semaphore_mem>>)
      } else {
      }
    }
    %scan3A_76 = arith.constant 5 : i32
    %barrier3A_77 = arith.constant 0 : index
    tpu.barrier barrier_id(%barrier3A_77)
    %mul3A_78 = arith.constant 5 : i32
    %mul3A_79 = arith.muli %arg1, %mul3A_78 : i32
    %add3A_80 = arith.constant 0 : i32
    %add3A_81 = arith.addi %mul3A_79, %add3A_80 : i32
    %mul3A_82 = arith.constant 128 : i32
    %mul3A_83 = arith.muli %add3A_81, %mul3A_82 : i32
    "tpu.region"() ({
      %run_scoped3A = tpu.sem_alloc : memref<!tpu.dma_semaphore, #tpu.memory_space<semaphore_mem>>
      %dma_start3A_108 = arith.constant 0 : i32
      %dma_start3A_109 = tpu.memref_slice %arg12[%mul3A_83, %dma_start3A_108] : memref<10240x128xf32, #tpu.memory_space<vmem_shared>> -> memref<128x128xf32, #tpu.memory_space<vmem_shared>>
      %dma_start3A_110 = arith.constant 0 : i32
      %dma_start3A_111 = tpu.memref_slice %arg12[%mul3A_83, %dma_start3A_110] : memref<10240x128xf32, #tpu.memory_space<vmem_shared>> -> memref<128x128xf32, #tpu.memory_space<vmem_shared>>
      tpu.enqueue_dma source(%dma_start3A_111 : memref<128x128xf32, #tpu.memory_space<vmem_shared>>) target(%arg10 : memref<128x128xf32, #tpu.memory_space<vmem>>) target_semaphore(%run_scoped3A : memref<!tpu.dma_semaphore, #tpu.memory_space<semaphore_mem>>)
      %dma_wait3A = arith.constant 0 : i32
      %dma_wait3A_112 = tpu.memref_slice %arg12[%mul3A_83, %dma_wait3A] : memref<10240x128xf32, #tpu.memory_space<vmem_shared>> -> memref<128x128xf32, #tpu.memory_space<vmem_shared>>
      %dma_wait3A_113 = arith.constant 0 : i32
      %dma_wait3A_114 = tpu.memref_slice %arg12[%mul3A_83, %dma_wait3A_113] : memref<10240x128xf32, #tpu.memory_space<vmem_shared>> -> memref<128x128xf32, #tpu.memory_space<vmem_shared>>
      tpu.wait_dma2 semaphore(%run_scoped3A : memref<!tpu.dma_semaphore, #tpu.memory_space<semaphore_mem>>) src(%dma_wait3A_114 : memref<128x128xf32, #tpu.memory_space<vmem_shared>>) dst(%arg10 : memref<128x128xf32, #tpu.memory_space<vmem>>)
      tpu.yield
    }) : () -> ()
    "tpu.region"() ({
      %run_scoped3A = tpu.sem_alloc : memref<!tpu.dma_semaphore, #tpu.memory_space<semaphore_mem>>
      %dma_start3A_108 = arith.constant 0 : i32
      %dma_start3A_109 = arith.constant 0 : i32
      %dma_start3A_110 = tpu.memref_slice %arg6[%arg0, %dma_start3A_108, %dma_start3A_109] : memref<2x10240x128xf32, #tpu.memory_space<hbm>> -> memref<1x10240x128xf32, #tpu.memory_space<hbm>>
      %dma_start3A_111 = tpu.memref_squeeze %dma_start3A_110 : memref<1x10240x128xf32, #tpu.memory_space<hbm>> -> memref<10240x128xf32, #tpu.memory_space<hbm>>
      %dma_start3A_112 = arith.constant 0 : i32
      %dma_start3A_113 = tpu.memref_slice %dma_start3A_111[%mul3A_83, %dma_start3A_112] : memref<10240x128xf32, #tpu.memory_space<hbm>> -> memref<128x128xf32, #tpu.memory_space<hbm>>
      %dma_start3A_114 = arith.constant 0 : i32
      %dma_start3A_115 = arith.constant 0 : i32
      %dma_start3A_116 = tpu.memref_slice %arg6[%arg0, %dma_start3A_114, %dma_start3A_115] : memref<2x10240x128xf32, #tpu.memory_space<hbm>> -> memref<1x10240x128xf32, #tpu.memory_space<hbm>>
      %dma_start3A_117 = tpu.memref_squeeze %dma_start3A_116 : memref<1x10240x128xf32, #tpu.memory_space<hbm>> -> memref<10240x128xf32, #tpu.memory_space<hbm>>
      %dma_start3A_118 = arith.constant 0 : i32
      %dma_start3A_119 = tpu.memref_slice %dma_start3A_117[%mul3A_83, %dma_start3A_118] : memref<10240x128xf32, #tpu.memory_space<hbm>> -> memref<128x128xf32, #tpu.memory_space<hbm>>
      tpu.enqueue_dma source(%arg10 : memref<128x128xf32, #tpu.memory_space<vmem>>) target(%dma_start3A_119 : memref<128x128xf32, #tpu.memory_space<hbm>>) target_semaphore(%run_scoped3A : memref<!tpu.dma_semaphore, #tpu.memory_space<semaphore_mem>>)
      %dma_wait3A = arith.constant 0 : i32
      %dma_wait3A_120 = arith.constant 0 : i32
      %dma_wait3A_121 = tpu.memref_slice %arg6[%arg0, %dma_wait3A, %dma_wait3A_120] : memref<2x10240x128xf32, #tpu.memory_space<hbm>> -> memref<1x10240x128xf32, #tpu.memory_space<hbm>>
      %dma_wait3A_122 = tpu.memref_squeeze %dma_wait3A_121 : memref<1x10240x128xf32, #tpu.memory_space<hbm>> -> memref<10240x128xf32, #tpu.memory_space<hbm>>
      %dma_wait3A_123 = arith.constant 0 : i32
      %dma_wait3A_124 = tpu.memref_slice %dma_wait3A_122[%mul3A_83, %dma_wait3A_123] : memref<10240x128xf32, #tpu.memory_space<hbm>> -> memref<128x128xf32, #tpu.memory_space<hbm>>
      %dma_wait3A_125 = arith.constant 0 : i32
      %dma_wait3A_126 = arith.constant 0 : i32
      %dma_wait3A_127 = tpu.memref_slice %arg6[%arg0, %dma_wait3A_125, %dma_wait3A_126] : memref<2x10240x128xf32, #tpu.memory_space<hbm>> -> memref<1x10240x128xf32, #tpu.memory_space<hbm>>
      %dma_wait3A_128 = tpu.memref_squeeze %dma_wait3A_127 : memref<1x10240x128xf32, #tpu.memory_space<hbm>> -> memref<10240x128xf32, #tpu.memory_space<hbm>>
      %dma_wait3A_129 = arith.constant 0 : i32
      %dma_wait3A_130 = tpu.memref_slice %dma_wait3A_128[%mul3A_83, %dma_wait3A_129] : memref<10240x128xf32, #tpu.memory_space<hbm>> -> memref<128x128xf32, #tpu.memory_space<hbm>>
      tpu.wait_dma2 semaphore(%run_scoped3A : memref<!tpu.dma_semaphore, #tpu.memory_space<semaphore_mem>>) src(%arg10 : memref<128x128xf32, #tpu.memory_space<vmem>>) dst(%dma_wait3A_130 : memref<128x128xf32, #tpu.memory_space<hbm>>)
      tpu.yield
    }) : () -> ()
    %mul3A_84 = arith.constant 5 : i32
    %mul3A_85 = arith.muli %arg1, %mul3A_84 : i32
    %add3A_86 = arith.constant 1 : i32
    %add3A_87 = arith.addi %mul3A_85, %add3A_86 : i32
    %mul3A_88 = arith.constant 128 : i32
    %mul3A_89 = arith.muli %add3A_87, %mul3A_88 : i32
    "tpu.region"() ({
      %run_scoped3A = tpu.sem_alloc : memref<!tpu.dma_semaphore, #tpu.memory_space<semaphore_mem>>
      %dma_start3A_108 = arith.constant 0 : i32
      %dma_start3A_109 = tpu.memref_slice %arg12[%mul3A_89, %dma_start3A_108] : memref<10240x128xf32, #tpu.memory_space<vmem_shared>> -> memref<128x128xf32, #tpu.memory_space<vmem_shared>>
      %dma_start3A_110 = arith.constant 0 : i32
      %dma_start3A_111 = tpu.memref_slice %arg12[%mul3A_89, %dma_start3A_110] : memref<10240x128xf32, #tpu.memory_space<vmem_shared>> -> memref<128x128xf32, #tpu.memory_space<vmem_shared>>
      tpu.enqueue_dma source(%dma_start3A_111 : memref<128x128xf32, #tpu.memory_space<vmem_shared>>) target(%arg10 : memref<128x128xf32, #tpu.memory_space<vmem>>) target_semaphore(%run_scoped3A : memref<!tpu.dma_semaphore, #tpu.memory_space<semaphore_mem>>)
      %dma_wait3A = arith.constant 0 : i32
      %dma_wait3A_112 = tpu.memref_slice %arg12[%mul3A_89, %dma_wait3A] : memref<10240x128xf32, #tpu.memory_space<vmem_shared>> -> memref<128x128xf32, #tpu.memory_space<vmem_shared>>
      %dma_wait3A_113 = arith.constant 0 : i32
      %dma_wait3A_114 = tpu.memref_slice %arg12[%mul3A_89, %dma_wait3A_113] : memref<10240x128xf32, #tpu.memory_space<vmem_shared>> -> memref<128x128xf32, #tpu.memory_space<vmem_shared>>
      tpu.wait_dma2 semaphore(%run_scoped3A : memref<!tpu.dma_semaphore, #tpu.memory_space<semaphore_mem>>) src(%dma_wait3A_114 : memref<128x128xf32, #tpu.memory_space<vmem_shared>>) dst(%arg10 : memref<128x128xf32, #tpu.memory_space<vmem>>)
      tpu.yield
    }) : () -> ()
    "tpu.region"() ({
      %run_scoped3A = tpu.sem_alloc : memref<!tpu.dma_semaphore, #tpu.memory_space<semaphore_mem>>
      %dma_start3A_108 = arith.constant 0 : i32
      %dma_start3A_109 = arith.constant 0 : i32
      %dma_start3A_110 = tpu.memref_slice %arg6[%arg0, %dma_start3A_108, %dma_start3A_109] : memref<2x10240x128xf32, #tpu.memory_space<hbm>> -> memref<1x10240x128xf32, #tpu.memory_space<hbm>>
      %dma_start3A_111 = tpu.memref_squeeze %dma_start3A_110 : memref<1x10240x128xf32, #tpu.memory_space<hbm>> -> memref<10240x128xf32, #tpu.memory_space<hbm>>
      %dma_start3A_112 = arith.constant 0 : i32
      %dma_start3A_113 = tpu.memref_slice %dma_start3A_111[%mul3A_89, %dma_start3A_112] : memref<10240x128xf32, #tpu.memory_space<hbm>> -> memref<128x128xf32, #tpu.memory_space<hbm>>
      %dma_start3A_114 = arith.constant 0 : i32
      %dma_start3A_115 = arith.constant 0 : i32
      %dma_start3A_116 = tpu.memref_slice %arg6[%arg0, %dma_start3A_114, %dma_start3A_115] : memref<2x10240x128xf32, #tpu.memory_space<hbm>> -> memref<1x10240x128xf32, #tpu.memory_space<hbm>>
      %dma_start3A_117 = tpu.memref_squeeze %dma_start3A_116 : memref<1x10240x128xf32, #tpu.memory_space<hbm>> -> memref<10240x128xf32, #tpu.memory_space<hbm>>
      %dma_start3A_118 = arith.constant 0 : i32
      %dma_start3A_119 = tpu.memref_slice %dma_start3A_117[%mul3A_89, %dma_start3A_118] : memref<10240x128xf32, #tpu.memory_space<hbm>> -> memref<128x128xf32, #tpu.memory_space<hbm>>
      tpu.enqueue_dma source(%arg10 : memref<128x128xf32, #tpu.memory_space<vmem>>) target(%dma_start3A_119 : memref<128x128xf32, #tpu.memory_space<hbm>>) target_semaphore(%run_scoped3A : memref<!tpu.dma_semaphore, #tpu.memory_space<semaphore_mem>>)
      %dma_wait3A = arith.constant 0 : i32
      %dma_wait3A_120 = arith.constant 0 : i32
      %dma_wait3A_121 = tpu.memref_slice %arg6[%arg0, %dma_wait3A, %dma_wait3A_120] : memref<2x10240x128xf32, #tpu.memory_space<hbm>> -> memref<1x10240x128xf32, #tpu.memory_space<hbm>>
      %dma_wait3A_122 = tpu.memref_squeeze %dma_wait3A_121 : memref<1x10240x128xf32, #tpu.memory_space<hbm>> -> memref<10240x128xf32, #tpu.memory_space<hbm>>
      %dma_wait3A_123 = arith.constant 0 : i32
      %dma_wait3A_124 = tpu.memref_slice %dma_wait3A_122[%mul3A_89, %dma_wait3A_123] : memref<10240x128xf32, #tpu.memory_space<hbm>> -> memref<128x128xf32, #tpu.memory_space<hbm>>
      %dma_wait3A_125 = arith.constant 0 : i32
      %dma_wait3A_126 = arith.constant 0 : i32
      %dma_wait3A_127 = tpu.memref_slice %arg6[%arg0, %dma_wait3A_125, %dma_wait3A_126] : memref<2x10240x128xf32, #tpu.memory_space<hbm>> -> memref<1x10240x128xf32, #tpu.memory_space<hbm>>
      %dma_wait3A_128 = tpu.memref_squeeze %dma_wait3A_127 : memref<1x10240x128xf32, #tpu.memory_space<hbm>> -> memref<10240x128xf32, #tpu.memory_space<hbm>>
      %dma_wait3A_129 = arith.constant 0 : i32
      %dma_wait3A_130 = tpu.memref_slice %dma_wait3A_128[%mul3A_89, %dma_wait3A_129] : memref<10240x128xf32, #tpu.memory_space<hbm>> -> memref<128x128xf32, #tpu.memory_space<hbm>>
      tpu.wait_dma2 semaphore(%run_scoped3A : memref<!tpu.dma_semaphore, #tpu.memory_space<semaphore_mem>>) src(%arg10 : memref<128x128xf32, #tpu.memory_space<vmem>>) dst(%dma_wait3A_130 : memref<128x128xf32, #tpu.memory_space<hbm>>)
      tpu.yield
    }) : () -> ()
    %mul3A_90 = arith.constant 5 : i32
    %mul3A_91 = arith.muli %arg1, %mul3A_90 : i32
    %add3A_92 = arith.constant 2 : i32
    %add3A_93 = arith.addi %mul3A_91, %add3A_92 : i32
    %mul3A_94 = arith.constant 128 : i32
    %mul3A_95 = arith.muli %add3A_93, %mul3A_94 : i32
    "tpu.region"() ({
      %run_scoped3A = tpu.sem_alloc : memref<!tpu.dma_semaphore, #tpu.memory_space<semaphore_mem>>
      %dma_start3A_108 = arith.constant 0 : i32
      %dma_start3A_109 = tpu.memref_slice %arg12[%mul3A_95, %dma_start3A_108] : memref<10240x128xf32, #tpu.memory_space<vmem_shared>> -> memref<128x128xf32, #tpu.memory_space<vmem_shared>>
      %dma_start3A_110 = arith.constant 0 : i32
      %dma_start3A_111 = tpu.memref_slice %arg12[%mul3A_95, %dma_start3A_110] : memref<10240x128xf32, #tpu.memory_space<vmem_shared>> -> memref<128x128xf32, #tpu.memory_space<vmem_shared>>
      tpu.enqueue_dma source(%dma_start3A_111 : memref<128x128xf32, #tpu.memory_space<vmem_shared>>) target(%arg10 : memref<128x128xf32, #tpu.memory_space<vmem>>) target_semaphore(%run_scoped3A : memref<!tpu.dma_semaphore, #tpu.memory_space<semaphore_mem>>)
      %dma_wait3A = arith.constant 0 : i32
      %dma_wait3A_112 = tpu.memref_slice %arg12[%mul3A_95, %dma_wait3A] : memref<10240x128xf32, #tpu.memory_space<vmem_shared>> -> memref<128x128xf32, #tpu.memory_space<vmem_shared>>
      %dma_wait3A_113 = arith.constant 0 : i32
      %dma_wait3A_114 = tpu.memref_slice %arg12[%mul3A_95, %dma_wait3A_113] : memref<10240x128xf32, #tpu.memory_space<vmem_shared>> -> memref<128x128xf32, #tpu.memory_space<vmem_shared>>
      tpu.wait_dma2 semaphore(%run_scoped3A : memref<!tpu.dma_semaphore, #tpu.memory_space<semaphore_mem>>) src(%dma_wait3A_114 : memref<128x128xf32, #tpu.memory_space<vmem_shared>>) dst(%arg10 : memref<128x128xf32, #tpu.memory_space<vmem>>)
      tpu.yield
    }) : () -> ()
    "tpu.region"() ({
      %run_scoped3A = tpu.sem_alloc : memref<!tpu.dma_semaphore, #tpu.memory_space<semaphore_mem>>
      %dma_start3A_108 = arith.constant 0 : i32
      %dma_start3A_109 = arith.constant 0 : i32
      %dma_start3A_110 = tpu.memref_slice %arg6[%arg0, %dma_start3A_108, %dma_start3A_109] : memref<2x10240x128xf32, #tpu.memory_space<hbm>> -> memref<1x10240x128xf32, #tpu.memory_space<hbm>>
      %dma_start3A_111 = tpu.memref_squeeze %dma_start3A_110 : memref<1x10240x128xf32, #tpu.memory_space<hbm>> -> memref<10240x128xf32, #tpu.memory_space<hbm>>
      %dma_start3A_112 = arith.constant 0 : i32
      %dma_start3A_113 = tpu.memref_slice %dma_start3A_111[%mul3A_95, %dma_start3A_112] : memref<10240x128xf32, #tpu.memory_space<hbm>> -> memref<128x128xf32, #tpu.memory_space<hbm>>
      %dma_start3A_114 = arith.constant 0 : i32
      %dma_start3A_115 = arith.constant 0 : i32
      %dma_start3A_116 = tpu.memref_slice %arg6[%arg0, %dma_start3A_114, %dma_start3A_115] : memref<2x10240x128xf32, #tpu.memory_space<hbm>> -> memref<1x10240x128xf32, #tpu.memory_space<hbm>>
      %dma_start3A_117 = tpu.memref_squeeze %dma_start3A_116 : memref<1x10240x128xf32, #tpu.memory_space<hbm>> -> memref<10240x128xf32, #tpu.memory_space<hbm>>
      %dma_start3A_118 = arith.constant 0 : i32
      %dma_start3A_119 = tpu.memref_slice %dma_start3A_117[%mul3A_95, %dma_start3A_118] : memref<10240x128xf32, #tpu.memory_space<hbm>> -> memref<128x128xf32, #tpu.memory_space<hbm>>
      tpu.enqueue_dma source(%arg10 : memref<128x128xf32, #tpu.memory_space<vmem>>) target(%dma_start3A_119 : memref<128x128xf32, #tpu.memory_space<hbm>>) target_semaphore(%run_scoped3A : memref<!tpu.dma_semaphore, #tpu.memory_space<semaphore_mem>>)
      %dma_wait3A = arith.constant 0 : i32
      %dma_wait3A_120 = arith.constant 0 : i32
      %dma_wait3A_121 = tpu.memref_slice %arg6[%arg0, %dma_wait3A, %dma_wait3A_120] : memref<2x10240x128xf32, #tpu.memory_space<hbm>> -> memref<1x10240x128xf32, #tpu.memory_space<hbm>>
      %dma_wait3A_122 = tpu.memref_squeeze %dma_wait3A_121 : memref<1x10240x128xf32, #tpu.memory_space<hbm>> -> memref<10240x128xf32, #tpu.memory_space<hbm>>
      %dma_wait3A_123 = arith.constant 0 : i32
      %dma_wait3A_124 = tpu.memref_slice %dma_wait3A_122[%mul3A_95, %dma_wait3A_123] : memref<10240x128xf32, #tpu.memory_space<hbm>> -> memref<128x128xf32, #tpu.memory_space<hbm>>
      %dma_wait3A_125 = arith.constant 0 : i32
      %dma_wait3A_126 = arith.constant 0 : i32
      %dma_wait3A_127 = tpu.memref_slice %arg6[%arg0, %dma_wait3A_125, %dma_wait3A_126] : memref<2x10240x128xf32, #tpu.memory_space<hbm>> -> memref<1x10240x128xf32, #tpu.memory_space<hbm>>
      %dma_wait3A_128 = tpu.memref_squeeze %dma_wait3A_127 : memref<1x10240x128xf32, #tpu.memory_space<hbm>> -> memref<10240x128xf32, #tpu.memory_space<hbm>>
      %dma_wait3A_129 = arith.constant 0 : i32
      %dma_wait3A_130 = tpu.memref_slice %dma_wait3A_128[%mul3A_95, %dma_wait3A_129] : memref<10240x128xf32, #tpu.memory_space<hbm>> -> memref<128x128xf32, #tpu.memory_space<hbm>>
      tpu.wait_dma2 semaphore(%run_scoped3A : memref<!tpu.dma_semaphore, #tpu.memory_space<semaphore_mem>>) src(%arg10 : memref<128x128xf32, #tpu.memory_space<vmem>>) dst(%dma_wait3A_130 : memref<128x128xf32, #tpu.memory_space<hbm>>)
      tpu.yield
    }) : () -> ()
    %mul3A_96 = arith.constant 5 : i32
    %mul3A_97 = arith.muli %arg1, %mul3A_96 : i32
    %add3A_98 = arith.constant 3 : i32
    %add3A_99 = arith.addi %mul3A_97, %add3A_98 : i32
    %mul3A_100 = arith.constant 128 : i32
    %mul3A_101 = arith.muli %add3A_99, %mul3A_100 : i32
    "tpu.region"() ({
      %run_scoped3A = tpu.sem_alloc : memref<!tpu.dma_semaphore, #tpu.memory_space<semaphore_mem>>
      %dma_start3A_108 = arith.constant 0 : i32
      %dma_start3A_109 = tpu.memref_slice %arg12[%mul3A_101, %dma_start3A_108] : memref<10240x128xf32, #tpu.memory_space<vmem_shared>> -> memref<128x128xf32, #tpu.memory_space<vmem_shared>>
      %dma_start3A_110 = arith.constant 0 : i32
      %dma_start3A_111 = tpu.memref_slice %arg12[%mul3A_101, %dma_start3A_110] : memref<10240x128xf32, #tpu.memory_space<vmem_shared>> -> memref<128x128xf32, #tpu.memory_space<vmem_shared>>
      tpu.enqueue_dma source(%dma_start3A_111 : memref<128x128xf32, #tpu.memory_space<vmem_shared>>) target(%arg10 : memref<128x128xf32, #tpu.memory_space<vmem>>) target_semaphore(%run_scoped3A : memref<!tpu.dma_semaphore, #tpu.memory_space<semaphore_mem>>)
      %dma_wait3A = arith.constant 0 : i32
      %dma_wait3A_112 = tpu.memref_slice %arg12[%mul3A_101, %dma_wait3A] : memref<10240x128xf32, #tpu.memory_space<vmem_shared>> -> memref<128x128xf32, #tpu.memory_space<vmem_shared>>
      %dma_wait3A_113 = arith.constant 0 : i32
      %dma_wait3A_114 = tpu.memref_slice %arg12[%mul3A_101, %dma_wait3A_113] : memref<10240x128xf32, #tpu.memory_space<vmem_shared>> -> memref<128x128xf32, #tpu.memory_space<vmem_shared>>
      tpu.wait_dma2 semaphore(%run_scoped3A : memref<!tpu.dma_semaphore, #tpu.memory_space<semaphore_mem>>) src(%dma_wait3A_114 : memref<128x128xf32, #tpu.memory_space<vmem_shared>>) dst(%arg10 : memref<128x128xf32, #tpu.memory_space<vmem>>)
      tpu.yield
    }) : () -> ()
    "tpu.region"() ({
      %run_scoped3A = tpu.sem_alloc : memref<!tpu.dma_semaphore, #tpu.memory_space<semaphore_mem>>
      %dma_start3A_108 = arith.constant 0 : i32
      %dma_start3A_109 = arith.constant 0 : i32
      %dma_start3A_110 = tpu.memref_slice %arg6[%arg0, %dma_start3A_108, %dma_start3A_109] : memref<2x10240x128xf32, #tpu.memory_space<hbm>> -> memref<1x10240x128xf32, #tpu.memory_space<hbm>>
      %dma_start3A_111 = tpu.memref_squeeze %dma_start3A_110 : memref<1x10240x128xf32, #tpu.memory_space<hbm>> -> memref<10240x128xf32, #tpu.memory_space<hbm>>
      %dma_start3A_112 = arith.constant 0 : i32
      %dma_start3A_113 = tpu.memref_slice %dma_start3A_111[%mul3A_101, %dma_start3A_112] : memref<10240x128xf32, #tpu.memory_space<hbm>> -> memref<128x128xf32, #tpu.memory_space<hbm>>
      %dma_start3A_114 = arith.constant 0 : i32
      %dma_start3A_115 = arith.constant 0 : i32
      %dma_start3A_116 = tpu.memref_slice %arg6[%arg0, %dma_start3A_114, %dma_start3A_115] : memref<2x10240x128xf32, #tpu.memory_space<hbm>> -> memref<1x10240x128xf32, #tpu.memory_space<hbm>>
      %dma_start3A_117 = tpu.memref_squeeze %dma_start3A_116 : memref<1x10240x128xf32, #tpu.memory_space<hbm>> -> memref<10240x128xf32, #tpu.memory_space<hbm>>
      %dma_start3A_118 = arith.constant 0 : i32
      %dma_start3A_119 = tpu.memref_slice %dma_start3A_117[%mul3A_101, %dma_start3A_118] : memref<10240x128xf32, #tpu.memory_space<hbm>> -> memref<128x128xf32, #tpu.memory_space<hbm>>
      tpu.enqueue_dma source(%arg10 : memref<128x128xf32, #tpu.memory_space<vmem>>) target(%dma_start3A_119 : memref<128x128xf32, #tpu.memory_space<hbm>>) target_semaphore(%run_scoped3A : memref<!tpu.dma_semaphore, #tpu.memory_space<semaphore_mem>>)
      %dma_wait3A = arith.constant 0 : i32
      %dma_wait3A_120 = arith.constant 0 : i32
      %dma_wait3A_121 = tpu.memref_slice %arg6[%arg0, %dma_wait3A, %dma_wait3A_120] : memref<2x10240x128xf32, #tpu.memory_space<hbm>> -> memref<1x10240x128xf32, #tpu.memory_space<hbm>>
      %dma_wait3A_122 = tpu.memref_squeeze %dma_wait3A_121 : memref<1x10240x128xf32, #tpu.memory_space<hbm>> -> memref<10240x128xf32, #tpu.memory_space<hbm>>
      %dma_wait3A_123 = arith.constant 0 : i32
      %dma_wait3A_124 = tpu.memref_slice %dma_wait3A_122[%mul3A_101, %dma_wait3A_123] : memref<10240x128xf32, #tpu.memory_space<hbm>> -> memref<128x128xf32, #tpu.memory_space<hbm>>
      %dma_wait3A_125 = arith.constant 0 : i32
      %dma_wait3A_126 = arith.constant 0 : i32
      %dma_wait3A_127 = tpu.memref_slice %arg6[%arg0, %dma_wait3A_125, %dma_wait3A_126] : memref<2x10240x128xf32, #tpu.memory_space<hbm>> -> memref<1x10240x128xf32, #tpu.memory_space<hbm>>
      %dma_wait3A_128 = tpu.memref_squeeze %dma_wait3A_127 : memref<1x10240x128xf32, #tpu.memory_space<hbm>> -> memref<10240x128xf32, #tpu.memory_space<hbm>>
      %dma_wait3A_129 = arith.constant 0 : i32
      %dma_wait3A_130 = tpu.memref_slice %dma_wait3A_128[%mul3A_101, %dma_wait3A_129] : memref<10240x128xf32, #tpu.memory_space<hbm>> -> memref<128x128xf32, #tpu.memory_space<hbm>>
      tpu.wait_dma2 semaphore(%run_scoped3A : memref<!tpu.dma_semaphore, #tpu.memory_space<semaphore_mem>>) src(%arg10 : memref<128x128xf32, #tpu.memory_space<vmem>>) dst(%dma_wait3A_130 : memref<128x128xf32, #tpu.memory_space<hbm>>)
      tpu.yield
    }) : () -> ()
    %mul3A_102 = arith.constant 5 : i32
    %mul3A_103 = arith.muli %arg1, %mul3A_102 : i32
    %add3A_104 = arith.constant 4 : i32
    %add3A_105 = arith.addi %mul3A_103, %add3A_104 : i32
    %mul3A_106 = arith.constant 128 : i32
    %mul3A_107 = arith.muli %add3A_105, %mul3A_106 : i32
    "tpu.region"() ({
      %run_scoped3A = tpu.sem_alloc : memref<!tpu.dma_semaphore, #tpu.memory_space<semaphore_mem>>
      %dma_start3A_108 = arith.constant 0 : i32
      %dma_start3A_109 = tpu.memref_slice %arg12[%mul3A_107, %dma_start3A_108] : memref<10240x128xf32, #tpu.memory_space<vmem_shared>> -> memref<128x128xf32, #tpu.memory_space<vmem_shared>>
      %dma_start3A_110 = arith.constant 0 : i32
      %dma_start3A_111 = tpu.memref_slice %arg12[%mul3A_107, %dma_start3A_110] : memref<10240x128xf32, #tpu.memory_space<vmem_shared>> -> memref<128x128xf32, #tpu.memory_space<vmem_shared>>
      tpu.enqueue_dma source(%dma_start3A_111 : memref<128x128xf32, #tpu.memory_space<vmem_shared>>) target(%arg10 : memref<128x128xf32, #tpu.memory_space<vmem>>) target_semaphore(%run_scoped3A : memref<!tpu.dma_semaphore, #tpu.memory_space<semaphore_mem>>)
      %dma_wait3A = arith.constant 0 : i32
      %dma_wait3A_112 = tpu.memref_slice %arg12[%mul3A_107, %dma_wait3A] : memref<10240x128xf32, #tpu.memory_space<vmem_shared>> -> memref<128x128xf32, #tpu.memory_space<vmem_shared>>
      %dma_wait3A_113 = arith.constant 0 : i32
      %dma_wait3A_114 = tpu.memref_slice %arg12[%mul3A_107, %dma_wait3A_113] : memref<10240x128xf32, #tpu.memory_space<vmem_shared>> -> memref<128x128xf32, #tpu.memory_space<vmem_shared>>
      tpu.wait_dma2 semaphore(%run_scoped3A : memref<!tpu.dma_semaphore, #tpu.memory_space<semaphore_mem>>) src(%dma_wait3A_114 : memref<128x128xf32, #tpu.memory_space<vmem_shared>>) dst(%arg10 : memref<128x128xf32, #tpu.memory_space<vmem>>)
      tpu.yield
    }) : () -> ()
    "tpu.region"() ({
      %run_scoped3A = tpu.sem_alloc : memref<!tpu.dma_semaphore, #tpu.memory_space<semaphore_mem>>
      %dma_start3A_108 = arith.constant 0 : i32
      %dma_start3A_109 = arith.constant 0 : i32
      %dma_start3A_110 = tpu.memref_slice %arg6[%arg0, %dma_start3A_108, %dma_start3A_109] : memref<2x10240x128xf32, #tpu.memory_space<hbm>> -> memref<1x10240x128xf32, #tpu.memory_space<hbm>>
      %dma_start3A_111 = tpu.memref_squeeze %dma_start3A_110 : memref<1x10240x128xf32, #tpu.memory_space<hbm>> -> memref<10240x128xf32, #tpu.memory_space<hbm>>
      %dma_start3A_112 = arith.constant 0 : i32
      %dma_start3A_113 = tpu.memref_slice %dma_start3A_111[%mul3A_107, %dma_start3A_112] : memref<10240x128xf32, #tpu.memory_space<hbm>> -> memref<128x128xf32, #tpu.memory_space<hbm>>
      %dma_start3A_114 = arith.constant 0 : i32
      %dma_start3A_115 = arith.constant 0 : i32
      %dma_start3A_116 = tpu.memref_slice %arg6[%arg0, %dma_start3A_114, %dma_start3A_115] : memref<2x10240x128xf32, #tpu.memory_space<hbm>> -> memref<1x10240x128xf32, #tpu.memory_space<hbm>>
      %dma_start3A_117 = tpu.memref_squeeze %dma_start3A_116 : memref<1x10240x128xf32, #tpu.memory_space<hbm>> -> memref<10240x128xf32, #tpu.memory_space<hbm>>
      %dma_start3A_118 = arith.constant 0 : i32
      %dma_start3A_119 = tpu.memref_slice %dma_start3A_117[%mul3A_107, %dma_start3A_118] : memref<10240x128xf32, #tpu.memory_space<hbm>> -> memref<128x128xf32, #tpu.memory_space<hbm>>
      tpu.enqueue_dma source(%arg10 : memref<128x128xf32, #tpu.memory_space<vmem>>) target(%dma_start3A_119 : memref<128x128xf32, #tpu.memory_space<hbm>>) target_semaphore(%run_scoped3A : memref<!tpu.dma_semaphore, #tpu.memory_space<semaphore_mem>>)
      %dma_wait3A = arith.constant 0 : i32
      %dma_wait3A_120 = arith.constant 0 : i32
      %dma_wait3A_121 = tpu.memref_slice %arg6[%arg0, %dma_wait3A, %dma_wait3A_120] : memref<2x10240x128xf32, #tpu.memory_space<hbm>> -> memref<1x10240x128xf32, #tpu.memory_space<hbm>>
      %dma_wait3A_122 = tpu.memref_squeeze %dma_wait3A_121 : memref<1x10240x128xf32, #tpu.memory_space<hbm>> -> memref<10240x128xf32, #tpu.memory_space<hbm>>
      %dma_wait3A_123 = arith.constant 0 : i32
      %dma_wait3A_124 = tpu.memref_slice %dma_wait3A_122[%mul3A_107, %dma_wait3A_123] : memref<10240x128xf32, #tpu.memory_space<hbm>> -> memref<128x128xf32, #tpu.memory_space<hbm>>
      %dma_wait3A_125 = arith.constant 0 : i32
      %dma_wait3A_126 = arith.constant 0 : i32
      %dma_wait3A_127 = tpu.memref_slice %arg6[%arg0, %dma_wait3A_125, %dma_wait3A_126] : memref<2x10240x128xf32, #tpu.memory_space<hbm>> -> memref<1x10240x128xf32, #tpu.memory_space<hbm>>
      %dma_wait3A_128 = tpu.memref_squeeze %dma_wait3A_127 : memref<1x10240x128xf32, #tpu.memory_space<hbm>> -> memref<10240x128xf32, #tpu.memory_space<hbm>>
      %dma_wait3A_129 = arith.constant 0 : i32
      %dma_wait3A_130 = tpu.memref_slice %dma_wait3A_128[%mul3A_107, %dma_wait3A_129] : memref<10240x128xf32, #tpu.memory_space<hbm>> -> memref<128x128xf32, #tpu.memory_space<hbm>>
      tpu.wait_dma2 semaphore(%run_scoped3A : memref<!tpu.dma_semaphore, #tpu.memory_space<semaphore_mem>>) src(%arg10 : memref<128x128xf32, #tpu.memory_space<vmem>>) dst(%dma_wait3A_130 : memref<128x128xf32, #tpu.memory_space<hbm>>)
      tpu.yield
    }) : () -> ()
    return
  }
}

module attributes {stable_mosaic.version = 14 : i64} {
  func.func @_pre_body(%arg0: i32, %arg1: memref<1000x2xf32, #tpu.memory_space<vmem>>, %arg2: memref<1000x128xf32, #tpu.memory_space<vmem>>, %arg3: memref<128x128xf32, #tpu.memory_space<vmem>>, %arg4: memref<1000x1xf32, #tpu.memory_space<vmem>>, %arg5: memref<1000x128xf32, #tpu.memory_space<vmem>>) attributes {dimension_semantics = [#tpu.dimension_semantics<arbitrary>], iteration_bounds = array<i64: 10>, scalar_prefetch = 0 : i64, scratch_operands = 0 : i64, tpu.core_type = #tpu.core_type<tc>, window_params = [{transform_indices = @transform_0, window_bounds = array<i64: 1000, 2>}, {transform_indices = @transform_1, window_bounds = array<i64: 1000, 128>}, {pipeline_mode = #tpu.pipeline_mode<synchronous>, transform_indices = @transform_2, window_bounds = array<i64: 128, 128>}, {transform_indices = @transform_3, window_bounds = array<i64: 1000, 1>}, {transform_indices = @transform_4, window_bounds = array<i64: 1000, 128>}]} {
    %get3A = arith.constant 0 : index
    %get3A_0 = arith.constant 0 : index
    %get3A_1 = vector.load %arg1[%get3A, %get3A_0] : memref<1000x2xf32, #tpu.memory_space<vmem>>, vector<1000x1xf32>
    %get3A_2 = arith.constant 0 : index
    %get3A_3 = arith.constant 1 : index
    %get3A_4 = vector.load %arg1[%get3A_2, %get3A_3] : memref<1000x2xf32, #tpu.memory_space<vmem>>, vector<1000x1xf32>
    %add3A = arith.addf %get3A_1, %get3A_4 : vector<1000x1xf32>
    %add3A_5 = arith.constant 1.000000e+00 : f32
    %add3A_6 = vector.broadcast %add3A_5 : f32 to vector<1000x1xf32>
    %add3A_7 = arith.addf %add3A, %add3A_6 : vector<1000x1xf32>
    %rsqrt3A = math.rsqrt %add3A_7 : vector<1000x1xf32>
    %swap3A = arith.constant 0 : index
    %swap3A_8 = arith.constant 0 : index
    %swap3A_9 = vector.load %arg4[%swap3A, %swap3A_8] : memref<1000x1xf32, #tpu.memory_space<vmem>>, vector<1000x1xf32>
    tpu.vector_store %arg4[%swap3A, %swap3A_8], %rsqrt3A {strides = array<i32>} : memref<1000x1xf32, #tpu.memory_space<vmem>>, vector<1000x1xf32>,
    %get3A_10 = arith.constant 0 : index
    %get3A_11 = arith.constant 0 : index
    %get3A_12 = vector.load %arg2[%get3A_10, %get3A_11] : memref<1000x128xf32, #tpu.memory_space<vmem>>, vector<1000x128xf32>
    %get3A_13 = arith.constant 0 : index
    %get3A_14 = arith.constant 0 : index
    %get3A_15 = vector.load %arg3[%get3A_13, %get3A_14] : memref<128x128xf32, #tpu.memory_space<vmem>>, vector<128x128xf32>
    %dot_general3A = arith.constant dense<0.000000e+00> : vector<1000x128xf32>
    %dot_general3A_16 = tpu.matmul %get3A_12, %get3A_15, %dot_general3A {dimension_numbers = #tpu.dot_dimension_numbers<[1], [0], [0], [1], [0, 0, 1, 1], [], []>, transpose_lhs_hint = false} : vector<1000x128xf32>, vector<128x128xf32>, vector<1000x128xf32> -> vector<1000x128xf32>
    %mul3A = vector.broadcast %rsqrt3A : vector<1000x1xf32> to vector<1000x128xf32>
    %mul3A_17 = arith.mulf %mul3A, %dot_general3A_16 : vector<1000x128xf32>
    %swap3A_18 = arith.constant 0 : index
    %swap3A_19 = arith.constant 0 : index
    %swap3A_20 = vector.load %arg5[%swap3A_18, %swap3A_19] : memref<1000x128xf32, #tpu.memory_space<vmem>>, vector<1000x128xf32>
    tpu.vector_store %arg5[%swap3A_18, %swap3A_19], %mul3A_17 {strides = array<i32>} : memref<1000x128xf32, #tpu.memory_space<vmem>>, vector<1000x128xf32>,
    return
  }
  func.func @transform_0(%arg0: i32) -> (i32, i32) {
    %c0_i32 = arith.constant 0 : i32
    %c0_i32_0 = arith.constant 0 : i32
    return %arg0, %c0_i32 : i32, i32
  }
  func.func @transform_1(%arg0: i32) -> (i32, i32) {
    %c0_i32 = arith.constant 0 : i32
    %c0_i32_0 = arith.constant 0 : i32
    return %arg0, %c0_i32 : i32, i32
  }
  func.func @transform_2(%arg0: i32) -> (i32, i32) {
    %c0_i32 = arith.constant 0 : i32
    %c0_i32_0 = arith.constant 0 : i32
    %c0_i32_1 = arith.constant 0 : i32
    return %c0_i32, %c0_i32_0 : i32, i32
  }
  func.func @transform_3(%arg0: i32) -> (i32, i32) {
    %c0_i32 = arith.constant 0 : i32
    %c0_i32_0 = arith.constant 0 : i32
    return %arg0, %c0_i32 : i32, i32
  }
  func.func @transform_4(%arg0: i32) -> (i32, i32) {
    %c0_i32 = arith.constant 0 : i32
    %c0_i32_0 = arith.constant 0 : i32
    return %arg0, %c0_i32 : i32, i32
  }
}

module attributes {stable_mosaic.version = 14 : i64} {
  func.func @_mid_body(%arg0: i32, %arg1: memref<2x1000x128xf32, #tpu.memory_space<vmem>>, %arg2: memref<1000x128xf32, #tpu.memory_space<vmem>>, %arg3: memref<1000x1xf32, #tpu.memory_space<vmem>>, %arg4: memref<128xf32, #tpu.memory_space<vmem>>, %arg5: memref<128x128xf32, #tpu.memory_space<vmem>>, %arg6: memref<1000x128xf32, #tpu.memory_space<vmem>>) attributes {dimension_semantics = [#tpu.dimension_semantics<arbitrary>], iteration_bounds = array<i64: 10>, scalar_prefetch = 0 : i64, scratch_operands = 0 : i64, tpu.core_type = #tpu.core_type<tc>, window_params = [{transform_indices = @transform_0, window_bounds = array<i64: 2, 1000, 128>}, {transform_indices = @transform_1, window_bounds = array<i64: 1000, 128>}, {transform_indices = @transform_2, window_bounds = array<i64: 1000, 1>}, {pipeline_mode = #tpu.pipeline_mode<synchronous>, transform_indices = @transform_3, window_bounds = array<i64: 128>}, {pipeline_mode = #tpu.pipeline_mode<synchronous>, transform_indices = @transform_4, window_bounds = array<i64: 128, 128>}, {transform_indices = @transform_5, window_bounds = array<i64: 1000, 128>}]} {
    %get3A = arith.constant 0 : index
    %get3A_0 = arith.constant 0 : index
    %get3A_1 = vector.load %arg3[%get3A, %get3A_0] : memref<1000x1xf32, #tpu.memory_space<vmem>>, vector<1000x1xf32>
    %get3A_2 = arith.constant 0 : index
    %get3A_3 = arith.constant 0 : index
    %get3A_4 = arith.constant 0 : index
    %get3A_5 = vector.load %arg1[%get3A_2, %get3A_3, %get3A_4] : memref<2x1000x128xf32, #tpu.memory_space<vmem>>, vector<1x1000x128xf32>
    %get3A_6 = vector.shape_cast %get3A_5 : vector<1x1000x128xf32> to vector<1000x128xf32>
    %get3A_7 = arith.constant 1 : index
    %get3A_8 = arith.constant 0 : index
    %get3A_9 = arith.constant 0 : index
    %get3A_10 = vector.load %arg1[%get3A_7, %get3A_8, %get3A_9] : memref<2x1000x128xf32, #tpu.memory_space<vmem>>, vector<1x1000x128xf32>
    %get3A_11 = vector.shape_cast %get3A_10 : vector<1x1000x128xf32> to vector<1000x128xf32>
    %add3A = arith.addf %get3A_6, %get3A_11 : vector<1000x128xf32>
    %get3A_12 = arith.constant 0 : index
    %get3A_13 = arith.constant 0 : index
    %get3A_14 = vector.load %arg2[%get3A_12, %get3A_13] : memref<1000x128xf32, #tpu.memory_space<vmem>>, vector<1000x128xf32>
    %add3A_15 = arith.addf %add3A, %get3A_14 : vector<1000x128xf32>
    %mul3A = vector.broadcast %get3A_1 : vector<1000x1xf32> to vector<1000x128xf32>
    %mul3A_16 = arith.mulf %mul3A, %add3A_15 : vector<1000x128xf32>
    %get3A_17 = arith.constant 0 : index
    %get3A_18 = vector.load %arg4[%get3A_17] : memref<128xf32, #tpu.memory_space<vmem>>, vector<128xf32>
    %broadcast_in_dim3A = vector.shape_cast %get3A_18 : vector<128xf32> to vector<1x128xf32>
    %add3A_19 = vector.broadcast %broadcast_in_dim3A : vector<1x128xf32> to vector<1000x128xf32>
    %add3A_20 = arith.addf %mul3A_16, %add3A_19 : vector<1000x128xf32>
    %get3A_21 = arith.constant 0 : index
    %get3A_22 = arith.constant 0 : index
    %get3A_23 = vector.load %arg5[%get3A_21, %get3A_22] : memref<128x128xf32, #tpu.memory_space<vmem>>, vector<128x128xf32>
    %dot_general3A = arith.constant dense<0.000000e+00> : vector<1000x128xf32>
    %dot_general3A_24 = tpu.matmul %add3A_20, %get3A_23, %dot_general3A {dimension_numbers = #tpu.dot_dimension_numbers<[1], [0], [0], [1], [0, 0, 1, 1], [], []>, transpose_lhs_hint = false} : vector<1000x128xf32>, vector<128x128xf32>, vector<1000x128xf32> -> vector<1000x128xf32>
    %mul3A_25 = vector.broadcast %get3A_1 : vector<1000x1xf32> to vector<1000x128xf32>
    %mul3A_26 = arith.mulf %mul3A_25, %dot_general3A_24 : vector<1000x128xf32>
    %swap3A = arith.constant 0 : index
    %swap3A_27 = arith.constant 0 : index
    %swap3A_28 = vector.load %arg6[%swap3A, %swap3A_27] : memref<1000x128xf32, #tpu.memory_space<vmem>>, vector<1000x128xf32>
    tpu.vector_store %arg6[%swap3A, %swap3A_27], %mul3A_26 {strides = array<i32>} : memref<1000x128xf32, #tpu.memory_space<vmem>>, vector<1000x128xf32>,
    return
  }
  func.func @transform_0(%arg0: i32) -> (i32, i32, i32) {
    %c0_i32 = arith.constant 0 : i32
    %c0_i32_0 = arith.constant 0 : i32
    %c0_i32_1 = arith.constant 0 : i32
    return %c0_i32, %arg0, %c0_i32_0 : i32, i32, i32
  }
  func.func @transform_1(%arg0: i32) -> (i32, i32) {
    %c0_i32 = arith.constant 0 : i32
    %c0_i32_0 = arith.constant 0 : i32
    return %arg0, %c0_i32 : i32, i32
  }
  func.func @transform_2(%arg0: i32) -> (i32, i32) {
    %c0_i32 = arith.constant 0 : i32
    %c0_i32_0 = arith.constant 0 : i32
    return %arg0, %c0_i32 : i32, i32
  }
  func.func @transform_3(%arg0: i32) -> i32 {
    %c0_i32 = arith.constant 0 : i32
    %c0_i32_0 = arith.constant 0 : i32
    return %c0_i32 : i32
  }
  func.func @transform_4(%arg0: i32) -> (i32, i32) {
    %c0_i32 = arith.constant 0 : i32
    %c0_i32_0 = arith.constant 0 : i32
    %c0_i32_1 = arith.constant 0 : i32
    return %c0_i32, %c0_i32_0 : i32, i32
  }
  func.func @transform_5(%arg0: i32) -> (i32, i32) {
    %c0_i32 = arith.constant 0 : i32
    %c0_i32_0 = arith.constant 0 : i32
    return %arg0, %c0_i32 : i32, i32
  }
}

module attributes {stable_mosaic.version = 14 : i64} {
  func.func @_post_body(%arg0: i32, %arg1: memref<2x1000x128xf32, #tpu.memory_space<vmem>>, %arg2: memref<1000x128xf32, #tpu.memory_space<vmem>>, %arg3: memref<1000x1xf32, #tpu.memory_space<vmem>>, %arg4: memref<128xf32, #tpu.memory_space<vmem>>, %arg5: memref<1000x128xf32, #tpu.memory_space<vmem>>) attributes {dimension_semantics = [#tpu.dimension_semantics<arbitrary>], iteration_bounds = array<i64: 10>, scalar_prefetch = 0 : i64, scratch_operands = 0 : i64, tpu.core_type = #tpu.core_type<tc>, window_params = [{transform_indices = @transform_0, window_bounds = array<i64: 2, 1000, 128>}, {transform_indices = @transform_1, window_bounds = array<i64: 1000, 128>}, {transform_indices = @transform_2, window_bounds = array<i64: 1000, 1>}, {pipeline_mode = #tpu.pipeline_mode<synchronous>, transform_indices = @transform_3, window_bounds = array<i64: 128>}, {transform_indices = @transform_4, window_bounds = array<i64: 1000, 128>}]} {
    %get3A = arith.constant 0 : index
    %get3A_0 = arith.constant 0 : index
    %get3A_1 = vector.load %arg3[%get3A, %get3A_0] : memref<1000x1xf32, #tpu.memory_space<vmem>>, vector<1000x1xf32>
    %get3A_2 = arith.constant 0 : index
    %get3A_3 = arith.constant 0 : index
    %get3A_4 = arith.constant 0 : index
    %get3A_5 = vector.load %arg1[%get3A_2, %get3A_3, %get3A_4] : memref<2x1000x128xf32, #tpu.memory_space<vmem>>, vector<1x1000x128xf32>
    %get3A_6 = vector.shape_cast %get3A_5 : vector<1x1000x128xf32> to vector<1000x128xf32>
    %get3A_7 = arith.constant 1 : index
    %get3A_8 = arith.constant 0 : index
    %get3A_9 = arith.constant 0 : index
    %get3A_10 = vector.load %arg1[%get3A_7, %get3A_8, %get3A_9] : memref<2x1000x128xf32, #tpu.memory_space<vmem>>, vector<1x1000x128xf32>
    %get3A_11 = vector.shape_cast %get3A_10 : vector<1x1000x128xf32> to vector<1000x128xf32>
    %add3A = arith.addf %get3A_6, %get3A_11 : vector<1000x128xf32>
    %get3A_12 = arith.constant 0 : index
    %get3A_13 = arith.constant 0 : index
    %get3A_14 = vector.load %arg2[%get3A_12, %get3A_13] : memref<1000x128xf32, #tpu.memory_space<vmem>>, vector<1000x128xf32>
    %add3A_15 = arith.addf %add3A, %get3A_14 : vector<1000x128xf32>
    %mul3A = vector.broadcast %get3A_1 : vector<1000x1xf32> to vector<1000x128xf32>
    %mul3A_16 = arith.mulf %mul3A, %add3A_15 : vector<1000x128xf32>
    %get3A_17 = arith.constant 0 : index
    %get3A_18 = vector.load %arg4[%get3A_17] : memref<128xf32, #tpu.memory_space<vmem>>, vector<128xf32>
    %broadcast_in_dim3A = vector.shape_cast %get3A_18 : vector<128xf32> to vector<1x128xf32>
    %add3A_19 = vector.broadcast %broadcast_in_dim3A : vector<1x128xf32> to vector<1000x128xf32>
    %add3A_20 = arith.addf %mul3A_16, %add3A_19 : vector<1000x128xf32>
    %swap3A = arith.constant 0 : index
    %swap3A_21 = arith.constant 0 : index
    %swap3A_22 = vector.load %arg5[%swap3A, %swap3A_21] : memref<1000x128xf32, #tpu.memory_space<vmem>>, vector<1000x128xf32>
    tpu.vector_store %arg5[%swap3A, %swap3A_21], %add3A_20 {strides = array<i32>} : memref<1000x128xf32, #tpu.memory_space<vmem>>, vector<1000x128xf32>,
    return
  }
  func.func @transform_0(%arg0: i32) -> (i32, i32, i32) {
    %c0_i32 = arith.constant 0 : i32
    %c0_i32_0 = arith.constant 0 : i32
    %c0_i32_1 = arith.constant 0 : i32
    return %c0_i32, %arg0, %c0_i32_0 : i32, i32, i32
  }
  func.func @transform_1(%arg0: i32) -> (i32, i32) {
    %c0_i32 = arith.constant 0 : i32
    %c0_i32_0 = arith.constant 0 : i32
    return %arg0, %c0_i32 : i32, i32
  }
  func.func @transform_2(%arg0: i32) -> (i32, i32) {
    %c0_i32 = arith.constant 0 : i32
    %c0_i32_0 = arith.constant 0 : i32
    return %arg0, %c0_i32 : i32, i32
  }
  func.func @transform_3(%arg0: i32) -> i32 {
    %c0_i32 = arith.constant 0 : i32
    %c0_i32_0 = arith.constant 0 : i32
    return %c0_i32 : i32
  }
  func.func @transform_4(%arg0: i32) -> (i32, i32) {
    %c0_i32 = arith.constant 0 : i32
    %c0_i32_0 = arith.constant 0 : i32
    return %arg0, %c0_i32 : i32, i32
  }
}

</mosaic_0001>

<sc_bundles>
// kernel: kernel.10.cloned.1.call-start
scs
__scs_entry_jumppad:
0x0: {  	(pc) =	sbr.rel $0x88, $3  }
0x1: {  	(tag) =	ssettag $0x0;
	lr =	simm.s32 $0x1  }
0x2: {  	[smem:$0x3F99] =	sst lr;
	_ =	strace $0xD0000000  }
0x3: {  	_ = 	snop  }
0x4: {  	_ = 	snop  }
0x5: {  	_ = 	snop  }
0x6: {  	_ = 	snop  }
0x7: {  	_ = 	snop  }
__scs_overlays_trampoline_lowered:
0x8: {  	[smem:$0x3FA8] =	sst s0  }
0x9: {  	[smem:$0x3FA9] =	sst s1  }
0xa: {  	[smem:$0x3FAA] =	sst s2  }
0xb: {  	[smem:$0x3FAB] =	sst s3  }
0xc: {  	[smem:$0x3FAC] =	sst s4  }
0xd: {  	[smem:$0x3FAD] =	sst s5  }
0xe: {  	[smem:$0x3FAE] =	sst s6  }
0xf: {  	[smem:$0x3FAF] =	sst s7  }
0x10: {  	[smem:$0x3FB0] =	sst s8  }
0x11: {  	[smem:$0x3FB1] =	sst s9;
	s0 =	simm.s32 @!p0 $0x0  }
0x12: {  	s1 =	sld [smem:$0x3F97];
	s0 =	simm.s32 @p0 $0x1  }
0x13: {  	[smem:$0x3FB2] =	sst s0;
	s0 =	simm.s32 @!p1 $0x0  }
0x14: {  	s2 =	sld [smem:$0x3F96];
	s0 =	simm.s32 @p1 $0x1  }
0x15: {  	[smem:$0x3FB3] =	sst s0;
	s0 =	simm.s32 @!p2 $0x0  }
0x16: {  	s3 =	sld [smem:$0x3FDB];
	s0 =	simm.s32 @p2 $0x1  }
0x17: {  	s4 =	simm.s32 $0x1BF5;
	[smem:$0x3FB5] =	sst s0  }
0x18: {  	s0 =	sld [smem:$0x3F98];
	_ =	swait.ge [sflag:s4], $0x0  }
0x19: {  	s7 =	sld [smem:$0x3F99]  }
0x1a: {  	s8 =	sadd.s32 $0xFFFFE003, lr  }
0x1b: {  	s9 =	sadd.s32 $0xFFFFFEF7, lr;
	s5 =	simm.s32 $0xFFFFFFFF;
	p2 =	slt.u32 s8, $0xFFFFF086  }
0x1c: {  	p1 =	slt.u32 s9, $0xF7A;
	s5 =	simm.s32 @!p2 $0x0  }
0x1d: {  	s5 =	simm.s32 @p1 $0x1;
	p0 =	seq.s32 s7, s2  }
0x1e: {  	s7 =	smul.u32 @!p0 $0xF7A, s2;
	p2 =	seq.s32 @!p0 s5, $0x0  }
0x1f: {  	s9 =	smul.u32 $0xF7A, s1;
	s8 =	simm.s32 @!p0 $0x1BF5;
	p2 =	por !p2, p0  }
0x20: {  	[sflag:s8] =	ssyncset.s32 @!p0 $0xFFFFF086;
	s6 =	sadd.s32 @!p0 s3, s7;
	s7 =	simm.s32 @!p0 $0x108  }
0x21: {  	s3 =	sadd.s32 s3, s9;
	s6 =	sadd.s32 @!p0 $0x88, s6;
	s7 =	simm.s32 @p2 $0x1082  }
0x22: {  	[simem:s7], [sflag:s8] =	dma.local @!p0 [hbm:s6], $0xF7A  }
0x23: {  	s9 =	sor.u32 $0xD0000000, s2;
	s6 =	simm.s32 $0x108;
	_ =	swait.ge @!p0 [sflag:s8], $0x0  }
0x24: {  	s3 =	sadd.s32 $0x88, s3;
	s6 =	simm.s32 @!p1 $0x1082;
	[sflag:s4] =	ssyncset.s32 $0xFFFFF086  }
0x25: {  	[simem:s6], [sflag:s4] =	dma.local [hbm:s3], $0xF7A  }
0x26: {  	[smem:$0x3F99] =	sst s1;
	(tag) =	ssettag s2;
	_ =	strace s9  }
0x27: {  	s1 =	sld [smem:$0x3FA9]  }
0x28: {  	s2 =	sld [smem:$0x3FAA]  }
0x29: {  	s4 =	sld [smem:$0x3FAC]  }
0x2a: {  	p0 =	seq.s32 s5, $0x0;
	s5 =	sld [smem:$0x3FAD]  }
0x2b: {  	s6 =	sld [smem:$0x3FAE]  }
0x2c: {  	s7 =	sld [smem:$0x3FAF]  }
0x2d: {  	s3 =	simm.s32 $0x108;
	s8 =	sld [smem:$0x3FB0]  }
0x2e: {  	s3 =	simm.s32 @!p0 $0x1082;
	s9 =	sld [smem:$0x3FB1]  }
0x2f: {  	lr =	sadd.s32 s0, s3;
	s0 =	sld [smem:$0x3FA8]  }
0x30: {  	s3 =	sld [smem:$0x3FAB]  }
0x31: {  	[smem:$0x3FB4] =	sst s10  }
0x32: {  	s10 =	sld [smem:$0x3FB2];
	_ =	sdelay $0x3  }
0x33: {  	p0 =	seq.s32 s10, $0x1;
	s10 =	sld [smem:$0x3FB4];
	_ =	sdelay $0x3  }
0x34: {  	[smem:$0x3FB4] =	sst s10  }
0x35: {  	s10 =	sld [smem:$0x3FB3];
	_ =	sdelay $0x3  }
0x36: {  	p1 =	seq.s32 s10, $0x1;
	s10 =	sld [smem:$0x3FB4];
	_ =	sdelay $0x3  }
0x37: {  	[smem:$0x3FB4] =	sst s10  }
0x38: {  	s10 =	sld [smem:$0x3FB5]  }
0x39: {  	_ = 	snop;
	(pc) =	sbr.ind lr, $3  }
0x3a: {  	_ = 	snop  }
0x3b: {  	_ = 	snop  }
0x3c: {  	p2 =	seq.s32 s10, $0x1;
	s10 =	sld [smem:$0x3FB4]  }
0x3d: {  	_ =	shalt  }
0x3e: {  	_ =	shalt  }
0x3f: {  	_ =	shalt  }
0x40: {  	_ =	shalt  }
0x41: {  	_ =	shalt  }
0x42: {  	_ =	shalt  }
0x43: {  	_ =	shalt  }
0x44: {  	_ =	shalt  }
0x45: {  	_ =	shalt  }
0x46: {  	_ =	shalt  }
0x47: {  	_ =	shalt  }
0x48: {  	_ =	shalt  }
0x49: {  	_ =	shalt  }
0x4a: {  	_ =	shalt  }
0x4b: {  	_ =	shalt  }
0x4c: {  	_ =	shalt  }
0x4d: {  	_ =	shalt  }
0x4e: {  	_ =	shalt  }
0x4f: {  	_ =	shalt  }
0x50: {  	_ =	shalt  }
0x51: {  	_ =	shalt  }
0x52: {  	_ =	shalt  }
0x53: {  	_ =	shalt  }
0x54: {  	_ =	shalt  }
0x55: {  	_ =	shalt  }
0x56: {  	_ =	shalt  }
0x57: {  	_ =	shalt  }
0x58: {  	_ =	shalt  }
0x59: {  	_ =	shalt  }
0x5a: {  	_ =	shalt  }
0x5b: {  	_ =	shalt  }
0x5c: {  	_ =	shalt  }
0x5d: {  	_ =	shalt  }
0x5e: {  	_ =	shalt  }
0x5f: {  	_ =	shalt  }
0x60: {  	_ =	shalt  }
0x61: {  	_ =	shalt  }
0x62: {  	_ =	shalt  }
0x63: {  	_ =	shalt  }
0x64: {  	_ =	shalt  }
0x65: {  	_ =	shalt  }
0x66: {  	_ =	shalt  }
0x67: {  	_ =	shalt  }
0x68: {  	_ =	shalt  }
0x69: {  	_ =	shalt  }
0x6a: {  	_ =	shalt  }
0x6b: {  	_ =	shalt  }
0x6c: {  	_ =	shalt  }
0x6d: {  	_ =	shalt  }
0x6e: {  	_ =	shalt  }
0x6f: {  	_ =	shalt  }
0x70: {  	_ =	shalt  }
0x71: {  	_ =	shalt  }
0x72: {  	_ =	shalt  }
0x73: {  	_ =	shalt  }
0x74: {  	_ =	shalt  }
0x75: {  	_ =	shalt  }
0x76: {  	_ =	shalt  }
0x77: {  	_ =	shalt  }
0x78: {  	_ =	shalt  }
0x79: {  	_ =	shalt  }
0x7a: {  	_ =	shalt  }
0x7b: {  	_ =	shalt  }
0x7c: {  	_ =	shalt  }
0x7d: {  	_ =	shalt  }
0x7e: {  	_ =	shalt  }
0x7f: {  	_ =	shalt  }
0x80: {  	_ =	shalt  }
0x81: {  	_ =	shalt  }
0x82: {  	_ =	shalt  }
0x83: {  	_ =	shalt  }
0x84: {  	_ =	shalt  }
0x85: {  	_ =	shalt  }
0x86: {  	_ =	shalt  }
0x87: {  	_ =	shalt  }
.Lfunc_end0:
.L_simem_size_0:
called_computation_lowered:
.L_overlay_start_0:
0x88: {  	s2 =	sld [smem:$0x3FD9]  }
0x89: {  	s3 =	sld [smem:$0x3FFE];
	_ =	sdelay $0x1  }
0x8a: {  	s1 =	srdreg.scid  }
0x8b: {  	s0 =	sand.u32 $0x1, s1  }
0x8c: {  	s17 =	sshll.u32 s0, $0xA;
	s2 =	sadd.s32 s3, s2  }
0x8d: {  	s2 =	sadd.s32 s2, s17  }
0x8e: {  	[smem:$0x3FC0] =	sst s2  }
0x8f: {  	_ = 	snop  }
0x90: {  	s2 =	sld [smem:$0x3FD0];
	(tm) =	ssettm $0x1  }
0x91: {  	s18 =	sld [smem:$0x3FFB];
	_ =	sdelay $0x3  }
0x92: {  	_ =	strace s18  }
0x93: {  	s3 =	sld [smem:$0x3FFC];
	_ =	sdelay $0x3  }
0x94: {  	_ =	strace s3  }
0x95: {  	s3 =	sld [smem:$0x3FFD];
	_ =	sdelay $0x3  }
0x96: {  	_ =	strace s3  }
0x97: {  	_ =	strace $0x8FFFFFFF  }
0x98: {  	s19 =	sld [smem:$0x3FDB];
	_ =	sdelay $0x1  }
0x99: {  	s4 =	simm.s32 $_scs_section_size  }
0x9a: {  	s5 =	simm.s32 $_size__tile_overlayer_lowered;
	s6 =	simm.s32 $_tile_overlayer_lowered  }
0x9b: {  	s22 =	simm.s32 $0x1BFF;
	s21 =	sshll.u32 s6, $0x1;
	s3 =	sadd.s32 s4, s19  }
0x9c: {  	s7 =	simm.s32 $0x0;
	s20 =	sshll.u32 s5, $0x1;
	s5 =	sadd.s32 s21, s3  }
0x9d: {  	[timem:s7], [sflag:s22] =	dma.local [hbm:s5], s20  }
0x9e: {  	_ =	swait.ge [sflag:s22], s20  }
0x9f: {  	s4 =	ssub.s32 $0x0, s20;
	[sflag:s22] =	ssyncset.done $0x0  }
0xa0: {  	[sflag:s22] =	ssyncadd.s32 s4;
	_ =	sdelay $0x1  }
0xa1: {  	s23 =	simm.s32 $0x1B8B  }
0xa2: {  	_ =	swait.ge [sflag:s23], $0x1  }
0xa3: {  	[sflag:s23] =	ssyncset.done $0x0  }
0xa4: {  	s25 =	simm.s32 $0x1B8E;
	s24 =	sld [smem:$0x3FFE];
	[sflag:s23] =	ssyncadd.s32 $0xFFFFFFFF  }
0xa5: {  	s26 =	simm.s32 $execute0_lowered;
	[smem:$0x3FD2] =	sst s25  }
0xa6: {  	s5 =	sshll.u32 s26, $0x1;
	_ =	strace $0x80000046;
	[dreg:$0x1] =	wrdreg $0xFFFFFFFF  }
0xa7: {  	s28 =	simm.s32 $_size_execute0_lowered;
	s3 =	sadd.s32 s3, s5;
	[dreg:$0x0] =	wrdreg $0x0  }
0xa8: {  	s5 =	sshll.u32 s28, $0x1;
	[dreg:$0x2] =	wrdreg s3  }
0xa9: {  	[dreg:$0x3] =	wrdreg s5  }
0xaa: {  	[dreg:$0x4] =	wrdreg $0xC0  }
0xab: {  	_ =	task [dreg:s7], $0x5FFFF  }
0xac: {  	[dreg:$0x1] =	wrdreg $0xFFFFFFFF  }
0xad: {  	[dreg:$0x0] =	wrdreg $0x60  }
0xae: {  	[dreg:$0x2] =	wrdreg s24  }
0xaf: {  	[dreg:$0x3] =	wrdreg s2  }
0xb0: {  	[dreg:$0x4] =	wrdreg $0xB000  }
0xb1: {  	[dreg:$0x5] =	wrdreg $0x9  }
0xb2: {  	_ =	task.clear_ibuf [dreg:s7], $0x6FFFF;
	_ =	strace $0x90000046  }
0xb3: {  	s29 =	simm.s32 $0x9;
	_ =	strace $0x80000048  }
0xb4: {  	_ =	swait.ge [sflag:s29], $0x1  }
0xb5: {  	[sflag:s29] =	ssyncadd.s32 $0xFFFFFFFF  }
0xb6: {  	_ =	strace $0x90000048  }
0xb7: {  	_ =	sfence  }
0xb8: {  	s30 =	sld [smem:$0x0];
	_ =	sdelay $0x2  }
0xb9: {  	s31 =	sshll.u32 s1, $0xD;
	s1 =	sshrl.u32 s1, $0x2  }
0xba: {  	s3 =	sand.u32 $0x4000, s31;
	s1 =	sadd.s32 s1, s30  }
0xbb: {  	s0 =	sor.u32 s3, s0;
	s1 =	sshll.u32 s1, $0x11  }
0xbc: {  	s0 =	sor.u32 s1, s0  }
0xbd: {  	s0 =	sadd.s32 $0x8F2B, s0  }
0xbe: {  	[sflag:s0] =	ssyncadd.remote.s32 $0x1  }
0xbf: {  	_ =	sfence.sel $0xFFFF  }
0xc0: {  	[dreg:$0x0] =	wrdreg $0xFFFFFFFF;
	(pc) =	sbr.abs _section_cstart, $3  }
0xc1: {  	[dreg:$0x1] =	wrdreg $0xFFFFFFFF  }
0xc2: {  	_ =	task.clear_ibuf [dreg:s7], $0x2FFFF;
	_ =	strace $0x9FFFFFFF  }
0xc3: {  	(tm) =	ssettm $0x7FFFFFFF  }
tec
execute0_lowered:
.L_overlay_start_1:
0x0: {  	(tag) =	ssettag $0x1  }
0x1: {  	s4 =	rddreg [dreg:$0x0]  }
0x2: {  	s7 =	rddreg [dreg:$0x1]  }
0x3: {  	s1 =	rddreg [dreg:$0x2];
	s2 =	srdreg.scid  }
0x4: {  	s3 =	simm.s32 $0x0;
	s11 =	simm.s32 $0x80;
	s12 =	simm.s32 $0x800  }
0x5: {  	s13 =	simm.s32 $0x100;
	s14 =	simm.s32 $0x180;
	s15 =	simm.s32 $0x200  }
0x6: {  	s16 =	simm.s32 $0x280;
	s17 =	simm.s32 $0x300;
	s18 =	simm.s32 $0x380  }
0x7: {  	s19 =	simm.s32 $0x400;
	s20 =	simm.s32 $0x480;
	s21 =	simm.s32 $0x500  }
0x8: {  	s22 =	simm.s32 $0x580;
	s23 =	simm.s32 $0x600;
	s24 =	simm.s32 $0x680  }
0x9: {  	s25 =	simm.s32 $0x700;
	s5 =	sand.u32 $0x1, s2;
	s2 =	stileid.u32  }
0xa: {  	s26 =	simm.s32 $0x780;
	[smem:$0x7FF] =	sst s3;
	s8 =	smul.u32 $0x280, s2  }
0xb: {  	s6 =	sshll.u32 s5, $0x4;
	s10 =	ssub.s32 $0x2, s5;
	s5 =	smul.u32 $0x2800, s5  }
0xc: {  	s28 =	simm.s32 $0x0;
	_ =	strace $0x80000047;
	s6 =	sor.u32 s2, s6  }
0xd: {  	s29 =	sshrl.u32 s10, $0x1;
	s6 =	smul.u32 $0x500, s6;
	s30 =	sadd.s32 s8, s5  }
0xe: {  	s9 =	sshrl.u32 s8, $0x3;
	s5 =	sadd.s32 s8, s1;
	s31 =	sshrl.u32 s30, $0x3  }
0xf: {  	s6 =	sadd.s32 s6, s4;
	s4 =	sadd.s32 s9, s4;
	s9 =	ssub.s32 s10, s29  }
0x10: {  	s7 =	sadd.s32 s7, s31;
	s10 =	simm.s32 $0x1;
	s4 =	sadd.s32 $0x17400, s4  }
0x11: {  	v0 =	vimm.f32 $1.000000000e+00;
	s6 =	sadd.s32 $0x3400, s6;
	s8 =	smax.u32 s9, $0x1;
	s9 =	simm.s32 $0x880  }
.LBB2_1:
0x12: {  	[tilespmem:s9], [sflag:$0x1] =	stream.linear.gather [hbm4b:s4+s3], $0x280, $0x38;
	[tilespmem:$0xD80] =	vst v63  }
0x13: {  	_ =	swait.ge [sflag:s10], $0x280  }
0x14: {  	[sflag:s10] =	ssyncset.done $0x0  }
0x15: {  	[sflag:s10] =	ssyncadd.s32 $0xFFFFFD80  }
0x16: {  	[spmem:s5] =	stream.linear.scatter [tilespmem:s9], [sflag:$0x1], $0x280, $0x38;
	[tilespmem:$0xD80] =	vst v63  }
0x17: {  	_ =	swait.ge [sflag:s10], $0x280  }
0x18: {  	[sflag:s10] =	ssyncset.done $0x0  }
0x19: {  	[sflag:s10] =	ssyncadd.s32 $0xFFFFFD80  }
0x1a: {  	[tilespmem:$0x800] =	vst v0  }
0x1b: {  	[tilespmem:$0x810] =	vst v0  }
0x1c: {  	[tilespmem:$0x820] =	vst v0  }
0x1d: {  	[tilespmem:$0x830] =	vst v0  }
0x1e: {  	[tilespmem:$0x840] =	vst v0  }
0x1f: {  	[tilespmem:$0x850] =	vst v0  }
0x20: {  	[tilespmem:$0x860] =	vst v0  }
0x21: {  	[tilespmem:$0x870] =	vst v0  }
0x22: {  	s29 =	sadd.s32 $0x0, s6;
	[bflag:$0x0] =	sbarrier.arrive $0xFFFF  }
0x23: {  	[tilespmem:s3], [sflag:$0x1] =	stream.linear.gather [hbm4b:s29+s3], $0x800, $0x38;
	[tilespmem:$0xD80] =	vst v63  }
0x24: {  	_ =	swait.ge [sflag:s10], $0x800  }
0x25: {  	[sflag:s10] =	ssyncset.done $0x0  }
0x26: {  	[sflag:s10] =	ssyncadd.s32 $0xFFFFF800  }
0x27: {  	[spmem:s1] =	stream.indirect.scatter.add.f32 [tilespmem:s12], [sflag:$0x1], $0x1, s3, s11, $0xb8;
	[tilespmem:$0xD80] =	vst v63  }
0x28: {  	_ =	swait.ge [sflag:s10], $0x80  }
0x29: {  	[sflag:s10] =	ssyncset.done $0x0  }
0x2a: {  	[sflag:s10] =	ssyncadd.s32 $0xFFFFFF80  }
0x2b: {  	[spmem:s1] =	stream.indirect.scatter.add.f32 [tilespmem:s12], [sflag:$0x1], $0x1, s11, s11, $0xb8;
	[tilespmem:$0xD80] =	vst v63  }
0x2c: {  	_ =	swait.ge [sflag:s10], $0x80  }
0x2d: {  	[sflag:s10] =	ssyncset.done $0x0  }
0x2e: {  	[sflag:s10] =	ssyncadd.s32 $0xFFFFFF80  }
0x2f: {  	[spmem:s1] =	stream.indirect.scatter.add.f32 [tilespmem:s12], [sflag:$0x1], $0x1, s13, s11, $0xb8;
	[tilespmem:$0xD80] =	vst v63  }
0x30: {  	_ =	swait.ge [sflag:s10], $0x80  }
0x31: {  	[sflag:s10] =	ssyncset.done $0x0  }
0x32: {  	[sflag:s10] =	ssyncadd.s32 $0xFFFFFF80  }
0x33: {  	[spmem:s1] =	stream.indirect.scatter.add.f32 [tilespmem:s12], [sflag:$0x1], $0x1, s14, s11, $0xb8;
	[tilespmem:$0xD80] =	vst v63  }
0x34: {  	_ =	swait.ge [sflag:s10], $0x80  }
0x35: {  	[sflag:s10] =	ssyncset.done $0x0  }
0x36: {  	[sflag:s10] =	ssyncadd.s32 $0xFFFFFF80  }
0x37: {  	[spmem:s1] =	stream.indirect.scatter.add.f32 [tilespmem:s12], [sflag:$0x1], $0x1, s15, s11, $0xb8;
	[tilespmem:$0xD80] =	vst v63  }
0x38: {  	_ =	swait.ge [sflag:s10], $0x80  }
0x39: {  	[sflag:s10] =	ssyncset.done $0x0  }
0x3a: {  	[sflag:s10] =	ssyncadd.s32 $0xFFFFFF80  }
0x3b: {  	[spmem:s1] =	stream.indirect.scatter.add.f32 [tilespmem:s12], [sflag:$0x1], $0x1, s16, s11, $0xb8;
	[tilespmem:$0xD80] =	vst v63  }
0x3c: {  	_ =	swait.ge [sflag:s10], $0x80  }
0x3d: {  	[sflag:s10] =	ssyncset.done $0x0  }
0x3e: {  	[sflag:s10] =	ssyncadd.s32 $0xFFFFFF80  }
0x3f: {  	[spmem:s1] =	stream.indirect.scatter.add.f32 [tilespmem:s12], [sflag:$0x1], $0x1, s17, s11, $0xb8;
	[tilespmem:$0xD80] =	vst v63  }
0x40: {  	_ =	swait.ge [sflag:s10], $0x80  }
0x41: {  	[sflag:s10] =	ssyncset.done $0x0  }
0x42: {  	[sflag:s10] =	ssyncadd.s32 $0xFFFFFF80  }
0x43: {  	[spmem:s1] =	stream.indirect.scatter.add.f32 [tilespmem:s12], [sflag:$0x1], $0x1, s18, s11, $0xb8;
	[tilespmem:$0xD80] =	vst v63  }
0x44: {  	_ =	swait.ge [sflag:s10], $0x80  }
0x45: {  	[sflag:s10] =	ssyncset.done $0x0  }
0x46: {  	[sflag:s10] =	ssyncadd.s32 $0xFFFFFF80  }
0x47: {  	[spmem:s1] =	stream.indirect.scatter.add.f32 [tilespmem:s12], [sflag:$0x1], $0x1, s19, s11, $0xb8;
	[tilespmem:$0xD80] =	vst v63  }
0x48: {  	_ =	swait.ge [sflag:s10], $0x80  }
0x49: {  	[sflag:s10] =	ssyncset.done $0x0  }
0x4a: {  	[sflag:s10] =	ssyncadd.s32 $0xFFFFFF80  }
0x4b: {  	[spmem:s1] =	stream.indirect.scatter.add.f32 [tilespmem:s12], [sflag:$0x1], $0x1, s20, s11, $0xb8;
	[tilespmem:$0xD80] =	vst v63  }
0x4c: {  	_ =	swait.ge [sflag:s10], $0x80  }
0x4d: {  	[sflag:s10] =	ssyncset.done $0x0  }
0x4e: {  	[sflag:s10] =	ssyncadd.s32 $0xFFFFFF80  }
0x4f: {  	[spmem:s1] =	stream.indirect.scatter.add.f32 [tilespmem:s12], [sflag:$0x1], $0x1, s21, s11, $0xb8;
	[tilespmem:$0xD80] =	vst v63  }
0x50: {  	_ =	swait.ge [sflag:s10], $0x80  }
0x51: {  	[sflag:s10] =	ssyncset.done $0x0  }
0x52: {  	[sflag:s10] =	ssyncadd.s32 $0xFFFFFF80  }
0x53: {  	[spmem:s1] =	stream.indirect.scatter.add.f32 [tilespmem:s12], [sflag:$0x1], $0x1, s22, s11, $0xb8;
	[tilespmem:$0xD80] =	vst v63  }
0x54: {  	_ =	swait.ge [sflag:s10], $0x80  }
0x55: {  	[sflag:s10] =	ssyncset.done $0x0  }
0x56: {  	[sflag:s10] =	ssyncadd.s32 $0xFFFFFF80  }
0x57: {  	[spmem:s1] =	stream.indirect.scatter.add.f32 [tilespmem:s12], [sflag:$0x1], $0x1, s23, s11, $0xb8;
	[tilespmem:$0xD80] =	vst v63  }
0x58: {  	_ =	swait.ge [sflag:s10], $0x80  }
0x59: {  	[sflag:s10] =	ssyncset.done $0x0  }
0x5a: {  	[sflag:s10] =	ssyncadd.s32 $0xFFFFFF80  }
0x5b: {  	[spmem:s1] =	stream.indirect.scatter.add.f32 [tilespmem:s12], [sflag:$0x1], $0x1, s24, s11, $0xb8;
	[tilespmem:$0xD80] =	vst v63  }
0x5c: {  	_ =	swait.ge [sflag:s10], $0x80  }
0x5d: {  	[sflag:s10] =	ssyncset.done $0x0  }
0x5e: {  	[sflag:s10] =	ssyncadd.s32 $0xFFFFFF80  }
0x5f: {  	[spmem:s1] =	stream.indirect.scatter.add.f32 [tilespmem:s12], [sflag:$0x1], $0x1, s25, s11, $0xb8;
	[tilespmem:$0xD80] =	vst v63  }
0x60: {  	_ =	swait.ge [sflag:s10], $0x80  }
0x61: {  	[sflag:s10] =	ssyncset.done $0x0  }
0x62: {  	[sflag:s10] =	ssyncadd.s32 $0xFFFFFF80  }
0x63: {  	[spmem:s1] =	stream.indirect.scatter.add.f32 [tilespmem:s12], [sflag:$0x1], $0x1, s26, s11, $0xb8;
	[tilespmem:$0xD80] =	vst v63  }
0x64: {  	_ =	swait.ge [sflag:s10], $0x80  }
0x65: {  	s31 =	simm.s32 $0x200;
	s29 =	simm.s32 $0x100;
	[sflag:s10] =	ssyncset.done $0x0  }
.LBB2_2:
0x66: {  	s0 =	sadd.s32 s29, s6  }
0x67: {  	[sflag:s10] =	ssyncadd.s32 $0xFFFFFF80;
	s29 =	smov.u32 s31;
	s30 =	sadd.s32 $0x100, s31  }
0x68: {  	[tilespmem:s3], [sflag:$0x1] =	stream.linear.gather [hbm4b:s0+s3], $0x800, $0x38;
	[tilespmem:$0xD80] =	vst v63  }
0x69: {  	p0 =	sne.s32 s31, $0x400;
	_ =	swait.ge [sflag:s10], $0x800  }
0x6a: {  	[sflag:s10] =	ssyncset.done $0x0  }
0x6b: {  	[sflag:s10] =	ssyncadd.s32 $0xFFFFF800  }
0x6c: {  	[spmem:s1] =	stream.indirect.scatter.add.f32 [tilespmem:s12], [sflag:$0x1], $0x1, s3, s11, $0xb8;
	[tilespmem:$0xD80] =	vst v63  }
0x6d: {  	_ =	swait.ge [sflag:s10], $0x80  }
0x6e: {  	[sflag:s10] =	ssyncset.done $0x0  }
0x6f: {  	[sflag:s10] =	ssyncadd.s32 $0xFFFFFF80  }
0x70: {  	[spmem:s1] =	stream.indirect.scatter.add.f32 [tilespmem:s12], [sflag:$0x1], $0x1, s11, s11, $0xb8;
	[tilespmem:$0xD80] =	vst v63  }
0x71: {  	_ =	swait.ge [sflag:s10], $0x80  }
0x72: {  	[sflag:s10] =	ssyncset.done $0x0  }
0x73: {  	[sflag:s10] =	ssyncadd.s32 $0xFFFFFF80  }
0x74: {  	[spmem:s1] =	stream.indirect.scatter.add.f32 [tilespmem:s12], [sflag:$0x1], $0x1, s13, s11, $0xb8;
	[tilespmem:$0xD80] =	vst v63  }
0x75: {  	_ =	swait.ge [sflag:s10], $0x80  }
0x76: {  	[sflag:s10] =	ssyncset.done $0x0  }
0x77: {  	[sflag:s10] =	ssyncadd.s32 $0xFFFFFF80  }
0x78: {  	[spmem:s1] =	stream.indirect.scatter.add.f32 [tilespmem:s12], [sflag:$0x1], $0x1, s14, s11, $0xb8;
	[tilespmem:$0xD80] =	vst v63  }
0x79: {  	_ =	swait.ge [sflag:s10], $0x80  }
0x7a: {  	[sflag:s10] =	ssyncset.done $0x0  }
0x7b: {  	[sflag:s10] =	ssyncadd.s32 $0xFFFFFF80  }
0x7c: {  	[spmem:s1] =	stream.indirect.scatter.add.f32 [tilespmem:s12], [sflag:$0x1], $0x1, s15, s11, $0xb8;
	[tilespmem:$0xD80] =	vst v63  }
0x7d: {  	_ =	swait.ge [sflag:s10], $0x80  }
0x7e: {  	[sflag:s10] =	ssyncset.done $0x0  }
0x7f: {  	[sflag:s10] =	ssyncadd.s32 $0xFFFFFF80  }
0x80: {  	[spmem:s1] =	stream.indirect.scatter.add.f32 [tilespmem:s12], [sflag:$0x1], $0x1, s16, s11, $0xb8;
	[tilespmem:$0xD80] =	vst v63  }
0x81: {  	_ =	swait.ge [sflag:s10], $0x80  }
0x82: {  	[sflag:s10] =	ssyncset.done $0x0  }
0x83: {  	[sflag:s10] =	ssyncadd.s32 $0xFFFFFF80  }
0x84: {  	[spmem:s1] =	stream.indirect.scatter.add.f32 [tilespmem:s12], [sflag:$0x1], $0x1, s17, s11, $0xb8;
	[tilespmem:$0xD80] =	vst v63  }
0x85: {  	_ =	swait.ge [sflag:s10], $0x80  }
0x86: {  	[sflag:s10] =	ssyncset.done $0x0  }
0x87: {  	[sflag:s10] =	ssyncadd.s32 $0xFFFFFF80  }
0x88: {  	[spmem:s1] =	stream.indirect.scatter.add.f32 [tilespmem:s12], [sflag:$0x1], $0x1, s18, s11, $0xb8;
	[tilespmem:$0xD80] =	vst v63  }
0x89: {  	_ =	swait.ge [sflag:s10], $0x80  }
0x8a: {  	[sflag:s10] =	ssyncset.done $0x0  }
0x8b: {  	[sflag:s10] =	ssyncadd.s32 $0xFFFFFF80  }
0x8c: {  	[spmem:s1] =	stream.indirect.scatter.add.f32 [tilespmem:s12], [sflag:$0x1], $0x1, s19, s11, $0xb8;
	[tilespmem:$0xD80] =	vst v63  }
0x8d: {  	_ =	swait.ge [sflag:s10], $0x80  }
0x8e: {  	[sflag:s10] =	ssyncset.done $0x0  }
0x8f: {  	[sflag:s10] =	ssyncadd.s32 $0xFFFFFF80  }
0x90: {  	[spmem:s1] =	stream.indirect.scatter.add.f32 [tilespmem:s12], [sflag:$0x1], $0x1, s20, s11, $0xb8;
	[tilespmem:$0xD80] =	vst v63  }
0x91: {  	_ =	swait.ge [sflag:s10], $0x80  }
0x92: {  	[sflag:s10] =	ssyncset.done $0x0  }
0x93: {  	[sflag:s10] =	ssyncadd.s32 $0xFFFFFF80  }
0x94: {  	[spmem:s1] =	stream.indirect.scatter.add.f32 [tilespmem:s12], [sflag:$0x1], $0x1, s21, s11, $0xb8;
	[tilespmem:$0xD80] =	vst v63  }
0x95: {  	_ =	swait.ge [sflag:s10], $0x80  }
0x96: {  	[sflag:s10] =	ssyncset.done $0x0  }
0x97: {  	[sflag:s10] =	ssyncadd.s32 $0xFFFFFF80  }
0x98: {  	[spmem:s1] =	stream.indirect.scatter.add.f32 [tilespmem:s12], [sflag:$0x1], $0x1, s22, s11, $0xb8;
	[tilespmem:$0xD80] =	vst v63  }
0x99: {  	_ =	swait.ge [sflag:s10], $0x80  }
0x9a: {  	[sflag:s10] =	ssyncset.done $0x0  }
0x9b: {  	[sflag:s10] =	ssyncadd.s32 $0xFFFFFF80  }
0x9c: {  	[spmem:s1] =	stream.indirect.scatter.add.f32 [tilespmem:s12], [sflag:$0x1], $0x1, s23, s11, $0xb8;
	[tilespmem:$0xD80] =	vst v63  }
0x9d: {  	_ =	swait.ge [sflag:s10], $0x80  }
0x9e: {  	[sflag:s10] =	ssyncset.done $0x0  }
0x9f: {  	[sflag:s10] =	ssyncadd.s32 $0xFFFFFF80  }
0xa0: {  	[spmem:s1] =	stream.indirect.scatter.add.f32 [tilespmem:s12], [sflag:$0x1], $0x1, s24, s11, $0xb8;
	[tilespmem:$0xD80] =	vst v63  }
0xa1: {  	_ =	swait.ge [sflag:s10], $0x80  }
0xa2: {  	[sflag:s10] =	ssyncset.done $0x0  }
0xa3: {  	[sflag:s10] =	ssyncadd.s32 $0xFFFFFF80  }
0xa4: {  	[spmem:s1] =	stream.indirect.scatter.add.f32 [tilespmem:s12], [sflag:$0x1], $0x1, s25, s11, $0xb8;
	[tilespmem:$0xD80] =	vst v63  }
0xa5: {  	_ =	swait.ge [sflag:s10], $0x80  }
.Ltmp0:
0xa6: {  	[sflag:s10] =	ssyncset.done $0x0;
	(pc) =	sbr.rel @p0 .LBB2_2-.Ltmp0, $4  }
0xa7: {  	[sflag:s10] =	ssyncadd.s32 $0xFFFFFF80  }
0xa8: {  	[spmem:s1] =	stream.indirect.scatter.add.f32 [tilespmem:s12], [sflag:$0x1], $0x1, s26, s11, $0xb8;
	[tilespmem:$0xD80] =	vst v63  }
0xa9: {  	_ =	swait.ge [sflag:s10], $0x80  }
0xaa: {  	s31 =	smov.u32 s30;
	[sflag:s10] =	ssyncset.done $0x0  }
0xab: {  	s0 =	sadd.s32 s29, s6;
	[sflag:s10] =	ssyncadd.s32 $0xFFFFFF80  }
0xac: {  	[tilespmem:s3], [sflag:$0x1] =	stream.linear.gather [hbm4b:s0+s3], $0x800, $0x38;
	[tilespmem:$0xD80] =	vst v63  }
0xad: {  	_ =	swait.ge [sflag:s10], $0x800  }
0xae: {  	[sflag:s10] =	ssyncset.done $0x0  }
0xaf: {  	[sflag:s10] =	ssyncadd.s32 $0xFFFFF800  }
0xb0: {  	[spmem:s1] =	stream.indirect.scatter.add.f32 [tilespmem:s12], [sflag:$0x1], $0x1, s3, s11, $0xb8;
	[tilespmem:$0xD80] =	vst v63  }
0xb1: {  	_ =	swait.ge [sflag:s10], $0x80  }
0xb2: {  	[sflag:s10] =	ssyncset.done $0x0  }
0xb3: {  	[sflag:s10] =	ssyncadd.s32 $0xFFFFFF80  }
0xb4: {  	[spmem:s1] =	stream.indirect.scatter.add.f32 [tilespmem:s12], [sflag:$0x1], $0x1, s11, s11, $0xb8;
	[tilespmem:$0xD80] =	vst v63  }
0xb5: {  	_ =	swait.ge [sflag:s10], $0x80  }
0xb6: {  	[sflag:s10] =	ssyncset.done $0x0  }
0xb7: {  	[sflag:s10] =	ssyncadd.s32 $0xFFFFFF80  }
0xb8: {  	[spmem:s1] =	stream.indirect.scatter.add.f32 [tilespmem:s12], [sflag:$0x1], $0x1, s13, s11, $0xb8;
	[tilespmem:$0xD80] =	vst v63  }
0xb9: {  	_ =	swait.ge [sflag:s10], $0x80  }
0xba: {  	[sflag:s10] =	ssyncset.done $0x0  }
0xbb: {  	[sflag:s10] =	ssyncadd.s32 $0xFFFFFF80  }
0xbc: {  	[spmem:s1] =	stream.indirect.scatter.add.f32 [tilespmem:s12], [sflag:$0x1], $0x1, s14, s11, $0xb8;
	[tilespmem:$0xD80] =	vst v63  }
0xbd: {  	_ =	swait.ge [sflag:s10], $0x80  }
0xbe: {  	[sflag:s10] =	ssyncset.done $0x0  }
0xbf: {  	[sflag:s10] =	ssyncadd.s32 $0xFFFFFF80  }
0xc0: {  	[spmem:s1] =	stream.indirect.scatter.add.f32 [tilespmem:s12], [sflag:$0x1], $0x1, s15, s11, $0xb8;
	[tilespmem:$0xD80] =	vst v63  }
0xc1: {  	_ =	swait.ge [sflag:s10], $0x80  }
0xc2: {  	[sflag:s10] =	ssyncset.done $0x0  }
0xc3: {  	[sflag:s10] =	ssyncadd.s32 $0xFFFFFF80  }
0xc4: {  	[spmem:s1] =	stream.indirect.scatter.add.f32 [tilespmem:s12], [sflag:$0x1], $0x1, s16, s11, $0xb8;
	[tilespmem:$0xD80] =	vst v63  }
0xc5: {  	_ =	swait.ge [sflag:s10], $0x80  }
0xc6: {  	[sflag:s10] =	ssyncset.done $0x0  }
0xc7: {  	[sflag:s10] =	ssyncadd.s32 $0xFFFFFF80  }
0xc8: {  	[spmem:s1] =	stream.indirect.scatter.add.f32 [tilespmem:s12], [sflag:$0x1], $0x1, s17, s11, $0xb8;
	[tilespmem:$0xD80] =	vst v63  }
0xc9: {  	_ =	swait.ge [sflag:s10], $0x80  }
0xca: {  	[sflag:s10] =	ssyncset.done $0x0  }
0xcb: {  	[sflag:s10] =	ssyncadd.s32 $0xFFFFFF80  }
0xcc: {  	[spmem:s1] =	stream.indirect.scatter.add.f32 [tilespmem:s12], [sflag:$0x1], $0x1, s18, s11, $0xb8;
	[tilespmem:$0xD80] =	vst v63  }
0xcd: {  	_ =	swait.ge [sflag:s10], $0x80  }
0xce: {  	[sflag:s10] =	ssyncset.done $0x0  }
0xcf: {  	[sflag:s10] =	ssyncadd.s32 $0xFFFFFF80  }
0xd0: {  	[spmem:s1] =	stream.indirect.scatter.add.f32 [tilespmem:s12], [sflag:$0x1], $0x1, s19, s11, $0xb8;
	[tilespmem:$0xD80] =	vst v63  }
0xd1: {  	_ =	swait.ge [sflag:s10], $0x80  }
0xd2: {  	[sflag:s10] =	ssyncset.done $0x0  }
0xd3: {  	[sflag:s10] =	ssyncadd.s32 $0xFFFFFF80  }
0xd4: {  	[spmem:s1] =	stream.indirect.scatter.add.f32 [tilespmem:s12], [sflag:$0x1], $0x1, s20, s11, $0xb8;
	[tilespmem:$0xD80] =	vst v63  }
0xd5: {  	_ =	swait.ge [sflag:s10], $0x80  }
0xd6: {  	[sflag:s10] =	ssyncset.done $0x0  }
0xd7: {  	[sflag:s10] =	ssyncadd.s32 $0xFFFFFF80  }
0xd8: {  	[spmem:s1] =	stream.indirect.scatter.add.f32 [tilespmem:s12], [sflag:$0x1], $0x1, s21, s11, $0xb8;
	[tilespmem:$0xD80] =	vst v63  }
0xd9: {  	_ =	swait.ge [sflag:s10], $0x80  }
0xda: {  	[sflag:s10] =	ssyncset.done $0x0  }
0xdb: {  	[sflag:s10] =	ssyncadd.s32 $0xFFFFFF80  }
0xdc: {  	[spmem:s1] =	stream.indirect.scatter.add.f32 [tilespmem:s12], [sflag:$0x1], $0x1, s22, s11, $0xb8;
	[tilespmem:$0xD80] =	vst v63  }
0xdd: {  	_ =	swait.ge [sflag:s10], $0x80  }
0xde: {  	[sflag:s10] =	ssyncset.done $0x0  }
0xdf: {  	[sflag:s10] =	ssyncadd.s32 $0xFFFFFF80  }
0xe0: {  	[spmem:s1] =	stream.indirect.scatter.add.f32 [tilespmem:s12], [sflag:$0x1], $0x1, s23, s11, $0xb8;
	[tilespmem:$0xD80] =	vst v63  }
0xe1: {  	_ =	swait.ge [sflag:s10], $0x80  }
0xe2: {  	[sflag:s10] =	ssyncset.done $0x0  }
0xe3: {  	[sflag:s10] =	ssyncadd.s32 $0xFFFFFF80  }
0xe4: {  	[spmem:s1] =	stream.indirect.scatter.add.f32 [tilespmem:s12], [sflag:$0x1], $0x1, s24, s11, $0xb8;
	[tilespmem:$0xD80] =	vst v63  }
0xe5: {  	_ =	swait.ge [sflag:s10], $0x80  }
0xe6: {  	[sflag:s10] =	ssyncset.done $0x0  }
0xe7: {  	[sflag:s10] =	ssyncadd.s32 $0xFFFFFF80  }
0xe8: {  	[spmem:s1] =	stream.indirect.scatter.add.f32 [tilespmem:s12], [sflag:$0x1], $0x1, s25, s11, $0xb8;
	[tilespmem:$0xD80] =	vst v63  }
0xe9: {  	_ =	swait.ge [sflag:s10], $0x80  }
0xea: {  	[sflag:s10] =	ssyncset.done $0x0  }
0xeb: {  	[sflag:s10] =	ssyncadd.s32 $0xFFFFFF80  }
0xec: {  	[spmem:s1] =	stream.indirect.scatter.add.f32 [tilespmem:s12], [sflag:$0x1], $0x1, s26, s11, $0xb8;
	[tilespmem:$0xD80] =	vst v63  }
0xed: {  	_ =	swait.ge [sflag:s10], $0x80  }
0xee: {  	[sflag:s10] =	ssyncset.done $0x0  }
0xef: {  	[sflag:s10] =	ssyncadd.s32 $0xFFFFFF80  }
0xf0: {  	[bflag:$0x0] =	sbarrier.arrive $0xFFFF  }
0xf1: {  	[tilespmem:s9], [sflag:$0x1] =	stream.linear.gather [spmem:s5], $0x280, $0x38;
	[tilespmem:$0xD80] =	vst v63  }
0xf2: {  	s28 =	sadd.s32 $0x1, s28;
	_ =	swait.ge [sflag:s10], $0x280  }
0xf3: {  	p0 =	sne.s32 s28, s8;
	[sflag:s10] =	ssyncset.done $0x0  }
.Ltmp1:
0xf4: {  	[sflag:s10] =	ssyncadd.s32 $0xFFFFFD80;
	(pc) =	sbr.rel @p0 .LBB2_1-.Ltmp1, $4  }
0xf5: {  	[hbm4b:s7+s3] =	stream.linear.scatter [tilespmem:s9], [sflag:$0x1], $0x280, $0x38;
	[tilespmem:$0xD80] =	vst v63  }
0xf6: {  	_ =	swait.ge [sflag:s10], $0x280  }
0xf7: {  	[sflag:s10] =	ssyncset.done $0x0  }
0xf8: {  	[sflag:s10] =	ssyncadd.s32 $0xFFFFFD80  }
0xf9: {  	_ =	sfence.sel $0x180000  }
0xfa: {  	[bflag:$0x0] =	sbarrier.arrive $0xFFFF  }
0xfb: {  	_ =	strace $0x90000047  }
0xfc: {  	[bflag:$0x2] =	sbarrier.arrive $0xFFFF  }
0xfd: {  	p0 =	sne.s32 s2, $0x0;
	s0 =	rddreg [dreg:$0x3]  }
0xfe: {  	s0 =	sadd.s32 @!p0 $0x100000, s0  }
0xff: {  	[sflag:s0] =	ssyncadd.tile.s32 @!p0 $0x1;
	_ =	shalt  }
.Lfunc_end2:
_tile_overlayer_lowered:
.L_overlay_start_2:
0x100: {  	(tag) =	ssettag $0x2  }
0x101: {  	s0 =	rddreg [dreg:$0x0];
	s2 =	stileid.u32  }
0x102: {  	s1 =	rddreg [dreg:$0x1];
	p0 =	sne.s32 s2, $0x0  }
0x103: {  	s3 =	rddreg [dreg:$0x2];
	[bflag:$0x3] =	sbarrier.arrive $0xFFFF;
	s2 =	simm.s32 @!p0 $0x1C01  }
0x104: {  	[timem:s3], [sflag:s2] =	dma.local @!p0 [hbm:s0], s1  }
0x105: {  	s0 =	simm.s32 @!p0 $0x1  }
0x106: {  	_ =	swait.ge @!p0 [sflag:s0], s1  }
0x107: {  	s1 =	ssub.s32 @!p0 $0x0, s1;
	[sflag:s0] =	ssyncset.done @!p0 $0x0  }
0x108: {  	[sflag:s0] =	ssyncadd.s32 @!p0 s1  }
0x109: {  	[bflag:$0x3] =	sbarrier.arrive $0xFFFF  }
0x10a: {  	_ =	shalt  }

// kernel: kernel.13.cloned.1.call-start
scs
__scs_entry_jumppad:
0x0: {  	(pc) =	sbr.rel $0x88, $3  }
0x1: {  	(tag) =	ssettag $0x0;
	lr =	simm.s32 $0x1  }
0x2: {  	[smem:$0x3F99] =	sst lr;
	_ =	strace $0xD0000000  }
0x3: {  	_ = 	snop  }
0x4: {  	_ = 	snop  }
0x5: {  	_ = 	snop  }
0x6: {  	_ = 	snop  }
0x7: {  	_ = 	snop  }
__scs_overlays_trampoline_lowered:
0x8: {  	[smem:$0x3FA8] =	sst s0  }
0x9: {  	[smem:$0x3FA9] =	sst s1  }
0xa: {  	[smem:$0x3FAA] =	sst s2  }
0xb: {  	[smem:$0x3FAB] =	sst s3  }
0xc: {  	[smem:$0x3FAC] =	sst s4  }
0xd: {  	[smem:$0x3FAD] =	sst s5  }
0xe: {  	[smem:$0x3FAE] =	sst s6  }
0xf: {  	[smem:$0x3FAF] =	sst s7  }
0x10: {  	[smem:$0x3FB0] =	sst s8  }
0x11: {  	[smem:$0x3FB1] =	sst s9;
	s0 =	simm.s32 @!p0 $0x0  }
0x12: {  	s1 =	sld [smem:$0x3F97];
	s0 =	simm.s32 @p0 $0x1  }
0x13: {  	[smem:$0x3FB2] =	sst s0;
	s0 =	simm.s32 @!p1 $0x0  }
0x14: {  	s2 =	sld [smem:$0x3F96];
	s0 =	simm.s32 @p1 $0x1  }
0x15: {  	[smem:$0x3FB3] =	sst s0;
	s0 =	simm.s32 @!p2 $0x0  }
0x16: {  	s3 =	sld [smem:$0x3FDB];
	s0 =	simm.s32 @p2 $0x1  }
0x17: {  	s4 =	simm.s32 $0x1BF5;
	[smem:$0x3FB5] =	sst s0  }
0x18: {  	s0 =	sld [smem:$0x3F98];
	_ =	swait.ge [sflag:s4], $0x0  }
0x19: {  	s7 =	sld [smem:$0x3F99]  }
0x1a: {  	s8 =	sadd.s32 $0xFFFFE003, lr  }
0x1b: {  	s9 =	sadd.s32 $0xFFFFFEF7, lr;
	s5 =	simm.s32 $0xFFFFFFFF;
	p2 =	slt.u32 s8, $0xFFFFF086  }
0x1c: {  	p1 =	slt.u32 s9, $0xF7A;
	s5 =	simm.s32 @!p2 $0x0  }
0x1d: {  	s5 =	simm.s32 @p1 $0x1;
	p0 =	seq.s32 s7, s2  }
0x1e: {  	s7 =	smul.u32 @!p0 $0xF7A, s2;
	p2 =	seq.s32 @!p0 s5, $0x0  }
0x1f: {  	s9 =	smul.u32 $0xF7A, s1;
	s8 =	simm.s32 @!p0 $0x1BF5;
	p2 =	por !p2, p0  }
0x20: {  	[sflag:s8] =	ssyncset.s32 @!p0 $0xFFFFF086;
	s6 =	sadd.s32 @!p0 s3, s7;
	s7 =	simm.s32 @!p0 $0x108  }
0x21: {  	s3 =	sadd.s32 s3, s9;
	s6 =	sadd.s32 @!p0 $0x88, s6;
	s7 =	simm.s32 @p2 $0x1082  }
0x22: {  	[simem:s7], [sflag:s8] =	dma.local @!p0 [hbm:s6], $0xF7A  }
0x23: {  	s9 =	sor.u32 $0xD0000000, s2;
	s6 =	simm.s32 $0x108;
	_ =	swait.ge @!p0 [sflag:s8], $0x0  }
0x24: {  	s3 =	sadd.s32 $0x88, s3;
	s6 =	simm.s32 @!p1 $0x1082;
	[sflag:s4] =	ssyncset.s32 $0xFFFFF086  }
0x25: {  	[simem:s6], [sflag:s4] =	dma.local [hbm:s3], $0xF7A  }
0x26: {  	[smem:$0x3F99] =	sst s1;
	(tag) =	ssettag s2;
	_ =	strace s9  }
0x27: {  	s1 =	sld [smem:$0x3FA9]  }
0x28: {  	s2 =	sld [smem:$0x3FAA]  }
0x29: {  	s4 =	sld [smem:$0x3FAC]  }
0x2a: {  	p0 =	seq.s32 s5, $0x0;
	s5 =	sld [smem:$0x3FAD]  }
0x2b: {  	s6 =	sld [smem:$0x3FAE]  }
0x2c: {  	s7 =	sld [smem:$0x3FAF]  }
0x2d: {  	s3 =	simm.s32 $0x108;
	s8 =	sld [smem:$0x3FB0]  }
0x2e: {  	s3 =	simm.s32 @!p0 $0x1082;
	s9 =	sld [smem:$0x3FB1]  }
0x2f: {  	lr =	sadd.s32 s0, s3;
	s0 =	sld [smem:$0x3FA8]  }
0x30: {  	s3 =	sld [smem:$0x3FAB]  }
0x31: {  	[smem:$0x3FB4] =	sst s10  }
0x32: {  	s10 =	sld [smem:$0x3FB2];
	_ =	sdelay $0x3  }
0x33: {  	p0 =	seq.s32 s10, $0x1;
	s10 =	sld [smem:$0x3FB4];
	_ =	sdelay $0x3  }
0x34: {  	[smem:$0x3FB4] =	sst s10  }
0x35: {  	s10 =	sld [smem:$0x3FB3];
	_ =	sdelay $0x3  }
0x36: {  	p1 =	seq.s32 s10, $0x1;
	s10 =	sld [smem:$0x3FB4];
	_ =	sdelay $0x3  }
0x37: {  	[smem:$0x3FB4] =	sst s10  }
0x38: {  	s10 =	sld [smem:$0x3FB5]  }
0x39: {  	_ = 	snop;
	(pc) =	sbr.ind lr, $3  }
0x3a: {  	_ = 	snop  }
0x3b: {  	_ = 	snop  }
0x3c: {  	p2 =	seq.s32 s10, $0x1;
	s10 =	sld [smem:$0x3FB4]  }
0x3d: {  	_ =	shalt  }
0x3e: {  	_ =	shalt  }
0x3f: {  	_ =	shalt  }
0x40: {  	_ =	shalt  }
0x41: {  	_ =	shalt  }
0x42: {  	_ =	shalt  }
0x43: {  	_ =	shalt  }
0x44: {  	_ =	shalt  }
0x45: {  	_ =	shalt  }
0x46: {  	_ =	shalt  }
0x47: {  	_ =	shalt  }
0x48: {  	_ =	shalt  }
0x49: {  	_ =	shalt  }
0x4a: {  	_ =	shalt  }
0x4b: {  	_ =	shalt  }
0x4c: {  	_ =	shalt  }
0x4d: {  	_ =	shalt  }
0x4e: {  	_ =	shalt  }
0x4f: {  	_ =	shalt  }
0x50: {  	_ =	shalt  }
0x51: {  	_ =	shalt  }
0x52: {  	_ =	shalt  }
0x53: {  	_ =	shalt  }
0x54: {  	_ =	shalt  }
0x55: {  	_ =	shalt  }
0x56: {  	_ =	shalt  }
0x57: {  	_ =	shalt  }
0x58: {  	_ =	shalt  }
0x59: {  	_ =	shalt  }
0x5a: {  	_ =	shalt  }
0x5b: {  	_ =	shalt  }
0x5c: {  	_ =	shalt  }
0x5d: {  	_ =	shalt  }
0x5e: {  	_ =	shalt  }
0x5f: {  	_ =	shalt  }
0x60: {  	_ =	shalt  }
0x61: {  	_ =	shalt  }
0x62: {  	_ =	shalt  }
0x63: {  	_ =	shalt  }
0x64: {  	_ =	shalt  }
0x65: {  	_ =	shalt  }
0x66: {  	_ =	shalt  }
0x67: {  	_ =	shalt  }
0x68: {  	_ =	shalt  }
0x69: {  	_ =	shalt  }
0x6a: {  	_ =	shalt  }
0x6b: {  	_ =	shalt  }
0x6c: {  	_ =	shalt  }
0x6d: {  	_ =	shalt  }
0x6e: {  	_ =	shalt  }
0x6f: {  	_ =	shalt  }
0x70: {  	_ =	shalt  }
0x71: {  	_ =	shalt  }
0x72: {  	_ =	shalt  }
0x73: {  	_ =	shalt  }
0x74: {  	_ =	shalt  }
0x75: {  	_ =	shalt  }
0x76: {  	_ =	shalt  }
0x77: {  	_ =	shalt  }
0x78: {  	_ =	shalt  }
0x79: {  	_ =	shalt  }
0x7a: {  	_ =	shalt  }
0x7b: {  	_ =	shalt  }
0x7c: {  	_ =	shalt  }
0x7d: {  	_ =	shalt  }
0x7e: {  	_ =	shalt  }
0x7f: {  	_ =	shalt  }
0x80: {  	_ =	shalt  }
0x81: {  	_ =	shalt  }
0x82: {  	_ =	shalt  }
0x83: {  	_ =	shalt  }
0x84: {  	_ =	shalt  }
0x85: {  	_ =	shalt  }
0x86: {  	_ =	shalt  }
0x87: {  	_ =	shalt  }
.Lfunc_end0:
.L_simem_size_0:
called_computation.1_lowered:
.L_overlay_start_0:
0x88: {  	s2 =	sld [smem:$0x3FD9]  }
0x89: {  	s3 =	sld [smem:$0x3FFE];
	_ =	sdelay $0x1  }
0x8a: {  	s1 =	srdreg.scid  }
0x8b: {  	s0 =	sand.u32 $0x1, s1  }
0x8c: {  	s17 =	sshll.u32 s0, $0xA;
	s2 =	sadd.s32 s3, s2  }
0x8d: {  	s2 =	sadd.s32 s2, s17  }
0x8e: {  	[smem:$0x3FC0] =	sst s2  }
0x8f: {  	_ = 	snop  }
0x90: {  	s2 =	sld [smem:$0x3FD0];
	(tm) =	ssettm $0x1  }
0x91: {  	s18 =	sld [smem:$0x3FFB];
	_ =	sdelay $0x3  }
0x92: {  	_ =	strace s18  }
0x93: {  	s3 =	sld [smem:$0x3FFC];
	_ =	sdelay $0x3  }
0x94: {  	_ =	strace s3  }
0x95: {  	s3 =	sld [smem:$0x3FFD];
	_ =	sdelay $0x3  }
0x96: {  	_ =	strace s3  }
0x97: {  	_ =	strace $0x8FFFFFFF  }
0x98: {  	s19 =	sld [smem:$0x3FDB];
	_ =	sdelay $0x1  }
0x99: {  	s4 =	simm.s32 $_scs_section_size  }
0x9a: {  	s5 =	simm.s32 $_size__tile_overlayer_lowered;
	s6 =	simm.s32 $_tile_overlayer_lowered  }
0x9b: {  	s22 =	simm.s32 $0x1BFF;
	s21 =	sshll.u32 s6, $0x1;
	s3 =	sadd.s32 s4, s19  }
0x9c: {  	s7 =	simm.s32 $0x0;
	s20 =	sshll.u32 s5, $0x1;
	s5 =	sadd.s32 s21, s3  }
0x9d: {  	[timem:s7], [sflag:s22] =	dma.local [hbm:s5], s20  }
0x9e: {  	_ =	swait.ge [sflag:s22], s20  }
0x9f: {  	s4 =	ssub.s32 $0x0, s20;
	[sflag:s22] =	ssyncset.done $0x0  }
0xa0: {  	[sflag:s22] =	ssyncadd.s32 s4;
	_ =	sdelay $0x1  }
0xa1: {  	s23 =	simm.s32 $0x1B8B  }
0xa2: {  	_ =	swait.ge [sflag:s23], $0x1  }
0xa3: {  	[sflag:s23] =	ssyncset.done $0x0  }
0xa4: {  	s25 =	simm.s32 $0x1B8E;
	s24 =	sld [smem:$0x3FFE];
	[sflag:s23] =	ssyncadd.s32 $0xFFFFFFFF  }
0xa5: {  	s26 =	simm.s32 $execute0_lowered;
	[smem:$0x3FD2] =	sst s25  }
0xa6: {  	s5 =	sshll.u32 s26, $0x1;
	_ =	strace $0x80000049;
	[dreg:$0x1] =	wrdreg $0xFFFFFFFF  }
0xa7: {  	s28 =	simm.s32 $_size_execute0_lowered;
	s3 =	sadd.s32 s3, s5;
	[dreg:$0x0] =	wrdreg $0x0  }
0xa8: {  	s5 =	sshll.u32 s28, $0x1;
	[dreg:$0x2] =	wrdreg s3  }
0xa9: {  	[dreg:$0x3] =	wrdreg s5  }
0xaa: {  	[dreg:$0x4] =	wrdreg $0xC0  }
0xab: {  	_ =	task [dreg:s7], $0x5FFFF  }
0xac: {  	[dreg:$0x1] =	wrdreg $0xFFFFFFFF  }
0xad: {  	[dreg:$0x0] =	wrdreg $0x60  }
0xae: {  	[dreg:$0x2] =	wrdreg s2  }
0xaf: {  	[dreg:$0x3] =	wrdreg s24  }
0xb0: {  	[dreg:$0x4] =	wrdreg $0xB0000  }
0xb1: {  	[dreg:$0x5] =	wrdreg $0x9  }
0xb2: {  	_ =	task.clear_ibuf [dreg:s7], $0x6FFFF;
	_ =	strace $0x90000049  }
0xb3: {  	s29 =	simm.s32 $0x9;
	_ =	strace $0x8000004B  }
0xb4: {  	_ =	swait.ge [sflag:s29], $0x1  }
0xb5: {  	[sflag:s29] =	ssyncadd.s32 $0xFFFFFFFF  }
0xb6: {  	_ =	strace $0x9000004B  }
0xb7: {  	_ =	sfence  }
0xb8: {  	s30 =	sld [smem:$0x0];
	_ =	sdelay $0x2  }
0xb9: {  	s31 =	sshll.u32 s1, $0xD;
	s1 =	sshrl.u32 s1, $0x2  }
0xba: {  	s3 =	sand.u32 $0x4000, s31;
	s1 =	sadd.s32 s1, s30  }
0xbb: {  	s0 =	sor.u32 s3, s0;
	s1 =	sshll.u32 s1, $0x11  }
0xbc: {  	s0 =	sor.u32 s1, s0  }
0xbd: {  	s0 =	sadd.s32 $0x8F2B, s0  }
0xbe: {  	[sflag:s0] =	ssyncadd.remote.s32 $0x1  }
0xbf: {  	_ =	sfence.sel $0xFFFF  }
0xc0: {  	[dreg:$0x0] =	wrdreg $0xFFFFFFFF;
	(pc) =	sbr.abs _section_cstart, $3  }
0xc1: {  	[dreg:$0x1] =	wrdreg $0xFFFFFFFF  }
0xc2: {  	_ =	task.clear_ibuf [dreg:s7], $0x2FFFF;
	_ =	strace $0x9FFFFFFF  }
0xc3: {  	(tm) =	ssettm $0x7FFFFFFF  }
tec
execute0_lowered:
.L_overlay_start_1:
0x0: {  	(tag) =	ssettag $0x1  }
0x1: {  	s0 =	srdreg.scid  }
0x2: {  	s1 =	rddreg [dreg:$0x0];
	s12 =	stileid.u32  }
0x3: {  	s2 =	rddreg [dreg:$0x1];
	s7 =	smul.u32 $0x50000, s12  }
0x4: {  	s3 =	rddreg [dreg:$0x2];
	s28 =	simm.s32 $0x2;
	s8 =	smul.u32 $0x280, s12  }
0x5: {  	s31 =	simm.s32 $0x2980;
	s0 =	sand.u32 $0x1, s0;
	s21 =	smul.u32 $0x2800, s12  }
0x6: {  	s9 =	sadd.s32 $0x17400, s2;
	s4 =	sshll.u32 s0, $0x4;
	s6 =	smul.u32 $0x28000, s0  }
0x7: {  	s0 =	ssub.s32 $0x2, s0;
	s5 =	sor.u32 s12, s4;
	s4 =	simm.s32 $0x0  }
0x8: {  	s13 =	sshrl.u32 s0, $0x1;
	s14 =	sshrl.u32 s7, $0x2;
	s15 =	sadd.s32 $0x80, s8  }
0x9: {  	s18 =	sadd.s32 $0x100, s8;
	s19 =	sadd.s32 $0x180, s8;
	s8 =	sadd.s32 $0x200, s8  }
0xa: {  	s12 =	simm.s32 $0x0;
	s5 =	smul.u32 $0x500, s5;
	[smem:$0x7FF] =	sst s4  }
0xb: {  	s0 =	ssub.s32 s0, s13;
	s17 =	sshll.u32 s15, $0x7;
	s10 =	sshll.u32 s18, $0x7  }
0xc: {  	s11 =	sshll.u32 s19, $0x7;
	s20 =	sshll.u32 s8, $0x7;
	s7 =	sshll.u32 s15, $0x4  }
0xd: {  	s8 =	sshll.u32 s8, $0x4;
	s15 =	simm.s32 $0x3000;
	s13 =	simm.s32 $0x4  }
0xe: {  	_ =	strace $0x8000004A;
	[dreg:$0x4] =	wrdreg s9;
	s29 =	sadd.s32 s17, s3  }
0xf: {  	s30 =	sadd.s32 s10, s3;
	s11 =	sadd.s32 s11, s3;
	s0 =	smax.u32 s0, $0x1  }
0x10: {  	s10 =	sadd.s32 s20, s3;
	s9 =	sshll.u32 s19, $0x4;
	[dreg:$0xc] =	wrdreg s0  }
0x11: {  	s17 =	simm.s32 $0x80;
	s19 =	simm.s32 $0x7000;
	[dreg:$0x7] =	wrdreg s29  }
0x12: {  	s20 =	simm.s32 $0x2C80;
	s5 =	sadd.s32 s5, s2;
	[dreg:$0x8] =	wrdreg s30  }
0x13: {  	s2 =	sadd.s32 s6, s2;
	s6 =	sshll.u32 s18, $0x4;
	[dreg:$0x9] =	wrdreg s11  }
0x14: {  	s18 =	simm.s32 $0x2C00;
	[dreg:$0xa] =	wrdreg s10;
	s16 =	sadd.s32 $0xD400, s5  }
0x15: {  	s0 =	simm.s32 $0x2A80;
	s5 =	sadd.s32 $0x3400, s5;
	[dreg:$0x5] =	wrdreg s16  }
0x16: {  	s2 =	sadd.s32 $0x17C00, s2;
	s16 =	sadd.s32 s14, s3;
	[dreg:$0xb] =	wrdreg s5  }
0x17: {  	s14 =	simm.s32 $0x5;
	s22 =	sadd.s32 s21, s2;
	s23 =	sadd.s32 s7, s2  }
0x18: {  	s24 =	sadd.s32 s6, s2;
	s25 =	sadd.s32 s9, s2;
	[dreg:$0xd] =	wrdreg s22  }
0x19: {  	s26 =	sadd.s32 s8, s2;
	s2 =	simm.s32 $0x2A00;
	[dreg:$0xe] =	wrdreg s23  }
.Ltmp0:
0x1a: {  	s5 =	simm.s32 $0x2B00;
	[dreg:$0xf] =	wrdreg s24;
	(pc) =	sbr.rel .LBB2_1-.Ltmp0, $4  }
0x1b: {  	s6 =	simm.s32 $0x2B80;
	s21 =	simm.s32 $0x2D00;
	[dreg:$0x10] =	wrdreg s25  }
0x1c: {  	s7 =	simm.s32 $0x2F00;
	s8 =	simm.s32 $0x2F80;
	[dreg:$0x11] =	wrdreg s26  }
0x1d: {  	s25 =	simm.s32 $0x3;
	s26 =	simm.s32 $0x1;
	s22 =	simm.s32 $0x2D80  }
0x1e: {  	s23 =	simm.s32 $0x2E00;
	s24 =	simm.s32 $0x2E80;
	[dreg:$0x6] =	wrdreg s16  }
.LBB2_4:
0x1f: {  	[bflag:$0x0] =	sbarrier.arrive $0xFFFF  }
0x20: {  	s16 =	rddreg [dreg:$0x6]  }
0x21: {  	[tilespmem:s15], [sflag:$0x5] =	stream.linear.gather [spmem:s16], $0x4000, $0x38;
	[tilespmem:$0x1F000] =	vst v63  }
0x22: {  	_ =	swait.ge [sflag:s14], $0x4000  }
0x23: {  	[sflag:s14] =	ssyncset.done $0x0  }
0x24: {  	s9 =	rddreg [dreg:$0xd];
	[sflag:s14] =	ssyncadd.s32 $0xFFFFC000  }
0x25: {  	[hbm4b:s9+s4] =	stream.linear.scatter [tilespmem:s15], [sflag:$0x5], $0x4000, $0x38;
	[tilespmem:$0x1F000] =	vst v63  }
0x26: {  	_ =	swait.ge [sflag:s14], $0x4000  }
0x27: {  	[sflag:s14] =	ssyncset.done $0x0  }
0x28: {  	s29 =	rddreg [dreg:$0x7];
	[sflag:s14] =	ssyncadd.s32 $0xFFFFC000  }
0x29: {  	[tilespmem:s15], [sflag:$0x5] =	stream.linear.gather [spmem:s29], $0x4000, $0x38;
	[tilespmem:$0x1F000] =	vst v63  }
0x2a: {  	_ =	swait.ge [sflag:s14], $0x4000  }
0x2b: {  	[sflag:s14] =	ssyncset.done $0x0  }
0x2c: {  	s11 =	rddreg [dreg:$0xe];
	[sflag:s14] =	ssyncadd.s32 $0xFFFFC000  }
0x2d: {  	[hbm4b:s11+s4] =	stream.linear.scatter [tilespmem:s15], [sflag:$0x5], $0x4000, $0x38;
	[tilespmem:$0x1F000] =	vst v63  }
0x2e: {  	_ =	swait.ge [sflag:s14], $0x4000  }
0x2f: {  	[sflag:s14] =	ssyncset.done $0x0  }
0x30: {  	s30 =	rddreg [dreg:$0x8];
	[sflag:s14] =	ssyncadd.s32 $0xFFFFC000  }
0x31: {  	[tilespmem:s15], [sflag:$0x5] =	stream.linear.gather [spmem:s30], $0x4000, $0x38;
	[tilespmem:$0x1F000] =	vst v63  }
0x32: {  	_ =	swait.ge [sflag:s14], $0x4000  }
0x33: {  	[sflag:s14] =	ssyncset.done $0x0  }
0x34: {  	s12 =	rddreg [dreg:$0xf];
	[sflag:s14] =	ssyncadd.s32 $0xFFFFC000  }
0x35: {  	[hbm4b:s12+s4] =	stream.linear.scatter [tilespmem:s15], [sflag:$0x5], $0x4000, $0x38;
	[tilespmem:$0x1F000] =	vst v63  }
0x36: {  	_ =	swait.ge [sflag:s14], $0x4000  }
0x37: {  	[sflag:s14] =	ssyncset.done $0x0  }
0x38: {  	s11 =	rddreg [dreg:$0x9];
	[sflag:s14] =	ssyncadd.s32 $0xFFFFC000  }
0x39: {  	[tilespmem:s15], [sflag:$0x5] =	stream.linear.gather [spmem:s11], $0x4000, $0x38;
	[tilespmem:$0x1F000] =	vst v63  }
0x3a: {  	_ =	swait.ge [sflag:s14], $0x4000  }
0x3b: {  	[sflag:s14] =	ssyncset.done $0x0  }
0x3c: {  	s10 =	rddreg [dreg:$0x10];
	[sflag:s14] =	ssyncadd.s32 $0xFFFFC000  }
0x3d: {  	[hbm4b:s10+s4] =	stream.linear.scatter [tilespmem:s15], [sflag:$0x5], $0x4000, $0x38;
	[tilespmem:$0x1F000] =	vst v63  }
0x3e: {  	_ =	swait.ge [sflag:s14], $0x4000  }
0x3f: {  	[sflag:s14] =	ssyncset.done $0x0  }
0x40: {  	s10 =	rddreg [dreg:$0xa];
	[sflag:s14] =	ssyncadd.s32 $0xFFFFC000  }
0x41: {  	[tilespmem:s15], [sflag:$0x5] =	stream.linear.gather [spmem:s10], $0x4000, $0x38;
	[tilespmem:$0x1F000] =	vst v63  }
0x42: {  	_ =	swait.ge [sflag:s14], $0x4000  }
0x43: {  	[sflag:s14] =	ssyncset.done $0x0  }
0x44: {  	s12 =	rddreg [dreg:$0x11];
	[sflag:s14] =	ssyncadd.s32 $0xFFFFC000  }
0x45: {  	[hbm4b:s12+s4] =	stream.linear.scatter [tilespmem:s15], [sflag:$0x5], $0x4000, $0x38;
	[tilespmem:$0x1F000] =	vst v63  }
0x46: {  	_ =	swait.ge [sflag:s14], $0x4000  }
0x47: {  	s12 =	rddreg [dreg:$0x12]  }
0x48: {  	s9 =	rddreg [dreg:$0xc];
	s12 =	sadd.s32 $0x1, s12  }
0x49: {  	p0 =	sne.s32 s12, s9  }
.Ltmp1:
0x4a: {  	_ = 	snop;
	(pc) =	sbr.rel @!p0 .LBB2_5-.Ltmp1, $3  }
0x4b: {  	_ =	sdelay $0x1  }
0x4c: {  	[sflag:s14] =	ssyncset.done $0x0  }
0x4d: {  	[sflag:s14] =	ssyncadd.s32 $0xFFFFC000  }
.LBB2_1:
0x4e: {  	[dreg:$0x12] =	wrdreg s12  }
0x4f: {  	s9 =	rddreg [dreg:$0x5]  }
0x50: {  	[tilespmem:s4], [sflag:$0x5] =	stream.linear.gather [hbm4b:s9+s4], $0x2800, $0x38;
	[tilespmem:$0x1F000] =	vst v63  }
0x51: {  	_ =	swait.ge [sflag:s14], $0x2800  }
0x52: {  	[sflag:s14] =	ssyncset.done $0x0  }
0x53: {  	s12 =	rddreg [dreg:$0x4];
	[sflag:s14] =	ssyncadd.s32 $0xFFFFD800  }
0x54: {  	[tilespmem:s15], [sflag:$0x5] =	stream.linear.gather [hbm4b:s12+s4], $0x4000, $0x38;
	[tilespmem:$0x1F000] =	vst v63  }
0x55: {  	_ =	swait.ge [sflag:s14], $0x4000  }
0x56: {  	[sflag:s14] =	ssyncset.done $0x0  }
0x57: {  	[sflag:s14] =	ssyncadd.s32 $0xFFFFC000  }
0x58: {  	[spmem:s16] =	stream.linear.scatter [tilespmem:s15], [sflag:$0x5], $0x4000, $0x38;
	[tilespmem:$0x1F000] =	vst v63  }
0x59: {  	_ =	swait.ge [sflag:s14], $0x4000  }
0x5a: {  	[sflag:s14] =	ssyncset.done $0x0  }
0x5b: {  	[sflag:s14] =	ssyncadd.s32 $0xFFFFC000  }
0x5c: {  	[spmem:s29] =	stream.linear.scatter [tilespmem:s15], [sflag:$0x5], $0x4000, $0x38;
	[tilespmem:$0x1F000] =	vst v63  }
0x5d: {  	_ =	swait.ge [sflag:s14], $0x4000  }
0x5e: {  	[sflag:s14] =	ssyncset.done $0x0  }
0x5f: {  	[sflag:s14] =	ssyncadd.s32 $0xFFFFC000  }
0x60: {  	[spmem:s30] =	stream.linear.scatter [tilespmem:s15], [sflag:$0x5], $0x4000, $0x38;
	[tilespmem:$0x1F000] =	vst v63  }
0x61: {  	_ =	swait.ge [sflag:s14], $0x4000  }
0x62: {  	[sflag:s14] =	ssyncset.done $0x0  }
0x63: {  	[sflag:s14] =	ssyncadd.s32 $0xFFFFC000  }
0x64: {  	[spmem:s11] =	stream.linear.scatter [tilespmem:s15], [sflag:$0x5], $0x4000, $0x38;
	[tilespmem:$0x1F000] =	vst v63  }
0x65: {  	_ =	swait.ge [sflag:s14], $0x4000  }
0x66: {  	[sflag:s14] =	ssyncset.done $0x0  }
0x67: {  	[sflag:s14] =	ssyncadd.s32 $0xFFFFC000  }
0x68: {  	[spmem:s10] =	stream.linear.scatter [tilespmem:s15], [sflag:$0x5], $0x4000, $0x38;
	[tilespmem:$0x1F000] =	vst v63  }
0x69: {  	_ =	swait.ge [sflag:s14], $0x4000  }
0x6a: {  	[sflag:s14] =	ssyncset.done $0x0  }
0x6b: {  	s29 =	simm.s32 $0x2800;
	s16 =	rddreg [dreg:$0xb];
	[sflag:s14] =	ssyncadd.s32 $0xFFFFC000  }
0x6c: {  	[tilespmem:s29], [sflag:$0x3] =	stream.linear.gather [hbm4b:s16+s4], $0x400, $0x38;
	[tilespmem:$0x1F000] =	vst v63  }
0x6d: {  	_ = 	snop  }
0x6e: {  	[tilespmem:s15], [sflag:$0x1] =	stream.indirect.gather [hbm4b:s1+s17], $0x80, s4, s17, $0xb8;
	[tilespmem:$0x1F000] =	vst v63  }
0x6f: {  	s30 =	sadd.s32 $0x80, s16  }
0x70: {  	[tilespmem:s18], [sflag:$0x4] =	stream.linear.gather [hbm4b:s30+s4], $0x400, $0x38;
	[tilespmem:$0x1F000] =	vst v63  }
0x71: {  	s12 =	simm.s32 $0x0  }
0x72: {  	[tilespmem:s19], [sflag:$0x2] =	stream.indirect.gather [hbm4b:s1+s17], $0x80, s17, s17, $0xb8;
	[tilespmem:$0x1F000] =	vst v63  }
0x73: {  	s11 =	simm.s32 $0x6;
	s10 =	sadd.s32 $0x180, s16;
	[bflag:$0x0] =	sbarrier.arrive $0xFFFF  }
.LBB2_2:
0x74: {  	_ =	swait.ge [sflag:s25], $0x400  }
0x75: {  	[sflag:s25] =	ssyncset.done $0x0  }
0x76: {  	[sflag:s25] =	ssyncadd.s32 $0xFFFFFC00  }
0x77: {  	_ =	swait.ge [sflag:s26], $0x4000  }
0x78: {  	[sflag:s26] =	ssyncset.done $0x0  }
0x79: {  	s9 =	simm.s32 $0x2800;
	[sflag:s26] =	ssyncadd.s32 $0xFFFFC000  }
0x7a: {  	[spmem:s3] =	stream.indirect.scatter.add.f32 [tilespmem:s15], [sflag:$0x5], $0x80, s9, s17, $0xb8;
	[tilespmem:$0x1F000] =	vst v63  }
0x7b: {  	_ =	swait.ge [sflag:s14], $0x4000  }
0x7c: {  	s9 =	sshra.s32 s12, $0x2;
	[sflag:s14] =	ssyncset.done $0x0  }
0x7d: {  	s16 =	sadd.s32 $0x100, s9;
	[sflag:s14] =	ssyncadd.s32 $0xFFFFC000  }
0x7e: {  	[tilespmem:s15], [sflag:$0x1] =	stream.indirect.gather [hbm4b:s1+s17], $0x80, s16, s17, $0xb8;
	[tilespmem:$0x1F000] =	vst v63  }
0x7f: {  	_ =	swait.ge [sflag:s28], $0x4000  }
0x80: {  	[sflag:s28] =	ssyncset.done $0x0  }
0x81: {  	s29 =	simm.s32 $0x2880;
	[sflag:s28] =	ssyncadd.s32 $0xFFFFC000  }
0x82: {  	[spmem:s3] =	stream.indirect.scatter.add.f32 [tilespmem:s19], [sflag:$0x5], $0x80, s29, s17, $0xb8;
	[tilespmem:$0x1F000] =	vst v63  }
0x83: {  	_ =	swait.ge [sflag:s14], $0x4000  }
0x84: {  	[sflag:s14] =	ssyncset.done $0x0  }
0x85: {  	s30 =	sadd.s32 $0x180, s9;
	[sflag:s14] =	ssyncadd.s32 $0xFFFFC000  }
0x86: {  	[tilespmem:s19], [sflag:$0x2] =	stream.indirect.gather [hbm4b:s1+s17], $0x80, s30, s17, $0xb8;
	[tilespmem:$0x1F000] =	vst v63  }
0x87: {  	_ =	swait.ge [sflag:s26], $0x4000  }
0x88: {  	[sflag:s26] =	ssyncset.done $0x0  }
0x89: {  	s29 =	simm.s32 $0x2900;
	[sflag:s26] =	ssyncadd.s32 $0xFFFFC000  }
0x8a: {  	[spmem:s3] =	stream.indirect.scatter.add.f32 [tilespmem:s15], [sflag:$0x5], $0x80, s29, s17, $0xb8;
	[tilespmem:$0x1F000] =	vst v63  }
0x8b: {  	_ =	swait.ge [sflag:s14], $0x4000  }
0x8c: {  	[sflag:s14] =	ssyncset.done $0x0  }
0x8d: {  	s30 =	sadd.s32 $0x200, s9;
	[sflag:s14] =	ssyncadd.s32 $0xFFFFC000  }
0x8e: {  	[tilespmem:s15], [sflag:$0x1] =	stream.indirect.gather [hbm4b:s1+s17], $0x80, s30, s17, $0xb8;
	[tilespmem:$0x1F000] =	vst v63  }
0x8f: {  	_ =	swait.ge [sflag:s28], $0x4000  }
0x90: {  	[sflag:s28] =	ssyncset.done $0x0  }
0x91: {  	[sflag:s28] =	ssyncadd.s32 $0xFFFFC000  }
0x92: {  	[spmem:s3] =	stream.indirect.scatter.add.f32 [tilespmem:s19], [sflag:$0x5], $0x80, s31, s17, $0xb8;
	[tilespmem:$0x1F000] =	vst v63  }
0x93: {  	_ =	swait.ge [sflag:s14], $0x4000  }
0x94: {  	[sflag:s14] =	ssyncset.done $0x0  }
0x95: {  	s29 =	sadd.s32 $0x280, s9;
	[sflag:s14] =	ssyncadd.s32 $0xFFFFC000  }
0x96: {  	[tilespmem:s19], [sflag:$0x2] =	stream.indirect.gather [hbm4b:s1+s17], $0x80, s29, s17, $0xb8;
	[tilespmem:$0x1F000] =	vst v63  }
0x97: {  	_ =	swait.ge [sflag:s26], $0x4000  }
0x98: {  	[sflag:s26] =	ssyncset.done $0x0  }
0x99: {  	[sflag:s26] =	ssyncadd.s32 $0xFFFFC000  }
0x9a: {  	[spmem:s3] =	stream.indirect.scatter.add.f32 [tilespmem:s15], [sflag:$0x5], $0x80, s2, s17, $0xb8;
	[tilespmem:$0x1F000] =	vst v63  }
0x9b: {  	_ =	swait.ge [sflag:s14], $0x4000  }
0x9c: {  	[sflag:s14] =	ssyncset.done $0x0  }
0x9d: {  	s30 =	sadd.s32 $0x300, s9;
	[sflag:s14] =	ssyncadd.s32 $0xFFFFC000  }
0x9e: {  	[tilespmem:s15], [sflag:$0x1] =	stream.indirect.gather [hbm4b:s1+s17], $0x80, s30, s17, $0xb8;
	[tilespmem:$0x1F000] =	vst v63  }
0x9f: {  	_ =	swait.ge [sflag:s28], $0x4000  }
0xa0: {  	[sflag:s28] =	ssyncset.done $0x0  }
0xa1: {  	[sflag:s28] =	ssyncadd.s32 $0xFFFFC000  }
0xa2: {  	[spmem:s3] =	stream.indirect.scatter.add.f32 [tilespmem:s19], [sflag:$0x5], $0x80, s0, s17, $0xb8;
	[tilespmem:$0x1F000] =	vst v63  }
0xa3: {  	_ =	swait.ge [sflag:s14], $0x4000  }
0xa4: {  	[sflag:s14] =	ssyncset.done $0x0  }
0xa5: {  	s29 =	sadd.s32 $0x380, s9;
	[sflag:s14] =	ssyncadd.s32 $0xFFFFC000  }
0xa6: {  	[tilespmem:s19], [sflag:$0x2] =	stream.indirect.gather [hbm4b:s1+s17], $0x80, s29, s17, $0xb8;
	[tilespmem:$0x1F000] =	vst v63  }
0xa7: {  	_ =	swait.ge [sflag:s26], $0x4000  }
0xa8: {  	[sflag:s26] =	ssyncset.done $0x0  }
0xa9: {  	[sflag:s26] =	ssyncadd.s32 $0xFFFFC000  }
0xaa: {  	[spmem:s3] =	stream.indirect.scatter.add.f32 [tilespmem:s15], [sflag:$0x5], $0x80, s5, s17, $0xb8;
	[tilespmem:$0x1F000] =	vst v63  }
0xab: {  	_ =	swait.ge [sflag:s14], $0x4000  }
0xac: {  	[sflag:s14] =	ssyncset.done $0x0  }
0xad: {  	s30 =	sadd.s32 $0x400, s9;
	[sflag:s14] =	ssyncadd.s32 $0xFFFFC000  }
0xae: {  	[tilespmem:s15], [sflag:$0x1] =	stream.indirect.gather [hbm4b:s1+s17], $0x80, s30, s17, $0xb8;
	[tilespmem:$0x1F000] =	vst v63  }
0xaf: {  	_ =	swait.ge [sflag:s28], $0x4000  }
0xb0: {  	[sflag:s28] =	ssyncset.done $0x0  }
0xb1: {  	[sflag:s28] =	ssyncadd.s32 $0xFFFFC000  }
0xb2: {  	[spmem:s3] =	stream.indirect.scatter.add.f32 [tilespmem:s19], [sflag:$0x5], $0x80, s6, s17, $0xb8;
	[tilespmem:$0x1F000] =	vst v63  }
0xb3: {  	_ =	swait.ge [sflag:s14], $0x4000  }
0xb4: {  	[sflag:s14] =	ssyncset.done $0x0  }
0xb5: {  	p0 =	seq.s32 s12, $0x8000;
	s29 =	sadd.s32 $0x480, s9;
	[sflag:s14] =	ssyncadd.s32 $0xFFFFC000  }
0xb6: {  	[tilespmem:s19], [sflag:$0x2] =	stream.indirect.gather [hbm4b:s1+s17], $0x80, s29, s17, $0xb8;
	[tilespmem:$0x1F000] =	vst v63  }
0xb7: {  	s16 =	sadd.s32 @!p0 $0xFFFFFF80, s10;
	s30 =	simm.s32 @!p0 $0x2800;
	s29 =	simm.s32 @!p0 $0x0  }
0xb8: {  	[tilespmem:s30], [sflag:$0x3] =	stream.linear.gather @!p0 [hbm4b:s16+s29], $0x400, $0x38;
	[tilespmem:$0x1F000] =	vst v63  }
0xb9: {  	_ =	swait.ge [sflag:s13], $0x400  }
0xba: {  	[sflag:s13] =	ssyncset.done $0x0  }
0xbb: {  	[sflag:s13] =	ssyncadd.s32 $0xFFFFFC00  }
0xbc: {  	_ =	swait.ge [sflag:s26], $0x4000  }
0xbd: {  	[sflag:s26] =	ssyncset.done $0x0  }
0xbe: {  	[sflag:s26] =	ssyncadd.s32 $0xFFFFC000  }
0xbf: {  	[spmem:s3] =	stream.indirect.scatter.add.f32 [tilespmem:s15], [sflag:$0x5], $0x80, s18, s17, $0xb8;
	[tilespmem:$0x1F000] =	vst v63  }
0xc0: {  	_ =	swait.ge [sflag:s14], $0x4000  }
0xc1: {  	[sflag:s14] =	ssyncset.done $0x0  }
0xc2: {  	s30 =	sadd.s32 $0x500, s9;
	[sflag:s14] =	ssyncadd.s32 $0xFFFFC000  }
0xc3: {  	[tilespmem:s15], [sflag:$0x1] =	stream.indirect.gather [hbm4b:s1+s17], $0x80, s30, s17, $0xb8;
	[tilespmem:$0x1F000] =	vst v63  }
0xc4: {  	_ =	swait.ge [sflag:s28], $0x4000  }
0xc5: {  	[sflag:s28] =	ssyncset.done $0x0  }
0xc6: {  	[sflag:s28] =	ssyncadd.s32 $0xFFFFC000  }
0xc7: {  	[spmem:s3] =	stream.indirect.scatter.add.f32 [tilespmem:s19], [sflag:$0x5], $0x80, s20, s17, $0xb8;
	[tilespmem:$0x1F000] =	vst v63  }
0xc8: {  	_ =	swait.ge [sflag:s14], $0x4000  }
0xc9: {  	[sflag:s14] =	ssyncset.done $0x0  }
0xca: {  	s29 =	sadd.s32 $0x580, s9;
	[sflag:s14] =	ssyncadd.s32 $0xFFFFC000  }
0xcb: {  	[tilespmem:s19], [sflag:$0x2] =	stream.indirect.gather [hbm4b:s1+s17], $0x80, s29, s17, $0xb8;
	[tilespmem:$0x1F000] =	vst v63  }
0xcc: {  	_ =	swait.ge [sflag:s26], $0x4000  }
0xcd: {  	[sflag:s26] =	ssyncset.done $0x0  }
0xce: {  	[sflag:s26] =	ssyncadd.s32 $0xFFFFC000  }
0xcf: {  	[spmem:s3] =	stream.indirect.scatter.add.f32 [tilespmem:s15], [sflag:$0x5], $0x80, s21, s17, $0xb8;
	[tilespmem:$0x1F000] =	vst v63  }
0xd0: {  	_ =	swait.ge [sflag:s14], $0x4000  }
0xd1: {  	[sflag:s14] =	ssyncset.done $0x0  }
0xd2: {  	s30 =	sadd.s32 $0x600, s9;
	[sflag:s14] =	ssyncadd.s32 $0xFFFFC000  }
0xd3: {  	[tilespmem:s15], [sflag:$0x1] =	stream.indirect.gather [hbm4b:s1+s17], $0x80, s30, s17, $0xb8;
	[tilespmem:$0x1F000] =	vst v63  }
0xd4: {  	_ =	swait.ge [sflag:s28], $0x4000  }
0xd5: {  	[sflag:s28] =	ssyncset.done $0x0  }
0xd6: {  	[sflag:s28] =	ssyncadd.s32 $0xFFFFC000  }
0xd7: {  	[spmem:s3] =	stream.indirect.scatter.add.f32 [tilespmem:s19], [sflag:$0x5], $0x80, s22, s17, $0xb8;
	[tilespmem:$0x1F000] =	vst v63  }
0xd8: {  	_ =	swait.ge [sflag:s14], $0x4000  }
0xd9: {  	[sflag:s14] =	ssyncset.done $0x0  }
0xda: {  	s29 =	sadd.s32 $0x680, s9;
	[sflag:s14] =	ssyncadd.s32 $0xFFFFC000  }
0xdb: {  	[tilespmem:s19], [sflag:$0x2] =	stream.indirect.gather [hbm4b:s1+s17], $0x80, s29, s17, $0xb8;
	[tilespmem:$0x1F000] =	vst v63  }
0xdc: {  	_ =	swait.ge [sflag:s26], $0x4000  }
0xdd: {  	[sflag:s26] =	ssyncset.done $0x0  }
0xde: {  	[sflag:s26] =	ssyncadd.s32 $0xFFFFC000  }
0xdf: {  	[spmem:s3] =	stream.indirect.scatter.add.f32 [tilespmem:s15], [sflag:$0x5], $0x80, s23, s17, $0xb8;
	[tilespmem:$0x1F000] =	vst v63  }
0xe0: {  	_ =	swait.ge [sflag:s14], $0x4000  }
0xe1: {  	[sflag:s14] =	ssyncset.done $0x0  }
0xe2: {  	s30 =	sadd.s32 $0x700, s9;
	[sflag:s14] =	ssyncadd.s32 $0xFFFFC000  }
0xe3: {  	[tilespmem:s15], [sflag:$0x1] =	stream.indirect.gather [hbm4b:s1+s17], $0x80, s30, s17, $0xb8;
	[tilespmem:$0x1F000] =	vst v63  }
0xe4: {  	_ =	swait.ge [sflag:s28], $0x4000  }
0xe5: {  	[sflag:s28] =	ssyncset.done $0x0  }
0xe6: {  	[sflag:s28] =	ssyncadd.s32 $0xFFFFC000  }
0xe7: {  	[spmem:s3] =	stream.indirect.scatter.add.f32 [tilespmem:s19], [sflag:$0x5], $0x80, s24, s17, $0xb8;
	[tilespmem:$0x1F000] =	vst v63  }
0xe8: {  	_ =	swait.ge [sflag:s14], $0x4000  }
0xe9: {  	[sflag:s14] =	ssyncset.done $0x0  }
0xea: {  	s9 =	sadd.s32 $0x780, s9;
	[sflag:s14] =	ssyncadd.s32 $0xFFFFC000  }
0xeb: {  	[tilespmem:s19], [sflag:$0x2] =	stream.indirect.gather [hbm4b:s1+s17], $0x80, s9, s17, $0xb8;
	[tilespmem:$0x1F000] =	vst v63  }
0xec: {  	_ =	swait.ge [sflag:s26], $0x4000  }
0xed: {  	[sflag:s26] =	ssyncset.done $0x0  }
0xee: {  	[sflag:s26] =	ssyncadd.s32 $0xFFFFC000  }
0xef: {  	[spmem:s3] =	stream.indirect.scatter.add.f32 [tilespmem:s15], [sflag:$0x5], $0x80, s7, s17, $0xb8;
	[tilespmem:$0x1F000] =	vst v63  }
0xf0: {  	p1 =	sgt.u32 s11, $0x45;
	_ =	swait.ge [sflag:s14], $0x4000  }
0xf1: {  	s16 =	simm.s32 @!p1 $0x80;
	s9 =	sshra.s32 @!p1 s12, $0x2;
	[sflag:s14] =	ssyncset.done $0x0  }
0xf2: {  	s29 =	simm.s32 @!p1 $0x3000;
	s9 =	sadd.s32 @!p1 $0x800, s9;
	[sflag:s14] =	ssyncadd.s32 $0xFFFFC000  }
0xf3: {  	[tilespmem:s29], [sflag:$0x1] =	stream.indirect.gather @!p1 [hbm4b:s1+s16], $0x80, s9, s16, $0xb8;
	[tilespmem:$0x1F000] =	vst v63  }
0xf4: {  	_ =	swait.ge [sflag:s28], $0x4000  }
0xf5: {  	[sflag:s28] =	ssyncset.done $0x0  }
0xf6: {  	[sflag:s28] =	ssyncadd.s32 $0xFFFFC000  }
0xf7: {  	[spmem:s3] =	stream.indirect.scatter.add.f32 [tilespmem:s19], [sflag:$0x5], $0x80, s8, s17, $0xb8;
	[tilespmem:$0x1F000] =	vst v63  }
.Ltmp2:
0xf8: {  	_ = 	snop;
	(pc) =	sbr.rel @p0 .LBB2_4-.Ltmp2, $4  }
0xf9: {  	p1 =	sgt.u32 s11, $0x44;
	_ =	swait.ge [sflag:s14], $0x4000  }
0xfa: {  	s9 =	sshra.s32 @!p1 s12, $0x2;
	s16 =	simm.s32 @!p1 $0x80;
	[sflag:s14] =	ssyncset.done $0x0  }
0xfb: {  	s29 =	simm.s32 @!p1 $0x7000;
	s9 =	sadd.s32 @!p1 $0x880, s9;
	[sflag:s14] =	ssyncadd.s32 $0xFFFFC000  }
0xfc: {  	[tilespmem:s29], [sflag:$0x2] =	stream.indirect.gather @!p1 [hbm4b:s1+s16], $0x80, s9, s16, $0xb8;
	[tilespmem:$0x1F000] =	vst v63  }
.Ltmp3:
0xfd: {  	(pc) =	sbr.rel .LBB2_2-.Ltmp3, $3  }
0xfe: {  	_ =	sdelay $0x1  }
0xff: {  	[tilespmem:s18], [sflag:$0x4] =	stream.linear.gather [hbm4b:s10+s4], $0x400, $0x38;
	[tilespmem:$0x1F000] =	vst v63  }
0x100: {  	s12 =	sadd.s32 $0x2000, s12;
	s11 =	sadd.s32 $0x10, s11;
	s10 =	sadd.s32 $0x100, s10  }
.LBB2_5:
0x101: {  	_ =	sfence.sel $0x180000  }
0x102: {  	[bflag:$0x0] =	sbarrier.arrive $0xFFFF  }
0x103: {  	_ =	strace $0x9000004A  }
0x104: {  	s0 =	stileid.u32;
	[bflag:$0x2] =	sbarrier.arrive $0xFFFF  }
0x105: {  	p0 =	sne.s32 s0, $0x0;
	s0 =	rddreg [dreg:$0x3]  }
0x106: {  	s0 =	sadd.s32 @!p0 $0x100000, s0  }
0x107: {  	[sflag:s0] =	ssyncadd.tile.s32 @!p0 $0x1;
	_ =	shalt  }
.Lfunc_end2:
_tile_overlayer_lowered:
.L_overlay_start_2:
0x108: {  	(tag) =	ssettag $0x2  }
0x109: {  	s0 =	rddreg [dreg:$0x0];
	s2 =	stileid.u32  }
0x10a: {  	s1 =	rddreg [dreg:$0x1];
	p0 =	sne.s32 s2, $0x0  }
0x10b: {  	s3 =	rddreg [dreg:$0x2];
	[bflag:$0x3] =	sbarrier.arrive $0xFFFF;
	s2 =	simm.s32 @!p0 $0x1C05  }
0x10c: {  	[timem:s3], [sflag:s2] =	dma.local @!p0 [hbm:s0], s1  }
0x10d: {  	s0 =	simm.s32 @!p0 $0x5  }
0x10e: {  	_ =	swait.ge @!p0 [sflag:s0], s1  }
0x10f: {  	s1 =	ssub.s32 @!p0 $0x0, s1;
	[sflag:s0] =	ssyncset.done @!p0 $0x0  }
0x110: {  	[sflag:s0] =	ssyncadd.s32 @!p0 s1  }
0x111: {  	[bflag:$0x3] =	sbarrier.arrive $0xFFFF  }
0x112: {  	_ =	shalt  }

// kernel: kernel.16.cloned.1.call-start
scs
__scs_entry_jumppad:
0x0: {  	(pc) =	sbr.rel $0x88, $3  }
0x1: {  	(tag) =	ssettag $0x0;
	lr =	simm.s32 $0x1  }
0x2: {  	[smem:$0x3F99] =	sst lr;
	_ =	strace $0xD0000000  }
0x3: {  	_ = 	snop  }
0x4: {  	_ = 	snop  }
0x5: {  	_ = 	snop  }
0x6: {  	_ = 	snop  }
0x7: {  	_ = 	snop  }
__scs_overlays_trampoline_lowered:
0x8: {  	[smem:$0x3FA8] =	sst s0  }
0x9: {  	[smem:$0x3FA9] =	sst s1  }
0xa: {  	[smem:$0x3FAA] =	sst s2  }
0xb: {  	[smem:$0x3FAB] =	sst s3  }
0xc: {  	[smem:$0x3FAC] =	sst s4  }
0xd: {  	[smem:$0x3FAD] =	sst s5  }
0xe: {  	[smem:$0x3FAE] =	sst s6  }
0xf: {  	[smem:$0x3FAF] =	sst s7  }
0x10: {  	[smem:$0x3FB0] =	sst s8  }
0x11: {  	[smem:$0x3FB1] =	sst s9;
	s0 =	simm.s32 @!p0 $0x0  }
0x12: {  	s1 =	sld [smem:$0x3F97];
	s0 =	simm.s32 @p0 $0x1  }
0x13: {  	[smem:$0x3FB2] =	sst s0;
	s0 =	simm.s32 @!p1 $0x0  }
0x14: {  	s2 =	sld [smem:$0x3F96];
	s0 =	simm.s32 @p1 $0x1  }
0x15: {  	[smem:$0x3FB3] =	sst s0;
	s0 =	simm.s32 @!p2 $0x0  }
0x16: {  	s3 =	sld [smem:$0x3FDB];
	s0 =	simm.s32 @p2 $0x1  }
0x17: {  	s4 =	simm.s32 $0x1BF5;
	[smem:$0x3FB5] =	sst s0  }
0x18: {  	s0 =	sld [smem:$0x3F98];
	_ =	swait.ge [sflag:s4], $0x0  }
0x19: {  	s7 =	sld [smem:$0x3F99]  }
0x1a: {  	s8 =	sadd.s32 $0xFFFFE003, lr  }
0x1b: {  	s9 =	sadd.s32 $0xFFFFFEF7, lr;
	s5 =	simm.s32 $0xFFFFFFFF;
	p2 =	slt.u32 s8, $0xFFFFF086  }
0x1c: {  	p1 =	slt.u32 s9, $0xF7A;
	s5 =	simm.s32 @!p2 $0x0  }
0x1d: {  	s5 =	simm.s32 @p1 $0x1;
	p0 =	seq.s32 s7, s2  }
0x1e: {  	s7 =	smul.u32 @!p0 $0xF7A, s2;
	p2 =	seq.s32 @!p0 s5, $0x0  }
0x1f: {  	s9 =	smul.u32 $0xF7A, s1;
	s8 =	simm.s32 @!p0 $0x1BF5;
	p2 =	por !p2, p0  }
0x20: {  	[sflag:s8] =	ssyncset.s32 @!p0 $0xFFFFF086;
	s6 =	sadd.s32 @!p0 s3, s7;
	s7 =	simm.s32 @!p0 $0x108  }
0x21: {  	s3 =	sadd.s32 s3, s9;
	s6 =	sadd.s32 @!p0 $0x88, s6;
	s7 =	simm.s32 @p2 $0x1082  }
0x22: {  	[simem:s7], [sflag:s8] =	dma.local @!p0 [hbm:s6], $0xF7A  }
0x23: {  	s9 =	sor.u32 $0xD0000000, s2;
	s6 =	simm.s32 $0x108;
	_ =	swait.ge @!p0 [sflag:s8], $0x0  }
0x24: {  	s3 =	sadd.s32 $0x88, s3;
	s6 =	simm.s32 @!p1 $0x1082;
	[sflag:s4] =	ssyncset.s32 $0xFFFFF086  }
0x25: {  	[simem:s6], [sflag:s4] =	dma.local [hbm:s3], $0xF7A  }
0x26: {  	[smem:$0x3F99] =	sst s1;
	(tag) =	ssettag s2;
	_ =	strace s9  }
0x27: {  	s1 =	sld [smem:$0x3FA9]  }
0x28: {  	s2 =	sld [smem:$0x3FAA]  }
0x29: {  	s4 =	sld [smem:$0x3FAC]  }
0x2a: {  	p0 =	seq.s32 s5, $0x0;
	s5 =	sld [smem:$0x3FAD]  }
0x2b: {  	s6 =	sld [smem:$0x3FAE]  }
0x2c: {  	s7 =	sld [smem:$0x3FAF]  }
0x2d: {  	s3 =	simm.s32 $0x108;
	s8 =	sld [smem:$0x3FB0]  }
0x2e: {  	s3 =	simm.s32 @!p0 $0x1082;
	s9 =	sld [smem:$0x3FB1]  }
0x2f: {  	lr =	sadd.s32 s0, s3;
	s0 =	sld [smem:$0x3FA8]  }
0x30: {  	s3 =	sld [smem:$0x3FAB]  }
0x31: {  	[smem:$0x3FB4] =	sst s10  }
0x32: {  	s10 =	sld [smem:$0x3FB2];
	_ =	sdelay $0x3  }
0x33: {  	p0 =	seq.s32 s10, $0x1;
	s10 =	sld [smem:$0x3FB4];
	_ =	sdelay $0x3  }
0x34: {  	[smem:$0x3FB4] =	sst s10  }
0x35: {  	s10 =	sld [smem:$0x3FB3];
	_ =	sdelay $0x3  }
0x36: {  	p1 =	seq.s32 s10, $0x1;
	s10 =	sld [smem:$0x3FB4];
	_ =	sdelay $0x3  }
0x37: {  	[smem:$0x3FB4] =	sst s10  }
0x38: {  	s10 =	sld [smem:$0x3FB5]  }
0x39: {  	_ = 	snop;
	(pc) =	sbr.ind lr, $3  }
0x3a: {  	_ = 	snop  }
0x3b: {  	_ = 	snop  }
0x3c: {  	p2 =	seq.s32 s10, $0x1;
	s10 =	sld [smem:$0x3FB4]  }
0x3d: {  	_ =	shalt  }
0x3e: {  	_ =	shalt  }
0x3f: {  	_ =	shalt  }
0x40: {  	_ =	shalt  }
0x41: {  	_ =	shalt  }
0x42: {  	_ =	shalt  }
0x43: {  	_ =	shalt  }
0x44: {  	_ =	shalt  }
0x45: {  	_ =	shalt  }
0x46: {  	_ =	shalt  }
0x47: {  	_ =	shalt  }
0x48: {  	_ =	shalt  }
0x49: {  	_ =	shalt  }
0x4a: {  	_ =	shalt  }
0x4b: {  	_ =	shalt  }
0x4c: {  	_ =	shalt  }
0x4d: {  	_ =	shalt  }
0x4e: {  	_ =	shalt  }
0x4f: {  	_ =	shalt  }
0x50: {  	_ =	shalt  }
0x51: {  	_ =	shalt  }
0x52: {  	_ =	shalt  }
0x53: {  	_ =	shalt  }
0x54: {  	_ =	shalt  }
0x55: {  	_ =	shalt  }
0x56: {  	_ =	shalt  }
0x57: {  	_ =	shalt  }
0x58: {  	_ =	shalt  }
0x59: {  	_ =	shalt  }
0x5a: {  	_ =	shalt  }
0x5b: {  	_ =	shalt  }
0x5c: {  	_ =	shalt  }
0x5d: {  	_ =	shalt  }
0x5e: {  	_ =	shalt  }
0x5f: {  	_ =	shalt  }
0x60: {  	_ =	shalt  }
0x61: {  	_ =	shalt  }
0x62: {  	_ =	shalt  }
0x63: {  	_ =	shalt  }
0x64: {  	_ =	shalt  }
0x65: {  	_ =	shalt  }
0x66: {  	_ =	shalt  }
0x67: {  	_ =	shalt  }
0x68: {  	_ =	shalt  }
0x69: {  	_ =	shalt  }
0x6a: {  	_ =	shalt  }
0x6b: {  	_ =	shalt  }
0x6c: {  	_ =	shalt  }
0x6d: {  	_ =	shalt  }
0x6e: {  	_ =	shalt  }
0x6f: {  	_ =	shalt  }
0x70: {  	_ =	shalt  }
0x71: {  	_ =	shalt  }
0x72: {  	_ =	shalt  }
0x73: {  	_ =	shalt  }
0x74: {  	_ =	shalt  }
0x75: {  	_ =	shalt  }
0x76: {  	_ =	shalt  }
0x77: {  	_ =	shalt  }
0x78: {  	_ =	shalt  }
0x79: {  	_ =	shalt  }
0x7a: {  	_ =	shalt  }
0x7b: {  	_ =	shalt  }
0x7c: {  	_ =	shalt  }
0x7d: {  	_ =	shalt  }
0x7e: {  	_ =	shalt  }
0x7f: {  	_ =	shalt  }
0x80: {  	_ =	shalt  }
0x81: {  	_ =	shalt  }
0x82: {  	_ =	shalt  }
0x83: {  	_ =	shalt  }
0x84: {  	_ =	shalt  }
0x85: {  	_ =	shalt  }
0x86: {  	_ =	shalt  }
0x87: {  	_ =	shalt  }
.Lfunc_end0:
.L_simem_size_0:
called_computation.2_lowered:
.L_overlay_start_0:
0x88: {  	s2 =	sld [smem:$0x3FD9]  }
0x89: {  	s3 =	sld [smem:$0x3FFE];
	_ =	sdelay $0x1  }
0x8a: {  	s1 =	srdreg.scid  }
0x8b: {  	s0 =	sand.u32 $0x1, s1  }
0x8c: {  	s17 =	sshll.u32 s0, $0xA;
	s2 =	sadd.s32 s3, s2  }
0x8d: {  	s2 =	sadd.s32 s2, s17  }
0x8e: {  	[smem:$0x3FC0] =	sst s2  }
0x8f: {  	_ = 	snop  }
0x90: {  	s2 =	sld [smem:$0x3FD0];
	(tm) =	ssettm $0x1  }
0x91: {  	s18 =	sld [smem:$0x3FFB];
	_ =	sdelay $0x3  }
0x92: {  	_ =	strace s18  }
0x93: {  	s3 =	sld [smem:$0x3FFC];
	_ =	sdelay $0x3  }
0x94: {  	_ =	strace s3  }
0x95: {  	s3 =	sld [smem:$0x3FFD];
	_ =	sdelay $0x3  }
0x96: {  	_ =	strace s3  }
0x97: {  	_ =	strace $0x8FFFFFFF  }
0x98: {  	s19 =	sld [smem:$0x3FDB];
	_ =	sdelay $0x1  }
0x99: {  	s4 =	simm.s32 $_scs_section_size  }
0x9a: {  	s5 =	simm.s32 $_size__tile_overlayer_lowered;
	s6 =	simm.s32 $_tile_overlayer_lowered  }
0x9b: {  	s22 =	simm.s32 $0x1BFF;
	s21 =	sshll.u32 s6, $0x1;
	s3 =	sadd.s32 s4, s19  }
0x9c: {  	s7 =	simm.s32 $0x0;
	s20 =	sshll.u32 s5, $0x1;
	s5 =	sadd.s32 s21, s3  }
0x9d: {  	[timem:s7], [sflag:s22] =	dma.local [hbm:s5], s20  }
0x9e: {  	_ =	swait.ge [sflag:s22], s20  }
0x9f: {  	s4 =	ssub.s32 $0x0, s20;
	[sflag:s22] =	ssyncset.done $0x0  }
0xa0: {  	[sflag:s22] =	ssyncadd.s32 s4;
	_ =	sdelay $0x1  }
0xa1: {  	s23 =	simm.s32 $0x1B8B  }
0xa2: {  	_ =	swait.ge [sflag:s23], $0x1  }
0xa3: {  	[sflag:s23] =	ssyncset.done $0x0  }
0xa4: {  	s25 =	simm.s32 $0x1B8E;
	s24 =	sld [smem:$0x3FFE];
	[sflag:s23] =	ssyncadd.s32 $0xFFFFFFFF  }
0xa5: {  	s26 =	simm.s32 $execute0_lowered;
	[smem:$0x3FD2] =	sst s25  }
0xa6: {  	s5 =	sshll.u32 s26, $0x1;
	_ =	strace $0x8000004C;
	[dreg:$0x1] =	wrdreg $0xFFFFFFFF  }
0xa7: {  	s28 =	simm.s32 $_size_execute0_lowered;
	s3 =	sadd.s32 s3, s5;
	[dreg:$0x0] =	wrdreg $0x0  }
0xa8: {  	s5 =	sshll.u32 s28, $0x1;
	[dreg:$0x2] =	wrdreg s3  }
0xa9: {  	[dreg:$0x3] =	wrdreg s5  }
0xaa: {  	[dreg:$0x4] =	wrdreg $0xC0  }
0xab: {  	_ =	task [dreg:s7], $0x5FFFF  }
0xac: {  	[dreg:$0x1] =	wrdreg $0xFFFFFFFF  }
0xad: {  	[dreg:$0x0] =	wrdreg $0x60  }
0xae: {  	[dreg:$0x2] =	wrdreg s2  }
0xaf: {  	[dreg:$0x3] =	wrdreg s24  }
0xb0: {  	[dreg:$0x4] =	wrdreg $0xB0000  }
0xb1: {  	[dreg:$0x5] =	wrdreg $0x9  }
0xb2: {  	_ =	task.clear_ibuf [dreg:s7], $0x6FFFF;
	_ =	strace $0x9000004C  }
0xb3: {  	s29 =	simm.s32 $0x9;
	_ =	strace $0x8000004E  }
0xb4: {  	_ =	swait.ge [sflag:s29], $0x1  }
0xb5: {  	[sflag:s29] =	ssyncadd.s32 $0xFFFFFFFF  }
0xb6: {  	_ =	strace $0x9000004E  }
0xb7: {  	_ =	sfence  }
0xb8: {  	s30 =	sld [smem:$0x0];
	_ =	sdelay $0x2  }
0xb9: {  	s31 =	sshll.u32 s1, $0xD;
	s1 =	sshrl.u32 s1, $0x2  }
0xba: {  	s3 =	sand.u32 $0x4000, s31;
	s1 =	sadd.s32 s1, s30  }
0xbb: {  	s0 =	sor.u32 s3, s0;
	s1 =	sshll.u32 s1, $0x11  }
0xbc: {  	s0 =	sor.u32 s1, s0  }
0xbd: {  	s0 =	sadd.s32 $0x8F2B, s0  }
0xbe: {  	[sflag:s0] =	ssyncadd.remote.s32 $0x1  }
0xbf: {  	_ =	sfence.sel $0xFFFF  }
0xc0: {  	[dreg:$0x0] =	wrdreg $0xFFFFFFFF;
	(pc) =	sbr.abs _section_cstart, $3  }
0xc1: {  	[dreg:$0x1] =	wrdreg $0xFFFFFFFF  }
0xc2: {  	_ =	task.clear_ibuf [dreg:s7], $0x2FFFF;
	_ =	strace $0x9FFFFFFF  }
0xc3: {  	(tm) =	ssettm $0x7FFFFFFF  }
tec
execute0_lowered:
.L_overlay_start_1:
0x0: {  	(tag) =	ssettag $0x1  }
0x1: {  	s0 =	srdreg.scid  }
0x2: {  	s1 =	rddreg [dreg:$0x0];
	s12 =	stileid.u32  }
0x3: {  	s2 =	rddreg [dreg:$0x1];
	s7 =	smul.u32 $0x50000, s12  }
0x4: {  	s3 =	rddreg [dreg:$0x2];
	s28 =	simm.s32 $0x2;
	s8 =	smul.u32 $0x280, s12  }
0x5: {  	s31 =	simm.s32 $0x2980;
	s0 =	sand.u32 $0x1, s0;
	s21 =	smul.u32 $0x2800, s12  }
0x6: {  	s9 =	sadd.s32 $0x17400, s2;
	s4 =	sshll.u32 s0, $0x4;
	s6 =	smul.u32 $0x28000, s0  }
0x7: {  	s0 =	ssub.s32 $0x2, s0;
	s5 =	sor.u32 s12, s4;
	s4 =	simm.s32 $0x0  }
0x8: {  	s13 =	sshrl.u32 s0, $0x1;
	s14 =	sshrl.u32 s7, $0x2;
	s15 =	sadd.s32 $0x80, s8  }
0x9: {  	s18 =	sadd.s32 $0x100, s8;
	s19 =	sadd.s32 $0x180, s8;
	s8 =	sadd.s32 $0x200, s8  }
0xa: {  	s12 =	simm.s32 $0x0;
	s5 =	smul.u32 $0x500, s5;
	[smem:$0x7FF] =	sst s4  }
0xb: {  	s0 =	ssub.s32 s0, s13;
	s17 =	sshll.u32 s15, $0x7;
	s10 =	sshll.u32 s18, $0x7  }
0xc: {  	s11 =	sshll.u32 s19, $0x7;
	s20 =	sshll.u32 s8, $0x7;
	s7 =	sshll.u32 s15, $0x4  }
0xd: {  	s8 =	sshll.u32 s8, $0x4;
	s15 =	simm.s32 $0x3000;
	s13 =	simm.s32 $0x4  }
0xe: {  	_ =	strace $0x8000004D;
	[dreg:$0x4] =	wrdreg s9;
	s29 =	sadd.s32 s17, s3  }
0xf: {  	s30 =	sadd.s32 s10, s3;
	s11 =	sadd.s32 s11, s3;
	s0 =	smax.u32 s0, $0x1  }
0x10: {  	s10 =	sadd.s32 s20, s3;
	s9 =	sshll.u32 s19, $0x4;
	[dreg:$0xc] =	wrdreg s0  }
0x11: {  	s17 =	simm.s32 $0x80;
	s19 =	simm.s32 $0x7000;
	[dreg:$0x7] =	wrdreg s29  }
0x12: {  	s20 =	simm.s32 $0x2C80;
	s5 =	sadd.s32 s5, s2;
	[dreg:$0x8] =	wrdreg s30  }
0x13: {  	s2 =	sadd.s32 s6, s2;
	s6 =	sshll.u32 s18, $0x4;
	[dreg:$0x9] =	wrdreg s11  }
0x14: {  	s18 =	simm.s32 $0x2C00;
	[dreg:$0xa] =	wrdreg s10;
	s16 =	sadd.s32 $0xD400, s5  }
0x15: {  	s0 =	simm.s32 $0x2A80;
	s5 =	sadd.s32 $0x3400, s5;
	[dreg:$0x5] =	wrdreg s16  }
0x16: {  	s2 =	sadd.s32 $0x17C00, s2;
	s16 =	sadd.s32 s14, s3;
	[dreg:$0xb] =	wrdreg s5  }
0x17: {  	s14 =	simm.s32 $0x5;
	s22 =	sadd.s32 s21, s2;
	s23 =	sadd.s32 s7, s2  }
0x18: {  	s24 =	sadd.s32 s6, s2;
	s25 =	sadd.s32 s9, s2;
	[dreg:$0xd] =	wrdreg s22  }
0x19: {  	s26 =	sadd.s32 s8, s2;
	s2 =	simm.s32 $0x2A00;
	[dreg:$0xe] =	wrdreg s23  }
.Ltmp0:
0x1a: {  	s5 =	simm.s32 $0x2B00;
	[dreg:$0xf] =	wrdreg s24;
	(pc) =	sbr.rel .LBB2_1-.Ltmp0, $4  }
0x1b: {  	s6 =	simm.s32 $0x2B80;
	s21 =	simm.s32 $0x2D00;
	[dreg:$0x10] =	wrdreg s25  }
0x1c: {  	s7 =	simm.s32 $0x2F00;
	s8 =	simm.s32 $0x2F80;
	[dreg:$0x11] =	wrdreg s26  }
0x1d: {  	s25 =	simm.s32 $0x3;
	s26 =	simm.s32 $0x1;
	s22 =	simm.s32 $0x2D80  }
0x1e: {  	s23 =	simm.s32 $0x2E00;
	s24 =	simm.s32 $0x2E80;
	[dreg:$0x6] =	wrdreg s16  }
.LBB2_4:
0x1f: {  	[bflag:$0x0] =	sbarrier.arrive $0xFFFF  }
0x20: {  	s16 =	rddreg [dreg:$0x6]  }
0x21: {  	[tilespmem:s15], [sflag:$0x5] =	stream.linear.gather [spmem:s16], $0x4000, $0x38;
	[tilespmem:$0x1F000] =	vst v63  }
0x22: {  	_ =	swait.ge [sflag:s14], $0x4000  }
0x23: {  	[sflag:s14] =	ssyncset.done $0x0  }
0x24: {  	s9 =	rddreg [dreg:$0xd];
	[sflag:s14] =	ssyncadd.s32 $0xFFFFC000  }
0x25: {  	[hbm4b:s9+s4] =	stream.linear.scatter [tilespmem:s15], [sflag:$0x5], $0x4000, $0x38;
	[tilespmem:$0x1F000] =	vst v63  }
0x26: {  	_ =	swait.ge [sflag:s14], $0x4000  }
0x27: {  	[sflag:s14] =	ssyncset.done $0x0  }
0x28: {  	s29 =	rddreg [dreg:$0x7];
	[sflag:s14] =	ssyncadd.s32 $0xFFFFC000  }
0x29: {  	[tilespmem:s15], [sflag:$0x5] =	stream.linear.gather [spmem:s29], $0x4000, $0x38;
	[tilespmem:$0x1F000] =	vst v63  }
0x2a: {  	_ =	swait.ge [sflag:s14], $0x4000  }
0x2b: {  	[sflag:s14] =	ssyncset.done $0x0  }
0x2c: {  	s11 =	rddreg [dreg:$0xe];
	[sflag:s14] =	ssyncadd.s32 $0xFFFFC000  }
0x2d: {  	[hbm4b:s11+s4] =	stream.linear.scatter [tilespmem:s15], [sflag:$0x5], $0x4000, $0x38;
	[tilespmem:$0x1F000] =	vst v63  }
0x2e: {  	_ =	swait.ge [sflag:s14], $0x4000  }
0x2f: {  	[sflag:s14] =	ssyncset.done $0x0  }
0x30: {  	s30 =	rddreg [dreg:$0x8];
	[sflag:s14] =	ssyncadd.s32 $0xFFFFC000  }
0x31: {  	[tilespmem:s15], [sflag:$0x5] =	stream.linear.gather [spmem:s30], $0x4000, $0x38;
	[tilespmem:$0x1F000] =	vst v63  }
0x32: {  	_ =	swait.ge [sflag:s14], $0x4000  }
0x33: {  	[sflag:s14] =	ssyncset.done $0x0  }
0x34: {  	s12 =	rddreg [dreg:$0xf];
	[sflag:s14] =	ssyncadd.s32 $0xFFFFC000  }
0x35: {  	[hbm4b:s12+s4] =	stream.linear.scatter [tilespmem:s15], [sflag:$0x5], $0x4000, $0x38;
	[tilespmem:$0x1F000] =	vst v63  }
0x36: {  	_ =	swait.ge [sflag:s14], $0x4000  }
0x37: {  	[sflag:s14] =	ssyncset.done $0x0  }
0x38: {  	s11 =	rddreg [dreg:$0x9];
	[sflag:s14] =	ssyncadd.s32 $0xFFFFC000  }
0x39: {  	[tilespmem:s15], [sflag:$0x5] =	stream.linear.gather [spmem:s11], $0x4000, $0x38;
	[tilespmem:$0x1F000] =	vst v63  }
0x3a: {  	_ =	swait.ge [sflag:s14], $0x4000  }
0x3b: {  	[sflag:s14] =	ssyncset.done $0x0  }
0x3c: {  	s10 =	rddreg [dreg:$0x10];
	[sflag:s14] =	ssyncadd.s32 $0xFFFFC000  }
0x3d: {  	[hbm4b:s10+s4] =	stream.linear.scatter [tilespmem:s15], [sflag:$0x5], $0x4000, $0x38;
	[tilespmem:$0x1F000] =	vst v63  }
0x3e: {  	_ =	swait.ge [sflag:s14], $0x4000  }
0x3f: {  	[sflag:s14] =	ssyncset.done $0x0  }
0x40: {  	s10 =	rddreg [dreg:$0xa];
	[sflag:s14] =	ssyncadd.s32 $0xFFFFC000  }
0x41: {  	[tilespmem:s15], [sflag:$0x5] =	stream.linear.gather [spmem:s10], $0x4000, $0x38;
	[tilespmem:$0x1F000] =	vst v63  }
0x42: {  	_ =	swait.ge [sflag:s14], $0x4000  }
0x43: {  	[sflag:s14] =	ssyncset.done $0x0  }
0x44: {  	s12 =	rddreg [dreg:$0x11];
	[sflag:s14] =	ssyncadd.s32 $0xFFFFC000  }
0x45: {  	[hbm4b:s12+s4] =	stream.linear.scatter [tilespmem:s15], [sflag:$0x5], $0x4000, $0x38;
	[tilespmem:$0x1F000] =	vst v63  }
0x46: {  	_ =	swait.ge [sflag:s14], $0x4000  }
0x47: {  	s12 =	rddreg [dreg:$0x12]  }
0x48: {  	s9 =	rddreg [dreg:$0xc];
	s12 =	sadd.s32 $0x1, s12  }
0x49: {  	p0 =	sne.s32 s12, s9  }
.Ltmp1:
0x4a: {  	_ = 	snop;
	(pc) =	sbr.rel @!p0 .LBB2_5-.Ltmp1, $3  }
0x4b: {  	_ =	sdelay $0x1  }
0x4c: {  	[sflag:s14] =	ssyncset.done $0x0  }
0x4d: {  	[sflag:s14] =	ssyncadd.s32 $0xFFFFC000  }
.LBB2_1:
0x4e: {  	[dreg:$0x12] =	wrdreg s12  }
0x4f: {  	s9 =	rddreg [dreg:$0x5]  }
0x50: {  	[tilespmem:s4], [sflag:$0x5] =	stream.linear.gather [hbm4b:s9+s4], $0x2800, $0x38;
	[tilespmem:$0x1F000] =	vst v63  }
0x51: {  	_ =	swait.ge [sflag:s14], $0x2800  }
0x52: {  	[sflag:s14] =	ssyncset.done $0x0  }
0x53: {  	s12 =	rddreg [dreg:$0x4];
	[sflag:s14] =	ssyncadd.s32 $0xFFFFD800  }
0x54: {  	[tilespmem:s15], [sflag:$0x5] =	stream.linear.gather [hbm4b:s12+s4], $0x4000, $0x38;
	[tilespmem:$0x1F000] =	vst v63  }
0x55: {  	_ =	swait.ge [sflag:s14], $0x4000  }
0x56: {  	[sflag:s14] =	ssyncset.done $0x0  }
0x57: {  	[sflag:s14] =	ssyncadd.s32 $0xFFFFC000  }
0x58: {  	[spmem:s16] =	stream.linear.scatter [tilespmem:s15], [sflag:$0x5], $0x4000, $0x38;
	[tilespmem:$0x1F000] =	vst v63  }
0x59: {  	_ =	swait.ge [sflag:s14], $0x4000  }
0x5a: {  	[sflag:s14] =	ssyncset.done $0x0  }
0x5b: {  	[sflag:s14] =	ssyncadd.s32 $0xFFFFC000  }
0x5c: {  	[spmem:s29] =	stream.linear.scatter [tilespmem:s15], [sflag:$0x5], $0x4000, $0x38;
	[tilespmem:$0x1F000] =	vst v63  }
0x5d: {  	_ =	swait.ge [sflag:s14], $0x4000  }
0x5e: {  	[sflag:s14] =	ssyncset.done $0x0  }
0x5f: {  	[sflag:s14] =	ssyncadd.s32 $0xFFFFC000  }
0x60: {  	[spmem:s30] =	stream.linear.scatter [tilespmem:s15], [sflag:$0x5], $0x4000, $0x38;
	[tilespmem:$0x1F000] =	vst v63  }
0x61: {  	_ =	swait.ge [sflag:s14], $0x4000  }
0x62: {  	[sflag:s14] =	ssyncset.done $0x0  }
0x63: {  	[sflag:s14] =	ssyncadd.s32 $0xFFFFC000  }
0x64: {  	[spmem:s11] =	stream.linear.scatter [tilespmem:s15], [sflag:$0x5], $0x4000, $0x38;
	[tilespmem:$0x1F000] =	vst v63  }
0x65: {  	_ =	swait.ge [sflag:s14], $0x4000  }
0x66: {  	[sflag:s14] =	ssyncset.done $0x0  }
0x67: {  	[sflag:s14] =	ssyncadd.s32 $0xFFFFC000  }
0x68: {  	[spmem:s10] =	stream.linear.scatter [tilespmem:s15], [sflag:$0x5], $0x4000, $0x38;
	[tilespmem:$0x1F000] =	vst v63  }
0x69: {  	_ =	swait.ge [sflag:s14], $0x4000  }
0x6a: {  	[sflag:s14] =	ssyncset.done $0x0  }
0x6b: {  	s29 =	simm.s32 $0x2800;
	s16 =	rddreg [dreg:$0xb];
	[sflag:s14] =	ssyncadd.s32 $0xFFFFC000  }
0x6c: {  	[tilespmem:s29], [sflag:$0x3] =	stream.linear.gather [hbm4b:s16+s4], $0x400, $0x38;
	[tilespmem:$0x1F000] =	vst v63  }
0x6d: {  	_ = 	snop  }
0x6e: {  	[tilespmem:s15], [sflag:$0x1] =	stream.indirect.gather [hbm4b:s1+s17], $0x80, s4, s17, $0xb8;
	[tilespmem:$0x1F000] =	vst v63  }
0x6f: {  	s30 =	sadd.s32 $0x80, s16  }
0x70: {  	[tilespmem:s18], [sflag:$0x4] =	stream.linear.gather [hbm4b:s30+s4], $0x400, $0x38;
	[tilespmem:$0x1F000] =	vst v63  }
0x71: {  	s12 =	simm.s32 $0x0  }
0x72: {  	[tilespmem:s19], [sflag:$0x2] =	stream.indirect.gather [hbm4b:s1+s17], $0x80, s17, s17, $0xb8;
	[tilespmem:$0x1F000] =	vst v63  }
0x73: {  	s11 =	simm.s32 $0x6;
	s10 =	sadd.s32 $0x180, s16;
	[bflag:$0x0] =	sbarrier.arrive $0xFFFF  }
.LBB2_2:
0x74: {  	_ =	swait.ge [sflag:s25], $0x400  }
0x75: {  	[sflag:s25] =	ssyncset.done $0x0  }
0x76: {  	[sflag:s25] =	ssyncadd.s32 $0xFFFFFC00  }
0x77: {  	_ =	swait.ge [sflag:s26], $0x4000  }
0x78: {  	[sflag:s26] =	ssyncset.done $0x0  }
0x79: {  	s9 =	simm.s32 $0x2800;
	[sflag:s26] =	ssyncadd.s32 $0xFFFFC000  }
0x7a: {  	[spmem:s3] =	stream.indirect.scatter.add.f32 [tilespmem:s15], [sflag:$0x5], $0x80, s9, s17, $0xb8;
	[tilespmem:$0x1F000] =	vst v63  }
0x7b: {  	_ =	swait.ge [sflag:s14], $0x4000  }
0x7c: {  	s9 =	sshra.s32 s12, $0x2;
	[sflag:s14] =	ssyncset.done $0x0  }
0x7d: {  	s16 =	sadd.s32 $0x100, s9;
	[sflag:s14] =	ssyncadd.s32 $0xFFFFC000  }
0x7e: {  	[tilespmem:s15], [sflag:$0x1] =	stream.indirect.gather [hbm4b:s1+s17], $0x80, s16, s17, $0xb8;
	[tilespmem:$0x1F000] =	vst v63  }
0x7f: {  	_ =	swait.ge [sflag:s28], $0x4000  }
0x80: {  	[sflag:s28] =	ssyncset.done $0x0  }
0x81: {  	s29 =	simm.s32 $0x2880;
	[sflag:s28] =	ssyncadd.s32 $0xFFFFC000  }
0x82: {  	[spmem:s3] =	stream.indirect.scatter.add.f32 [tilespmem:s19], [sflag:$0x5], $0x80, s29, s17, $0xb8;
	[tilespmem:$0x1F000] =	vst v63  }
0x83: {  	_ =	swait.ge [sflag:s14], $0x4000  }
0x84: {  	[sflag:s14] =	ssyncset.done $0x0  }
0x85: {  	s30 =	sadd.s32 $0x180, s9;
	[sflag:s14] =	ssyncadd.s32 $0xFFFFC000  }
0x86: {  	[tilespmem:s19], [sflag:$0x2] =	stream.indirect.gather [hbm4b:s1+s17], $0x80, s30, s17, $0xb8;
	[tilespmem:$0x1F000] =	vst v63  }
0x87: {  	_ =	swait.ge [sflag:s26], $0x4000  }
0x88: {  	[sflag:s26] =	ssyncset.done $0x0  }
0x89: {  	s29 =	simm.s32 $0x2900;
	[sflag:s26] =	ssyncadd.s32 $0xFFFFC000  }
0x8a: {  	[spmem:s3] =	stream.indirect.scatter.add.f32 [tilespmem:s15], [sflag:$0x5], $0x80, s29, s17, $0xb8;
	[tilespmem:$0x1F000] =	vst v63  }
0x8b: {  	_ =	swait.ge [sflag:s14], $0x4000  }
0x8c: {  	[sflag:s14] =	ssyncset.done $0x0  }
0x8d: {  	s30 =	sadd.s32 $0x200, s9;
	[sflag:s14] =	ssyncadd.s32 $0xFFFFC000  }
0x8e: {  	[tilespmem:s15], [sflag:$0x1] =	stream.indirect.gather [hbm4b:s1+s17], $0x80, s30, s17, $0xb8;
	[tilespmem:$0x1F000] =	vst v63  }
0x8f: {  	_ =	swait.ge [sflag:s28], $0x4000  }
0x90: {  	[sflag:s28] =	ssyncset.done $0x0  }
0x91: {  	[sflag:s28] =	ssyncadd.s32 $0xFFFFC000  }
0x92: {  	[spmem:s3] =	stream.indirect.scatter.add.f32 [tilespmem:s19], [sflag:$0x5], $0x80, s31, s17, $0xb8;
	[tilespmem:$0x1F000] =	vst v63  }
0x93: {  	_ =	swait.ge [sflag:s14], $0x4000  }
0x94: {  	[sflag:s14] =	ssyncset.done $0x0  }
0x95: {  	s29 =	sadd.s32 $0x280, s9;
	[sflag:s14] =	ssyncadd.s32 $0xFFFFC000  }
0x96: {  	[tilespmem:s19], [sflag:$0x2] =	stream.indirect.gather [hbm4b:s1+s17], $0x80, s29, s17, $0xb8;
	[tilespmem:$0x1F000] =	vst v63  }
0x97: {  	_ =	swait.ge [sflag:s26], $0x4000  }
0x98: {  	[sflag:s26] =	ssyncset.done $0x0  }
0x99: {  	[sflag:s26] =	ssyncadd.s32 $0xFFFFC000  }
0x9a: {  	[spmem:s3] =	stream.indirect.scatter.add.f32 [tilespmem:s15], [sflag:$0x5], $0x80, s2, s17, $0xb8;
	[tilespmem:$0x1F000] =	vst v63  }
0x9b: {  	_ =	swait.ge [sflag:s14], $0x4000  }
0x9c: {  	[sflag:s14] =	ssyncset.done $0x0  }
0x9d: {  	s30 =	sadd.s32 $0x300, s9;
	[sflag:s14] =	ssyncadd.s32 $0xFFFFC000  }
0x9e: {  	[tilespmem:s15], [sflag:$0x1] =	stream.indirect.gather [hbm4b:s1+s17], $0x80, s30, s17, $0xb8;
	[tilespmem:$0x1F000] =	vst v63  }
0x9f: {  	_ =	swait.ge [sflag:s28], $0x4000  }
0xa0: {  	[sflag:s28] =	ssyncset.done $0x0  }
0xa1: {  	[sflag:s28] =	ssyncadd.s32 $0xFFFFC000  }
0xa2: {  	[spmem:s3] =	stream.indirect.scatter.add.f32 [tilespmem:s19], [sflag:$0x5], $0x80, s0, s17, $0xb8;
	[tilespmem:$0x1F000] =	vst v63  }
0xa3: {  	_ =	swait.ge [sflag:s14], $0x4000  }
0xa4: {  	[sflag:s14] =	ssyncset.done $0x0  }
0xa5: {  	s29 =	sadd.s32 $0x380, s9;
	[sflag:s14] =	ssyncadd.s32 $0xFFFFC000  }
0xa6: {  	[tilespmem:s19], [sflag:$0x2] =	stream.indirect.gather [hbm4b:s1+s17], $0x80, s29, s17, $0xb8;
	[tilespmem:$0x1F000] =	vst v63  }
0xa7: {  	_ =	swait.ge [sflag:s26], $0x4000  }
0xa8: {  	[sflag:s26] =	ssyncset.done $0x0  }
0xa9: {  	[sflag:s26] =	ssyncadd.s32 $0xFFFFC000  }
0xaa: {  	[spmem:s3] =	stream.indirect.scatter.add.f32 [tilespmem:s15], [sflag:$0x5], $0x80, s5, s17, $0xb8;
	[tilespmem:$0x1F000] =	vst v63  }
0xab: {  	_ =	swait.ge [sflag:s14], $0x4000  }
0xac: {  	[sflag:s14] =	ssyncset.done $0x0  }
0xad: {  	s30 =	sadd.s32 $0x400, s9;
	[sflag:s14] =	ssyncadd.s32 $0xFFFFC000  }
0xae: {  	[tilespmem:s15], [sflag:$0x1] =	stream.indirect.gather [hbm4b:s1+s17], $0x80, s30, s17, $0xb8;
	[tilespmem:$0x1F000] =	vst v63  }
0xaf: {  	_ =	swait.ge [sflag:s28], $0x4000  }
0xb0: {  	[sflag:s28] =	ssyncset.done $0x0  }
0xb1: {  	[sflag:s28] =	ssyncadd.s32 $0xFFFFC000  }
0xb2: {  	[spmem:s3] =	stream.indirect.scatter.add.f32 [tilespmem:s19], [sflag:$0x5], $0x80, s6, s17, $0xb8;
	[tilespmem:$0x1F000] =	vst v63  }
0xb3: {  	_ =	swait.ge [sflag:s14], $0x4000  }
0xb4: {  	[sflag:s14] =	ssyncset.done $0x0  }
0xb5: {  	p0 =	seq.s32 s12, $0x8000;
	s29 =	sadd.s32 $0x480, s9;
	[sflag:s14] =	ssyncadd.s32 $0xFFFFC000  }
0xb6: {  	[tilespmem:s19], [sflag:$0x2] =	stream.indirect.gather [hbm4b:s1+s17], $0x80, s29, s17, $0xb8;
	[tilespmem:$0x1F000] =	vst v63  }
0xb7: {  	s16 =	sadd.s32 @!p0 $0xFFFFFF80, s10;
	s30 =	simm.s32 @!p0 $0x2800;
	s29 =	simm.s32 @!p0 $0x0  }
0xb8: {  	[tilespmem:s30], [sflag:$0x3] =	stream.linear.gather @!p0 [hbm4b:s16+s29], $0x400, $0x38;
	[tilespmem:$0x1F000] =	vst v63  }
0xb9: {  	_ =	swait.ge [sflag:s13], $0x400  }
0xba: {  	[sflag:s13] =	ssyncset.done $0x0  }
0xbb: {  	[sflag:s13] =	ssyncadd.s32 $0xFFFFFC00  }
0xbc: {  	_ =	swait.ge [sflag:s26], $0x4000  }
0xbd: {  	[sflag:s26] =	ssyncset.done $0x0  }
0xbe: {  	[sflag:s26] =	ssyncadd.s32 $0xFFFFC000  }
0xbf: {  	[spmem:s3] =	stream.indirect.scatter.add.f32 [tilespmem:s15], [sflag:$0x5], $0x80, s18, s17, $0xb8;
	[tilespmem:$0x1F000] =	vst v63  }
0xc0: {  	_ =	swait.ge [sflag:s14], $0x4000  }
0xc1: {  	[sflag:s14] =	ssyncset.done $0x0  }
0xc2: {  	s30 =	sadd.s32 $0x500, s9;
	[sflag:s14] =	ssyncadd.s32 $0xFFFFC000  }
0xc3: {  	[tilespmem:s15], [sflag:$0x1] =	stream.indirect.gather [hbm4b:s1+s17], $0x80, s30, s17, $0xb8;
	[tilespmem:$0x1F000] =	vst v63  }
0xc4: {  	_ =	swait.ge [sflag:s28], $0x4000  }
0xc5: {  	[sflag:s28] =	ssyncset.done $0x0  }
0xc6: {  	[sflag:s28] =	ssyncadd.s32 $0xFFFFC000  }
0xc7: {  	[spmem:s3] =	stream.indirect.scatter.add.f32 [tilespmem:s19], [sflag:$0x5], $0x80, s20, s17, $0xb8;
	[tilespmem:$0x1F000] =	vst v63  }
0xc8: {  	_ =	swait.ge [sflag:s14], $0x4000  }
0xc9: {  	[sflag:s14] =	ssyncset.done $0x0  }
0xca: {  	s29 =	sadd.s32 $0x580, s9;
	[sflag:s14] =	ssyncadd.s32 $0xFFFFC000  }
0xcb: {  	[tilespmem:s19], [sflag:$0x2] =	stream.indirect.gather [hbm4b:s1+s17], $0x80, s29, s17, $0xb8;
	[tilespmem:$0x1F000] =	vst v63  }
0xcc: {  	_ =	swait.ge [sflag:s26], $0x4000  }
0xcd: {  	[sflag:s26] =	ssyncset.done $0x0  }
0xce: {  	[sflag:s26] =	ssyncadd.s32 $0xFFFFC000  }
0xcf: {  	[spmem:s3] =	stream.indirect.scatter.add.f32 [tilespmem:s15], [sflag:$0x5], $0x80, s21, s17, $0xb8;
	[tilespmem:$0x1F000] =	vst v63  }
0xd0: {  	_ =	swait.ge [sflag:s14], $0x4000  }
0xd1: {  	[sflag:s14] =	ssyncset.done $0x0  }
0xd2: {  	s30 =	sadd.s32 $0x600, s9;
	[sflag:s14] =	ssyncadd.s32 $0xFFFFC000  }
0xd3: {  	[tilespmem:s15], [sflag:$0x1] =	stream.indirect.gather [hbm4b:s1+s17], $0x80, s30, s17, $0xb8;
	[tilespmem:$0x1F000] =	vst v63  }
0xd4: {  	_ =	swait.ge [sflag:s28], $0x4000  }
0xd5: {  	[sflag:s28] =	ssyncset.done $0x0  }
0xd6: {  	[sflag:s28] =	ssyncadd.s32 $0xFFFFC000  }
0xd7: {  	[spmem:s3] =	stream.indirect.scatter.add.f32 [tilespmem:s19], [sflag:$0x5], $0x80, s22, s17, $0xb8;
	[tilespmem:$0x1F000] =	vst v63  }
0xd8: {  	_ =	swait.ge [sflag:s14], $0x4000  }
0xd9: {  	[sflag:s14] =	ssyncset.done $0x0  }
0xda: {  	s29 =	sadd.s32 $0x680, s9;
	[sflag:s14] =	ssyncadd.s32 $0xFFFFC000  }
0xdb: {  	[tilespmem:s19], [sflag:$0x2] =	stream.indirect.gather [hbm4b:s1+s17], $0x80, s29, s17, $0xb8;
	[tilespmem:$0x1F000] =	vst v63  }
0xdc: {  	_ =	swait.ge [sflag:s26], $0x4000  }
0xdd: {  	[sflag:s26] =	ssyncset.done $0x0  }
0xde: {  	[sflag:s26] =	ssyncadd.s32 $0xFFFFC000  }
0xdf: {  	[spmem:s3] =	stream.indirect.scatter.add.f32 [tilespmem:s15], [sflag:$0x5], $0x80, s23, s17, $0xb8;
	[tilespmem:$0x1F000] =	vst v63  }
0xe0: {  	_ =	swait.ge [sflag:s14], $0x4000  }
0xe1: {  	[sflag:s14] =	ssyncset.done $0x0  }
0xe2: {  	s30 =	sadd.s32 $0x700, s9;
	[sflag:s14] =	ssyncadd.s32 $0xFFFFC000  }
0xe3: {  	[tilespmem:s15], [sflag:$0x1] =	stream.indirect.gather [hbm4b:s1+s17], $0x80, s30, s17, $0xb8;
	[tilespmem:$0x1F000] =	vst v63  }
0xe4: {  	_ =	swait.ge [sflag:s28], $0x4000  }
0xe5: {  	[sflag:s28] =	ssyncset.done $0x0  }
0xe6: {  	[sflag:s28] =	ssyncadd.s32 $0xFFFFC000  }
0xe7: {  	[spmem:s3] =	stream.indirect.scatter.add.f32 [tilespmem:s19], [sflag:$0x5], $0x80, s24, s17, $0xb8;
	[tilespmem:$0x1F000] =	vst v63  }
0xe8: {  	_ =	swait.ge [sflag:s14], $0x4000  }
0xe9: {  	[sflag:s14] =	ssyncset.done $0x0  }
0xea: {  	s9 =	sadd.s32 $0x780, s9;
	[sflag:s14] =	ssyncadd.s32 $0xFFFFC000  }
0xeb: {  	[tilespmem:s19], [sflag:$0x2] =	stream.indirect.gather [hbm4b:s1+s17], $0x80, s9, s17, $0xb8;
	[tilespmem:$0x1F000] =	vst v63  }
0xec: {  	_ =	swait.ge [sflag:s26], $0x4000  }
0xed: {  	[sflag:s26] =	ssyncset.done $0x0  }
0xee: {  	[sflag:s26] =	ssyncadd.s32 $0xFFFFC000  }
0xef: {  	[spmem:s3] =	stream.indirect.scatter.add.f32 [tilespmem:s15], [sflag:$0x5], $0x80, s7, s17, $0xb8;
	[tilespmem:$0x1F000] =	vst v63  }
0xf0: {  	p1 =	sgt.u32 s11, $0x45;
	_ =	swait.ge [sflag:s14], $0x4000  }
0xf1: {  	s16 =	simm.s32 @!p1 $0x80;
	s9 =	sshra.s32 @!p1 s12, $0x2;
	[sflag:s14] =	ssyncset.done $0x0  }
0xf2: {  	s29 =	simm.s32 @!p1 $0x3000;
	s9 =	sadd.s32 @!p1 $0x800, s9;
	[sflag:s14] =	ssyncadd.s32 $0xFFFFC000  }
0xf3: {  	[tilespmem:s29], [sflag:$0x1] =	stream.indirect.gather @!p1 [hbm4b:s1+s16], $0x80, s9, s16, $0xb8;
	[tilespmem:$0x1F000] =	vst v63  }
0xf4: {  	_ =	swait.ge [sflag:s28], $0x4000  }
0xf5: {  	[sflag:s28] =	ssyncset.done $0x0  }
0xf6: {  	[sflag:s28] =	ssyncadd.s32 $0xFFFFC000  }
0xf7: {  	[spmem:s3] =	stream.indirect.scatter.add.f32 [tilespmem:s19], [sflag:$0x5], $0x80, s8, s17, $0xb8;
	[tilespmem:$0x1F000] =	vst v63  }
.Ltmp2:
0xf8: {  	_ = 	snop;
	(pc) =	sbr.rel @p0 .LBB2_4-.Ltmp2, $4  }
0xf9: {  	p1 =	sgt.u32 s11, $0x44;
	_ =	swait.ge [sflag:s14], $0x4000  }
0xfa: {  	s9 =	sshra.s32 @!p1 s12, $0x2;
	s16 =	simm.s32 @!p1 $0x80;
	[sflag:s14] =	ssyncset.done $0x0  }
0xfb: {  	s29 =	simm.s32 @!p1 $0x7000;
	s9 =	sadd.s32 @!p1 $0x880, s9;
	[sflag:s14] =	ssyncadd.s32 $0xFFFFC000  }
0xfc: {  	[tilespmem:s29], [sflag:$0x2] =	stream.indirect.gather @!p1 [hbm4b:s1+s16], $0x80, s9, s16, $0xb8;
	[tilespmem:$0x1F000] =	vst v63  }
.Ltmp3:
0xfd: {  	(pc) =	sbr.rel .LBB2_2-.Ltmp3, $3  }
0xfe: {  	_ =	sdelay $0x1  }
0xff: {  	[tilespmem:s18], [sflag:$0x4] =	stream.linear.gather [hbm4b:s10+s4], $0x400, $0x38;
	[tilespmem:$0x1F000] =	vst v63  }
0x100: {  	s12 =	sadd.s32 $0x2000, s12;
	s11 =	sadd.s32 $0x10, s11;
	s10 =	sadd.s32 $0x100, s10  }
.LBB2_5:
0x101: {  	_ =	sfence.sel $0x180000  }
0x102: {  	[bflag:$0x0] =	sbarrier.arrive $0xFFFF  }
0x103: {  	_ =	strace $0x9000004D  }
0x104: {  	s0 =	stileid.u32;
	[bflag:$0x2] =	sbarrier.arrive $0xFFFF  }
0x105: {  	p0 =	sne.s32 s0, $0x0;
	s0 =	rddreg [dreg:$0x3]  }
0x106: {  	s0 =	sadd.s32 @!p0 $0x100000, s0  }
0x107: {  	[sflag:s0] =	ssyncadd.tile.s32 @!p0 $0x1;
	_ =	shalt  }
.Lfunc_end2:
_tile_overlayer_lowered:
.L_overlay_start_2:
0x108: {  	(tag) =	ssettag $0x2  }
0x109: {  	s0 =	rddreg [dreg:$0x0];
	s2 =	stileid.u32  }
0x10a: {  	s1 =	rddreg [dreg:$0x1];
	p0 =	sne.s32 s2, $0x0  }
0x10b: {  	s3 =	rddreg [dreg:$0x2];
	[bflag:$0x3] =	sbarrier.arrive $0xFFFF;
	s2 =	simm.s32 @!p0 $0x1C05  }
0x10c: {  	[timem:s3], [sflag:s2] =	dma.local @!p0 [hbm:s0], s1  }
0x10d: {  	s0 =	simm.s32 @!p0 $0x5  }
0x10e: {  	_ =	swait.ge @!p0 [sflag:s0], s1  }
0x10f: {  	s1 =	ssub.s32 @!p0 $0x0, s1;
	[sflag:s0] =	ssyncset.done @!p0 $0x0  }
0x110: {  	[sflag:s0] =	ssyncadd.s32 @!p0 s1  }
0x111: {  	[bflag:$0x3] =	sbarrier.arrive $0xFFFF  }
0x112: {  	_ =	shalt  }

// kernel: kernel.19.cloned.1.call-start
scs
__scs_entry_jumppad:
0x0: {  	(pc) =	sbr.rel $0x88, $3  }
0x1: {  	(tag) =	ssettag $0x0;
	lr =	simm.s32 $0x1  }
0x2: {  	[smem:$0x3F99] =	sst lr;
	_ =	strace $0xD0000000  }
0x3: {  	_ = 	snop  }
0x4: {  	_ = 	snop  }
0x5: {  	_ = 	snop  }
0x6: {  	_ = 	snop  }
0x7: {  	_ = 	snop  }
__scs_overlays_trampoline_lowered:
0x8: {  	[smem:$0x3FA8] =	sst s0  }
0x9: {  	[smem:$0x3FA9] =	sst s1  }
0xa: {  	[smem:$0x3FAA] =	sst s2  }
0xb: {  	[smem:$0x3FAB] =	sst s3  }
0xc: {  	[smem:$0x3FAC] =	sst s4  }
0xd: {  	[smem:$0x3FAD] =	sst s5  }
0xe: {  	[smem:$0x3FAE] =	sst s6  }
0xf: {  	[smem:$0x3FAF] =	sst s7  }
0x10: {  	[smem:$0x3FB0] =	sst s8  }
0x11: {  	[smem:$0x3FB1] =	sst s9;
	s0 =	simm.s32 @!p0 $0x0  }
0x12: {  	s1 =	sld [smem:$0x3F97];
	s0 =	simm.s32 @p0 $0x1  }
0x13: {  	[smem:$0x3FB2] =	sst s0;
	s0 =	simm.s32 @!p1 $0x0  }
0x14: {  	s2 =	sld [smem:$0x3F96];
	s0 =	simm.s32 @p1 $0x1  }
0x15: {  	[smem:$0x3FB3] =	sst s0;
	s0 =	simm.s32 @!p2 $0x0  }
0x16: {  	s3 =	sld [smem:$0x3FDB];
	s0 =	simm.s32 @p2 $0x1  }
0x17: {  	s4 =	simm.s32 $0x1BF5;
	[smem:$0x3FB5] =	sst s0  }
0x18: {  	s0 =	sld [smem:$0x3F98];
	_ =	swait.ge [sflag:s4], $0x0  }
0x19: {  	s7 =	sld [smem:$0x3F99]  }
0x1a: {  	s8 =	sadd.s32 $0xFFFFE003, lr  }
0x1b: {  	s9 =	sadd.s32 $0xFFFFFEF7, lr;
	s5 =	simm.s32 $0xFFFFFFFF;
	p2 =	slt.u32 s8, $0xFFFFF086  }
0x1c: {  	p1 =	slt.u32 s9, $0xF7A;
	s5 =	simm.s32 @!p2 $0x0  }
0x1d: {  	s5 =	simm.s32 @p1 $0x1;
	p0 =	seq.s32 s7, s2  }
0x1e: {  	s7 =	smul.u32 @!p0 $0xF7A, s2;
	p2 =	seq.s32 @!p0 s5, $0x0  }
0x1f: {  	s9 =	smul.u32 $0xF7A, s1;
	s8 =	simm.s32 @!p0 $0x1BF5;
	p2 =	por !p2, p0  }
0x20: {  	[sflag:s8] =	ssyncset.s32 @!p0 $0xFFFFF086;
	s6 =	sadd.s32 @!p0 s3, s7;
	s7 =	simm.s32 @!p0 $0x108  }
0x21: {  	s3 =	sadd.s32 s3, s9;
	s6 =	sadd.s32 @!p0 $0x88, s6;
	s7 =	simm.s32 @p2 $0x1082  }
0x22: {  	[simem:s7], [sflag:s8] =	dma.local @!p0 [hbm:s6], $0xF7A  }
0x23: {  	s9 =	sor.u32 $0xD0000000, s2;
	s6 =	simm.s32 $0x108;
	_ =	swait.ge @!p0 [sflag:s8], $0x0  }
0x24: {  	s3 =	sadd.s32 $0x88, s3;
	s6 =	simm.s32 @!p1 $0x1082;
	[sflag:s4] =	ssyncset.s32 $0xFFFFF086  }
0x25: {  	[simem:s6], [sflag:s4] =	dma.local [hbm:s3], $0xF7A  }
0x26: {  	[smem:$0x3F99] =	sst s1;
	(tag) =	ssettag s2;
	_ =	strace s9  }
0x27: {  	s1 =	sld [smem:$0x3FA9]  }
0x28: {  	s2 =	sld [smem:$0x3FAA]  }
0x29: {  	s4 =	sld [smem:$0x3FAC]  }
0x2a: {  	p0 =	seq.s32 s5, $0x0;
	s5 =	sld [smem:$0x3FAD]  }
0x2b: {  	s6 =	sld [smem:$0x3FAE]  }
0x2c: {  	s7 =	sld [smem:$0x3FAF]  }
0x2d: {  	s3 =	simm.s32 $0x108;
	s8 =	sld [smem:$0x3FB0]  }
0x2e: {  	s3 =	simm.s32 @!p0 $0x1082;
	s9 =	sld [smem:$0x3FB1]  }
0x2f: {  	lr =	sadd.s32 s0, s3;
	s0 =	sld [smem:$0x3FA8]  }
0x30: {  	s3 =	sld [smem:$0x3FAB]  }
0x31: {  	[smem:$0x3FB4] =	sst s10  }
0x32: {  	s10 =	sld [smem:$0x3FB2];
	_ =	sdelay $0x3  }
0x33: {  	p0 =	seq.s32 s10, $0x1;
	s10 =	sld [smem:$0x3FB4];
	_ =	sdelay $0x3  }
0x34: {  	[smem:$0x3FB4] =	sst s10  }
0x35: {  	s10 =	sld [smem:$0x3FB3];
	_ =	sdelay $0x3  }
0x36: {  	p1 =	seq.s32 s10, $0x1;
	s10 =	sld [smem:$0x3FB4];
	_ =	sdelay $0x3  }
0x37: {  	[smem:$0x3FB4] =	sst s10  }
0x38: {  	s10 =	sld [smem:$0x3FB5]  }
0x39: {  	_ = 	snop;
	(pc) =	sbr.ind lr, $3  }
0x3a: {  	_ = 	snop  }
0x3b: {  	_ = 	snop  }
0x3c: {  	p2 =	seq.s32 s10, $0x1;
	s10 =	sld [smem:$0x3FB4]  }
0x3d: {  	_ =	shalt  }
0x3e: {  	_ =	shalt  }
0x3f: {  	_ =	shalt  }
0x40: {  	_ =	shalt  }
0x41: {  	_ =	shalt  }
0x42: {  	_ =	shalt  }
0x43: {  	_ =	shalt  }
0x44: {  	_ =	shalt  }
0x45: {  	_ =	shalt  }
0x46: {  	_ =	shalt  }
0x47: {  	_ =	shalt  }
0x48: {  	_ =	shalt  }
0x49: {  	_ =	shalt  }
0x4a: {  	_ =	shalt  }
0x4b: {  	_ =	shalt  }
0x4c: {  	_ =	shalt  }
0x4d: {  	_ =	shalt  }
0x4e: {  	_ =	shalt  }
0x4f: {  	_ =	shalt  }
0x50: {  	_ =	shalt  }
0x51: {  	_ =	shalt  }
0x52: {  	_ =	shalt  }
0x53: {  	_ =	shalt  }
0x54: {  	_ =	shalt  }
0x55: {  	_ =	shalt  }
0x56: {  	_ =	shalt  }
0x57: {  	_ =	shalt  }
0x58: {  	_ =	shalt  }
0x59: {  	_ =	shalt  }
0x5a: {  	_ =	shalt  }
0x5b: {  	_ =	shalt  }
0x5c: {  	_ =	shalt  }
0x5d: {  	_ =	shalt  }
0x5e: {  	_ =	shalt  }
0x5f: {  	_ =	shalt  }
0x60: {  	_ =	shalt  }
0x61: {  	_ =	shalt  }
0x62: {  	_ =	shalt  }
0x63: {  	_ =	shalt  }
0x64: {  	_ =	shalt  }
0x65: {  	_ =	shalt  }
0x66: {  	_ =	shalt  }
0x67: {  	_ =	shalt  }
0x68: {  	_ =	shalt  }
0x69: {  	_ =	shalt  }
0x6a: {  	_ =	shalt  }
0x6b: {  	_ =	shalt  }
0x6c: {  	_ =	shalt  }
0x6d: {  	_ =	shalt  }
0x6e: {  	_ =	shalt  }
0x6f: {  	_ =	shalt  }
0x70: {  	_ =	shalt  }
0x71: {  	_ =	shalt  }
0x72: {  	_ =	shalt  }
0x73: {  	_ =	shalt  }
0x74: {  	_ =	shalt  }
0x75: {  	_ =	shalt  }
0x76: {  	_ =	shalt  }
0x77: {  	_ =	shalt  }
0x78: {  	_ =	shalt  }
0x79: {  	_ =	shalt  }
0x7a: {  	_ =	shalt  }
0x7b: {  	_ =	shalt  }
0x7c: {  	_ =	shalt  }
0x7d: {  	_ =	shalt  }
0x7e: {  	_ =	shalt  }
0x7f: {  	_ =	shalt  }
0x80: {  	_ =	shalt  }
0x81: {  	_ =	shalt  }
0x82: {  	_ =	shalt  }
0x83: {  	_ =	shalt  }
0x84: {  	_ =	shalt  }
0x85: {  	_ =	shalt  }
0x86: {  	_ =	shalt  }
0x87: {  	_ =	shalt  }
.Lfunc_end0:
.L_simem_size_0:
called_computation.3_lowered:
.L_overlay_start_0:
0x88: {  	s2 =	sld [smem:$0x3FD9]  }
0x89: {  	s3 =	sld [smem:$0x3FFE];
	_ =	sdelay $0x1  }
0x8a: {  	s1 =	srdreg.scid  }
0x8b: {  	s0 =	sand.u32 $0x1, s1  }
0x8c: {  	s17 =	sshll.u32 s0, $0xA;
	s2 =	sadd.s32 s3, s2  }
0x8d: {  	s2 =	sadd.s32 s2, s17  }
0x8e: {  	[smem:$0x3FC0] =	sst s2  }
0x8f: {  	_ = 	snop  }
0x90: {  	s2 =	sld [smem:$0x3FD0];
	(tm) =	ssettm $0x1  }
0x91: {  	s18 =	sld [smem:$0x3FFB];
	_ =	sdelay $0x3  }
0x92: {  	_ =	strace s18  }
0x93: {  	s3 =	sld [smem:$0x3FFC];
	_ =	sdelay $0x3  }
0x94: {  	_ =	strace s3  }
0x95: {  	s3 =	sld [smem:$0x3FFD];
	_ =	sdelay $0x3  }
0x96: {  	_ =	strace s3  }
0x97: {  	_ =	strace $0x8FFFFFFF  }
0x98: {  	s19 =	sld [smem:$0x3FDB];
	_ =	sdelay $0x1  }
0x99: {  	s4 =	simm.s32 $_scs_section_size  }
0x9a: {  	s5 =	simm.s32 $_size__tile_overlayer_lowered;
	s6 =	simm.s32 $_tile_overlayer_lowered  }
0x9b: {  	s22 =	simm.s32 $0x1BFF;
	s21 =	sshll.u32 s6, $0x1;
	s3 =	sadd.s32 s4, s19  }
0x9c: {  	s7 =	simm.s32 $0x0;
	s20 =	sshll.u32 s5, $0x1;
	s5 =	sadd.s32 s21, s3  }
0x9d: {  	[timem:s7], [sflag:s22] =	dma.local [hbm:s5], s20  }
0x9e: {  	_ =	swait.ge [sflag:s22], s20  }
0x9f: {  	s4 =	ssub.s32 $0x0, s20;
	[sflag:s22] =	ssyncset.done $0x0  }
0xa0: {  	[sflag:s22] =	ssyncadd.s32 s4;
	_ =	sdelay $0x1  }
0xa1: {  	s23 =	simm.s32 $0x1B8B  }
0xa2: {  	_ =	swait.ge [sflag:s23], $0x1  }
0xa3: {  	[sflag:s23] =	ssyncset.done $0x0  }
0xa4: {  	s25 =	simm.s32 $0x1B8E;
	s24 =	sld [smem:$0x3FFE];
	[sflag:s23] =	ssyncadd.s32 $0xFFFFFFFF  }
0xa5: {  	s26 =	simm.s32 $execute0_lowered;
	[smem:$0x3FD2] =	sst s25  }
0xa6: {  	s5 =	sshll.u32 s26, $0x1;
	_ =	strace $0x8000004F;
	[dreg:$0x1] =	wrdreg $0xFFFFFFFF  }
0xa7: {  	s28 =	simm.s32 $_size_execute0_lowered;
	s3 =	sadd.s32 s3, s5;
	[dreg:$0x0] =	wrdreg $0x0  }
0xa8: {  	s5 =	sshll.u32 s28, $0x1;
	[dreg:$0x2] =	wrdreg s3  }
0xa9: {  	[dreg:$0x3] =	wrdreg s5  }
0xaa: {  	[dreg:$0x4] =	wrdreg $0xC0  }
0xab: {  	_ =	task [dreg:s7], $0x5FFFF  }
0xac: {  	[dreg:$0x1] =	wrdreg $0xFFFFFFFF  }
0xad: {  	[dreg:$0x0] =	wrdreg $0x60  }
0xae: {  	[dreg:$0x2] =	wrdreg s2  }
0xaf: {  	[dreg:$0x3] =	wrdreg s24  }
0xb0: {  	[dreg:$0x4] =	wrdreg $0xB0000  }
0xb1: {  	[dreg:$0x5] =	wrdreg $0x9  }
0xb2: {  	_ =	task.clear_ibuf [dreg:s7], $0x6FFFF;
	_ =	strace $0x9000004F  }
0xb3: {  	s29 =	simm.s32 $0x9;
	_ =	strace $0x80000051  }
0xb4: {  	_ =	swait.ge [sflag:s29], $0x1  }
0xb5: {  	[sflag:s29] =	ssyncadd.s32 $0xFFFFFFFF  }
0xb6: {  	_ =	strace $0x90000051  }
0xb7: {  	_ =	sfence  }
0xb8: {  	s30 =	sld [smem:$0x0];
	_ =	sdelay $0x2  }
0xb9: {  	s31 =	sshll.u32 s1, $0xD;
	s1 =	sshrl.u32 s1, $0x2  }
0xba: {  	s3 =	sand.u32 $0x4000, s31;
	s1 =	sadd.s32 s1, s30  }
0xbb: {  	s0 =	sor.u32 s3, s0;
	s1 =	sshll.u32 s1, $0x11  }
0xbc: {  	s0 =	sor.u32 s1, s0  }
0xbd: {  	s0 =	sadd.s32 $0x8F2B, s0  }
0xbe: {  	[sflag:s0] =	ssyncadd.remote.s32 $0x1  }
0xbf: {  	_ =	sfence.sel $0xFFFF  }
0xc0: {  	[dreg:$0x0] =	wrdreg $0xFFFFFFFF;
	(pc) =	sbr.abs _section_cstart, $3  }
0xc1: {  	[dreg:$0x1] =	wrdreg $0xFFFFFFFF  }
0xc2: {  	_ =	task.clear_ibuf [dreg:s7], $0x2FFFF;
	_ =	strace $0x9FFFFFFF  }
0xc3: {  	(tm) =	ssettm $0x7FFFFFFF  }
tec
execute0_lowered:
.L_overlay_start_1:
0x0: {  	(tag) =	ssettag $0x1  }
0x1: {  	s0 =	srdreg.scid  }
0x2: {  	s1 =	rddreg [dreg:$0x0];
	s12 =	stileid.u32  }
0x3: {  	s2 =	rddreg [dreg:$0x1];
	s7 =	smul.u32 $0x50000, s12  }
0x4: {  	s3 =	rddreg [dreg:$0x2];
	s28 =	simm.s32 $0x2;
	s8 =	smul.u32 $0x280, s12  }
0x5: {  	s31 =	simm.s32 $0x2980;
	s0 =	sand.u32 $0x1, s0;
	s21 =	smul.u32 $0x2800, s12  }
0x6: {  	s9 =	sadd.s32 $0x17400, s2;
	s4 =	sshll.u32 s0, $0x4;
	s6 =	smul.u32 $0x28000, s0  }
0x7: {  	s0 =	ssub.s32 $0x2, s0;
	s5 =	sor.u32 s12, s4;
	s4 =	simm.s32 $0x0  }
0x8: {  	s13 =	sshrl.u32 s0, $0x1;
	s14 =	sshrl.u32 s7, $0x2;
	s15 =	sadd.s32 $0x80, s8  }
0x9: {  	s18 =	sadd.s32 $0x100, s8;
	s19 =	sadd.s32 $0x180, s8;
	s8 =	sadd.s32 $0x200, s8  }
0xa: {  	s12 =	simm.s32 $0x0;
	s5 =	smul.u32 $0x500, s5;
	[smem:$0x7FF] =	sst s4  }
0xb: {  	s0 =	ssub.s32 s0, s13;
	s17 =	sshll.u32 s15, $0x7;
	s10 =	sshll.u32 s18, $0x7  }
0xc: {  	s11 =	sshll.u32 s19, $0x7;
	s20 =	sshll.u32 s8, $0x7;
	s7 =	sshll.u32 s15, $0x4  }
0xd: {  	s8 =	sshll.u32 s8, $0x4;
	s15 =	simm.s32 $0x3000;
	s13 =	simm.s32 $0x4  }
0xe: {  	_ =	strace $0x80000050;
	[dreg:$0x4] =	wrdreg s9;
	s29 =	sadd.s32 s17, s3  }
0xf: {  	s30 =	sadd.s32 s10, s3;
	s11 =	sadd.s32 s11, s3;
	s0 =	smax.u32 s0, $0x1  }
0x10: {  	s10 =	sadd.s32 s20, s3;
	s9 =	sshll.u32 s19, $0x4;
	[dreg:$0xc] =	wrdreg s0  }
0x11: {  	s17 =	simm.s32 $0x80;
	s19 =	simm.s32 $0x7000;
	[dreg:$0x7] =	wrdreg s29  }
0x12: {  	s20 =	simm.s32 $0x2C80;
	s5 =	sadd.s32 s5, s2;
	[dreg:$0x8] =	wrdreg s30  }
0x13: {  	s2 =	sadd.s32 s6, s2;
	s6 =	sshll.u32 s18, $0x4;
	[dreg:$0x9] =	wrdreg s11  }
0x14: {  	s18 =	simm.s32 $0x2C00;
	[dreg:$0xa] =	wrdreg s10;
	s16 =	sadd.s32 $0xD400, s5  }
0x15: {  	s0 =	simm.s32 $0x2A80;
	s5 =	sadd.s32 $0x3400, s5;
	[dreg:$0x5] =	wrdreg s16  }
0x16: {  	s2 =	sadd.s32 $0x17C00, s2;
	s16 =	sadd.s32 s14, s3;
	[dreg:$0xb] =	wrdreg s5  }
0x17: {  	s14 =	simm.s32 $0x5;
	s22 =	sadd.s32 s21, s2;
	s23 =	sadd.s32 s7, s2  }
0x18: {  	s24 =	sadd.s32 s6, s2;
	s25 =	sadd.s32 s9, s2;
	[dreg:$0xd] =	wrdreg s22  }
0x19: {  	s26 =	sadd.s32 s8, s2;
	s2 =	simm.s32 $0x2A00;
	[dreg:$0xe] =	wrdreg s23  }
.Ltmp0:
0x1a: {  	s5 =	simm.s32 $0x2B00;
	[dreg:$0xf] =	wrdreg s24;
	(pc) =	sbr.rel .LBB2_1-.Ltmp0, $4  }
0x1b: {  	s6 =	simm.s32 $0x2B80;
	s21 =	simm.s32 $0x2D00;
	[dreg:$0x10] =	wrdreg s25  }
0x1c: {  	s7 =	simm.s32 $0x2F00;
	s8 =	simm.s32 $0x2F80;
	[dreg:$0x11] =	wrdreg s26  }
0x1d: {  	s25 =	simm.s32 $0x3;
	s26 =	simm.s32 $0x1;
	s22 =	simm.s32 $0x2D80  }
0x1e: {  	s23 =	simm.s32 $0x2E00;
	s24 =	simm.s32 $0x2E80;
	[dreg:$0x6] =	wrdreg s16  }
.LBB2_4:
0x1f: {  	[bflag:$0x0] =	sbarrier.arrive $0xFFFF  }
0x20: {  	s16 =	rddreg [dreg:$0x6]  }
0x21: {  	[tilespmem:s15], [sflag:$0x5] =	stream.linear.gather [spmem:s16], $0x4000, $0x38;
	[tilespmem:$0x1F000] =	vst v63  }
0x22: {  	_ =	swait.ge [sflag:s14], $0x4000  }
0x23: {  	[sflag:s14] =	ssyncset.done $0x0  }
0x24: {  	s9 =	rddreg [dreg:$0xd];
	[sflag:s14] =	ssyncadd.s32 $0xFFFFC000  }
0x25: {  	[hbm4b:s9+s4] =	stream.linear.scatter [tilespmem:s15], [sflag:$0x5], $0x4000, $0x38;
	[tilespmem:$0x1F000] =	vst v63  }
0x26: {  	_ =	swait.ge [sflag:s14], $0x4000  }
0x27: {  	[sflag:s14] =	ssyncset.done $0x0  }
0x28: {  	s29 =	rddreg [dreg:$0x7];
	[sflag:s14] =	ssyncadd.s32 $0xFFFFC000  }
0x29: {  	[tilespmem:s15], [sflag:$0x5] =	stream.linear.gather [spmem:s29], $0x4000, $0x38;
	[tilespmem:$0x1F000] =	vst v63  }
0x2a: {  	_ =	swait.ge [sflag:s14], $0x4000  }
0x2b: {  	[sflag:s14] =	ssyncset.done $0x0  }
0x2c: {  	s11 =	rddreg [dreg:$0xe];
	[sflag:s14] =	ssyncadd.s32 $0xFFFFC000  }
0x2d: {  	[hbm4b:s11+s4] =	stream.linear.scatter [tilespmem:s15], [sflag:$0x5], $0x4000, $0x38;
	[tilespmem:$0x1F000] =	vst v63  }
0x2e: {  	_ =	swait.ge [sflag:s14], $0x4000  }
0x2f: {  	[sflag:s14] =	ssyncset.done $0x0  }
0x30: {  	s30 =	rddreg [dreg:$0x8];
	[sflag:s14] =	ssyncadd.s32 $0xFFFFC000  }
0x31: {  	[tilespmem:s15], [sflag:$0x5] =	stream.linear.gather [spmem:s30], $0x4000, $0x38;
	[tilespmem:$0x1F000] =	vst v63  }
0x32: {  	_ =	swait.ge [sflag:s14], $0x4000  }
0x33: {  	[sflag:s14] =	ssyncset.done $0x0  }
0x34: {  	s12 =	rddreg [dreg:$0xf];
	[sflag:s14] =	ssyncadd.s32 $0xFFFFC000  }
0x35: {  	[hbm4b:s12+s4] =	stream.linear.scatter [tilespmem:s15], [sflag:$0x5], $0x4000, $0x38;
	[tilespmem:$0x1F000] =	vst v63  }
0x36: {  	_ =	swait.ge [sflag:s14], $0x4000  }
0x37: {  	[sflag:s14] =	ssyncset.done $0x0  }
0x38: {  	s11 =	rddreg [dreg:$0x9];
	[sflag:s14] =	ssyncadd.s32 $0xFFFFC000  }
0x39: {  	[tilespmem:s15], [sflag:$0x5] =	stream.linear.gather [spmem:s11], $0x4000, $0x38;
	[tilespmem:$0x1F000] =	vst v63  }
0x3a: {  	_ =	swait.ge [sflag:s14], $0x4000  }
0x3b: {  	[sflag:s14] =	ssyncset.done $0x0  }
0x3c: {  	s10 =	rddreg [dreg:$0x10];
	[sflag:s14] =	ssyncadd.s32 $0xFFFFC000  }
0x3d: {  	[hbm4b:s10+s4] =	stream.linear.scatter [tilespmem:s15], [sflag:$0x5], $0x4000, $0x38;
	[tilespmem:$0x1F000] =	vst v63  }
0x3e: {  	_ =	swait.ge [sflag:s14], $0x4000  }
0x3f: {  	[sflag:s14] =	ssyncset.done $0x0  }
0x40: {  	s10 =	rddreg [dreg:$0xa];
	[sflag:s14] =	ssyncadd.s32 $0xFFFFC000  }
0x41: {  	[tilespmem:s15], [sflag:$0x5] =	stream.linear.gather [spmem:s10], $0x4000, $0x38;
	[tilespmem:$0x1F000] =	vst v63  }
0x42: {  	_ =	swait.ge [sflag:s14], $0x4000  }
0x43: {  	[sflag:s14] =	ssyncset.done $0x0  }
0x44: {  	s12 =	rddreg [dreg:$0x11];
	[sflag:s14] =	ssyncadd.s32 $0xFFFFC000  }
0x45: {  	[hbm4b:s12+s4] =	stream.linear.scatter [tilespmem:s15], [sflag:$0x5], $0x4000, $0x38;
	[tilespmem:$0x1F000] =	vst v63  }
0x46: {  	_ =	swait.ge [sflag:s14], $0x4000  }
0x47: {  	s12 =	rddreg [dreg:$0x12]  }
0x48: {  	s9 =	rddreg [dreg:$0xc];
	s12 =	sadd.s32 $0x1, s12  }
0x49: {  	p0 =	sne.s32 s12, s9  }
.Ltmp1:
0x4a: {  	_ = 	snop;
	(pc) =	sbr.rel @!p0 .LBB2_5-.Ltmp1, $3  }
0x4b: {  	_ =	sdelay $0x1  }
0x4c: {  	[sflag:s14] =	ssyncset.done $0x0  }
0x4d: {  	[sflag:s14] =	ssyncadd.s32 $0xFFFFC000  }
.LBB2_1:
0x4e: {  	[dreg:$0x12] =	wrdreg s12  }
0x4f: {  	s9 =	rddreg [dreg:$0x5]  }
0x50: {  	[tilespmem:s4], [sflag:$0x5] =	stream.linear.gather [hbm4b:s9+s4], $0x2800, $0x38;
	[tilespmem:$0x1F000] =	vst v63  }
0x51: {  	_ =	swait.ge [sflag:s14], $0x2800  }
0x52: {  	[sflag:s14] =	ssyncset.done $0x0  }
0x53: {  	s12 =	rddreg [dreg:$0x4];
	[sflag:s14] =	ssyncadd.s32 $0xFFFFD800  }
0x54: {  	[tilespmem:s15], [sflag:$0x5] =	stream.linear.gather [hbm4b:s12+s4], $0x4000, $0x38;
	[tilespmem:$0x1F000] =	vst v63  }
0x55: {  	_ =	swait.ge [sflag:s14], $0x4000  }
0x56: {  	[sflag:s14] =	ssyncset.done $0x0  }
0x57: {  	[sflag:s14] =	ssyncadd.s32 $0xFFFFC000  }
0x58: {  	[spmem:s16] =	stream.linear.scatter [tilespmem:s15], [sflag:$0x5], $0x4000, $0x38;
	[tilespmem:$0x1F000] =	vst v63  }
0x59: {  	_ =	swait.ge [sflag:s14], $0x4000  }
0x5a: {  	[sflag:s14] =	ssyncset.done $0x0  }
0x5b: {  	[sflag:s14] =	ssyncadd.s32 $0xFFFFC000  }
0x5c: {  	[spmem:s29] =	stream.linear.scatter [tilespmem:s15], [sflag:$0x5], $0x4000, $0x38;
	[tilespmem:$0x1F000] =	vst v63  }
0x5d: {  	_ =	swait.ge [sflag:s14], $0x4000  }
0x5e: {  	[sflag:s14] =	ssyncset.done $0x0  }
0x5f: {  	[sflag:s14] =	ssyncadd.s32 $0xFFFFC000  }
0x60: {  	[spmem:s30] =	stream.linear.scatter [tilespmem:s15], [sflag:$0x5], $0x4000, $0x38;
	[tilespmem:$0x1F000] =	vst v63  }
0x61: {  	_ =	swait.ge [sflag:s14], $0x4000  }
0x62: {  	[sflag:s14] =	ssyncset.done $0x0  }
0x63: {  	[sflag:s14] =	ssyncadd.s32 $0xFFFFC000  }
0x64: {  	[spmem:s11] =	stream.linear.scatter [tilespmem:s15], [sflag:$0x5], $0x4000, $0x38;
	[tilespmem:$0x1F000] =	vst v63  }
0x65: {  	_ =	swait.ge [sflag:s14], $0x4000  }
0x66: {  	[sflag:s14] =	ssyncset.done $0x0  }
0x67: {  	[sflag:s14] =	ssyncadd.s32 $0xFFFFC000  }
0x68: {  	[spmem:s10] =	stream.linear.scatter [tilespmem:s15], [sflag:$0x5], $0x4000, $0x38;
	[tilespmem:$0x1F000] =	vst v63  }
0x69: {  	_ =	swait.ge [sflag:s14], $0x4000  }
0x6a: {  	[sflag:s14] =	ssyncset.done $0x0  }
0x6b: {  	s29 =	simm.s32 $0x2800;
	s16 =	rddreg [dreg:$0xb];
	[sflag:s14] =	ssyncadd.s32 $0xFFFFC000  }
0x6c: {  	[tilespmem:s29], [sflag:$0x3] =	stream.linear.gather [hbm4b:s16+s4], $0x400, $0x38;
	[tilespmem:$0x1F000] =	vst v63  }
0x6d: {  	_ = 	snop  }
0x6e: {  	[tilespmem:s15], [sflag:$0x1] =	stream.indirect.gather [hbm4b:s1+s17], $0x80, s4, s17, $0xb8;
	[tilespmem:$0x1F000] =	vst v63  }
0x6f: {  	s30 =	sadd.s32 $0x80, s16  }
0x70: {  	[tilespmem:s18], [sflag:$0x4] =	stream.linear.gather [hbm4b:s30+s4], $0x400, $0x38;
	[tilespmem:$0x1F000] =	vst v63  }
0x71: {  	s12 =	simm.s32 $0x0  }
0x72: {  	[tilespmem:s19], [sflag:$0x2] =	stream.indirect.gather [hbm4b:s1+s17], $0x80, s17, s17, $0xb8;
	[tilespmem:$0x1F000] =	vst v63  }
0x73: {  	s11 =	simm.s32 $0x6;
	s10 =	sadd.s32 $0x180, s16;
	[bflag:$0x0] =	sbarrier.arrive $0xFFFF  }
.LBB2_2:
0x74: {  	_ =	swait.ge [sflag:s25], $0x400  }
0x75: {  	[sflag:s25] =	ssyncset.done $0x0  }
0x76: {  	[sflag:s25] =	ssyncadd.s32 $0xFFFFFC00  }
0x77: {  	_ =	swait.ge [sflag:s26], $0x4000  }
0x78: {  	[sflag:s26] =	ssyncset.done $0x0  }
0x79: {  	s9 =	simm.s32 $0x2800;
	[sflag:s26] =	ssyncadd.s32 $0xFFFFC000  }
0x7a: {  	[spmem:s3] =	stream.indirect.scatter.add.f32 [tilespmem:s15], [sflag:$0x5], $0x80, s9, s17, $0xb8;
	[tilespmem:$0x1F000] =	vst v63  }
0x7b: {  	_ =	swait.ge [sflag:s14], $0x4000  }
0x7c: {  	s9 =	sshra.s32 s12, $0x2;
	[sflag:s14] =	ssyncset.done $0x0  }
0x7d: {  	s16 =	sadd.s32 $0x100, s9;
	[sflag:s14] =	ssyncadd.s32 $0xFFFFC000  }
0x7e: {  	[tilespmem:s15], [sflag:$0x1] =	stream.indirect.gather [hbm4b:s1+s17], $0x80, s16, s17, $0xb8;
	[tilespmem:$0x1F000] =	vst v63  }
0x7f: {  	_ =	swait.ge [sflag:s28], $0x4000  }
0x80: {  	[sflag:s28] =	ssyncset.done $0x0  }
0x81: {  	s29 =	simm.s32 $0x2880;
	[sflag:s28] =	ssyncadd.s32 $0xFFFFC000  }
0x82: {  	[spmem:s3] =	stream.indirect.scatter.add.f32 [tilespmem:s19], [sflag:$0x5], $0x80, s29, s17, $0xb8;
	[tilespmem:$0x1F000] =	vst v63  }
0x83: {  	_ =	swait.ge [sflag:s14], $0x4000  }
0x84: {  	[sflag:s14] =	ssyncset.done $0x0  }
0x85: {  	s30 =	sadd.s32 $0x180, s9;
	[sflag:s14] =	ssyncadd.s32 $0xFFFFC000  }
0x86: {  	[tilespmem:s19], [sflag:$0x2] =	stream.indirect.gather [hbm4b:s1+s17], $0x80, s30, s17, $0xb8;
	[tilespmem:$0x1F000] =	vst v63  }
0x87: {  	_ =	swait.ge [sflag:s26], $0x4000  }
0x88: {  	[sflag:s26] =	ssyncset.done $0x0  }
0x89: {  	s29 =	simm.s32 $0x2900;
	[sflag:s26] =	ssyncadd.s32 $0xFFFFC000  }
0x8a: {  	[spmem:s3] =	stream.indirect.scatter.add.f32 [tilespmem:s15], [sflag:$0x5], $0x80, s29, s17, $0xb8;
	[tilespmem:$0x1F000] =	vst v63  }
0x8b: {  	_ =	swait.ge [sflag:s14], $0x4000  }
0x8c: {  	[sflag:s14] =	ssyncset.done $0x0  }
0x8d: {  	s30 =	sadd.s32 $0x200, s9;
	[sflag:s14] =	ssyncadd.s32 $0xFFFFC000  }
0x8e: {  	[tilespmem:s15], [sflag:$0x1] =	stream.indirect.gather [hbm4b:s1+s17], $0x80, s30, s17, $0xb8;
	[tilespmem:$0x1F000] =	vst v63  }
0x8f: {  	_ =	swait.ge [sflag:s28], $0x4000  }
0x90: {  	[sflag:s28] =	ssyncset.done $0x0  }
0x91: {  	[sflag:s28] =	ssyncadd.s32 $0xFFFFC000  }
0x92: {  	[spmem:s3] =	stream.indirect.scatter.add.f32 [tilespmem:s19], [sflag:$0x5], $0x80, s31, s17, $0xb8;
	[tilespmem:$0x1F000] =	vst v63  }
0x93: {  	_ =	swait.ge [sflag:s14], $0x4000  }
0x94: {  	[sflag:s14] =	ssyncset.done $0x0  }
0x95: {  	s29 =	sadd.s32 $0x280, s9;
	[sflag:s14] =	ssyncadd.s32 $0xFFFFC000  }
0x96: {  	[tilespmem:s19], [sflag:$0x2] =	stream.indirect.gather [hbm4b:s1+s17], $0x80, s29, s17, $0xb8;
	[tilespmem:$0x1F000] =	vst v63  }
0x97: {  	_ =	swait.ge [sflag:s26], $0x4000  }
0x98: {  	[sflag:s26] =	ssyncset.done $0x0  }
0x99: {  	[sflag:s26] =	ssyncadd.s32 $0xFFFFC000  }
0x9a: {  	[spmem:s3] =	stream.indirect.scatter.add.f32 [tilespmem:s15], [sflag:$0x5], $0x80, s2, s17, $0xb8;
	[tilespmem:$0x1F000] =	vst v63  }
0x9b: {  	_ =	swait.ge [sflag:s14], $0x4000  }
0x9c: {  	[sflag:s14] =	ssyncset.done $0x0  }
0x9d: {  	s30 =	sadd.s32 $0x300, s9;
	[sflag:s14] =	ssyncadd.s32 $0xFFFFC000  }
0x9e: {  	[tilespmem:s15], [sflag:$0x1] =	stream.indirect.gather [hbm4b:s1+s17], $0x80, s30, s17, $0xb8;
	[tilespmem:$0x1F000] =	vst v63  }
0x9f: {  	_ =	swait.ge [sflag:s28], $0x4000  }
0xa0: {  	[sflag:s28] =	ssyncset.done $0x0  }
0xa1: {  	[sflag:s28] =	ssyncadd.s32 $0xFFFFC000  }
0xa2: {  	[spmem:s3] =	stream.indirect.scatter.add.f32 [tilespmem:s19], [sflag:$0x5], $0x80, s0, s17, $0xb8;
	[tilespmem:$0x1F000] =	vst v63  }
0xa3: {  	_ =	swait.ge [sflag:s14], $0x4000  }
0xa4: {  	[sflag:s14] =	ssyncset.done $0x0  }
0xa5: {  	s29 =	sadd.s32 $0x380, s9;
	[sflag:s14] =	ssyncadd.s32 $0xFFFFC000  }
0xa6: {  	[tilespmem:s19], [sflag:$0x2] =	stream.indirect.gather [hbm4b:s1+s17], $0x80, s29, s17, $0xb8;
	[tilespmem:$0x1F000] =	vst v63  }
0xa7: {  	_ =	swait.ge [sflag:s26], $0x4000  }
0xa8: {  	[sflag:s26] =	ssyncset.done $0x0  }
0xa9: {  	[sflag:s26] =	ssyncadd.s32 $0xFFFFC000  }
0xaa: {  	[spmem:s3] =	stream.indirect.scatter.add.f32 [tilespmem:s15], [sflag:$0x5], $0x80, s5, s17, $0xb8;
	[tilespmem:$0x1F000] =	vst v63  }
0xab: {  	_ =	swait.ge [sflag:s14], $0x4000  }
0xac: {  	[sflag:s14] =	ssyncset.done $0x0  }
0xad: {  	s30 =	sadd.s32 $0x400, s9;
	[sflag:s14] =	ssyncadd.s32 $0xFFFFC000  }
0xae: {  	[tilespmem:s15], [sflag:$0x1] =	stream.indirect.gather [hbm4b:s1+s17], $0x80, s30, s17, $0xb8;
	[tilespmem:$0x1F000] =	vst v63  }
0xaf: {  	_ =	swait.ge [sflag:s28], $0x4000  }
0xb0: {  	[sflag:s28] =	ssyncset.done $0x0  }
0xb1: {  	[sflag:s28] =	ssyncadd.s32 $0xFFFFC000  }
0xb2: {  	[spmem:s3] =	stream.indirect.scatter.add.f32 [tilespmem:s19], [sflag:$0x5], $0x80, s6, s17, $0xb8;
	[tilespmem:$0x1F000] =	vst v63  }
0xb3: {  	_ =	swait.ge [sflag:s14], $0x4000  }
0xb4: {  	[sflag:s14] =	ssyncset.done $0x0  }
0xb5: {  	p0 =	seq.s32 s12, $0x8000;
	s29 =	sadd.s32 $0x480, s9;
	[sflag:s14] =	ssyncadd.s32 $0xFFFFC000  }
0xb6: {  	[tilespmem:s19], [sflag:$0x2] =	stream.indirect.gather [hbm4b:s1+s17], $0x80, s29, s17, $0xb8;
	[tilespmem:$0x1F000] =	vst v63  }
0xb7: {  	s16 =	sadd.s32 @!p0 $0xFFFFFF80, s10;
	s30 =	simm.s32 @!p0 $0x2800;
	s29 =	simm.s32 @!p0 $0x0  }
0xb8: {  	[tilespmem:s30], [sflag:$0x3] =	stream.linear.gather @!p0 [hbm4b:s16+s29], $0x400, $0x38;
	[tilespmem:$0x1F000] =	vst v63  }
0xb9: {  	_ =	swait.ge [sflag:s13], $0x400  }
0xba: {  	[sflag:s13] =	ssyncset.done $0x0  }
0xbb: {  	[sflag:s13] =	ssyncadd.s32 $0xFFFFFC00  }
0xbc: {  	_ =	swait.ge [sflag:s26], $0x4000  }
0xbd: {  	[sflag:s26] =	ssyncset.done $0x0  }
0xbe: {  	[sflag:s26] =	ssyncadd.s32 $0xFFFFC000  }
0xbf: {  	[spmem:s3] =	stream.indirect.scatter.add.f32 [tilespmem:s15], [sflag:$0x5], $0x80, s18, s17, $0xb8;
	[tilespmem:$0x1F000] =	vst v63  }
0xc0: {  	_ =	swait.ge [sflag:s14], $0x4000  }
0xc1: {  	[sflag:s14] =	ssyncset.done $0x0  }
0xc2: {  	s30 =	sadd.s32 $0x500, s9;
	[sflag:s14] =	ssyncadd.s32 $0xFFFFC000  }
0xc3: {  	[tilespmem:s15], [sflag:$0x1] =	stream.indirect.gather [hbm4b:s1+s17], $0x80, s30, s17, $0xb8;
	[tilespmem:$0x1F000] =	vst v63  }
0xc4: {  	_ =	swait.ge [sflag:s28], $0x4000  }
0xc5: {  	[sflag:s28] =	ssyncset.done $0x0  }
0xc6: {  	[sflag:s28] =	ssyncadd.s32 $0xFFFFC000  }
0xc7: {  	[spmem:s3] =	stream.indirect.scatter.add.f32 [tilespmem:s19], [sflag:$0x5], $0x80, s20, s17, $0xb8;
	[tilespmem:$0x1F000] =	vst v63  }
0xc8: {  	_ =	swait.ge [sflag:s14], $0x4000  }
0xc9: {  	[sflag:s14] =	ssyncset.done $0x0  }
0xca: {  	s29 =	sadd.s32 $0x580, s9;
	[sflag:s14] =	ssyncadd.s32 $0xFFFFC000  }
0xcb: {  	[tilespmem:s19], [sflag:$0x2] =	stream.indirect.gather [hbm4b:s1+s17], $0x80, s29, s17, $0xb8;
	[tilespmem:$0x1F000] =	vst v63  }
0xcc: {  	_ =	swait.ge [sflag:s26], $0x4000  }
0xcd: {  	[sflag:s26] =	ssyncset.done $0x0  }
0xce: {  	[sflag:s26] =	ssyncadd.s32 $0xFFFFC000  }
0xcf: {  	[spmem:s3] =	stream.indirect.scatter.add.f32 [tilespmem:s15], [sflag:$0x5], $0x80, s21, s17, $0xb8;
	[tilespmem:$0x1F000] =	vst v63  }
0xd0: {  	_ =	swait.ge [sflag:s14], $0x4000  }
0xd1: {  	[sflag:s14] =	ssyncset.done $0x0  }
0xd2: {  	s30 =	sadd.s32 $0x600, s9;
	[sflag:s14] =	ssyncadd.s32 $0xFFFFC000  }
0xd3: {  	[tilespmem:s15], [sflag:$0x1] =	stream.indirect.gather [hbm4b:s1+s17], $0x80, s30, s17, $0xb8;
	[tilespmem:$0x1F000] =	vst v63  }
0xd4: {  	_ =	swait.ge [sflag:s28], $0x4000  }
0xd5: {  	[sflag:s28] =	ssyncset.done $0x0  }
0xd6: {  	[sflag:s28] =	ssyncadd.s32 $0xFFFFC000  }
0xd7: {  	[spmem:s3] =	stream.indirect.scatter.add.f32 [tilespmem:s19], [sflag:$0x5], $0x80, s22, s17, $0xb8;
	[tilespmem:$0x1F000] =	vst v63  }
0xd8: {  	_ =	swait.ge [sflag:s14], $0x4000  }
0xd9: {  	[sflag:s14] =	ssyncset.done $0x0  }
0xda: {  	s29 =	sadd.s32 $0x680, s9;
	[sflag:s14] =	ssyncadd.s32 $0xFFFFC000  }
0xdb: {  	[tilespmem:s19], [sflag:$0x2] =	stream.indirect.gather [hbm4b:s1+s17], $0x80, s29, s17, $0xb8;
	[tilespmem:$0x1F000] =	vst v63  }
0xdc: {  	_ =	swait.ge [sflag:s26], $0x4000  }
0xdd: {  	[sflag:s26] =	ssyncset.done $0x0  }
0xde: {  	[sflag:s26] =	ssyncadd.s32 $0xFFFFC000  }
0xdf: {  	[spmem:s3] =	stream.indirect.scatter.add.f32 [tilespmem:s15], [sflag:$0x5], $0x80, s23, s17, $0xb8;
	[tilespmem:$0x1F000] =	vst v63  }
0xe0: {  	_ =	swait.ge [sflag:s14], $0x4000  }
0xe1: {  	[sflag:s14] =	ssyncset.done $0x0  }
0xe2: {  	s30 =	sadd.s32 $0x700, s9;
	[sflag:s14] =	ssyncadd.s32 $0xFFFFC000  }
0xe3: {  	[tilespmem:s15], [sflag:$0x1] =	stream.indirect.gather [hbm4b:s1+s17], $0x80, s30, s17, $0xb8;
	[tilespmem:$0x1F000] =	vst v63  }
0xe4: {  	_ =	swait.ge [sflag:s28], $0x4000  }
0xe5: {  	[sflag:s28] =	ssyncset.done $0x0  }
0xe6: {  	[sflag:s28] =	ssyncadd.s32 $0xFFFFC000  }
0xe7: {  	[spmem:s3] =	stream.indirect.scatter.add.f32 [tilespmem:s19], [sflag:$0x5], $0x80, s24, s17, $0xb8;
	[tilespmem:$0x1F000] =	vst v63  }
0xe8: {  	_ =	swait.ge [sflag:s14], $0x4000  }
0xe9: {  	[sflag:s14] =	ssyncset.done $0x0  }
0xea: {  	s9 =	sadd.s32 $0x780, s9;
	[sflag:s14] =	ssyncadd.s32 $0xFFFFC000  }
0xeb: {  	[tilespmem:s19], [sflag:$0x2] =	stream.indirect.gather [hbm4b:s1+s17], $0x80, s9, s17, $0xb8;
	[tilespmem:$0x1F000] =	vst v63  }
0xec: {  	_ =	swait.ge [sflag:s26], $0x4000  }
0xed: {  	[sflag:s26] =	ssyncset.done $0x0  }
0xee: {  	[sflag:s26] =	ssyncadd.s32 $0xFFFFC000  }
0xef: {  	[spmem:s3] =	stream.indirect.scatter.add.f32 [tilespmem:s15], [sflag:$0x5], $0x80, s7, s17, $0xb8;
	[tilespmem:$0x1F000] =	vst v63  }
0xf0: {  	p1 =	sgt.u32 s11, $0x45;
	_ =	swait.ge [sflag:s14], $0x4000  }
0xf1: {  	s16 =	simm.s32 @!p1 $0x80;
	s9 =	sshra.s32 @!p1 s12, $0x2;
	[sflag:s14] =	ssyncset.done $0x0  }
0xf2: {  	s29 =	simm.s32 @!p1 $0x3000;
	s9 =	sadd.s32 @!p1 $0x800, s9;
	[sflag:s14] =	ssyncadd.s32 $0xFFFFC000  }
0xf3: {  	[tilespmem:s29], [sflag:$0x1] =	stream.indirect.gather @!p1 [hbm4b:s1+s16], $0x80, s9, s16, $0xb8;
	[tilespmem:$0x1F000] =	vst v63  }
0xf4: {  	_ =	swait.ge [sflag:s28], $0x4000  }
0xf5: {  	[sflag:s28] =	ssyncset.done $0x0  }
0xf6: {  	[sflag:s28] =	ssyncadd.s32 $0xFFFFC000  }
0xf7: {  	[spmem:s3] =	stream.indirect.scatter.add.f32 [tilespmem:s19], [sflag:$0x5], $0x80, s8, s17, $0xb8;
	[tilespmem:$0x1F000] =	vst v63  }
.Ltmp2:
0xf8: {  	_ = 	snop;
	(pc) =	sbr.rel @p0 .LBB2_4-.Ltmp2, $4  }
0xf9: {  	p1 =	sgt.u32 s11, $0x44;
	_ =	swait.ge [sflag:s14], $0x4000  }
0xfa: {  	s9 =	sshra.s32 @!p1 s12, $0x2;
	s16 =	simm.s32 @!p1 $0x80;
	[sflag:s14] =	ssyncset.done $0x0  }
0xfb: {  	s29 =	simm.s32 @!p1 $0x7000;
	s9 =	sadd.s32 @!p1 $0x880, s9;
	[sflag:s14] =	ssyncadd.s32 $0xFFFFC000  }
0xfc: {  	[tilespmem:s29], [sflag:$0x2] =	stream.indirect.gather @!p1 [hbm4b:s1+s16], $0x80, s9, s16, $0xb8;
	[tilespmem:$0x1F000] =	vst v63  }
.Ltmp3:
0xfd: {  	(pc) =	sbr.rel .LBB2_2-.Ltmp3, $3  }
0xfe: {  	_ =	sdelay $0x1  }
0xff: {  	[tilespmem:s18], [sflag:$0x4] =	stream.linear.gather [hbm4b:s10+s4], $0x400, $0x38;
	[tilespmem:$0x1F000] =	vst v63  }
0x100: {  	s12 =	sadd.s32 $0x2000, s12;
	s11 =	sadd.s32 $0x10, s11;
	s10 =	sadd.s32 $0x100, s10  }
.LBB2_5:
0x101: {  	_ =	sfence.sel $0x180000  }
0x102: {  	[bflag:$0x0] =	sbarrier.arrive $0xFFFF  }
0x103: {  	_ =	strace $0x90000050  }
0x104: {  	s0 =	stileid.u32;
	[bflag:$0x2] =	sbarrier.arrive $0xFFFF  }
0x105: {  	p0 =	sne.s32 s0, $0x0;
	s0 =	rddreg [dreg:$0x3]  }
0x106: {  	s0 =	sadd.s32 @!p0 $0x100000, s0  }
0x107: {  	[sflag:s0] =	ssyncadd.tile.s32 @!p0 $0x1;
	_ =	shalt  }
.Lfunc_end2:
_tile_overlayer_lowered:
.L_overlay_start_2:
0x108: {  	(tag) =	ssettag $0x2  }
0x109: {  	s0 =	rddreg [dreg:$0x0];
	s2 =	stileid.u32  }
0x10a: {  	s1 =	rddreg [dreg:$0x1];
	p0 =	sne.s32 s2, $0x0  }
0x10b: {  	s3 =	rddreg [dreg:$0x2];
	[bflag:$0x3] =	sbarrier.arrive $0xFFFF;
	s2 =	simm.s32 @!p0 $0x1C05  }
0x10c: {  	[timem:s3], [sflag:s2] =	dma.local @!p0 [hbm:s0], s1  }
0x10d: {  	s0 =	simm.s32 @!p0 $0x5  }
0x10e: {  	_ =	swait.ge @!p0 [sflag:s0], s1  }
0x10f: {  	s1 =	ssub.s32 @!p0 $0x0, s1;
	[sflag:s0] =	ssyncset.done @!p0 $0x0  }
0x110: {  	[sflag:s0] =	ssyncadd.s32 @!p0 s1  }
0x111: {  	[bflag:$0x3] =	sbarrier.arrive $0xFFFF  }
0x112: {  	_ =	shalt  }

</sc_bundles>
